<compile_context>
chip_gen: v7x
topology: tpu7x:2x2x1
jax: 0.10.2.dev20260603
libtpu: 0.0.44.dev20260713+nightly
codegen_flags: <defaults>
</compile_context>

<pallas_src>
import functools

import jax
import jax.numpy as jnp
from jax import lax
from jax.experimental import pallas as pl
from jax.experimental.pallas import tpu as pltpu
from jax.experimental.pallas import tpu_sc as plsc

N = 10000
E = 160000
D = 256
H = 128
NC = 2
NS = 16
EPT = E // NS
K = 80
NB = EPT // K
KS = 80
NBS = EPT // KS
EPTP = KS * NBS
NP = N + 8
ZR = 40
NCH = N // ZR
CW = 16


def _for_my_chunks(s, fn):
    per = -(-NCH // NS)
    for j in range(per):
        if j < NCH - per * (NS - 1):
            fn(s * per + j)
        else:
            @pl.when(s < NS - 1)
            def _():
                fn(s * per + j)


def _zero_buf(buf, rows, width):
    def zb(i, _):
        buf[i // (width // 16), pl.ds((i % (width // 16)) * 16, 16)] = (
            jnp.zeros((16,), jnp.float32))
        return 0
    lax.fori_loop(0, rows * (width // 16), zb, 0)


def _seg_body(x2, src_hbm, dst_hbm, order_dep, out_s, src_v, dst_v,
              rows0, rows1, acc_sh, sem0, sem1):
    c = lax.axis_index("c")
    s = lax.axis_index("s")
    x2c = x2.at[c]
    rows = (rows0, rows1)
    sems = (sem0, sem1)
    zstage = rows0.at[pl.ds(0, ZR)]

    _zero_buf(zstage, ZR, H)
    _for_my_chunks(
        s, lambda ch: pltpu.sync_copy(zstage, acc_sh.at[pl.ds(ch * ZR, ZR)]))

    pltpu.sync_copy(src_hbm.at[s], src_v)
    pltpu.sync_copy(dst_hbm.at[s], dst_v)

    plsc.subcore_barrier()

    def sidx(b):
        return src_v.at[pl.ds(b * KS, KS)]

    pltpu.async_copy(x2c.at[sidx(0)], rows0, sem0)
    pltpu.async_copy(x2c.at[sidx(1)], rows1, sem1)

    @pl.loop(0, NBS - (NBS % 2), step=2)
    def _(b):
        for j in range(2):
            bj = b + j
            pltpu.make_async_copy(
                x2c.at[sidx(bj)], rows[j], sems[j]).wait()
            pltpu.sync_copy(rows[j], acc_sh.at[dst_v.at[bj]], add=True)

            @pl.when(bj + 2 < NBS)
            def _():
                pltpu.async_copy(x2c.at[sidx(bj + 2)], rows[j], sems[j])

    if NBS % 2:
        pltpu.make_async_copy(x2c.at[sidx(NBS - 1)], rows0, sem0).wait()
        pltpu.sync_copy(rows0, acc_sh.at[dst_v.at[NBS - 1]], add=True)

    plsc.subcore_barrier()

    _for_my_chunks(
        s, lambda ch: pltpu.sync_copy(acc_sh.at[pl.ds(ch * ZR, ZR)],
                                      out_s.at[c].at[pl.ds(ch * ZR, ZR)]))


NB0 = NB // 2


def _cnt_body(ei_b, out_cnt, dst_v, ones_v, czero, cnt_sh, sem):
    c = lax.axis_index("c")
    s = lax.axis_index("s")

    _zero_buf(czero, ZR, H)
    _for_my_chunks(
        s, lambda ch: pltpu.sync_copy(czero, cnt_sh.at[pl.ds(ch * ZR, ZR)]))

    def ob(i, _):
        ones_v[i // 8, pl.ds((i % 8) * 16, 16)] = jnp.ones((16,), jnp.float32)
        return 0
    lax.fori_loop(0, K * 8, ob, 0)

    pltpu.sync_copy(ei_b.at[1, s], dst_v)

    plsc.subcore_barrier()

    lo = c * NB0
    hi = lo + NB0 + c * (NB - 2 * NB0)

    @pl.loop(lo, hi)
    def _(b):
        pltpu.sync_copy(ones_v, cnt_sh.at[dst_v.at[b]], add=True)

    plsc.subcore_barrier()

    _for_my_chunks(
        s, lambda ch: pltpu.sync_copy(cnt_sh.at[pl.ds(ch * ZR, ZR)],
                                      out_cnt.at[c].at[pl.ds(ch * ZR, ZR)]))


_sc_mesh = plsc.VectorSubcoreMesh(core_axis_name="c", subcore_axis_name="s")

_seg = pl.kernel(
    _seg_body,
    out_type=jax.ShapeDtypeStruct((NC, N, H), jnp.float32),
    mesh=_sc_mesh,
    scratch_types=[
        pltpu.VMEM((EPTP,), jnp.int32),
        pltpu.VMEM((NBS, KS), jnp.int32),
        pltpu.VMEM((KS, H), jnp.float32),
        pltpu.VMEM((KS, H), jnp.float32),
        pltpu.VMEM_SHARED((NP, H), jnp.float32),
        pltpu.SemaphoreType.DMA,
        pltpu.SemaphoreType.DMA,
    ],
)

_cnt = pl.kernel(
    _cnt_body,
    out_type=jax.ShapeDtypeStruct((NC, N, H), jnp.float32),
    mesh=_sc_mesh,
    scratch_types=[
        pltpu.VMEM((NB, K), jnp.int32),
        pltpu.VMEM((K, H), jnp.float32),
        pltpu.VMEM((ZR, H), jnp.float32),
        pltpu.VMEM_SHARED((N, H), jnp.float32),
        pltpu.SemaphoreType.DMA,
    ],
)


_R = 1000


def _hspec(i):
    return (0, i, 0)


def _selfmm_body(x_ref, w_ref, b_ref, out_ref):
    acc = (
        jnp.dot(x_ref[0], w_ref[0:H], preferred_element_type=jnp.float32)
        + jnp.dot(x_ref[1], w_ref[H:D], preferred_element_type=jnp.float32)
        + b_ref[...]
    )
    out_ref[0] = acc[:, 0:H]
    out_ref[1] = acc[:, H:D]


_selfmm = pl.pallas_call(
    _selfmm_body,
    grid=(N // _R,),
    in_specs=[
        pl.BlockSpec((NC, _R, H), _hspec),
        pl.BlockSpec((D, D), lambda i: (0, 0)),
        pl.BlockSpec((1, D), lambda i: (0, 0)),
    ],
    out_specs=pl.BlockSpec((NC, _R, H), _hspec),
    out_shape=jax.ShapeDtypeStruct((NC, N, H), jnp.float32),
)


def _pre_body(x_ref, w_ref, b_ref, x2_ref, xr_ref):
    x = x_ref[...]
    x2_ref[0] = x[:, 0:H]
    x2_ref[1] = x[:, H:D]
    acc = jnp.dot(x, w_ref[...], preferred_element_type=jnp.float32) + b_ref[...]
    xr_ref[0] = acc[:, 0:H]
    xr_ref[1] = acc[:, H:D]


_pre = pl.pallas_call(
    _pre_body,
    grid=(N // _R,),
    in_specs=[
        pl.BlockSpec((_R, D), lambda i: (i, 0)),
        pl.BlockSpec((D, D), lambda i: (0, 0)),
        pl.BlockSpec((1, D), lambda i: (0, 0)),
    ],
    out_specs=(pl.BlockSpec((NC, _R, H), _hspec),
               pl.BlockSpec((NC, _R, H), _hspec)),
    out_shape=(jax.ShapeDtypeStruct((NC, N, H), jnp.float32),
               jax.ShapeDtypeStruct((NC, N, H), jnp.float32)),
)


def _aggmm_body(last, s_ref, cnt_ref, r_ref, wl_ref, out_ref):
    cnt = jnp.maximum(cnt_ref[0, :, 0:1] + cnt_ref[1, :, 0:1], 1.0)
    acc = (
        jnp.dot(s_ref[0] / cnt, wl_ref[0:H], preferred_element_type=jnp.float32)
        + jnp.dot(s_ref[1] / cnt, wl_ref[H:D], preferred_element_type=jnp.float32)
        + jnp.concatenate([r_ref[0], r_ref[1]], axis=1)
    )
    if last:
        out_ref[...] = jax.nn.sigmoid(acc)
    else:
        h = jnp.maximum(acc, 0.0)
        out_ref[0] = h[:, 0:H]
        out_ref[1] = h[:, H:D]


def _make_aggmm(last):
    if last:
        out_shape = jax.ShapeDtypeStruct((N, D), jnp.float32)
        out_spec = pl.BlockSpec((_R, D), lambda i: (i, 0))
    else:
        out_shape = jax.ShapeDtypeStruct((NC, N, H), jnp.float32)
        out_spec = pl.BlockSpec((NC, _R, H), _hspec)
    return pl.pallas_call(
        functools.partial(_aggmm_body, last),
        grid=(N // _R,),
        in_specs=[
            pl.BlockSpec((NC, _R, H), _hspec),
            pl.BlockSpec((NC, _R, H), _hspec),
            pl.BlockSpec((NC, _R, H), _hspec),
            pl.BlockSpec((D, D), lambda i: (0, 0)),
        ],
        out_specs=out_spec,
        out_shape=out_shape,
    )


_aggmm_mid = _make_aggmm(False)
_aggmm_last = _make_aggmm(True)


def kernel(features, edge_index, W1l, b1, W1r, W2l, b2, W2r):
    ei_b = edge_index.reshape(2, NS, NB, K)
    src_p = edge_index[0].reshape(NS, EPTP)
    dst_p = edge_index[1].reshape(NS, NBS, KS)
    b1r = b1.reshape(1, D)
    b2r = b2.reshape(1, D)

    cnt = _cnt(ei_b)
    x2, xr1 = _pre(features, W1r, b1r)
    s1 = _seg(x2, src_p, dst_p, cnt)
    h2 = _aggmm_mid(s1, cnt, xr1, W1l)
    hr2 = _selfmm(h2, W2r, b2r)
    s2 = _seg(h2, src_p, dst_p, s1)
    return _aggmm_last(s2, cnt, hr2, W2l)

# --- scband reference (transcript-rebuilt; emitter-appended) ---
"""Pipeline reference for scband-gnnmodel-5755256176743 (READ-ONLY COPY).

The authoritative reference and input builder live on the scoring server;
editing this copy changes nothing except your own understanding.
"""

import jax, jax.numpy as jnp
import numpy as np

N = 10000
E = 160000
D_IN = 256
D_HID = 256
D_OUT = 256


def _glorot(key, shape):
    lim = float(np.sqrt(6.0 / (shape[0] + shape[1])))
    return jax.random.uniform(key, shape, jnp.float32, -lim, lim)


def setup_inputs(seed: int = 0) -> dict:
    key = jax.random.key(seed)
    ks = jax.random.split(key, 9)
    features = jax.random.normal(ks[0], (N, D_IN), dtype=jnp.float32)
    edge_index = jax.random.randint(ks[1], (2, E), 0, N, dtype=jnp.int32)
    # SAGEConv layer 1 params (PyG: out = lin_l(mean_aggr(x_j)) + lin_r(x); lin_l has bias)
    W1l = _glorot(ks[2], (D_IN, D_HID))
    b1 = jnp.zeros((D_HID,), jnp.float32)
    W1r = _glorot(ks[3], (D_IN, D_HID))
    # SAGEConv layer 2 params
    W2l = _glorot(ks[4], (D_HID, D_OUT))
    b2 = jnp.zeros((D_OUT,), jnp.float32)
    W2r = _glorot(ks[5], (D_HID, D_OUT))
    return {
        "features": features,
        "edge_index": edge_index,
        "W1l": W1l,
        "b1": b1,
        "W1r": W1r,
        "W2l": W2l,
        "b2": b2,
        "W2r": W2r,
    }


def _sage_conv(x, edge_index, Wl, bl, Wr):
    src = edge_index[0]
    dst = edge_index[1]
    msgs = jnp.take(x, src, axis=0)  # gather source-node features
    agg = jax.ops.segment_sum(msgs, dst, num_segments=N)  # scatter-add to dst
    cnt = jax.ops.segment_sum(jnp.ones((E,), jnp.float32), dst, num_segments=N)
    agg = agg / jnp.maximum(cnt, 1.0)[:, None]  # mean aggregation
    return agg @ Wl + bl + x @ Wr


def reference(features, edge_index, W1l, b1, W1r, W2l, b2, W2r):
    x = features.astype(jnp.float32)
    ei = edge_index.astype(jnp.int32)
    x = _sage_conv(x, ei, W1l, b1, W1r)
    x = jax.nn.relu(x)
    x = _sage_conv(x, ei, W2l, b2, W2r)
    return jax.nn.sigmoid(x)

if __name__ == "__main__":
    import jax
    _d = setup_inputs()
    print(jax.jit(kernel)(*tuple(_d.values())))

</pallas_src>

<mosaic_0001>
#map = affine_map<(d0, d1) -> (0, 0, 0)>
#map1 = affine_map<(d0, d1) -> (0, 0)>
module attributes {stable_mosaic.version = 14 : i64} {
  func.func @_seg_body(%arg0: i32, %arg1: i32, %arg2: memref<2x10000x128xf32, #tpu.memory_space<hbm>>, %arg3: memref<16x10000xi32, #tpu.memory_space<hbm>>, %arg4: memref<16x125x80xi32, #tpu.memory_space<hbm>>, %arg5: memref<2x10000x128xf32, #tpu.memory_space<hbm>>, %arg6: memref<2x10000x128xf32, #tpu.memory_space<hbm>>, %arg7: memref<10000xi32, #tpu.memory_space<vmem>>, %arg8: memref<125x80xi32, #tpu.memory_space<vmem>>, %arg9: memref<80x128xf32, #tpu.memory_space<vmem>>, %arg10: memref<80x128xf32, #tpu.memory_space<vmem>>, %arg11: memref<10008x128xf32, #tpu.memory_space<vmem_shared>>, %arg12: memref<!tpu.dma_semaphore, #tpu.memory_space<semaphore_mem>>, %arg13: memref<!tpu.dma_semaphore, #tpu.memory_space<semaphore_mem>>) attributes {dimension_semantics = [#tpu.dimension_semantics<core_parallel>, #tpu.dimension_semantics<subcore_parallel>], iteration_bounds = array<i64: 2, 16>, scalar_prefetch = 0 : i64, scratch_operands = 7 : i64, tpu.core_type = #tpu.core_type<sc_vector_subcore>, window_params = [{transform_indices = #map}, {transform_indices = #map1}, {transform_indices = #map}, {transform_indices = #map}, {transform_indices = #map}]} {
    %scan3A = arith.constant 0 : i32
    %scan3A_0 = arith.constant 0 : i32
    %scan3A_1 = arith.constant 320 : i32
    %scan3A_2 = arith.addi %scan3A_0, %scan3A_1 : i32
    %scan3A_3 = arith.constant 1 : i32
    %scan3A_4 = scf.for %scan3A_232 = %scan3A_0 to %scan3A_2 step %scan3A_3 iter_args(%scan3A_233 = %scan3A) -> (i32)  : i32 {
      %broadcast_in_dim3A = arith.constant 0.000000e+00 : f32
      %broadcast_in_dim3A_234 = vector.broadcast %broadcast_in_dim3A : f32 to vector<16xf32>
      %jit3A = arith.constant 8 : i32
      %div3A = arith.divsi %scan3A_232, %jit3A : i32
      %sign3A = arith.constant 0 : i32
      %sign3A_235 = arith.cmpi sgt, %scan3A_232, %sign3A : i32
      %sign3A_236 = arith.extui %sign3A_235 : i1 to i32
      %sign3A_237 = arith.constant 0 : i32
      %sign3A_238 = arith.cmpi slt, %scan3A_232, %sign3A_237 : i32
      %sign3A_239 = arith.extui %sign3A_238 : i1 to i32
      %sign3A_240 = arith.subi %sign3A_236, %sign3A_239 : i32
      %sign3A_241 = arith.constant 0 : i32
      %sign3A_242 = arith.cmpi sgt, %jit3A, %sign3A_241 : i32
      %sign3A_243 = arith.extui %sign3A_242 : i1 to i32
      %sign3A_244 = arith.constant 0 : i32
      %sign3A_245 = arith.cmpi slt, %jit3A, %sign3A_244 : i32
      %sign3A_246 = arith.extui %sign3A_245 : i1 to i32
      %sign3A_247 = arith.subi %sign3A_243, %sign3A_246 : i32
      %ne3A = arith.cmpi ne, %sign3A_240, %sign3A_247 : i32
      %rem3A = arith.remsi %scan3A_232, %jit3A : i32
      %ne3A_248 = arith.constant 0 : i32
      %ne3A_249 = arith.cmpi ne, %rem3A, %ne3A_248 : i32
      %and3A = arith.andi %ne3A, %ne3A_249 : i1
      %sub3A = arith.constant 1 : i32
      %sub3A_250 = arith.subi %div3A, %sub3A : i32
      %select_n3A = arith.select %and3A, %sub3A_250, %div3A : i32
      %jit3A_251 = arith.constant 8 : i32
      %eq3A = arith.constant 0 : i32
      %eq3A_252 = arith.cmpi eq, %jit3A_251, %eq3A : i32
      %jit3A_253 = arith.constant 1 : i32
      %select_n3A_254 = arith.select %eq3A_252, %jit3A_253, %jit3A_251 : i32
      %rem3A_255 = arith.remsi %scan3A_232, %select_n3A_254 : i32
      %ne3A_256 = arith.constant 0 : i32
      %ne3A_257 = arith.cmpi ne, %rem3A_255, %ne3A_256 : i32
      %lt3A_258 = arith.constant 0 : i32
      %lt3A_259 = arith.cmpi slt, %rem3A_255, %lt3A_258 : i32
      %lt3A_260 = arith.constant 0 : i32
      %lt3A_261 = arith.cmpi slt, %select_n3A_254, %lt3A_260 : i32
      %ne3A_262 = arith.xori %lt3A_259, %lt3A_261 : i1
      %and3A_263 = arith.andi %ne3A_262, %ne3A_257 : i1
      %add3A_264 = arith.addi %rem3A_255, %select_n3A_254 : i32
      %select_n3A_265 = arith.select %and3A_263, %add3A_264, %rem3A_255 : i32
      %mul3A_266 = arith.constant 16 : i32
      %mul3A_267 = arith.muli %select_n3A_265, %mul3A_266 : i32
      %swap3A = arith.constant 0 : i32
      %swap3A_268 = arith.constant 0 : i32
      %swap3A_269 = tpu.memref_slice %arg9[%swap3A, %swap3A_268] : memref<80x128xf32, #tpu.memory_space<vmem>> -> memref<40x128xf32, #tpu.memory_space<vmem>>
      %swap3A_270 = arith.index_cast %select_n3A : i32 to index
      %swap3A_271 = arith.index_cast %mul3A_267 : i32 to index
      %swap3A_272 = tpu.vector_load %swap3A_269[%swap3A_270, %swap3A_271] {strides = array<i32>} : memref<40x128xf32, #tpu.memory_space<vmem>>, vector<1x16xf32>,
      %swap3A_273 = vector.shape_cast %swap3A_272 : vector<1x16xf32> to vector<16xf32>
      %swap3A_274 = vector.shape_cast %broadcast_in_dim3A_234 : vector<16xf32> to vector<1x16xf32>
      tpu.vector_store %swap3A_269[%swap3A_270, %swap3A_271], %swap3A_274 {strides = array<i32>} : memref<40x128xf32, #tpu.memory_space<vmem>>, vector<1x16xf32>,
      %scan3A_275 = arith.constant 0 : i32
      scf.yield %scan3A_275 : i32
    }
    %scan3A_5 = arith.constant 320 : i32
    %mul3A = arith.constant 16 : i32
    %mul3A_6 = arith.muli %arg1, %mul3A : i32
    %add3A = arith.constant 0 : i32
    %add3A_7 = arith.addi %mul3A_6, %add3A : i32
    %mul3A_8 = arith.constant 40 : i32
    %mul3A_9 = arith.muli %add3A_7, %mul3A_8 : i32
    "tpu.region"() ({
      %run_scoped3A_232 = tpu.sem_alloc : memref<!tpu.dma_semaphore, #tpu.memory_space<semaphore_mem>>
      %dma_start3A_233 = arith.constant 0 : i32
      %dma_start3A_234 = arith.constant 0 : i32
      %dma_start3A_235 = tpu.memref_slice %arg9[%dma_start3A_233, %dma_start3A_234] : memref<80x128xf32, #tpu.memory_space<vmem>> -> memref<40x128xf32, #tpu.memory_space<vmem>>
      %dma_start3A_236 = arith.constant 0 : i32
      %dma_start3A_237 = tpu.memref_slice %arg11[%mul3A_9, %dma_start3A_236] : memref<10008x128xf32, #tpu.memory_space<vmem_shared>> -> memref<40x128xf32, #tpu.memory_space<vmem_shared>>
      %dma_start3A_238 = arith.constant 0 : i32
      %dma_start3A_239 = tpu.memref_slice %arg11[%mul3A_9, %dma_start3A_238] : memref<10008x128xf32, #tpu.memory_space<vmem_shared>> -> memref<40x128xf32, #tpu.memory_space<vmem_shared>>
      %dma_start3A_240 = arith.constant 0 : i32
      %dma_start3A_241 = arith.constant 0 : i32
      %dma_start3A_242 = tpu.memref_slice %arg9[%dma_start3A_240, %dma_start3A_241] : memref<80x128xf32, #tpu.memory_space<vmem>> -> memref<40x128xf32, #tpu.memory_space<vmem>>
      tpu.enqueue_dma source(%dma_start3A_242 : memref<40x128xf32, #tpu.memory_space<vmem>>) target(%dma_start3A_239 : memref<40x128xf32, #tpu.memory_space<vmem_shared>>) target_semaphore(%run_scoped3A_232 : memref<!tpu.dma_semaphore, #tpu.memory_space<semaphore_mem>>)
      %dma_wait3A_243 = arith.constant 0 : i32
      %dma_wait3A_244 = arith.constant 0 : i32
      %dma_wait3A_245 = tpu.memref_slice %arg9[%dma_wait3A_243, %dma_wait3A_244] : memref<80x128xf32, #tpu.memory_space<vmem>> -> memref<40x128xf32, #tpu.memory_space<vmem>>
      %dma_wait3A_246 = arith.constant 0 : i32
      %dma_wait3A_247 = tpu.memref_slice %arg11[%mul3A_9, %dma_wait3A_246] : memref<10008x128xf32, #tpu.memory_space<vmem_shared>> -> memref<40x128xf32, #tpu.memory_space<vmem_shared>>
      %dma_wait3A_248 = arith.constant 0 : i32
      %dma_wait3A_249 = tpu.memref_slice %arg11[%mul3A_9, %dma_wait3A_248] : memref<10008x128xf32, #tpu.memory_space<vmem_shared>> -> memref<40x128xf32, #tpu.memory_space<vmem_shared>>
      %dma_wait3A_250 = arith.constant 0 : i32
      %dma_wait3A_251 = arith.constant 0 : i32
      %dma_wait3A_252 = tpu.memref_slice %arg9[%dma_wait3A_250, %dma_wait3A_251] : memref<80x128xf32, #tpu.memory_space<vmem>> -> memref<40x128xf32, #tpu.memory_space<vmem>>
      tpu.wait_dma2 semaphore(%run_scoped3A_232 : memref<!tpu.dma_semaphore, #tpu.memory_space<semaphore_mem>>) src(%dma_wait3A_252 : memref<40x128xf32, #tpu.memory_space<vmem>>) dst(%dma_wait3A_249 : memref<40x128xf32, #tpu.memory_space<vmem_shared>>)
      tpu.yield
    }) : () -> ()
    %mul3A_10 = arith.constant 16 : i32
    %mul3A_11 = arith.muli %arg1, %mul3A_10 : i32
    %add3A_12 = arith.constant 1 : i32
    %add3A_13 = arith.addi %mul3A_11, %add3A_12 : i32
    %mul3A_14 = arith.constant 40 : i32
    %mul3A_15 = arith.muli %add3A_13, %mul3A_14 : i32
    "tpu.region"() ({
      %run_scoped3A_232 = tpu.sem_alloc : memref<!tpu.dma_semaphore, #tpu.memory_space<semaphore_mem>>
      %dma_start3A_233 = arith.constant 0 : i32
      %dma_start3A_234 = arith.constant 0 : i32
      %dma_start3A_235 = tpu.memref_slice %arg9[%dma_start3A_233, %dma_start3A_234] : memref<80x128xf32, #tpu.memory_space<vmem>> -> memref<40x128xf32, #tpu.memory_space<vmem>>
      %dma_start3A_236 = arith.constant 0 : i32
      %dma_start3A_237 = tpu.memref_slice %arg11[%mul3A_15, %dma_start3A_236] : memref<10008x128xf32, #tpu.memory_space<vmem_shared>> -> memref<40x128xf32, #tpu.memory_space<vmem_shared>>
      %dma_start3A_238 = arith.constant 0 : i32
      %dma_start3A_239 = tpu.memref_slice %arg11[%mul3A_15, %dma_start3A_238] : memref<10008x128xf32, #tpu.memory_space<vmem_shared>> -> memref<40x128xf32, #tpu.memory_space<vmem_shared>>
      %dma_start3A_240 = arith.constant 0 : i32
      %dma_start3A_241 = arith.constant 0 : i32
      %dma_start3A_242 = tpu.memref_slice %arg9[%dma_start3A_240, %dma_start3A_241] : memref<80x128xf32, #tpu.memory_space<vmem>> -> memref<40x128xf32, #tpu.memory_space<vmem>>
      tpu.enqueue_dma source(%dma_start3A_242 : memref<40x128xf32, #tpu.memory_space<vmem>>) target(%dma_start3A_239 : memref<40x128xf32, #tpu.memory_space<vmem_shared>>) target_semaphore(%run_scoped3A_232 : memref<!tpu.dma_semaphore, #tpu.memory_space<semaphore_mem>>)
      %dma_wait3A_243 = arith.constant 0 : i32
      %dma_wait3A_244 = arith.constant 0 : i32
      %dma_wait3A_245 = tpu.memref_slice %arg9[%dma_wait3A_243, %dma_wait3A_244] : memref<80x128xf32, #tpu.memory_space<vmem>> -> memref<40x128xf32, #tpu.memory_space<vmem>>
      %dma_wait3A_246 = arith.constant 0 : i32
      %dma_wait3A_247 = tpu.memref_slice %arg11[%mul3A_15, %dma_wait3A_246] : memref<10008x128xf32, #tpu.memory_space<vmem_shared>> -> memref<40x128xf32, #tpu.memory_space<vmem_shared>>
      %dma_wait3A_248 = arith.constant 0 : i32
      %dma_wait3A_249 = tpu.memref_slice %arg11[%mul3A_15, %dma_wait3A_248] : memref<10008x128xf32, #tpu.memory_space<vmem_shared>> -> memref<40x128xf32, #tpu.memory_space<vmem_shared>>
      %dma_wait3A_250 = arith.constant 0 : i32
      %dma_wait3A_251 = arith.constant 0 : i32
      %dma_wait3A_252 = tpu.memref_slice %arg9[%dma_wait3A_250, %dma_wait3A_251] : memref<80x128xf32, #tpu.memory_space<vmem>> -> memref<40x128xf32, #tpu.memory_space<vmem>>
      tpu.wait_dma2 semaphore(%run_scoped3A_232 : memref<!tpu.dma_semaphore, #tpu.memory_space<semaphore_mem>>) src(%dma_wait3A_252 : memref<40x128xf32, #tpu.memory_space<vmem>>) dst(%dma_wait3A_249 : memref<40x128xf32, #tpu.memory_space<vmem_shared>>)
      tpu.yield
    }) : () -> ()
    %mul3A_16 = arith.constant 16 : i32
    %mul3A_17 = arith.muli %arg1, %mul3A_16 : i32
    %add3A_18 = arith.constant 2 : i32
    %add3A_19 = arith.addi %mul3A_17, %add3A_18 : i32
    %mul3A_20 = arith.constant 40 : i32
    %mul3A_21 = arith.muli %add3A_19, %mul3A_20 : i32
    "tpu.region"() ({
      %run_scoped3A_232 = tpu.sem_alloc : memref<!tpu.dma_semaphore, #tpu.memory_space<semaphore_mem>>
      %dma_start3A_233 = arith.constant 0 : i32
      %dma_start3A_234 = arith.constant 0 : i32
      %dma_start3A_235 = tpu.memref_slice %arg9[%dma_start3A_233, %dma_start3A_234] : memref<80x128xf32, #tpu.memory_space<vmem>> -> memref<40x128xf32, #tpu.memory_space<vmem>>
      %dma_start3A_236 = arith.constant 0 : i32
      %dma_start3A_237 = tpu.memref_slice %arg11[%mul3A_21, %dma_start3A_236] : memref<10008x128xf32, #tpu.memory_space<vmem_shared>> -> memref<40x128xf32, #tpu.memory_space<vmem_shared>>
      %dma_start3A_238 = arith.constant 0 : i32
      %dma_start3A_239 = tpu.memref_slice %arg11[%mul3A_21, %dma_start3A_238] : memref<10008x128xf32, #tpu.memory_space<vmem_shared>> -> memref<40x128xf32, #tpu.memory_space<vmem_shared>>
      %dma_start3A_240 = arith.constant 0 : i32
      %dma_start3A_241 = arith.constant 0 : i32
      %dma_start3A_242 = tpu.memref_slice %arg9[%dma_start3A_240, %dma_start3A_241] : memref<80x128xf32, #tpu.memory_space<vmem>> -> memref<40x128xf32, #tpu.memory_space<vmem>>
      tpu.enqueue_dma source(%dma_start3A_242 : memref<40x128xf32, #tpu.memory_space<vmem>>) target(%dma_start3A_239 : memref<40x128xf32, #tpu.memory_space<vmem_shared>>) target_semaphore(%run_scoped3A_232 : memref<!tpu.dma_semaphore, #tpu.memory_space<semaphore_mem>>)
      %dma_wait3A_243 = arith.constant 0 : i32
      %dma_wait3A_244 = arith.constant 0 : i32
      %dma_wait3A_245 = tpu.memref_slice %arg9[%dma_wait3A_243, %dma_wait3A_244] : memref<80x128xf32, #tpu.memory_space<vmem>> -> memref<40x128xf32, #tpu.memory_space<vmem>>
      %dma_wait3A_246 = arith.constant 0 : i32
      %dma_wait3A_247 = tpu.memref_slice %arg11[%mul3A_21, %dma_wait3A_246] : memref<10008x128xf32, #tpu.memory_space<vmem_shared>> -> memref<40x128xf32, #tpu.memory_space<vmem_shared>>
      %dma_wait3A_248 = arith.constant 0 : i32
      %dma_wait3A_249 = tpu.memref_slice %arg11[%mul3A_21, %dma_wait3A_248] : memref<10008x128xf32, #tpu.memory_space<vmem_shared>> -> memref<40x128xf32, #tpu.memory_space<vmem_shared>>
      %dma_wait3A_250 = arith.constant 0 : i32
      %dma_wait3A_251 = arith.constant 0 : i32
      %dma_wait3A_252 = tpu.memref_slice %arg9[%dma_wait3A_250, %dma_wait3A_251] : memref<80x128xf32, #tpu.memory_space<vmem>> -> memref<40x128xf32, #tpu.memory_space<vmem>>
      tpu.wait_dma2 semaphore(%run_scoped3A_232 : memref<!tpu.dma_semaphore, #tpu.memory_space<semaphore_mem>>) src(%dma_wait3A_252 : memref<40x128xf32, #tpu.memory_space<vmem>>) dst(%dma_wait3A_249 : memref<40x128xf32, #tpu.memory_space<vmem_shared>>)
      tpu.yield
    }) : () -> ()
    %mul3A_22 = arith.constant 16 : i32
    %mul3A_23 = arith.muli %arg1, %mul3A_22 : i32
    %add3A_24 = arith.constant 3 : i32
    %add3A_25 = arith.addi %mul3A_23, %add3A_24 : i32
    %mul3A_26 = arith.constant 40 : i32
    %mul3A_27 = arith.muli %add3A_25, %mul3A_26 : i32
    "tpu.region"() ({
      %run_scoped3A_232 = tpu.sem_alloc : memref<!tpu.dma_semaphore, #tpu.memory_space<semaphore_mem>>
      %dma_start3A_233 = arith.constant 0 : i32
      %dma_start3A_234 = arith.constant 0 : i32
      %dma_start3A_235 = tpu.memref_slice %arg9[%dma_start3A_233, %dma_start3A_234] : memref<80x128xf32, #tpu.memory_space<vmem>> -> memref<40x128xf32, #tpu.memory_space<vmem>>
      %dma_start3A_236 = arith.constant 0 : i32
      %dma_start3A_237 = tpu.memref_slice %arg11[%mul3A_27, %dma_start3A_236] : memref<10008x128xf32, #tpu.memory_space<vmem_shared>> -> memref<40x128xf32, #tpu.memory_space<vmem_shared>>
      %dma_start3A_238 = arith.constant 0 : i32
      %dma_start3A_239 = tpu.memref_slice %arg11[%mul3A_27, %dma_start3A_238] : memref<10008x128xf32, #tpu.memory_space<vmem_shared>> -> memref<40x128xf32, #tpu.memory_space<vmem_shared>>
      %dma_start3A_240 = arith.constant 0 : i32
      %dma_start3A_241 = arith.constant 0 : i32
      %dma_start3A_242 = tpu.memref_slice %arg9[%dma_start3A_240, %dma_start3A_241] : memref<80x128xf32, #tpu.memory_space<vmem>> -> memref<40x128xf32, #tpu.memory_space<vmem>>
      tpu.enqueue_dma source(%dma_start3A_242 : memref<40x128xf32, #tpu.memory_space<vmem>>) target(%dma_start3A_239 : memref<40x128xf32, #tpu.memory_space<vmem_shared>>) target_semaphore(%run_scoped3A_232 : memref<!tpu.dma_semaphore, #tpu.memory_space<semaphore_mem>>)
      %dma_wait3A_243 = arith.constant 0 : i32
      %dma_wait3A_244 = arith.constant 0 : i32
      %dma_wait3A_245 = tpu.memref_slice %arg9[%dma_wait3A_243, %dma_wait3A_244] : memref<80x128xf32, #tpu.memory_space<vmem>> -> memref<40x128xf32, #tpu.memory_space<vmem>>
      %dma_wait3A_246 = arith.constant 0 : i32
      %dma_wait3A_247 = tpu.memref_slice %arg11[%mul3A_27, %dma_wait3A_246] : memref<10008x128xf32, #tpu.memory_space<vmem_shared>> -> memref<40x128xf32, #tpu.memory_space<vmem_shared>>
      %dma_wait3A_248 = arith.constant 0 : i32
      %dma_wait3A_249 = tpu.memref_slice %arg11[%mul3A_27, %dma_wait3A_248] : memref<10008x128xf32, #tpu.memory_space<vmem_shared>> -> memref<40x128xf32, #tpu.memory_space<vmem_shared>>
      %dma_wait3A_250 = arith.constant 0 : i32
      %dma_wait3A_251 = arith.constant 0 : i32
      %dma_wait3A_252 = tpu.memref_slice %arg9[%dma_wait3A_250, %dma_wait3A_251] : memref<80x128xf32, #tpu.memory_space<vmem>> -> memref<40x128xf32, #tpu.memory_space<vmem>>
      tpu.wait_dma2 semaphore(%run_scoped3A_232 : memref<!tpu.dma_semaphore, #tpu.memory_space<semaphore_mem>>) src(%dma_wait3A_252 : memref<40x128xf32, #tpu.memory_space<vmem>>) dst(%dma_wait3A_249 : memref<40x128xf32, #tpu.memory_space<vmem_shared>>)
      tpu.yield
    }) : () -> ()
    %mul3A_28 = arith.constant 16 : i32
    %mul3A_29 = arith.muli %arg1, %mul3A_28 : i32
    %add3A_30 = arith.constant 4 : i32
    %add3A_31 = arith.addi %mul3A_29, %add3A_30 : i32
    %mul3A_32 = arith.constant 40 : i32
    %mul3A_33 = arith.muli %add3A_31, %mul3A_32 : i32
    "tpu.region"() ({
      %run_scoped3A_232 = tpu.sem_alloc : memref<!tpu.dma_semaphore, #tpu.memory_space<semaphore_mem>>
      %dma_start3A_233 = arith.constant 0 : i32
      %dma_start3A_234 = arith.constant 0 : i32
      %dma_start3A_235 = tpu.memref_slice %arg9[%dma_start3A_233, %dma_start3A_234] : memref<80x128xf32, #tpu.memory_space<vmem>> -> memref<40x128xf32, #tpu.memory_space<vmem>>
      %dma_start3A_236 = arith.constant 0 : i32
      %dma_start3A_237 = tpu.memref_slice %arg11[%mul3A_33, %dma_start3A_236] : memref<10008x128xf32, #tpu.memory_space<vmem_shared>> -> memref<40x128xf32, #tpu.memory_space<vmem_shared>>
      %dma_start3A_238 = arith.constant 0 : i32
      %dma_start3A_239 = tpu.memref_slice %arg11[%mul3A_33, %dma_start3A_238] : memref<10008x128xf32, #tpu.memory_space<vmem_shared>> -> memref<40x128xf32, #tpu.memory_space<vmem_shared>>
      %dma_start3A_240 = arith.constant 0 : i32
      %dma_start3A_241 = arith.constant 0 : i32
      %dma_start3A_242 = tpu.memref_slice %arg9[%dma_start3A_240, %dma_start3A_241] : memref<80x128xf32, #tpu.memory_space<vmem>> -> memref<40x128xf32, #tpu.memory_space<vmem>>
      tpu.enqueue_dma source(%dma_start3A_242 : memref<40x128xf32, #tpu.memory_space<vmem>>) target(%dma_start3A_239 : memref<40x128xf32, #tpu.memory_space<vmem_shared>>) target_semaphore(%run_scoped3A_232 : memref<!tpu.dma_semaphore, #tpu.memory_space<semaphore_mem>>)
      %dma_wait3A_243 = arith.constant 0 : i32
      %dma_wait3A_244 = arith.constant 0 : i32
      %dma_wait3A_245 = tpu.memref_slice %arg9[%dma_wait3A_243, %dma_wait3A_244] : memref<80x128xf32, #tpu.memory_space<vmem>> -> memref<40x128xf32, #tpu.memory_space<vmem>>
      %dma_wait3A_246 = arith.constant 0 : i32
      %dma_wait3A_247 = tpu.memref_slice %arg11[%mul3A_33, %dma_wait3A_246] : memref<10008x128xf32, #tpu.memory_space<vmem_shared>> -> memref<40x128xf32, #tpu.memory_space<vmem_shared>>
      %dma_wait3A_248 = arith.constant 0 : i32
      %dma_wait3A_249 = tpu.memref_slice %arg11[%mul3A_33, %dma_wait3A_248] : memref<10008x128xf32, #tpu.memory_space<vmem_shared>> -> memref<40x128xf32, #tpu.memory_space<vmem_shared>>
      %dma_wait3A_250 = arith.constant 0 : i32
      %dma_wait3A_251 = arith.constant 0 : i32
      %dma_wait3A_252 = tpu.memref_slice %arg9[%dma_wait3A_250, %dma_wait3A_251] : memref<80x128xf32, #tpu.memory_space<vmem>> -> memref<40x128xf32, #tpu.memory_space<vmem>>
      tpu.wait_dma2 semaphore(%run_scoped3A_232 : memref<!tpu.dma_semaphore, #tpu.memory_space<semaphore_mem>>) src(%dma_wait3A_252 : memref<40x128xf32, #tpu.memory_space<vmem>>) dst(%dma_wait3A_249 : memref<40x128xf32, #tpu.memory_space<vmem_shared>>)
      tpu.yield
    }) : () -> ()
    %mul3A_34 = arith.constant 16 : i32
    %mul3A_35 = arith.muli %arg1, %mul3A_34 : i32
    %add3A_36 = arith.constant 5 : i32
    %add3A_37 = arith.addi %mul3A_35, %add3A_36 : i32
    %mul3A_38 = arith.constant 40 : i32
    %mul3A_39 = arith.muli %add3A_37, %mul3A_38 : i32
    "tpu.region"() ({
      %run_scoped3A_232 = tpu.sem_alloc : memref<!tpu.dma_semaphore, #tpu.memory_space<semaphore_mem>>
      %dma_start3A_233 = arith.constant 0 : i32
      %dma_start3A_234 = arith.constant 0 : i32
      %dma_start3A_235 = tpu.memref_slice %arg9[%dma_start3A_233, %dma_start3A_234] : memref<80x128xf32, #tpu.memory_space<vmem>> -> memref<40x128xf32, #tpu.memory_space<vmem>>
      %dma_start3A_236 = arith.constant 0 : i32
      %dma_start3A_237 = tpu.memref_slice %arg11[%mul3A_39, %dma_start3A_236] : memref<10008x128xf32, #tpu.memory_space<vmem_shared>> -> memref<40x128xf32, #tpu.memory_space<vmem_shared>>
      %dma_start3A_238 = arith.constant 0 : i32
      %dma_start3A_239 = tpu.memref_slice %arg11[%mul3A_39, %dma_start3A_238] : memref<10008x128xf32, #tpu.memory_space<vmem_shared>> -> memref<40x128xf32, #tpu.memory_space<vmem_shared>>
      %dma_start3A_240 = arith.constant 0 : i32
      %dma_start3A_241 = arith.constant 0 : i32
      %dma_start3A_242 = tpu.memref_slice %arg9[%dma_start3A_240, %dma_start3A_241] : memref<80x128xf32, #tpu.memory_space<vmem>> -> memref<40x128xf32, #tpu.memory_space<vmem>>
      tpu.enqueue_dma source(%dma_start3A_242 : memref<40x128xf32, #tpu.memory_space<vmem>>) target(%dma_start3A_239 : memref<40x128xf32, #tpu.memory_space<vmem_shared>>) target_semaphore(%run_scoped3A_232 : memref<!tpu.dma_semaphore, #tpu.memory_space<semaphore_mem>>)
      %dma_wait3A_243 = arith.constant 0 : i32
      %dma_wait3A_244 = arith.constant 0 : i32
      %dma_wait3A_245 = tpu.memref_slice %arg9[%dma_wait3A_243, %dma_wait3A_244] : memref<80x128xf32, #tpu.memory_space<vmem>> -> memref<40x128xf32, #tpu.memory_space<vmem>>
      %dma_wait3A_246 = arith.constant 0 : i32
      %dma_wait3A_247 = tpu.memref_slice %arg11[%mul3A_39, %dma_wait3A_246] : memref<10008x128xf32, #tpu.memory_space<vmem_shared>> -> memref<40x128xf32, #tpu.memory_space<vmem_shared>>
      %dma_wait3A_248 = arith.constant 0 : i32
      %dma_wait3A_249 = tpu.memref_slice %arg11[%mul3A_39, %dma_wait3A_248] : memref<10008x128xf32, #tpu.memory_space<vmem_shared>> -> memref<40x128xf32, #tpu.memory_space<vmem_shared>>
      %dma_wait3A_250 = arith.constant 0 : i32
      %dma_wait3A_251 = arith.constant 0 : i32
      %dma_wait3A_252 = tpu.memref_slice %arg9[%dma_wait3A_250, %dma_wait3A_251] : memref<80x128xf32, #tpu.memory_space<vmem>> -> memref<40x128xf32, #tpu.memory_space<vmem>>
      tpu.wait_dma2 semaphore(%run_scoped3A_232 : memref<!tpu.dma_semaphore, #tpu.memory_space<semaphore_mem>>) src(%dma_wait3A_252 : memref<40x128xf32, #tpu.memory_space<vmem>>) dst(%dma_wait3A_249 : memref<40x128xf32, #tpu.memory_space<vmem_shared>>)
      tpu.yield
    }) : () -> ()
    %mul3A_40 = arith.constant 16 : i32
    %mul3A_41 = arith.muli %arg1, %mul3A_40 : i32
    %add3A_42 = arith.constant 6 : i32
    %add3A_43 = arith.addi %mul3A_41, %add3A_42 : i32
    %mul3A_44 = arith.constant 40 : i32
    %mul3A_45 = arith.muli %add3A_43, %mul3A_44 : i32
    "tpu.region"() ({
      %run_scoped3A_232 = tpu.sem_alloc : memref<!tpu.dma_semaphore, #tpu.memory_space<semaphore_mem>>
      %dma_start3A_233 = arith.constant 0 : i32
      %dma_start3A_234 = arith.constant 0 : i32
      %dma_start3A_235 = tpu.memref_slice %arg9[%dma_start3A_233, %dma_start3A_234] : memref<80x128xf32, #tpu.memory_space<vmem>> -> memref<40x128xf32, #tpu.memory_space<vmem>>
      %dma_start3A_236 = arith.constant 0 : i32
      %dma_start3A_237 = tpu.memref_slice %arg11[%mul3A_45, %dma_start3A_236] : memref<10008x128xf32, #tpu.memory_space<vmem_shared>> -> memref<40x128xf32, #tpu.memory_space<vmem_shared>>
      %dma_start3A_238 = arith.constant 0 : i32
      %dma_start3A_239 = tpu.memref_slice %arg11[%mul3A_45, %dma_start3A_238] : memref<10008x128xf32, #tpu.memory_space<vmem_shared>> -> memref<40x128xf32, #tpu.memory_space<vmem_shared>>
      %dma_start3A_240 = arith.constant 0 : i32
      %dma_start3A_241 = arith.constant 0 : i32
      %dma_start3A_242 = tpu.memref_slice %arg9[%dma_start3A_240, %dma_start3A_241] : memref<80x128xf32, #tpu.memory_space<vmem>> -> memref<40x128xf32, #tpu.memory_space<vmem>>
      tpu.enqueue_dma source(%dma_start3A_242 : memref<40x128xf32, #tpu.memory_space<vmem>>) target(%dma_start3A_239 : memref<40x128xf32, #tpu.memory_space<vmem_shared>>) target_semaphore(%run_scoped3A_232 : memref<!tpu.dma_semaphore, #tpu.memory_space<semaphore_mem>>)
      %dma_wait3A_243 = arith.constant 0 : i32
      %dma_wait3A_244 = arith.constant 0 : i32
      %dma_wait3A_245 = tpu.memref_slice %arg9[%dma_wait3A_243, %dma_wait3A_244] : memref<80x128xf32, #tpu.memory_space<vmem>> -> memref<40x128xf32, #tpu.memory_space<vmem>>
      %dma_wait3A_246 = arith.constant 0 : i32
      %dma_wait3A_247 = tpu.memref_slice %arg11[%mul3A_45, %dma_wait3A_246] : memref<10008x128xf32, #tpu.memory_space<vmem_shared>> -> memref<40x128xf32, #tpu.memory_space<vmem_shared>>
      %dma_wait3A_248 = arith.constant 0 : i32
      %dma_wait3A_249 = tpu.memref_slice %arg11[%mul3A_45, %dma_wait3A_248] : memref<10008x128xf32, #tpu.memory_space<vmem_shared>> -> memref<40x128xf32, #tpu.memory_space<vmem_shared>>
      %dma_wait3A_250 = arith.constant 0 : i32
      %dma_wait3A_251 = arith.constant 0 : i32
      %dma_wait3A_252 = tpu.memref_slice %arg9[%dma_wait3A_250, %dma_wait3A_251] : memref<80x128xf32, #tpu.memory_space<vmem>> -> memref<40x128xf32, #tpu.memory_space<vmem>>
      tpu.wait_dma2 semaphore(%run_scoped3A_232 : memref<!tpu.dma_semaphore, #tpu.memory_space<semaphore_mem>>) src(%dma_wait3A_252 : memref<40x128xf32, #tpu.memory_space<vmem>>) dst(%dma_wait3A_249 : memref<40x128xf32, #tpu.memory_space<vmem_shared>>)
      tpu.yield
    }) : () -> ()
    %mul3A_46 = arith.constant 16 : i32
    %mul3A_47 = arith.muli %arg1, %mul3A_46 : i32
    %add3A_48 = arith.constant 7 : i32
    %add3A_49 = arith.addi %mul3A_47, %add3A_48 : i32
    %mul3A_50 = arith.constant 40 : i32
    %mul3A_51 = arith.muli %add3A_49, %mul3A_50 : i32
    "tpu.region"() ({
      %run_scoped3A_232 = tpu.sem_alloc : memref<!tpu.dma_semaphore, #tpu.memory_space<semaphore_mem>>
      %dma_start3A_233 = arith.constant 0 : i32
      %dma_start3A_234 = arith.constant 0 : i32
      %dma_start3A_235 = tpu.memref_slice %arg9[%dma_start3A_233, %dma_start3A_234] : memref<80x128xf32, #tpu.memory_space<vmem>> -> memref<40x128xf32, #tpu.memory_space<vmem>>
      %dma_start3A_236 = arith.constant 0 : i32
      %dma_start3A_237 = tpu.memref_slice %arg11[%mul3A_51, %dma_start3A_236] : memref<10008x128xf32, #tpu.memory_space<vmem_shared>> -> memref<40x128xf32, #tpu.memory_space<vmem_shared>>
      %dma_start3A_238 = arith.constant 0 : i32
      %dma_start3A_239 = tpu.memref_slice %arg11[%mul3A_51, %dma_start3A_238] : memref<10008x128xf32, #tpu.memory_space<vmem_shared>> -> memref<40x128xf32, #tpu.memory_space<vmem_shared>>
      %dma_start3A_240 = arith.constant 0 : i32
      %dma_start3A_241 = arith.constant 0 : i32
      %dma_start3A_242 = tpu.memref_slice %arg9[%dma_start3A_240, %dma_start3A_241] : memref<80x128xf32, #tpu.memory_space<vmem>> -> memref<40x128xf32, #tpu.memory_space<vmem>>
      tpu.enqueue_dma source(%dma_start3A_242 : memref<40x128xf32, #tpu.memory_space<vmem>>) target(%dma_start3A_239 : memref<40x128xf32, #tpu.memory_space<vmem_shared>>) target_semaphore(%run_scoped3A_232 : memref<!tpu.dma_semaphore, #tpu.memory_space<semaphore_mem>>)
      %dma_wait3A_243 = arith.constant 0 : i32
      %dma_wait3A_244 = arith.constant 0 : i32
      %dma_wait3A_245 = tpu.memref_slice %arg9[%dma_wait3A_243, %dma_wait3A_244] : memref<80x128xf32, #tpu.memory_space<vmem>> -> memref<40x128xf32, #tpu.memory_space<vmem>>
      %dma_wait3A_246 = arith.constant 0 : i32
      %dma_wait3A_247 = tpu.memref_slice %arg11[%mul3A_51, %dma_wait3A_246] : memref<10008x128xf32, #tpu.memory_space<vmem_shared>> -> memref<40x128xf32, #tpu.memory_space<vmem_shared>>
      %dma_wait3A_248 = arith.constant 0 : i32
      %dma_wait3A_249 = tpu.memref_slice %arg11[%mul3A_51, %dma_wait3A_248] : memref<10008x128xf32, #tpu.memory_space<vmem_shared>> -> memref<40x128xf32, #tpu.memory_space<vmem_shared>>
      %dma_wait3A_250 = arith.constant 0 : i32
      %dma_wait3A_251 = arith.constant 0 : i32
      %dma_wait3A_252 = tpu.memref_slice %arg9[%dma_wait3A_250, %dma_wait3A_251] : memref<80x128xf32, #tpu.memory_space<vmem>> -> memref<40x128xf32, #tpu.memory_space<vmem>>
      tpu.wait_dma2 semaphore(%run_scoped3A_232 : memref<!tpu.dma_semaphore, #tpu.memory_space<semaphore_mem>>) src(%dma_wait3A_252 : memref<40x128xf32, #tpu.memory_space<vmem>>) dst(%dma_wait3A_249 : memref<40x128xf32, #tpu.memory_space<vmem_shared>>)
      tpu.yield
    }) : () -> ()
    %mul3A_52 = arith.constant 16 : i32
    %mul3A_53 = arith.muli %arg1, %mul3A_52 : i32
    %add3A_54 = arith.constant 8 : i32
    %add3A_55 = arith.addi %mul3A_53, %add3A_54 : i32
    %mul3A_56 = arith.constant 40 : i32
    %mul3A_57 = arith.muli %add3A_55, %mul3A_56 : i32
    "tpu.region"() ({
      %run_scoped3A_232 = tpu.sem_alloc : memref<!tpu.dma_semaphore, #tpu.memory_space<semaphore_mem>>
      %dma_start3A_233 = arith.constant 0 : i32
      %dma_start3A_234 = arith.constant 0 : i32
      %dma_start3A_235 = tpu.memref_slice %arg9[%dma_start3A_233, %dma_start3A_234] : memref<80x128xf32, #tpu.memory_space<vmem>> -> memref<40x128xf32, #tpu.memory_space<vmem>>
      %dma_start3A_236 = arith.constant 0 : i32
      %dma_start3A_237 = tpu.memref_slice %arg11[%mul3A_57, %dma_start3A_236] : memref<10008x128xf32, #tpu.memory_space<vmem_shared>> -> memref<40x128xf32, #tpu.memory_space<vmem_shared>>
      %dma_start3A_238 = arith.constant 0 : i32
      %dma_start3A_239 = tpu.memref_slice %arg11[%mul3A_57, %dma_start3A_238] : memref<10008x128xf32, #tpu.memory_space<vmem_shared>> -> memref<40x128xf32, #tpu.memory_space<vmem_shared>>
      %dma_start3A_240 = arith.constant 0 : i32
      %dma_start3A_241 = arith.constant 0 : i32
      %dma_start3A_242 = tpu.memref_slice %arg9[%dma_start3A_240, %dma_start3A_241] : memref<80x128xf32, #tpu.memory_space<vmem>> -> memref<40x128xf32, #tpu.memory_space<vmem>>
      tpu.enqueue_dma source(%dma_start3A_242 : memref<40x128xf32, #tpu.memory_space<vmem>>) target(%dma_start3A_239 : memref<40x128xf32, #tpu.memory_space<vmem_shared>>) target_semaphore(%run_scoped3A_232 : memref<!tpu.dma_semaphore, #tpu.memory_space<semaphore_mem>>)
      %dma_wait3A_243 = arith.constant 0 : i32
      %dma_wait3A_244 = arith.constant 0 : i32
      %dma_wait3A_245 = tpu.memref_slice %arg9[%dma_wait3A_243, %dma_wait3A_244] : memref<80x128xf32, #tpu.memory_space<vmem>> -> memref<40x128xf32, #tpu.memory_space<vmem>>
      %dma_wait3A_246 = arith.constant 0 : i32
      %dma_wait3A_247 = tpu.memref_slice %arg11[%mul3A_57, %dma_wait3A_246] : memref<10008x128xf32, #tpu.memory_space<vmem_shared>> -> memref<40x128xf32, #tpu.memory_space<vmem_shared>>
      %dma_wait3A_248 = arith.constant 0 : i32
      %dma_wait3A_249 = tpu.memref_slice %arg11[%mul3A_57, %dma_wait3A_248] : memref<10008x128xf32, #tpu.memory_space<vmem_shared>> -> memref<40x128xf32, #tpu.memory_space<vmem_shared>>
      %dma_wait3A_250 = arith.constant 0 : i32
      %dma_wait3A_251 = arith.constant 0 : i32
      %dma_wait3A_252 = tpu.memref_slice %arg9[%dma_wait3A_250, %dma_wait3A_251] : memref<80x128xf32, #tpu.memory_space<vmem>> -> memref<40x128xf32, #tpu.memory_space<vmem>>
      tpu.wait_dma2 semaphore(%run_scoped3A_232 : memref<!tpu.dma_semaphore, #tpu.memory_space<semaphore_mem>>) src(%dma_wait3A_252 : memref<40x128xf32, #tpu.memory_space<vmem>>) dst(%dma_wait3A_249 : memref<40x128xf32, #tpu.memory_space<vmem_shared>>)
      tpu.yield
    }) : () -> ()
    %mul3A_58 = arith.constant 16 : i32
    %mul3A_59 = arith.muli %arg1, %mul3A_58 : i32
    %add3A_60 = arith.constant 9 : i32
    %add3A_61 = arith.addi %mul3A_59, %add3A_60 : i32
    %mul3A_62 = arith.constant 40 : i32
    %mul3A_63 = arith.muli %add3A_61, %mul3A_62 : i32
    "tpu.region"() ({
      %run_scoped3A_232 = tpu.sem_alloc : memref<!tpu.dma_semaphore, #tpu.memory_space<semaphore_mem>>
      %dma_start3A_233 = arith.constant 0 : i32
      %dma_start3A_234 = arith.constant 0 : i32
      %dma_start3A_235 = tpu.memref_slice %arg9[%dma_start3A_233, %dma_start3A_234] : memref<80x128xf32, #tpu.memory_space<vmem>> -> memref<40x128xf32, #tpu.memory_space<vmem>>
      %dma_start3A_236 = arith.constant 0 : i32
      %dma_start3A_237 = tpu.memref_slice %arg11[%mul3A_63, %dma_start3A_236] : memref<10008x128xf32, #tpu.memory_space<vmem_shared>> -> memref<40x128xf32, #tpu.memory_space<vmem_shared>>
      %dma_start3A_238 = arith.constant 0 : i32
      %dma_start3A_239 = tpu.memref_slice %arg11[%mul3A_63, %dma_start3A_238] : memref<10008x128xf32, #tpu.memory_space<vmem_shared>> -> memref<40x128xf32, #tpu.memory_space<vmem_shared>>
      %dma_start3A_240 = arith.constant 0 : i32
      %dma_start3A_241 = arith.constant 0 : i32
      %dma_start3A_242 = tpu.memref_slice %arg9[%dma_start3A_240, %dma_start3A_241] : memref<80x128xf32, #tpu.memory_space<vmem>> -> memref<40x128xf32, #tpu.memory_space<vmem>>
      tpu.enqueue_dma source(%dma_start3A_242 : memref<40x128xf32, #tpu.memory_space<vmem>>) target(%dma_start3A_239 : memref<40x128xf32, #tpu.memory_space<vmem_shared>>) target_semaphore(%run_scoped3A_232 : memref<!tpu.dma_semaphore, #tpu.memory_space<semaphore_mem>>)
      %dma_wait3A_243 = arith.constant 0 : i32
      %dma_wait3A_244 = arith.constant 0 : i32
      %dma_wait3A_245 = tpu.memref_slice %arg9[%dma_wait3A_243, %dma_wait3A_244] : memref<80x128xf32, #tpu.memory_space<vmem>> -> memref<40x128xf32, #tpu.memory_space<vmem>>
      %dma_wait3A_246 = arith.constant 0 : i32
      %dma_wait3A_247 = tpu.memref_slice %arg11[%mul3A_63, %dma_wait3A_246] : memref<10008x128xf32, #tpu.memory_space<vmem_shared>> -> memref<40x128xf32, #tpu.memory_space<vmem_shared>>
      %dma_wait3A_248 = arith.constant 0 : i32
      %dma_wait3A_249 = tpu.memref_slice %arg11[%mul3A_63, %dma_wait3A_248] : memref<10008x128xf32, #tpu.memory_space<vmem_shared>> -> memref<40x128xf32, #tpu.memory_space<vmem_shared>>
      %dma_wait3A_250 = arith.constant 0 : i32
      %dma_wait3A_251 = arith.constant 0 : i32
      %dma_wait3A_252 = tpu.memref_slice %arg9[%dma_wait3A_250, %dma_wait3A_251] : memref<80x128xf32, #tpu.memory_space<vmem>> -> memref<40x128xf32, #tpu.memory_space<vmem>>
      tpu.wait_dma2 semaphore(%run_scoped3A_232 : memref<!tpu.dma_semaphore, #tpu.memory_space<semaphore_mem>>) src(%dma_wait3A_252 : memref<40x128xf32, #tpu.memory_space<vmem>>) dst(%dma_wait3A_249 : memref<40x128xf32, #tpu.memory_space<vmem_shared>>)
      tpu.yield
    }) : () -> ()
    %lt3A = arith.constant 15 : i32
    %lt3A_64 = arith.cmpi slt, %arg1, %lt3A : i32
    %convert_element_type3A = arith.extui %lt3A_64 : i1 to i32
    %cond3A = arith.constant 0 : i32
    %cond3A_65 = arith.cmpi ne, %convert_element_type3A, %cond3A : i32
    scf.if %cond3A_65 {
      %mul3A_232 = arith.constant 16 : i32
      %mul3A_233 = arith.muli %arg1, %mul3A_232 : i32
      %add3A_234 = arith.constant 10 : i32
      %add3A_235 = arith.addi %mul3A_233, %add3A_234 : i32
      %mul3A_236 = arith.constant 40 : i32
      %mul3A_237 = arith.muli %add3A_235, %mul3A_236 : i32
      "tpu.region"() ({
        %run_scoped3A_238 = tpu.sem_alloc : memref<!tpu.dma_semaphore, #tpu.memory_space<semaphore_mem>>
        %dma_start3A_239 = arith.constant 0 : i32
        %dma_start3A_240 = arith.constant 0 : i32
        %dma_start3A_241 = tpu.memref_slice %arg9[%dma_start3A_239, %dma_start3A_240] : memref<80x128xf32, #tpu.memory_space<vmem>> -> memref<40x128xf32, #tpu.memory_space<vmem>>
        %dma_start3A_242 = arith.constant 0 : i32
        %dma_start3A_243 = tpu.memref_slice %arg11[%mul3A_237, %dma_start3A_242] : memref<10008x128xf32, #tpu.memory_space<vmem_shared>> -> memref<40x128xf32, #tpu.memory_space<vmem_shared>>
        %dma_start3A_244 = arith.constant 0 : i32
        %dma_start3A_245 = tpu.memref_slice %arg11[%mul3A_237, %dma_start3A_244] : memref<10008x128xf32, #tpu.memory_space<vmem_shared>> -> memref<40x128xf32, #tpu.memory_space<vmem_shared>>
        %dma_start3A_246 = arith.constant 0 : i32
        %dma_start3A_247 = arith.constant 0 : i32
        %dma_start3A_248 = tpu.memref_slice %arg9[%dma_start3A_246, %dma_start3A_247] : memref<80x128xf32, #tpu.memory_space<vmem>> -> memref<40x128xf32, #tpu.memory_space<vmem>>
        tpu.enqueue_dma source(%dma_start3A_248 : memref<40x128xf32, #tpu.memory_space<vmem>>) target(%dma_start3A_245 : memref<40x128xf32, #tpu.memory_space<vmem_shared>>) target_semaphore(%run_scoped3A_238 : memref<!tpu.dma_semaphore, #tpu.memory_space<semaphore_mem>>)
        %dma_wait3A_249 = arith.constant 0 : i32
        %dma_wait3A_250 = arith.constant 0 : i32
        %dma_wait3A_251 = tpu.memref_slice %arg9[%dma_wait3A_249, %dma_wait3A_250] : memref<80x128xf32, #tpu.memory_space<vmem>> -> memref<40x128xf32, #tpu.memory_space<vmem>>
        %dma_wait3A_252 = arith.constant 0 : i32
        %dma_wait3A_253 = tpu.memref_slice %arg11[%mul3A_237, %dma_wait3A_252] : memref<10008x128xf32, #tpu.memory_space<vmem_shared>> -> memref<40x128xf32, #tpu.memory_space<vmem_shared>>
        %dma_wait3A_254 = arith.constant 0 : i32
        %dma_wait3A_255 = tpu.memref_slice %arg11[%mul3A_237, %dma_wait3A_254] : memref<10008x128xf32, #tpu.memory_space<vmem_shared>> -> memref<40x128xf32, #tpu.memory_space<vmem_shared>>
        %dma_wait3A_256 = arith.constant 0 : i32
        %dma_wait3A_257 = arith.constant 0 : i32
        %dma_wait3A_258 = tpu.memref_slice %arg9[%dma_wait3A_256, %dma_wait3A_257] : memref<80x128xf32, #tpu.memory_space<vmem>> -> memref<40x128xf32, #tpu.memory_space<vmem>>
        tpu.wait_dma2 semaphore(%run_scoped3A_238 : memref<!tpu.dma_semaphore, #tpu.memory_space<semaphore_mem>>) src(%dma_wait3A_258 : memref<40x128xf32, #tpu.memory_space<vmem>>) dst(%dma_wait3A_255 : memref<40x128xf32, #tpu.memory_space<vmem_shared>>)
        tpu.yield
      }) : () -> ()
    } else {
    }
    %lt3A_66 = arith.constant 15 : i32
    %lt3A_67 = arith.cmpi slt, %arg1, %lt3A_66 : i32
    %convert_element_type3A_68 = arith.extui %lt3A_67 : i1 to i32
    %cond3A_69 = arith.constant 0 : i32
    %cond3A_70 = arith.cmpi ne, %convert_element_type3A_68, %cond3A_69 : i32
    scf.if %cond3A_70 {
      %mul3A_232 = arith.constant 16 : i32
      %mul3A_233 = arith.muli %arg1, %mul3A_232 : i32
      %add3A_234 = arith.constant 11 : i32
      %add3A_235 = arith.addi %mul3A_233, %add3A_234 : i32
      %mul3A_236 = arith.constant 40 : i32
      %mul3A_237 = arith.muli %add3A_235, %mul3A_236 : i32
      "tpu.region"() ({
        %run_scoped3A_238 = tpu.sem_alloc : memref<!tpu.dma_semaphore, #tpu.memory_space<semaphore_mem>>
        %dma_start3A_239 = arith.constant 0 : i32
        %dma_start3A_240 = arith.constant 0 : i32
        %dma_start3A_241 = tpu.memref_slice %arg9[%dma_start3A_239, %dma_start3A_240] : memref<80x128xf32, #tpu.memory_space<vmem>> -> memref<40x128xf32, #tpu.memory_space<vmem>>
        %dma_start3A_242 = arith.constant 0 : i32
        %dma_start3A_243 = tpu.memref_slice %arg11[%mul3A_237, %dma_start3A_242] : memref<10008x128xf32, #tpu.memory_space<vmem_shared>> -> memref<40x128xf32, #tpu.memory_space<vmem_shared>>
        %dma_start3A_244 = arith.constant 0 : i32
        %dma_start3A_245 = tpu.memref_slice %arg11[%mul3A_237, %dma_start3A_244] : memref<10008x128xf32, #tpu.memory_space<vmem_shared>> -> memref<40x128xf32, #tpu.memory_space<vmem_shared>>
        %dma_start3A_246 = arith.constant 0 : i32
        %dma_start3A_247 = arith.constant 0 : i32
        %dma_start3A_248 = tpu.memref_slice %arg9[%dma_start3A_246, %dma_start3A_247] : memref<80x128xf32, #tpu.memory_space<vmem>> -> memref<40x128xf32, #tpu.memory_space<vmem>>
        tpu.enqueue_dma source(%dma_start3A_248 : memref<40x128xf32, #tpu.memory_space<vmem>>) target(%dma_start3A_245 : memref<40x128xf32, #tpu.memory_space<vmem_shared>>) target_semaphore(%run_scoped3A_238 : memref<!tpu.dma_semaphore, #tpu.memory_space<semaphore_mem>>)
        %dma_wait3A_249 = arith.constant 0 : i32
        %dma_wait3A_250 = arith.constant 0 : i32
        %dma_wait3A_251 = tpu.memref_slice %arg9[%dma_wait3A_249, %dma_wait3A_250] : memref<80x128xf32, #tpu.memory_space<vmem>> -> memref<40x128xf32, #tpu.memory_space<vmem>>
        %dma_wait3A_252 = arith.constant 0 : i32
        %dma_wait3A_253 = tpu.memref_slice %arg11[%mul3A_237, %dma_wait3A_252] : memref<10008x128xf32, #tpu.memory_space<vmem_shared>> -> memref<40x128xf32, #tpu.memory_space<vmem_shared>>
        %dma_wait3A_254 = arith.constant 0 : i32
        %dma_wait3A_255 = tpu.memref_slice %arg11[%mul3A_237, %dma_wait3A_254] : memref<10008x128xf32, #tpu.memory_space<vmem_shared>> -> memref<40x128xf32, #tpu.memory_space<vmem_shared>>
        %dma_wait3A_256 = arith.constant 0 : i32
        %dma_wait3A_257 = arith.constant 0 : i32
        %dma_wait3A_258 = tpu.memref_slice %arg9[%dma_wait3A_256, %dma_wait3A_257] : memref<80x128xf32, #tpu.memory_space<vmem>> -> memref<40x128xf32, #tpu.memory_space<vmem>>
        tpu.wait_dma2 semaphore(%run_scoped3A_238 : memref<!tpu.dma_semaphore, #tpu.memory_space<semaphore_mem>>) src(%dma_wait3A_258 : memref<40x128xf32, #tpu.memory_space<vmem>>) dst(%dma_wait3A_255 : memref<40x128xf32, #tpu.memory_space<vmem_shared>>)
        tpu.yield
      }) : () -> ()
    } else {
    }
    %lt3A_71 = arith.constant 15 : i32
    %lt3A_72 = arith.cmpi slt, %arg1, %lt3A_71 : i32
    %convert_element_type3A_73 = arith.extui %lt3A_72 : i1 to i32
    %cond3A_74 = arith.constant 0 : i32
    %cond3A_75 = arith.cmpi ne, %convert_element_type3A_73, %cond3A_74 : i32
    scf.if %cond3A_75 {
      %mul3A_232 = arith.constant 16 : i32
      %mul3A_233 = arith.muli %arg1, %mul3A_232 : i32
      %add3A_234 = arith.constant 12 : i32
      %add3A_235 = arith.addi %mul3A_233, %add3A_234 : i32
      %mul3A_236 = arith.constant 40 : i32
      %mul3A_237 = arith.muli %add3A_235, %mul3A_236 : i32
      "tpu.region"() ({
        %run_scoped3A_238 = tpu.sem_alloc : memref<!tpu.dma_semaphore, #tpu.memory_space<semaphore_mem>>
        %dma_start3A_239 = arith.constant 0 : i32
        %dma_start3A_240 = arith.constant 0 : i32
        %dma_start3A_241 = tpu.memref_slice %arg9[%dma_start3A_239, %dma_start3A_240] : memref<80x128xf32, #tpu.memory_space<vmem>> -> memref<40x128xf32, #tpu.memory_space<vmem>>
        %dma_start3A_242 = arith.constant 0 : i32
        %dma_start3A_243 = tpu.memref_slice %arg11[%mul3A_237, %dma_start3A_242] : memref<10008x128xf32, #tpu.memory_space<vmem_shared>> -> memref<40x128xf32, #tpu.memory_space<vmem_shared>>
        %dma_start3A_244 = arith.constant 0 : i32
        %dma_start3A_245 = tpu.memref_slice %arg11[%mul3A_237, %dma_start3A_244] : memref<10008x128xf32, #tpu.memory_space<vmem_shared>> -> memref<40x128xf32, #tpu.memory_space<vmem_shared>>
        %dma_start3A_246 = arith.constant 0 : i32
        %dma_start3A_247 = arith.constant 0 : i32
        %dma_start3A_248 = tpu.memref_slice %arg9[%dma_start3A_246, %dma_start3A_247] : memref<80x128xf32, #tpu.memory_space<vmem>> -> memref<40x128xf32, #tpu.memory_space<vmem>>
        tpu.enqueue_dma source(%dma_start3A_248 : memref<40x128xf32, #tpu.memory_space<vmem>>) target(%dma_start3A_245 : memref<40x128xf32, #tpu.memory_space<vmem_shared>>) target_semaphore(%run_scoped3A_238 : memref<!tpu.dma_semaphore, #tpu.memory_space<semaphore_mem>>)
        %dma_wait3A_249 = arith.constant 0 : i32
        %dma_wait3A_250 = arith.constant 0 : i32
        %dma_wait3A_251 = tpu.memref_slice %arg9[%dma_wait3A_249, %dma_wait3A_250] : memref<80x128xf32, #tpu.memory_space<vmem>> -> memref<40x128xf32, #tpu.memory_space<vmem>>
        %dma_wait3A_252 = arith.constant 0 : i32
        %dma_wait3A_253 = tpu.memref_slice %arg11[%mul3A_237, %dma_wait3A_252] : memref<10008x128xf32, #tpu.memory_space<vmem_shared>> -> memref<40x128xf32, #tpu.memory_space<vmem_shared>>
        %dma_wait3A_254 = arith.constant 0 : i32
        %dma_wait3A_255 = tpu.memref_slice %arg11[%mul3A_237, %dma_wait3A_254] : memref<10008x128xf32, #tpu.memory_space<vmem_shared>> -> memref<40x128xf32, #tpu.memory_space<vmem_shared>>
        %dma_wait3A_256 = arith.constant 0 : i32
        %dma_wait3A_257 = arith.constant 0 : i32
        %dma_wait3A_258 = tpu.memref_slice %arg9[%dma_wait3A_256, %dma_wait3A_257] : memref<80x128xf32, #tpu.memory_space<vmem>> -> memref<40x128xf32, #tpu.memory_space<vmem>>
        tpu.wait_dma2 semaphore(%run_scoped3A_238 : memref<!tpu.dma_semaphore, #tpu.memory_space<semaphore_mem>>) src(%dma_wait3A_258 : memref<40x128xf32, #tpu.memory_space<vmem>>) dst(%dma_wait3A_255 : memref<40x128xf32, #tpu.memory_space<vmem_shared>>)
        tpu.yield
      }) : () -> ()
    } else {
    }
    %lt3A_76 = arith.constant 15 : i32
    %lt3A_77 = arith.cmpi slt, %arg1, %lt3A_76 : i32
    %convert_element_type3A_78 = arith.extui %lt3A_77 : i1 to i32
    %cond3A_79 = arith.constant 0 : i32
    %cond3A_80 = arith.cmpi ne, %convert_element_type3A_78, %cond3A_79 : i32
    scf.if %cond3A_80 {
      %mul3A_232 = arith.constant 16 : i32
      %mul3A_233 = arith.muli %arg1, %mul3A_232 : i32
      %add3A_234 = arith.constant 13 : i32
      %add3A_235 = arith.addi %mul3A_233, %add3A_234 : i32
      %mul3A_236 = arith.constant 40 : i32
      %mul3A_237 = arith.muli %add3A_235, %mul3A_236 : i32
      "tpu.region"() ({
        %run_scoped3A_238 = tpu.sem_alloc : memref<!tpu.dma_semaphore, #tpu.memory_space<semaphore_mem>>
        %dma_start3A_239 = arith.constant 0 : i32
        %dma_start3A_240 = arith.constant 0 : i32
        %dma_start3A_241 = tpu.memref_slice %arg9[%dma_start3A_239, %dma_start3A_240] : memref<80x128xf32, #tpu.memory_space<vmem>> -> memref<40x128xf32, #tpu.memory_space<vmem>>
        %dma_start3A_242 = arith.constant 0 : i32
        %dma_start3A_243 = tpu.memref_slice %arg11[%mul3A_237, %dma_start3A_242] : memref<10008x128xf32, #tpu.memory_space<vmem_shared>> -> memref<40x128xf32, #tpu.memory_space<vmem_shared>>
        %dma_start3A_244 = arith.constant 0 : i32
        %dma_start3A_245 = tpu.memref_slice %arg11[%mul3A_237, %dma_start3A_244] : memref<10008x128xf32, #tpu.memory_space<vmem_shared>> -> memref<40x128xf32, #tpu.memory_space<vmem_shared>>
        %dma_start3A_246 = arith.constant 0 : i32
        %dma_start3A_247 = arith.constant 0 : i32
        %dma_start3A_248 = tpu.memref_slice %arg9[%dma_start3A_246, %dma_start3A_247] : memref<80x128xf32, #tpu.memory_space<vmem>> -> memref<40x128xf32, #tpu.memory_space<vmem>>
        tpu.enqueue_dma source(%dma_start3A_248 : memref<40x128xf32, #tpu.memory_space<vmem>>) target(%dma_start3A_245 : memref<40x128xf32, #tpu.memory_space<vmem_shared>>) target_semaphore(%run_scoped3A_238 : memref<!tpu.dma_semaphore, #tpu.memory_space<semaphore_mem>>)
        %dma_wait3A_249 = arith.constant 0 : i32
        %dma_wait3A_250 = arith.constant 0 : i32
        %dma_wait3A_251 = tpu.memref_slice %arg9[%dma_wait3A_249, %dma_wait3A_250] : memref<80x128xf32, #tpu.memory_space<vmem>> -> memref<40x128xf32, #tpu.memory_space<vmem>>
        %dma_wait3A_252 = arith.constant 0 : i32
        %dma_wait3A_253 = tpu.memref_slice %arg11[%mul3A_237, %dma_wait3A_252] : memref<10008x128xf32, #tpu.memory_space<vmem_shared>> -> memref<40x128xf32, #tpu.memory_space<vmem_shared>>
        %dma_wait3A_254 = arith.constant 0 : i32
        %dma_wait3A_255 = tpu.memref_slice %arg11[%mul3A_237, %dma_wait3A_254] : memref<10008x128xf32, #tpu.memory_space<vmem_shared>> -> memref<40x128xf32, #tpu.memory_space<vmem_shared>>
        %dma_wait3A_256 = arith.constant 0 : i32
        %dma_wait3A_257 = arith.constant 0 : i32
        %dma_wait3A_258 = tpu.memref_slice %arg9[%dma_wait3A_256, %dma_wait3A_257] : memref<80x128xf32, #tpu.memory_space<vmem>> -> memref<40x128xf32, #tpu.memory_space<vmem>>
        tpu.wait_dma2 semaphore(%run_scoped3A_238 : memref<!tpu.dma_semaphore, #tpu.memory_space<semaphore_mem>>) src(%dma_wait3A_258 : memref<40x128xf32, #tpu.memory_space<vmem>>) dst(%dma_wait3A_255 : memref<40x128xf32, #tpu.memory_space<vmem_shared>>)
        tpu.yield
      }) : () -> ()
    } else {
    }
    %lt3A_81 = arith.constant 15 : i32
    %lt3A_82 = arith.cmpi slt, %arg1, %lt3A_81 : i32
    %convert_element_type3A_83 = arith.extui %lt3A_82 : i1 to i32
    %cond3A_84 = arith.constant 0 : i32
    %cond3A_85 = arith.cmpi ne, %convert_element_type3A_83, %cond3A_84 : i32
    scf.if %cond3A_85 {
      %mul3A_232 = arith.constant 16 : i32
      %mul3A_233 = arith.muli %arg1, %mul3A_232 : i32
      %add3A_234 = arith.constant 14 : i32
      %add3A_235 = arith.addi %mul3A_233, %add3A_234 : i32
      %mul3A_236 = arith.constant 40 : i32
      %mul3A_237 = arith.muli %add3A_235, %mul3A_236 : i32
      "tpu.region"() ({
        %run_scoped3A_238 = tpu.sem_alloc : memref<!tpu.dma_semaphore, #tpu.memory_space<semaphore_mem>>
        %dma_start3A_239 = arith.constant 0 : i32
        %dma_start3A_240 = arith.constant 0 : i32
        %dma_start3A_241 = tpu.memref_slice %arg9[%dma_start3A_239, %dma_start3A_240] : memref<80x128xf32, #tpu.memory_space<vmem>> -> memref<40x128xf32, #tpu.memory_space<vmem>>
        %dma_start3A_242 = arith.constant 0 : i32
        %dma_start3A_243 = tpu.memref_slice %arg11[%mul3A_237, %dma_start3A_242] : memref<10008x128xf32, #tpu.memory_space<vmem_shared>> -> memref<40x128xf32, #tpu.memory_space<vmem_shared>>
        %dma_start3A_244 = arith.constant 0 : i32
        %dma_start3A_245 = tpu.memref_slice %arg11[%mul3A_237, %dma_start3A_244] : memref<10008x128xf32, #tpu.memory_space<vmem_shared>> -> memref<40x128xf32, #tpu.memory_space<vmem_shared>>
        %dma_start3A_246 = arith.constant 0 : i32
        %dma_start3A_247 = arith.constant 0 : i32
        %dma_start3A_248 = tpu.memref_slice %arg9[%dma_start3A_246, %dma_start3A_247] : memref<80x128xf32, #tpu.memory_space<vmem>> -> memref<40x128xf32, #tpu.memory_space<vmem>>
        tpu.enqueue_dma source(%dma_start3A_248 : memref<40x128xf32, #tpu.memory_space<vmem>>) target(%dma_start3A_245 : memref<40x128xf32, #tpu.memory_space<vmem_shared>>) target_semaphore(%run_scoped3A_238 : memref<!tpu.dma_semaphore, #tpu.memory_space<semaphore_mem>>)
        %dma_wait3A_249 = arith.constant 0 : i32
        %dma_wait3A_250 = arith.constant 0 : i32
        %dma_wait3A_251 = tpu.memref_slice %arg9[%dma_wait3A_249, %dma_wait3A_250] : memref<80x128xf32, #tpu.memory_space<vmem>> -> memref<40x128xf32, #tpu.memory_space<vmem>>
        %dma_wait3A_252 = arith.constant 0 : i32
        %dma_wait3A_253 = tpu.memref_slice %arg11[%mul3A_237, %dma_wait3A_252] : memref<10008x128xf32, #tpu.memory_space<vmem_shared>> -> memref<40x128xf32, #tpu.memory_space<vmem_shared>>
        %dma_wait3A_254 = arith.constant 0 : i32
        %dma_wait3A_255 = tpu.memref_slice %arg11[%mul3A_237, %dma_wait3A_254] : memref<10008x128xf32, #tpu.memory_space<vmem_shared>> -> memref<40x128xf32, #tpu.memory_space<vmem_shared>>
        %dma_wait3A_256 = arith.constant 0 : i32
        %dma_wait3A_257 = arith.constant 0 : i32
        %dma_wait3A_258 = tpu.memref_slice %arg9[%dma_wait3A_256, %dma_wait3A_257] : memref<80x128xf32, #tpu.memory_space<vmem>> -> memref<40x128xf32, #tpu.memory_space<vmem>>
        tpu.wait_dma2 semaphore(%run_scoped3A_238 : memref<!tpu.dma_semaphore, #tpu.memory_space<semaphore_mem>>) src(%dma_wait3A_258 : memref<40x128xf32, #tpu.memory_space<vmem>>) dst(%dma_wait3A_255 : memref<40x128xf32, #tpu.memory_space<vmem_shared>>)
        tpu.yield
      }) : () -> ()
    } else {
    }
    %lt3A_86 = arith.constant 15 : i32
    %lt3A_87 = arith.cmpi slt, %arg1, %lt3A_86 : i32
    %convert_element_type3A_88 = arith.extui %lt3A_87 : i1 to i32
    %cond3A_89 = arith.constant 0 : i32
    %cond3A_90 = arith.cmpi ne, %convert_element_type3A_88, %cond3A_89 : i32
    scf.if %cond3A_90 {
      %mul3A_232 = arith.constant 16 : i32
      %mul3A_233 = arith.muli %arg1, %mul3A_232 : i32
      %add3A_234 = arith.constant 15 : i32
      %add3A_235 = arith.addi %mul3A_233, %add3A_234 : i32
      %mul3A_236 = arith.constant 40 : i32
      %mul3A_237 = arith.muli %add3A_235, %mul3A_236 : i32
      "tpu.region"() ({
        %run_scoped3A_238 = tpu.sem_alloc : memref<!tpu.dma_semaphore, #tpu.memory_space<semaphore_mem>>
        %dma_start3A_239 = arith.constant 0 : i32
        %dma_start3A_240 = arith.constant 0 : i32
        %dma_start3A_241 = tpu.memref_slice %arg9[%dma_start3A_239, %dma_start3A_240] : memref<80x128xf32, #tpu.memory_space<vmem>> -> memref<40x128xf32, #tpu.memory_space<vmem>>
        %dma_start3A_242 = arith.constant 0 : i32
        %dma_start3A_243 = tpu.memref_slice %arg11[%mul3A_237, %dma_start3A_242] : memref<10008x128xf32, #tpu.memory_space<vmem_shared>> -> memref<40x128xf32, #tpu.memory_space<vmem_shared>>
        %dma_start3A_244 = arith.constant 0 : i32
        %dma_start3A_245 = tpu.memref_slice %arg11[%mul3A_237, %dma_start3A_244] : memref<10008x128xf32, #tpu.memory_space<vmem_shared>> -> memref<40x128xf32, #tpu.memory_space<vmem_shared>>
        %dma_start3A_246 = arith.constant 0 : i32
        %dma_start3A_247 = arith.constant 0 : i32
        %dma_start3A_248 = tpu.memref_slice %arg9[%dma_start3A_246, %dma_start3A_247] : memref<80x128xf32, #tpu.memory_space<vmem>> -> memref<40x128xf32, #tpu.memory_space<vmem>>
        tpu.enqueue_dma source(%dma_start3A_248 : memref<40x128xf32, #tpu.memory_space<vmem>>) target(%dma_start3A_245 : memref<40x128xf32, #tpu.memory_space<vmem_shared>>) target_semaphore(%run_scoped3A_238 : memref<!tpu.dma_semaphore, #tpu.memory_space<semaphore_mem>>)
        %dma_wait3A_249 = arith.constant 0 : i32
        %dma_wait3A_250 = arith.constant 0 : i32
        %dma_wait3A_251 = tpu.memref_slice %arg9[%dma_wait3A_249, %dma_wait3A_250] : memref<80x128xf32, #tpu.memory_space<vmem>> -> memref<40x128xf32, #tpu.memory_space<vmem>>
        %dma_wait3A_252 = arith.constant 0 : i32
        %dma_wait3A_253 = tpu.memref_slice %arg11[%mul3A_237, %dma_wait3A_252] : memref<10008x128xf32, #tpu.memory_space<vmem_shared>> -> memref<40x128xf32, #tpu.memory_space<vmem_shared>>
        %dma_wait3A_254 = arith.constant 0 : i32
        %dma_wait3A_255 = tpu.memref_slice %arg11[%mul3A_237, %dma_wait3A_254] : memref<10008x128xf32, #tpu.memory_space<vmem_shared>> -> memref<40x128xf32, #tpu.memory_space<vmem_shared>>
        %dma_wait3A_256 = arith.constant 0 : i32
        %dma_wait3A_257 = arith.constant 0 : i32
        %dma_wait3A_258 = tpu.memref_slice %arg9[%dma_wait3A_256, %dma_wait3A_257] : memref<80x128xf32, #tpu.memory_space<vmem>> -> memref<40x128xf32, #tpu.memory_space<vmem>>
        tpu.wait_dma2 semaphore(%run_scoped3A_238 : memref<!tpu.dma_semaphore, #tpu.memory_space<semaphore_mem>>) src(%dma_wait3A_258 : memref<40x128xf32, #tpu.memory_space<vmem>>) dst(%dma_wait3A_255 : memref<40x128xf32, #tpu.memory_space<vmem_shared>>)
        tpu.yield
      }) : () -> ()
    } else {
    }
    "tpu.region"() ({
      %run_scoped3A_232 = tpu.sem_alloc : memref<!tpu.dma_semaphore, #tpu.memory_space<semaphore_mem>>
      %dma_start3A_233 = arith.constant 0 : i32
      %dma_start3A_234 = tpu.memref_slice %arg3[%arg1, %dma_start3A_233] : memref<16x10000xi32, #tpu.memory_space<hbm>> -> memref<1x10000xi32, #tpu.memory_space<hbm>>
      %dma_start3A_235 = tpu.memref_squeeze %dma_start3A_234 : memref<1x10000xi32, #tpu.memory_space<hbm>> -> memref<10000xi32, #tpu.memory_space<hbm>>
      %dma_start3A_236 = arith.constant 0 : i32
      %dma_start3A_237 = tpu.memref_slice %arg3[%arg1, %dma_start3A_236] : memref<16x10000xi32, #tpu.memory_space<hbm>> -> memref<1x10000xi32, #tpu.memory_space<hbm>>
      %dma_start3A_238 = tpu.memref_squeeze %dma_start3A_237 : memref<1x10000xi32, #tpu.memory_space<hbm>> -> memref<10000xi32, #tpu.memory_space<hbm>>
      tpu.enqueue_dma source(%dma_start3A_238 : memref<10000xi32, #tpu.memory_space<hbm>>) target(%arg7 : memref<10000xi32, #tpu.memory_space<vmem>>) target_semaphore(%run_scoped3A_232 : memref<!tpu.dma_semaphore, #tpu.memory_space<semaphore_mem>>)
      %dma_wait3A_239 = arith.constant 0 : i32
      %dma_wait3A_240 = tpu.memref_slice %arg3[%arg1, %dma_wait3A_239] : memref<16x10000xi32, #tpu.memory_space<hbm>> -> memref<1x10000xi32, #tpu.memory_space<hbm>>
      %dma_wait3A_241 = tpu.memref_squeeze %dma_wait3A_240 : memref<1x10000xi32, #tpu.memory_space<hbm>> -> memref<10000xi32, #tpu.memory_space<hbm>>
      %dma_wait3A_242 = arith.constant 0 : i32
      %dma_wait3A_243 = tpu.memref_slice %arg3[%arg1, %dma_wait3A_242] : memref<16x10000xi32, #tpu.memory_space<hbm>> -> memref<1x10000xi32, #tpu.memory_space<hbm>>
      %dma_wait3A_244 = tpu.memref_squeeze %dma_wait3A_243 : memref<1x10000xi32, #tpu.memory_space<hbm>> -> memref<10000xi32, #tpu.memory_space<hbm>>
      tpu.wait_dma2 semaphore(%run_scoped3A_232 : memref<!tpu.dma_semaphore, #tpu.memory_space<semaphore_mem>>) src(%dma_wait3A_244 : memref<10000xi32, #tpu.memory_space<hbm>>) dst(%arg7 : memref<10000xi32, #tpu.memory_space<vmem>>)
      tpu.yield
    }) : () -> ()
    "tpu.region"() ({
      %run_scoped3A_232 = tpu.sem_alloc : memref<!tpu.dma_semaphore, #tpu.memory_space<semaphore_mem>>
      %dma_start3A_233 = arith.constant 0 : i32
      %dma_start3A_234 = arith.constant 0 : i32
      %dma_start3A_235 = tpu.memref_slice %arg4[%arg1, %dma_start3A_233, %dma_start3A_234] : memref<16x125x80xi32, #tpu.memory_space<hbm>> -> memref<1x125x80xi32, #tpu.memory_space<hbm>>
      %dma_start3A_236 = tpu.memref_squeeze %dma_start3A_235 : memref<1x125x80xi32, #tpu.memory_space<hbm>> -> memref<125x80xi32, #tpu.memory_space<hbm>>
      %dma_start3A_237 = arith.constant 0 : i32
      %dma_start3A_238 = arith.constant 0 : i32
      %dma_start3A_239 = tpu.memref_slice %arg4[%arg1, %dma_start3A_237, %dma_start3A_238] : memref<16x125x80xi32, #tpu.memory_space<hbm>> -> memref<1x125x80xi32, #tpu.memory_space<hbm>>
      %dma_start3A_240 = tpu.memref_squeeze %dma_start3A_239 : memref<1x125x80xi32, #tpu.memory_space<hbm>> -> memref<125x80xi32, #tpu.memory_space<hbm>>
      tpu.enqueue_dma source(%dma_start3A_240 : memref<125x80xi32, #tpu.memory_space<hbm>>) target(%arg8 : memref<125x80xi32, #tpu.memory_space<vmem>>) target_semaphore(%run_scoped3A_232 : memref<!tpu.dma_semaphore, #tpu.memory_space<semaphore_mem>>)
      %dma_wait3A_241 = arith.constant 0 : i32
      %dma_wait3A_242 = arith.constant 0 : i32
      %dma_wait3A_243 = tpu.memref_slice %arg4[%arg1, %dma_wait3A_241, %dma_wait3A_242] : memref<16x125x80xi32, #tpu.memory_space<hbm>> -> memref<1x125x80xi32, #tpu.memory_space<hbm>>
      %dma_wait3A_244 = tpu.memref_squeeze %dma_wait3A_243 : memref<1x125x80xi32, #tpu.memory_space<hbm>> -> memref<125x80xi32, #tpu.memory_space<hbm>>
      %dma_wait3A_245 = arith.constant 0 : i32
      %dma_wait3A_246 = arith.constant 0 : i32
      %dma_wait3A_247 = tpu.memref_slice %arg4[%arg1, %dma_wait3A_245, %dma_wait3A_246] : memref<16x125x80xi32, #tpu.memory_space<hbm>> -> memref<1x125x80xi32, #tpu.memory_space<hbm>>
      %dma_wait3A_248 = tpu.memref_squeeze %dma_wait3A_247 : memref<1x125x80xi32, #tpu.memory_space<hbm>> -> memref<125x80xi32, #tpu.memory_space<hbm>>
      tpu.wait_dma2 semaphore(%run_scoped3A_232 : memref<!tpu.dma_semaphore, #tpu.memory_space<semaphore_mem>>) src(%dma_wait3A_248 : memref<125x80xi32, #tpu.memory_space<hbm>>) dst(%arg8 : memref<125x80xi32, #tpu.memory_space<vmem>>)
      tpu.yield
    }) : () -> ()
    %barrier3A = arith.constant 0 : index
    tpu.barrier barrier_id(%barrier3A)
    %dma_start3A = arith.constant 0 : i32
    %dma_start3A_91 = tpu.memref_slice %arg7[%dma_start3A] : memref<10000xi32, #tpu.memory_space<vmem>> -> memref<80xi32, #tpu.memory_space<vmem>>
    %dma_start3A_92 = arith.constant 0 : i32
    %dma_start3A_93 = arith.constant 0 : i32
    %dma_start3A_94 = tpu.memref_slice %arg2[%arg0, %dma_start3A_92, %dma_start3A_93] : memref<2x10000x128xf32, #tpu.memory_space<hbm>> -> memref<1x10000x128xf32, #tpu.memory_space<hbm>>
    %dma_start3A_95 = tpu.memref_squeeze %dma_start3A_94 : memref<1x10000x128xf32, #tpu.memory_space<hbm>> -> memref<10000x128xf32, #tpu.memory_space<hbm>>
    %dma_start3A_96 = arith.constant 0 : i32
    %dma_start3A_97 = arith.constant 0 : i32
    %dma_start3A_98 = tpu.memref_slice %dma_start3A_95[%dma_start3A_96, %dma_start3A_97] : memref<10000x128xf32, #tpu.memory_space<hbm>> -> memref<10000x128xf32, #tpu.memory_space<hbm>>
    tpu.enqueue_indirect_dma source(%dma_start3A_98 : memref<10000x128xf32, #tpu.memory_space<hbm>>) target(%arg9 : memref<80x128xf32, #tpu.memory_space<vmem>>) offsets(%dma_start3A_91 : memref<80xi32, #tpu.memory_space<vmem>>) semaphore(%arg12 : memref<!tpu.dma_semaphore, #tpu.memory_space<semaphore_mem>>)
    %dma_start3A_99 = arith.constant 80 : i32
    %dma_start3A_100 = tpu.memref_slice %arg7[%dma_start3A_99] : memref<10000xi32, #tpu.memory_space<vmem>> -> memref<80xi32, #tpu.memory_space<vmem>>
    %dma_start3A_101 = arith.constant 0 : i32
    %dma_start3A_102 = arith.constant 0 : i32
    %dma_start3A_103 = tpu.memref_slice %arg2[%arg0, %dma_start3A_101, %dma_start3A_102] : memref<2x10000x128xf32, #tpu.memory_space<hbm>> -> memref<1x10000x128xf32, #tpu.memory_space<hbm>>
    %dma_start3A_104 = tpu.memref_squeeze %dma_start3A_103 : memref<1x10000x128xf32, #tpu.memory_space<hbm>> -> memref<10000x128xf32, #tpu.memory_space<hbm>>
    %dma_start3A_105 = arith.constant 0 : i32
    %dma_start3A_106 = arith.constant 0 : i32
    %dma_start3A_107 = tpu.memref_slice %dma_start3A_104[%dma_start3A_105, %dma_start3A_106] : memref<10000x128xf32, #tpu.memory_space<hbm>> -> memref<10000x128xf32, #tpu.memory_space<hbm>>
    tpu.enqueue_indirect_dma source(%dma_start3A_107 : memref<10000x128xf32, #tpu.memory_space<hbm>>) target(%arg10 : memref<80x128xf32, #tpu.memory_space<vmem>>) offsets(%dma_start3A_100 : memref<80xi32, #tpu.memory_space<vmem>>) semaphore(%arg13 : memref<!tpu.dma_semaphore, #tpu.memory_space<semaphore_mem>>)
    %scan3A_108 = arith.constant 0 : i32
    %scan3A_109 = arith.constant 62 : i32
    %scan3A_110 = arith.addi %scan3A_108, %scan3A_109 : i32
    %scan3A_111 = arith.constant 1 : i32
    scf.for %scan3A_232 = %scan3A_108 to %scan3A_110 step %scan3A_111  : i32 {
      %mul3A_233 = arith.constant 2 : i32
      %mul3A_234 = arith.muli %scan3A_232, %mul3A_233 : i32
      %add3A_235 = arith.constant 0 : i32
      %add3A_236 = arith.addi %add3A_235, %mul3A_234 : i32
      %add3A_237 = arith.constant 0 : i32
      %add3A_238 = arith.addi %add3A_236, %add3A_237 : i32
      %mul3A_239 = arith.constant 80 : i32
      %mul3A_240 = arith.muli %add3A_238, %mul3A_239 : i32
      %dma_wait3A_241 = tpu.memref_slice %arg7[%mul3A_240] : memref<10000xi32, #tpu.memory_space<vmem>> -> memref<80xi32, #tpu.memory_space<vmem>>
      %dma_wait3A_242 = arith.constant 0 : i32
      %dma_wait3A_243 = arith.constant 0 : i32
      %dma_wait3A_244 = tpu.memref_slice %arg2[%arg0, %dma_wait3A_242, %dma_wait3A_243] : memref<2x10000x128xf32, #tpu.memory_space<hbm>> -> memref<1x10000x128xf32, #tpu.memory_space<hbm>>
      %dma_wait3A_245 = tpu.memref_squeeze %dma_wait3A_244 : memref<1x10000x128xf32, #tpu.memory_space<hbm>> -> memref<10000x128xf32, #tpu.memory_space<hbm>>
      %dma_wait3A_246 = arith.constant 0 : i32
      %dma_wait3A_247 = arith.constant 0 : i32
      %dma_wait3A_248 = tpu.memref_slice %dma_wait3A_245[%dma_wait3A_246, %dma_wait3A_247] : memref<10000x128xf32, #tpu.memory_space<hbm>> -> memref<10000x128xf32, #tpu.memory_space<hbm>>
      tpu.wait_indirect_dma semaphore(%arg12 : memref<!tpu.dma_semaphore, #tpu.memory_space<semaphore_mem>>) src(%dma_wait3A_248 : memref<10000x128xf32, #tpu.memory_space<hbm>>) dst(%arg9 : memref<80x128xf32, #tpu.memory_space<vmem>>)
      "tpu.region"() ({
        %run_scoped3A_275 = tpu.sem_alloc : memref<!tpu.dma_semaphore, #tpu.memory_space<semaphore_mem>>
        %dma_start3A_276 = arith.constant 0 : i32
        %dma_start3A_277 = tpu.memref_slice %arg8[%add3A_238, %dma_start3A_276] : memref<125x80xi32, #tpu.memory_space<vmem>> -> memref<1x80xi32, #tpu.memory_space<vmem>>
        %dma_start3A_278 = tpu.memref_squeeze %dma_start3A_277 : memref<1x80xi32, #tpu.memory_space<vmem>> -> memref<80xi32, #tpu.memory_space<vmem>>
        %dma_start3A_279 = arith.constant 0 : i32
        %dma_start3A_280 = arith.constant 0 : i32
        %dma_start3A_281 = tpu.memref_slice %arg11[%dma_start3A_279, %dma_start3A_280] : memref<10008x128xf32, #tpu.memory_space<vmem_shared>> -> memref<10008x128xf32, #tpu.memory_space<vmem_shared>>
        tpu.enqueue_indirect_dma source(%arg9 : memref<80x128xf32, #tpu.memory_space<vmem>>) target(%dma_start3A_281 : memref<10008x128xf32, #tpu.memory_space<vmem_shared>>) offsets(%dma_start3A_278 : memref<80xi32, #tpu.memory_space<vmem>>) semaphore(%run_scoped3A_275 : memref<!tpu.dma_semaphore, #tpu.memory_space<semaphore_mem>>) {add = true}
        %dma_wait3A_282 = arith.constant 0 : i32
        %dma_wait3A_283 = tpu.memref_slice %arg8[%add3A_238, %dma_wait3A_282] : memref<125x80xi32, #tpu.memory_space<vmem>> -> memref<1x80xi32, #tpu.memory_space<vmem>>
        %dma_wait3A_284 = tpu.memref_squeeze %dma_wait3A_283 : memref<1x80xi32, #tpu.memory_space<vmem>> -> memref<80xi32, #tpu.memory_space<vmem>>
        %dma_wait3A_285 = arith.constant 0 : i32
        %dma_wait3A_286 = arith.constant 0 : i32
        %dma_wait3A_287 = tpu.memref_slice %arg11[%dma_wait3A_285, %dma_wait3A_286] : memref<10008x128xf32, #tpu.memory_space<vmem_shared>> -> memref<10008x128xf32, #tpu.memory_space<vmem_shared>>
        tpu.wait_indirect_dma semaphore(%run_scoped3A_275 : memref<!tpu.dma_semaphore, #tpu.memory_space<semaphore_mem>>) src(%arg9 : memref<80x128xf32, #tpu.memory_space<vmem>>) dst(%dma_wait3A_287 : memref<10008x128xf32, #tpu.memory_space<vmem_shared>>)
        tpu.yield
      }) : () -> ()
      %add3A_249 = arith.constant 2 : i32
      %add3A_250 = arith.addi %add3A_238, %add3A_249 : i32
      %lt3A_251 = arith.constant 125 : i32
      %lt3A_252 = arith.cmpi slt, %add3A_250, %lt3A_251 : i32
      %convert_element_type3A_253 = arith.extui %lt3A_252 : i1 to i32
      %cond3A_254 = arith.constant 0 : i32
      %cond3A_255 = arith.cmpi ne, %convert_element_type3A_253, %cond3A_254 : i32
      scf.if %cond3A_255 {
        %add3A_275 = arith.constant 2 : i32
        %add3A_276 = arith.addi %add3A_238, %add3A_275 : i32
        %mul3A_277 = arith.constant 80 : i32
        %mul3A_278 = arith.muli %add3A_276, %mul3A_277 : i32
        %dma_start3A_279 = tpu.memref_slice %arg7[%mul3A_278] : memref<10000xi32, #tpu.memory_space<vmem>> -> memref<80xi32, #tpu.memory_space<vmem>>
        %dma_start3A_280 = arith.constant 0 : i32
        %dma_start3A_281 = arith.constant 0 : i32
        %dma_start3A_282 = tpu.memref_slice %arg2[%arg0, %dma_start3A_280, %dma_start3A_281] : memref<2x10000x128xf32, #tpu.memory_space<hbm>> -> memref<1x10000x128xf32, #tpu.memory_space<hbm>>
        %dma_start3A_283 = tpu.memref_squeeze %dma_start3A_282 : memref<1x10000x128xf32, #tpu.memory_space<hbm>> -> memref<10000x128xf32, #tpu.memory_space<hbm>>
        %dma_start3A_284 = arith.constant 0 : i32
        %dma_start3A_285 = arith.constant 0 : i32
        %dma_start3A_286 = tpu.memref_slice %dma_start3A_283[%dma_start3A_284, %dma_start3A_285] : memref<10000x128xf32, #tpu.memory_space<hbm>> -> memref<10000x128xf32, #tpu.memory_space<hbm>>
        tpu.enqueue_indirect_dma source(%dma_start3A_286 : memref<10000x128xf32, #tpu.memory_space<hbm>>) target(%arg9 : memref<80x128xf32, #tpu.memory_space<vmem>>) offsets(%dma_start3A_279 : memref<80xi32, #tpu.memory_space<vmem>>) semaphore(%arg12 : memref<!tpu.dma_semaphore, #tpu.memory_space<semaphore_mem>>)
      } else {
      }
      %add3A_256 = arith.constant 1 : i32
      %add3A_257 = arith.addi %add3A_236, %add3A_256 : i32
      %mul3A_258 = arith.constant 80 : i32
      %mul3A_259 = arith.muli %add3A_257, %mul3A_258 : i32
      %dma_wait3A_260 = tpu.memref_slice %arg7[%mul3A_259] : memref<10000xi32, #tpu.memory_space<vmem>> -> memref<80xi32, #tpu.memory_space<vmem>>
      %dma_wait3A_261 = arith.constant 0 : i32
      %dma_wait3A_262 = arith.constant 0 : i32
      %dma_wait3A_263 = tpu.memref_slice %arg2[%arg0, %dma_wait3A_261, %dma_wait3A_262] : memref<2x10000x128xf32, #tpu.memory_space<hbm>> -> memref<1x10000x128xf32, #tpu.memory_space<hbm>>
      %dma_wait3A_264 = tpu.memref_squeeze %dma_wait3A_263 : memref<1x10000x128xf32, #tpu.memory_space<hbm>> -> memref<10000x128xf32, #tpu.memory_space<hbm>>
      %dma_wait3A_265 = arith.constant 0 : i32
      %dma_wait3A_266 = arith.constant 0 : i32
      %dma_wait3A_267 = tpu.memref_slice %dma_wait3A_264[%dma_wait3A_265, %dma_wait3A_266] : memref<10000x128xf32, #tpu.memory_space<hbm>> -> memref<10000x128xf32, #tpu.memory_space<hbm>>
      tpu.wait_indirect_dma semaphore(%arg13 : memref<!tpu.dma_semaphore, #tpu.memory_space<semaphore_mem>>) src(%dma_wait3A_267 : memref<10000x128xf32, #tpu.memory_space<hbm>>) dst(%arg10 : memref<80x128xf32, #tpu.memory_space<vmem>>)
      "tpu.region"() ({
        %run_scoped3A_275 = tpu.sem_alloc : memref<!tpu.dma_semaphore, #tpu.memory_space<semaphore_mem>>
        %dma_start3A_276 = arith.constant 0 : i32
        %dma_start3A_277 = tpu.memref_slice %arg8[%add3A_257, %dma_start3A_276] : memref<125x80xi32, #tpu.memory_space<vmem>> -> memref<1x80xi32, #tpu.memory_space<vmem>>
        %dma_start3A_278 = tpu.memref_squeeze %dma_start3A_277 : memref<1x80xi32, #tpu.memory_space<vmem>> -> memref<80xi32, #tpu.memory_space<vmem>>
        %dma_start3A_279 = arith.constant 0 : i32
        %dma_start3A_280 = arith.constant 0 : i32
        %dma_start3A_281 = tpu.memref_slice %arg11[%dma_start3A_279, %dma_start3A_280] : memref<10008x128xf32, #tpu.memory_space<vmem_shared>> -> memref<10008x128xf32, #tpu.memory_space<vmem_shared>>
        tpu.enqueue_indirect_dma source(%arg10 : memref<80x128xf32, #tpu.memory_space<vmem>>) target(%dma_start3A_281 : memref<10008x128xf32, #tpu.memory_space<vmem_shared>>) offsets(%dma_start3A_278 : memref<80xi32, #tpu.memory_space<vmem>>) semaphore(%run_scoped3A_275 : memref<!tpu.dma_semaphore, #tpu.memory_space<semaphore_mem>>) {add = true}
        %dma_wait3A_282 = arith.constant 0 : i32
        %dma_wait3A_283 = tpu.memref_slice %arg8[%add3A_257, %dma_wait3A_282] : memref<125x80xi32, #tpu.memory_space<vmem>> -> memref<1x80xi32, #tpu.memory_space<vmem>>
        %dma_wait3A_284 = tpu.memref_squeeze %dma_wait3A_283 : memref<1x80xi32, #tpu.memory_space<vmem>> -> memref<80xi32, #tpu.memory_space<vmem>>
        %dma_wait3A_285 = arith.constant 0 : i32
        %dma_wait3A_286 = arith.constant 0 : i32
        %dma_wait3A_287 = tpu.memref_slice %arg11[%dma_wait3A_285, %dma_wait3A_286] : memref<10008x128xf32, #tpu.memory_space<vmem_shared>> -> memref<10008x128xf32, #tpu.memory_space<vmem_shared>>
        tpu.wait_indirect_dma semaphore(%run_scoped3A_275 : memref<!tpu.dma_semaphore, #tpu.memory_space<semaphore_mem>>) src(%arg10 : memref<80x128xf32, #tpu.memory_space<vmem>>) dst(%dma_wait3A_287 : memref<10008x128xf32, #tpu.memory_space<vmem_shared>>)
        tpu.yield
      }) : () -> ()
      %add3A_268 = arith.constant 2 : i32
      %add3A_269 = arith.addi %add3A_257, %add3A_268 : i32
      %lt3A_270 = arith.constant 125 : i32
      %lt3A_271 = arith.cmpi slt, %add3A_269, %lt3A_270 : i32
      %convert_element_type3A_272 = arith.extui %lt3A_271 : i1 to i32
      %cond3A_273 = arith.constant 0 : i32
      %cond3A_274 = arith.cmpi ne, %convert_element_type3A_272, %cond3A_273 : i32
      scf.if %cond3A_274 {
        %add3A_275 = arith.constant 2 : i32
        %add3A_276 = arith.addi %add3A_257, %add3A_275 : i32
        %mul3A_277 = arith.constant 80 : i32
        %mul3A_278 = arith.muli %add3A_276, %mul3A_277 : i32
        %dma_start3A_279 = tpu.memref_slice %arg7[%mul3A_278] : memref<10000xi32, #tpu.memory_space<vmem>> -> memref<80xi32, #tpu.memory_space<vmem>>
        %dma_start3A_280 = arith.constant 0 : i32
        %dma_start3A_281 = arith.constant 0 : i32
        %dma_start3A_282 = tpu.memref_slice %arg2[%arg0, %dma_start3A_280, %dma_start3A_281] : memref<2x10000x128xf32, #tpu.memory_space<hbm>> -> memref<1x10000x128xf32, #tpu.memory_space<hbm>>
        %dma_start3A_283 = tpu.memref_squeeze %dma_start3A_282 : memref<1x10000x128xf32, #tpu.memory_space<hbm>> -> memref<10000x128xf32, #tpu.memory_space<hbm>>
        %dma_start3A_284 = arith.constant 0 : i32
        %dma_start3A_285 = arith.constant 0 : i32
        %dma_start3A_286 = tpu.memref_slice %dma_start3A_283[%dma_start3A_284, %dma_start3A_285] : memref<10000x128xf32, #tpu.memory_space<hbm>> -> memref<10000x128xf32, #tpu.memory_space<hbm>>
        tpu.enqueue_indirect_dma source(%dma_start3A_286 : memref<10000x128xf32, #tpu.memory_space<hbm>>) target(%arg10 : memref<80x128xf32, #tpu.memory_space<vmem>>) offsets(%dma_start3A_279 : memref<80xi32, #tpu.memory_space<vmem>>) semaphore(%arg13 : memref<!tpu.dma_semaphore, #tpu.memory_space<semaphore_mem>>)
      } else {
      }
    }
    %scan3A_112 = arith.constant 62 : i32
    %dma_wait3A = arith.constant 9920 : i32
    %dma_wait3A_113 = tpu.memref_slice %arg7[%dma_wait3A] : memref<10000xi32, #tpu.memory_space<vmem>> -> memref<80xi32, #tpu.memory_space<vmem>>
    %dma_wait3A_114 = arith.constant 0 : i32
    %dma_wait3A_115 = arith.constant 0 : i32
    %dma_wait3A_116 = tpu.memref_slice %arg2[%arg0, %dma_wait3A_114, %dma_wait3A_115] : memref<2x10000x128xf32, #tpu.memory_space<hbm>> -> memref<1x10000x128xf32, #tpu.memory_space<hbm>>
    %dma_wait3A_117 = tpu.memref_squeeze %dma_wait3A_116 : memref<1x10000x128xf32, #tpu.memory_space<hbm>> -> memref<10000x128xf32, #tpu.memory_space<hbm>>
    %dma_wait3A_118 = arith.constant 0 : i32
    %dma_wait3A_119 = arith.constant 0 : i32
    %dma_wait3A_120 = tpu.memref_slice %dma_wait3A_117[%dma_wait3A_118, %dma_wait3A_119] : memref<10000x128xf32, #tpu.memory_space<hbm>> -> memref<10000x128xf32, #tpu.memory_space<hbm>>
    tpu.wait_indirect_dma semaphore(%arg12 : memref<!tpu.dma_semaphore, #tpu.memory_space<semaphore_mem>>) src(%dma_wait3A_120 : memref<10000x128xf32, #tpu.memory_space<hbm>>) dst(%arg9 : memref<80x128xf32, #tpu.memory_space<vmem>>)
    %run_scoped3A = arith.constant 124 : i32
    "tpu.region"() ({
      %run_scoped3A_232 = tpu.sem_alloc : memref<!tpu.dma_semaphore, #tpu.memory_space<semaphore_mem>>
      %dma_start3A_233 = arith.constant 0 : i32
      %dma_start3A_234 = tpu.memref_slice %arg8[%run_scoped3A, %dma_start3A_233] : memref<125x80xi32, #tpu.memory_space<vmem>> -> memref<1x80xi32, #tpu.memory_space<vmem>>
      %dma_start3A_235 = tpu.memref_squeeze %dma_start3A_234 : memref<1x80xi32, #tpu.memory_space<vmem>> -> memref<80xi32, #tpu.memory_space<vmem>>
      %dma_start3A_236 = arith.constant 0 : i32
      %dma_start3A_237 = arith.constant 0 : i32
      %dma_start3A_238 = tpu.memref_slice %arg11[%dma_start3A_236, %dma_start3A_237] : memref<10008x128xf32, #tpu.memory_space<vmem_shared>> -> memref<10008x128xf32, #tpu.memory_space<vmem_shared>>
      tpu.enqueue_indirect_dma source(%arg9 : memref<80x128xf32, #tpu.memory_space<vmem>>) target(%dma_start3A_238 : memref<10008x128xf32, #tpu.memory_space<vmem_shared>>) offsets(%dma_start3A_235 : memref<80xi32, #tpu.memory_space<vmem>>) semaphore(%run_scoped3A_232 : memref<!tpu.dma_semaphore, #tpu.memory_space<semaphore_mem>>) {add = true}
      %dma_wait3A_239 = arith.constant 0 : i32
      %dma_wait3A_240 = tpu.memref_slice %arg8[%run_scoped3A, %dma_wait3A_239] : memref<125x80xi32, #tpu.memory_space<vmem>> -> memref<1x80xi32, #tpu.memory_space<vmem>>
      %dma_wait3A_241 = tpu.memref_squeeze %dma_wait3A_240 : memref<1x80xi32, #tpu.memory_space<vmem>> -> memref<80xi32, #tpu.memory_space<vmem>>
      %dma_wait3A_242 = arith.constant 0 : i32
      %dma_wait3A_243 = arith.constant 0 : i32
      %dma_wait3A_244 = tpu.memref_slice %arg11[%dma_wait3A_242, %dma_wait3A_243] : memref<10008x128xf32, #tpu.memory_space<vmem_shared>> -> memref<10008x128xf32, #tpu.memory_space<vmem_shared>>
      tpu.wait_indirect_dma semaphore(%run_scoped3A_232 : memref<!tpu.dma_semaphore, #tpu.memory_space<semaphore_mem>>) src(%arg9 : memref<80x128xf32, #tpu.memory_space<vmem>>) dst(%dma_wait3A_244 : memref<10008x128xf32, #tpu.memory_space<vmem_shared>>)
      tpu.yield
    }) : () -> ()
    %barrier3A_121 = arith.constant 0 : index
    tpu.barrier barrier_id(%barrier3A_121)
    %mul3A_122 = arith.constant 16 : i32
    %mul3A_123 = arith.muli %arg1, %mul3A_122 : i32
    %add3A_124 = arith.constant 0 : i32
    %add3A_125 = arith.addi %mul3A_123, %add3A_124 : i32
    %mul3A_126 = arith.constant 40 : i32
    %mul3A_127 = arith.muli %add3A_125, %mul3A_126 : i32
    %mul3A_128 = arith.constant 40 : i32
    %mul3A_129 = arith.muli %add3A_125, %mul3A_128 : i32
    "tpu.region"() ({
      %run_scoped3A_232 = tpu.sem_alloc : memref<!tpu.dma_semaphore, #tpu.memory_space<semaphore_mem>>
      %dma_start3A_233 = arith.constant 0 : i32
      %dma_start3A_234 = arith.constant 0 : i32
      %dma_start3A_235 = tpu.memref_slice %arg6[%arg0, %dma_start3A_233, %dma_start3A_234] : memref<2x10000x128xf32, #tpu.memory_space<hbm>> -> memref<1x10000x128xf32, #tpu.memory_space<hbm>>
      %dma_start3A_236 = tpu.memref_squeeze %dma_start3A_235 : memref<1x10000x128xf32, #tpu.memory_space<hbm>> -> memref<10000x128xf32, #tpu.memory_space<hbm>>
      %dma_start3A_237 = arith.constant 0 : i32
      %dma_start3A_238 = tpu.memref_slice %dma_start3A_236[%mul3A_129, %dma_start3A_237] : memref<10000x128xf32, #tpu.memory_space<hbm>> -> memref<40x128xf32, #tpu.memory_space<hbm>>
      %dma_start3A_239 = arith.constant 0 : i32
      %dma_start3A_240 = tpu.memref_slice %arg11[%mul3A_127, %dma_start3A_239] : memref<10008x128xf32, #tpu.memory_space<vmem_shared>> -> memref<40x128xf32, #tpu.memory_space<vmem_shared>>
      tpu.enqueue_dma source(%dma_start3A_240 : memref<40x128xf32, #tpu.memory_space<vmem_shared>>) target(%dma_start3A_238 : memref<40x128xf32, #tpu.memory_space<hbm>>) target_semaphore(%run_scoped3A_232 : memref<!tpu.dma_semaphore, #tpu.memory_space<semaphore_mem>>)
      %dma_wait3A_241 = arith.constant 0 : i32
      %dma_wait3A_242 = arith.constant 0 : i32
      %dma_wait3A_243 = tpu.memref_slice %arg6[%arg0, %dma_wait3A_241, %dma_wait3A_242] : memref<2x10000x128xf32, #tpu.memory_space<hbm>> -> memref<1x10000x128xf32, #tpu.memory_space<hbm>>
      %dma_wait3A_244 = tpu.memref_squeeze %dma_wait3A_243 : memref<1x10000x128xf32, #tpu.memory_space<hbm>> -> memref<10000x128xf32, #tpu.memory_space<hbm>>
      %dma_wait3A_245 = arith.constant 0 : i32
      %dma_wait3A_246 = tpu.memref_slice %dma_wait3A_244[%mul3A_129, %dma_wait3A_245] : memref<10000x128xf32, #tpu.memory_space<hbm>> -> memref<40x128xf32, #tpu.memory_space<hbm>>
      %dma_wait3A_247 = arith.constant 0 : i32
      %dma_wait3A_248 = tpu.memref_slice %arg11[%mul3A_127, %dma_wait3A_247] : memref<10008x128xf32, #tpu.memory_space<vmem_shared>> -> memref<40x128xf32, #tpu.memory_space<vmem_shared>>
      tpu.wait_dma2 semaphore(%run_scoped3A_232 : memref<!tpu.dma_semaphore, #tpu.memory_space<semaphore_mem>>) src(%dma_wait3A_248 : memref<40x128xf32, #tpu.memory_space<vmem_shared>>) dst(%dma_wait3A_246 : memref<40x128xf32, #tpu.memory_space<hbm>>)
      tpu.yield
    }) : () -> ()
    %mul3A_130 = arith.constant 16 : i32
    %mul3A_131 = arith.muli %arg1, %mul3A_130 : i32
    %add3A_132 = arith.constant 1 : i32
    %add3A_133 = arith.addi %mul3A_131, %add3A_132 : i32
    %mul3A_134 = arith.constant 40 : i32
    %mul3A_135 = arith.muli %add3A_133, %mul3A_134 : i32
    %mul3A_136 = arith.constant 40 : i32
    %mul3A_137 = arith.muli %add3A_133, %mul3A_136 : i32
    "tpu.region"() ({
      %run_scoped3A_232 = tpu.sem_alloc : memref<!tpu.dma_semaphore, #tpu.memory_space<semaphore_mem>>
      %dma_start3A_233 = arith.constant 0 : i32
      %dma_start3A_234 = arith.constant 0 : i32
      %dma_start3A_235 = tpu.memref_slice %arg6[%arg0, %dma_start3A_233, %dma_start3A_234] : memref<2x10000x128xf32, #tpu.memory_space<hbm>> -> memref<1x10000x128xf32, #tpu.memory_space<hbm>>
      %dma_start3A_236 = tpu.memref_squeeze %dma_start3A_235 : memref<1x10000x128xf32, #tpu.memory_space<hbm>> -> memref<10000x128xf32, #tpu.memory_space<hbm>>
      %dma_start3A_237 = arith.constant 0 : i32
      %dma_start3A_238 = tpu.memref_slice %dma_start3A_236[%mul3A_137, %dma_start3A_237] : memref<10000x128xf32, #tpu.memory_space<hbm>> -> memref<40x128xf32, #tpu.memory_space<hbm>>
      %dma_start3A_239 = arith.constant 0 : i32
      %dma_start3A_240 = tpu.memref_slice %arg11[%mul3A_135, %dma_start3A_239] : memref<10008x128xf32, #tpu.memory_space<vmem_shared>> -> memref<40x128xf32, #tpu.memory_space<vmem_shared>>
      tpu.enqueue_dma source(%dma_start3A_240 : memref<40x128xf32, #tpu.memory_space<vmem_shared>>) target(%dma_start3A_238 : memref<40x128xf32, #tpu.memory_space<hbm>>) target_semaphore(%run_scoped3A_232 : memref<!tpu.dma_semaphore, #tpu.memory_space<semaphore_mem>>)
      %dma_wait3A_241 = arith.constant 0 : i32
      %dma_wait3A_242 = arith.constant 0 : i32
      %dma_wait3A_243 = tpu.memref_slice %arg6[%arg0, %dma_wait3A_241, %dma_wait3A_242] : memref<2x10000x128xf32, #tpu.memory_space<hbm>> -> memref<1x10000x128xf32, #tpu.memory_space<hbm>>
      %dma_wait3A_244 = tpu.memref_squeeze %dma_wait3A_243 : memref<1x10000x128xf32, #tpu.memory_space<hbm>> -> memref<10000x128xf32, #tpu.memory_space<hbm>>
      %dma_wait3A_245 = arith.constant 0 : i32
      %dma_wait3A_246 = tpu.memref_slice %dma_wait3A_244[%mul3A_137, %dma_wait3A_245] : memref<10000x128xf32, #tpu.memory_space<hbm>> -> memref<40x128xf32, #tpu.memory_space<hbm>>
      %dma_wait3A_247 = arith.constant 0 : i32
      %dma_wait3A_248 = tpu.memref_slice %arg11[%mul3A_135, %dma_wait3A_247] : memref<10008x128xf32, #tpu.memory_space<vmem_shared>> -> memref<40x128xf32, #tpu.memory_space<vmem_shared>>
      tpu.wait_dma2 semaphore(%run_scoped3A_232 : memref<!tpu.dma_semaphore, #tpu.memory_space<semaphore_mem>>) src(%dma_wait3A_248 : memref<40x128xf32, #tpu.memory_space<vmem_shared>>) dst(%dma_wait3A_246 : memref<40x128xf32, #tpu.memory_space<hbm>>)
      tpu.yield
    }) : () -> ()
    %mul3A_138 = arith.constant 16 : i32
    %mul3A_139 = arith.muli %arg1, %mul3A_138 : i32
    %add3A_140 = arith.constant 2 : i32
    %add3A_141 = arith.addi %mul3A_139, %add3A_140 : i32
    %mul3A_142 = arith.constant 40 : i32
    %mul3A_143 = arith.muli %add3A_141, %mul3A_142 : i32
    %mul3A_144 = arith.constant 40 : i32
    %mul3A_145 = arith.muli %add3A_141, %mul3A_144 : i32
    "tpu.region"() ({
      %run_scoped3A_232 = tpu.sem_alloc : memref<!tpu.dma_semaphore, #tpu.memory_space<semaphore_mem>>
      %dma_start3A_233 = arith.constant 0 : i32
      %dma_start3A_234 = arith.constant 0 : i32
      %dma_start3A_235 = tpu.memref_slice %arg6[%arg0, %dma_start3A_233, %dma_start3A_234] : memref<2x10000x128xf32, #tpu.memory_space<hbm>> -> memref<1x10000x128xf32, #tpu.memory_space<hbm>>
      %dma_start3A_236 = tpu.memref_squeeze %dma_start3A_235 : memref<1x10000x128xf32, #tpu.memory_space<hbm>> -> memref<10000x128xf32, #tpu.memory_space<hbm>>
      %dma_start3A_237 = arith.constant 0 : i32
      %dma_start3A_238 = tpu.memref_slice %dma_start3A_236[%mul3A_145, %dma_start3A_237] : memref<10000x128xf32, #tpu.memory_space<hbm>> -> memref<40x128xf32, #tpu.memory_space<hbm>>
      %dma_start3A_239 = arith.constant 0 : i32
      %dma_start3A_240 = tpu.memref_slice %arg11[%mul3A_143, %dma_start3A_239] : memref<10008x128xf32, #tpu.memory_space<vmem_shared>> -> memref<40x128xf32, #tpu.memory_space<vmem_shared>>
      tpu.enqueue_dma source(%dma_start3A_240 : memref<40x128xf32, #tpu.memory_space<vmem_shared>>) target(%dma_start3A_238 : memref<40x128xf32, #tpu.memory_space<hbm>>) target_semaphore(%run_scoped3A_232 : memref<!tpu.dma_semaphore, #tpu.memory_space<semaphore_mem>>)
      %dma_wait3A_241 = arith.constant 0 : i32
      %dma_wait3A_242 = arith.constant 0 : i32
      %dma_wait3A_243 = tpu.memref_slice %arg6[%arg0, %dma_wait3A_241, %dma_wait3A_242] : memref<2x10000x128xf32, #tpu.memory_space<hbm>> -> memref<1x10000x128xf32, #tpu.memory_space<hbm>>
      %dma_wait3A_244 = tpu.memref_squeeze %dma_wait3A_243 : memref<1x10000x128xf32, #tpu.memory_space<hbm>> -> memref<10000x128xf32, #tpu.memory_space<hbm>>
      %dma_wait3A_245 = arith.constant 0 : i32
      %dma_wait3A_246 = tpu.memref_slice %dma_wait3A_244[%mul3A_145, %dma_wait3A_245] : memref<10000x128xf32, #tpu.memory_space<hbm>> -> memref<40x128xf32, #tpu.memory_space<hbm>>
      %dma_wait3A_247 = arith.constant 0 : i32
      %dma_wait3A_248 = tpu.memref_slice %arg11[%mul3A_143, %dma_wait3A_247] : memref<10008x128xf32, #tpu.memory_space<vmem_shared>> -> memref<40x128xf32, #tpu.memory_space<vmem_shared>>
      tpu.wait_dma2 semaphore(%run_scoped3A_232 : memref<!tpu.dma_semaphore, #tpu.memory_space<semaphore_mem>>) src(%dma_wait3A_248 : memref<40x128xf32, #tpu.memory_space<vmem_shared>>) dst(%dma_wait3A_246 : memref<40x128xf32, #tpu.memory_space<hbm>>)
      tpu.yield
    }) : () -> ()
    %mul3A_146 = arith.constant 16 : i32
    %mul3A_147 = arith.muli %arg1, %mul3A_146 : i32
    %add3A_148 = arith.constant 3 : i32
    %add3A_149 = arith.addi %mul3A_147, %add3A_148 : i32
    %mul3A_150 = arith.constant 40 : i32
    %mul3A_151 = arith.muli %add3A_149, %mul3A_150 : i32
    %mul3A_152 = arith.constant 40 : i32
    %mul3A_153 = arith.muli %add3A_149, %mul3A_152 : i32
    "tpu.region"() ({
      %run_scoped3A_232 = tpu.sem_alloc : memref<!tpu.dma_semaphore, #tpu.memory_space<semaphore_mem>>
      %dma_start3A_233 = arith.constant 0 : i32
      %dma_start3A_234 = arith.constant 0 : i32
      %dma_start3A_235 = tpu.memref_slice %arg6[%arg0, %dma_start3A_233, %dma_start3A_234] : memref<2x10000x128xf32, #tpu.memory_space<hbm>> -> memref<1x10000x128xf32, #tpu.memory_space<hbm>>
      %dma_start3A_236 = tpu.memref_squeeze %dma_start3A_235 : memref<1x10000x128xf32, #tpu.memory_space<hbm>> -> memref<10000x128xf32, #tpu.memory_space<hbm>>
      %dma_start3A_237 = arith.constant 0 : i32
      %dma_start3A_238 = tpu.memref_slice %dma_start3A_236[%mul3A_153, %dma_start3A_237] : memref<10000x128xf32, #tpu.memory_space<hbm>> -> memref<40x128xf32, #tpu.memory_space<hbm>>
      %dma_start3A_239 = arith.constant 0 : i32
      %dma_start3A_240 = tpu.memref_slice %arg11[%mul3A_151, %dma_start3A_239] : memref<10008x128xf32, #tpu.memory_space<vmem_shared>> -> memref<40x128xf32, #tpu.memory_space<vmem_shared>>
      tpu.enqueue_dma source(%dma_start3A_240 : memref<40x128xf32, #tpu.memory_space<vmem_shared>>) target(%dma_start3A_238 : memref<40x128xf32, #tpu.memory_space<hbm>>) target_semaphore(%run_scoped3A_232 : memref<!tpu.dma_semaphore, #tpu.memory_space<semaphore_mem>>)
      %dma_wait3A_241 = arith.constant 0 : i32
      %dma_wait3A_242 = arith.constant 0 : i32
      %dma_wait3A_243 = tpu.memref_slice %arg6[%arg0, %dma_wait3A_241, %dma_wait3A_242] : memref<2x10000x128xf32, #tpu.memory_space<hbm>> -> memref<1x10000x128xf32, #tpu.memory_space<hbm>>
      %dma_wait3A_244 = tpu.memref_squeeze %dma_wait3A_243 : memref<1x10000x128xf32, #tpu.memory_space<hbm>> -> memref<10000x128xf32, #tpu.memory_space<hbm>>
      %dma_wait3A_245 = arith.constant 0 : i32
      %dma_wait3A_246 = tpu.memref_slice %dma_wait3A_244[%mul3A_153, %dma_wait3A_245] : memref<10000x128xf32, #tpu.memory_space<hbm>> -> memref<40x128xf32, #tpu.memory_space<hbm>>
      %dma_wait3A_247 = arith.constant 0 : i32
      %dma_wait3A_248 = tpu.memref_slice %arg11[%mul3A_151, %dma_wait3A_247] : memref<10008x128xf32, #tpu.memory_space<vmem_shared>> -> memref<40x128xf32, #tpu.memory_space<vmem_shared>>
      tpu.wait_dma2 semaphore(%run_scoped3A_232 : memref<!tpu.dma_semaphore, #tpu.memory_space<semaphore_mem>>) src(%dma_wait3A_248 : memref<40x128xf32, #tpu.memory_space<vmem_shared>>) dst(%dma_wait3A_246 : memref<40x128xf32, #tpu.memory_space<hbm>>)
      tpu.yield
    }) : () -> ()
    %mul3A_154 = arith.constant 16 : i32
    %mul3A_155 = arith.muli %arg1, %mul3A_154 : i32
    %add3A_156 = arith.constant 4 : i32
    %add3A_157 = arith.addi %mul3A_155, %add3A_156 : i32
    %mul3A_158 = arith.constant 40 : i32
    %mul3A_159 = arith.muli %add3A_157, %mul3A_158 : i32
    %mul3A_160 = arith.constant 40 : i32
    %mul3A_161 = arith.muli %add3A_157, %mul3A_160 : i32
    "tpu.region"() ({
      %run_scoped3A_232 = tpu.sem_alloc : memref<!tpu.dma_semaphore, #tpu.memory_space<semaphore_mem>>
      %dma_start3A_233 = arith.constant 0 : i32
      %dma_start3A_234 = arith.constant 0 : i32
      %dma_start3A_235 = tpu.memref_slice %arg6[%arg0, %dma_start3A_233, %dma_start3A_234] : memref<2x10000x128xf32, #tpu.memory_space<hbm>> -> memref<1x10000x128xf32, #tpu.memory_space<hbm>>
      %dma_start3A_236 = tpu.memref_squeeze %dma_start3A_235 : memref<1x10000x128xf32, #tpu.memory_space<hbm>> -> memref<10000x128xf32, #tpu.memory_space<hbm>>
      %dma_start3A_237 = arith.constant 0 : i32
      %dma_start3A_238 = tpu.memref_slice %dma_start3A_236[%mul3A_161, %dma_start3A_237] : memref<10000x128xf32, #tpu.memory_space<hbm>> -> memref<40x128xf32, #tpu.memory_space<hbm>>
      %dma_start3A_239 = arith.constant 0 : i32
      %dma_start3A_240 = tpu.memref_slice %arg11[%mul3A_159, %dma_start3A_239] : memref<10008x128xf32, #tpu.memory_space<vmem_shared>> -> memref<40x128xf32, #tpu.memory_space<vmem_shared>>
      tpu.enqueue_dma source(%dma_start3A_240 : memref<40x128xf32, #tpu.memory_space<vmem_shared>>) target(%dma_start3A_238 : memref<40x128xf32, #tpu.memory_space<hbm>>) target_semaphore(%run_scoped3A_232 : memref<!tpu.dma_semaphore, #tpu.memory_space<semaphore_mem>>)
      %dma_wait3A_241 = arith.constant 0 : i32
      %dma_wait3A_242 = arith.constant 0 : i32
      %dma_wait3A_243 = tpu.memref_slice %arg6[%arg0, %dma_wait3A_241, %dma_wait3A_242] : memref<2x10000x128xf32, #tpu.memory_space<hbm>> -> memref<1x10000x128xf32, #tpu.memory_space<hbm>>
      %dma_wait3A_244 = tpu.memref_squeeze %dma_wait3A_243 : memref<1x10000x128xf32, #tpu.memory_space<hbm>> -> memref<10000x128xf32, #tpu.memory_space<hbm>>
      %dma_wait3A_245 = arith.constant 0 : i32
      %dma_wait3A_246 = tpu.memref_slice %dma_wait3A_244[%mul3A_161, %dma_wait3A_245] : memref<10000x128xf32, #tpu.memory_space<hbm>> -> memref<40x128xf32, #tpu.memory_space<hbm>>
      %dma_wait3A_247 = arith.constant 0 : i32
      %dma_wait3A_248 = tpu.memref_slice %arg11[%mul3A_159, %dma_wait3A_247] : memref<10008x128xf32, #tpu.memory_space<vmem_shared>> -> memref<40x128xf32, #tpu.memory_space<vmem_shared>>
      tpu.wait_dma2 semaphore(%run_scoped3A_232 : memref<!tpu.dma_semaphore, #tpu.memory_space<semaphore_mem>>) src(%dma_wait3A_248 : memref<40x128xf32, #tpu.memory_space<vmem_shared>>) dst(%dma_wait3A_246 : memref<40x128xf32, #tpu.memory_space<hbm>>)
      tpu.yield
    }) : () -> ()
    %mul3A_162 = arith.constant 16 : i32
    %mul3A_163 = arith.muli %arg1, %mul3A_162 : i32
    %add3A_164 = arith.constant 5 : i32
    %add3A_165 = arith.addi %mul3A_163, %add3A_164 : i32
    %mul3A_166 = arith.constant 40 : i32
    %mul3A_167 = arith.muli %add3A_165, %mul3A_166 : i32
    %mul3A_168 = arith.constant 40 : i32
    %mul3A_169 = arith.muli %add3A_165, %mul3A_168 : i32
    "tpu.region"() ({
      %run_scoped3A_232 = tpu.sem_alloc : memref<!tpu.dma_semaphore, #tpu.memory_space<semaphore_mem>>
      %dma_start3A_233 = arith.constant 0 : i32
      %dma_start3A_234 = arith.constant 0 : i32
      %dma_start3A_235 = tpu.memref_slice %arg6[%arg0, %dma_start3A_233, %dma_start3A_234] : memref<2x10000x128xf32, #tpu.memory_space<hbm>> -> memref<1x10000x128xf32, #tpu.memory_space<hbm>>
      %dma_start3A_236 = tpu.memref_squeeze %dma_start3A_235 : memref<1x10000x128xf32, #tpu.memory_space<hbm>> -> memref<10000x128xf32, #tpu.memory_space<hbm>>
      %dma_start3A_237 = arith.constant 0 : i32
      %dma_start3A_238 = tpu.memref_slice %dma_start3A_236[%mul3A_169, %dma_start3A_237] : memref<10000x128xf32, #tpu.memory_space<hbm>> -> memref<40x128xf32, #tpu.memory_space<hbm>>
      %dma_start3A_239 = arith.constant 0 : i32
      %dma_start3A_240 = tpu.memref_slice %arg11[%mul3A_167, %dma_start3A_239] : memref<10008x128xf32, #tpu.memory_space<vmem_shared>> -> memref<40x128xf32, #tpu.memory_space<vmem_shared>>
      tpu.enqueue_dma source(%dma_start3A_240 : memref<40x128xf32, #tpu.memory_space<vmem_shared>>) target(%dma_start3A_238 : memref<40x128xf32, #tpu.memory_space<hbm>>) target_semaphore(%run_scoped3A_232 : memref<!tpu.dma_semaphore, #tpu.memory_space<semaphore_mem>>)
      %dma_wait3A_241 = arith.constant 0 : i32
      %dma_wait3A_242 = arith.constant 0 : i32
      %dma_wait3A_243 = tpu.memref_slice %arg6[%arg0, %dma_wait3A_241, %dma_wait3A_242] : memref<2x10000x128xf32, #tpu.memory_space<hbm>> -> memref<1x10000x128xf32, #tpu.memory_space<hbm>>
      %dma_wait3A_244 = tpu.memref_squeeze %dma_wait3A_243 : memref<1x10000x128xf32, #tpu.memory_space<hbm>> -> memref<10000x128xf32, #tpu.memory_space<hbm>>
      %dma_wait3A_245 = arith.constant 0 : i32
      %dma_wait3A_246 = tpu.memref_slice %dma_wait3A_244[%mul3A_169, %dma_wait3A_245] : memref<10000x128xf32, #tpu.memory_space<hbm>> -> memref<40x128xf32, #tpu.memory_space<hbm>>
      %dma_wait3A_247 = arith.constant 0 : i32
      %dma_wait3A_248 = tpu.memref_slice %arg11[%mul3A_167, %dma_wait3A_247] : memref<10008x128xf32, #tpu.memory_space<vmem_shared>> -> memref<40x128xf32, #tpu.memory_space<vmem_shared>>
      tpu.wait_dma2 semaphore(%run_scoped3A_232 : memref<!tpu.dma_semaphore, #tpu.memory_space<semaphore_mem>>) src(%dma_wait3A_248 : memref<40x128xf32, #tpu.memory_space<vmem_shared>>) dst(%dma_wait3A_246 : memref<40x128xf32, #tpu.memory_space<hbm>>)
      tpu.yield
    }) : () -> ()
    %mul3A_170 = arith.constant 16 : i32
    %mul3A_171 = arith.muli %arg1, %mul3A_170 : i32
    %add3A_172 = arith.constant 6 : i32
    %add3A_173 = arith.addi %mul3A_171, %add3A_172 : i32
    %mul3A_174 = arith.constant 40 : i32
    %mul3A_175 = arith.muli %add3A_173, %mul3A_174 : i32
    %mul3A_176 = arith.constant 40 : i32
    %mul3A_177 = arith.muli %add3A_173, %mul3A_176 : i32
    "tpu.region"() ({
      %run_scoped3A_232 = tpu.sem_alloc : memref<!tpu.dma_semaphore, #tpu.memory_space<semaphore_mem>>
      %dma_start3A_233 = arith.constant 0 : i32
      %dma_start3A_234 = arith.constant 0 : i32
      %dma_start3A_235 = tpu.memref_slice %arg6[%arg0, %dma_start3A_233, %dma_start3A_234] : memref<2x10000x128xf32, #tpu.memory_space<hbm>> -> memref<1x10000x128xf32, #tpu.memory_space<hbm>>
      %dma_start3A_236 = tpu.memref_squeeze %dma_start3A_235 : memref<1x10000x128xf32, #tpu.memory_space<hbm>> -> memref<10000x128xf32, #tpu.memory_space<hbm>>
      %dma_start3A_237 = arith.constant 0 : i32
      %dma_start3A_238 = tpu.memref_slice %dma_start3A_236[%mul3A_177, %dma_start3A_237] : memref<10000x128xf32, #tpu.memory_space<hbm>> -> memref<40x128xf32, #tpu.memory_space<hbm>>
      %dma_start3A_239 = arith.constant 0 : i32
      %dma_start3A_240 = tpu.memref_slice %arg11[%mul3A_175, %dma_start3A_239] : memref<10008x128xf32, #tpu.memory_space<vmem_shared>> -> memref<40x128xf32, #tpu.memory_space<vmem_shared>>
      tpu.enqueue_dma source(%dma_start3A_240 : memref<40x128xf32, #tpu.memory_space<vmem_shared>>) target(%dma_start3A_238 : memref<40x128xf32, #tpu.memory_space<hbm>>) target_semaphore(%run_scoped3A_232 : memref<!tpu.dma_semaphore, #tpu.memory_space<semaphore_mem>>)
      %dma_wait3A_241 = arith.constant 0 : i32
      %dma_wait3A_242 = arith.constant 0 : i32
      %dma_wait3A_243 = tpu.memref_slice %arg6[%arg0, %dma_wait3A_241, %dma_wait3A_242] : memref<2x10000x128xf32, #tpu.memory_space<hbm>> -> memref<1x10000x128xf32, #tpu.memory_space<hbm>>
      %dma_wait3A_244 = tpu.memref_squeeze %dma_wait3A_243 : memref<1x10000x128xf32, #tpu.memory_space<hbm>> -> memref<10000x128xf32, #tpu.memory_space<hbm>>
      %dma_wait3A_245 = arith.constant 0 : i32
      %dma_wait3A_246 = tpu.memref_slice %dma_wait3A_244[%mul3A_177, %dma_wait3A_245] : memref<10000x128xf32, #tpu.memory_space<hbm>> -> memref<40x128xf32, #tpu.memory_space<hbm>>
      %dma_wait3A_247 = arith.constant 0 : i32
      %dma_wait3A_248 = tpu.memref_slice %arg11[%mul3A_175, %dma_wait3A_247] : memref<10008x128xf32, #tpu.memory_space<vmem_shared>> -> memref<40x128xf32, #tpu.memory_space<vmem_shared>>
      tpu.wait_dma2 semaphore(%run_scoped3A_232 : memref<!tpu.dma_semaphore, #tpu.memory_space<semaphore_mem>>) src(%dma_wait3A_248 : memref<40x128xf32, #tpu.memory_space<vmem_shared>>) dst(%dma_wait3A_246 : memref<40x128xf32, #tpu.memory_space<hbm>>)
      tpu.yield
    }) : () -> ()
    %mul3A_178 = arith.constant 16 : i32
    %mul3A_179 = arith.muli %arg1, %mul3A_178 : i32
    %add3A_180 = arith.constant 7 : i32
    %add3A_181 = arith.addi %mul3A_179, %add3A_180 : i32
    %mul3A_182 = arith.constant 40 : i32
    %mul3A_183 = arith.muli %add3A_181, %mul3A_182 : i32
    %mul3A_184 = arith.constant 40 : i32
    %mul3A_185 = arith.muli %add3A_181, %mul3A_184 : i32
    "tpu.region"() ({
      %run_scoped3A_232 = tpu.sem_alloc : memref<!tpu.dma_semaphore, #tpu.memory_space<semaphore_mem>>
      %dma_start3A_233 = arith.constant 0 : i32
      %dma_start3A_234 = arith.constant 0 : i32
      %dma_start3A_235 = tpu.memref_slice %arg6[%arg0, %dma_start3A_233, %dma_start3A_234] : memref<2x10000x128xf32, #tpu.memory_space<hbm>> -> memref<1x10000x128xf32, #tpu.memory_space<hbm>>
      %dma_start3A_236 = tpu.memref_squeeze %dma_start3A_235 : memref<1x10000x128xf32, #tpu.memory_space<hbm>> -> memref<10000x128xf32, #tpu.memory_space<hbm>>
      %dma_start3A_237 = arith.constant 0 : i32
      %dma_start3A_238 = tpu.memref_slice %dma_start3A_236[%mul3A_185, %dma_start3A_237] : memref<10000x128xf32, #tpu.memory_space<hbm>> -> memref<40x128xf32, #tpu.memory_space<hbm>>
      %dma_start3A_239 = arith.constant 0 : i32
      %dma_start3A_240 = tpu.memref_slice %arg11[%mul3A_183, %dma_start3A_239] : memref<10008x128xf32, #tpu.memory_space<vmem_shared>> -> memref<40x128xf32, #tpu.memory_space<vmem_shared>>
      tpu.enqueue_dma source(%dma_start3A_240 : memref<40x128xf32, #tpu.memory_space<vmem_shared>>) target(%dma_start3A_238 : memref<40x128xf32, #tpu.memory_space<hbm>>) target_semaphore(%run_scoped3A_232 : memref<!tpu.dma_semaphore, #tpu.memory_space<semaphore_mem>>)
      %dma_wait3A_241 = arith.constant 0 : i32
      %dma_wait3A_242 = arith.constant 0 : i32
      %dma_wait3A_243 = tpu.memref_slice %arg6[%arg0, %dma_wait3A_241, %dma_wait3A_242] : memref<2x10000x128xf32, #tpu.memory_space<hbm>> -> memref<1x10000x128xf32, #tpu.memory_space<hbm>>
      %dma_wait3A_244 = tpu.memref_squeeze %dma_wait3A_243 : memref<1x10000x128xf32, #tpu.memory_space<hbm>> -> memref<10000x128xf32, #tpu.memory_space<hbm>>
      %dma_wait3A_245 = arith.constant 0 : i32
      %dma_wait3A_246 = tpu.memref_slice %dma_wait3A_244[%mul3A_185, %dma_wait3A_245] : memref<10000x128xf32, #tpu.memory_space<hbm>> -> memref<40x128xf32, #tpu.memory_space<hbm>>
      %dma_wait3A_247 = arith.constant 0 : i32
      %dma_wait3A_248 = tpu.memref_slice %arg11[%mul3A_183, %dma_wait3A_247] : memref<10008x128xf32, #tpu.memory_space<vmem_shared>> -> memref<40x128xf32, #tpu.memory_space<vmem_shared>>
      tpu.wait_dma2 semaphore(%run_scoped3A_232 : memref<!tpu.dma_semaphore, #tpu.memory_space<semaphore_mem>>) src(%dma_wait3A_248 : memref<40x128xf32, #tpu.memory_space<vmem_shared>>) dst(%dma_wait3A_246 : memref<40x128xf32, #tpu.memory_space<hbm>>)
      tpu.yield
    }) : () -> ()
    %mul3A_186 = arith.constant 16 : i32
    %mul3A_187 = arith.muli %arg1, %mul3A_186 : i32
    %add3A_188 = arith.constant 8 : i32
    %add3A_189 = arith.addi %mul3A_187, %add3A_188 : i32
    %mul3A_190 = arith.constant 40 : i32
    %mul3A_191 = arith.muli %add3A_189, %mul3A_190 : i32
    %mul3A_192 = arith.constant 40 : i32
    %mul3A_193 = arith.muli %add3A_189, %mul3A_192 : i32
    "tpu.region"() ({
      %run_scoped3A_232 = tpu.sem_alloc : memref<!tpu.dma_semaphore, #tpu.memory_space<semaphore_mem>>
      %dma_start3A_233 = arith.constant 0 : i32
      %dma_start3A_234 = arith.constant 0 : i32
      %dma_start3A_235 = tpu.memref_slice %arg6[%arg0, %dma_start3A_233, %dma_start3A_234] : memref<2x10000x128xf32, #tpu.memory_space<hbm>> -> memref<1x10000x128xf32, #tpu.memory_space<hbm>>
      %dma_start3A_236 = tpu.memref_squeeze %dma_start3A_235 : memref<1x10000x128xf32, #tpu.memory_space<hbm>> -> memref<10000x128xf32, #tpu.memory_space<hbm>>
      %dma_start3A_237 = arith.constant 0 : i32
      %dma_start3A_238 = tpu.memref_slice %dma_start3A_236[%mul3A_193, %dma_start3A_237] : memref<10000x128xf32, #tpu.memory_space<hbm>> -> memref<40x128xf32, #tpu.memory_space<hbm>>
      %dma_start3A_239 = arith.constant 0 : i32
      %dma_start3A_240 = tpu.memref_slice %arg11[%mul3A_191, %dma_start3A_239] : memref<10008x128xf32, #tpu.memory_space<vmem_shared>> -> memref<40x128xf32, #tpu.memory_space<vmem_shared>>
      tpu.enqueue_dma source(%dma_start3A_240 : memref<40x128xf32, #tpu.memory_space<vmem_shared>>) target(%dma_start3A_238 : memref<40x128xf32, #tpu.memory_space<hbm>>) target_semaphore(%run_scoped3A_232 : memref<!tpu.dma_semaphore, #tpu.memory_space<semaphore_mem>>)
      %dma_wait3A_241 = arith.constant 0 : i32
      %dma_wait3A_242 = arith.constant 0 : i32
      %dma_wait3A_243 = tpu.memref_slice %arg6[%arg0, %dma_wait3A_241, %dma_wait3A_242] : memref<2x10000x128xf32, #tpu.memory_space<hbm>> -> memref<1x10000x128xf32, #tpu.memory_space<hbm>>
      %dma_wait3A_244 = tpu.memref_squeeze %dma_wait3A_243 : memref<1x10000x128xf32, #tpu.memory_space<hbm>> -> memref<10000x128xf32, #tpu.memory_space<hbm>>
      %dma_wait3A_245 = arith.constant 0 : i32
      %dma_wait3A_246 = tpu.memref_slice %dma_wait3A_244[%mul3A_193, %dma_wait3A_245] : memref<10000x128xf32, #tpu.memory_space<hbm>> -> memref<40x128xf32, #tpu.memory_space<hbm>>
      %dma_wait3A_247 = arith.constant 0 : i32
      %dma_wait3A_248 = tpu.memref_slice %arg11[%mul3A_191, %dma_wait3A_247] : memref<10008x128xf32, #tpu.memory_space<vmem_shared>> -> memref<40x128xf32, #tpu.memory_space<vmem_shared>>
      tpu.wait_dma2 semaphore(%run_scoped3A_232 : memref<!tpu.dma_semaphore, #tpu.memory_space<semaphore_mem>>) src(%dma_wait3A_248 : memref<40x128xf32, #tpu.memory_space<vmem_shared>>) dst(%dma_wait3A_246 : memref<40x128xf32, #tpu.memory_space<hbm>>)
      tpu.yield
    }) : () -> ()
    %mul3A_194 = arith.constant 16 : i32
    %mul3A_195 = arith.muli %arg1, %mul3A_194 : i32
    %add3A_196 = arith.constant 9 : i32
    %add3A_197 = arith.addi %mul3A_195, %add3A_196 : i32
    %mul3A_198 = arith.constant 40 : i32
    %mul3A_199 = arith.muli %add3A_197, %mul3A_198 : i32
    %mul3A_200 = arith.constant 40 : i32
    %mul3A_201 = arith.muli %add3A_197, %mul3A_200 : i32
    "tpu.region"() ({
      %run_scoped3A_232 = tpu.sem_alloc : memref<!tpu.dma_semaphore, #tpu.memory_space<semaphore_mem>>
      %dma_start3A_233 = arith.constant 0 : i32
      %dma_start3A_234 = arith.constant 0 : i32
      %dma_start3A_235 = tpu.memref_slice %arg6[%arg0, %dma_start3A_233, %dma_start3A_234] : memref<2x10000x128xf32, #tpu.memory_space<hbm>> -> memref<1x10000x128xf32, #tpu.memory_space<hbm>>
      %dma_start3A_236 = tpu.memref_squeeze %dma_start3A_235 : memref<1x10000x128xf32, #tpu.memory_space<hbm>> -> memref<10000x128xf32, #tpu.memory_space<hbm>>
      %dma_start3A_237 = arith.constant 0 : i32
      %dma_start3A_238 = tpu.memref_slice %dma_start3A_236[%mul3A_201, %dma_start3A_237] : memref<10000x128xf32, #tpu.memory_space<hbm>> -> memref<40x128xf32, #tpu.memory_space<hbm>>
      %dma_start3A_239 = arith.constant 0 : i32
      %dma_start3A_240 = tpu.memref_slice %arg11[%mul3A_199, %dma_start3A_239] : memref<10008x128xf32, #tpu.memory_space<vmem_shared>> -> memref<40x128xf32, #tpu.memory_space<vmem_shared>>
      tpu.enqueue_dma source(%dma_start3A_240 : memref<40x128xf32, #tpu.memory_space<vmem_shared>>) target(%dma_start3A_238 : memref<40x128xf32, #tpu.memory_space<hbm>>) target_semaphore(%run_scoped3A_232 : memref<!tpu.dma_semaphore, #tpu.memory_space<semaphore_mem>>)
      %dma_wait3A_241 = arith.constant 0 : i32
      %dma_wait3A_242 = arith.constant 0 : i32
      %dma_wait3A_243 = tpu.memref_slice %arg6[%arg0, %dma_wait3A_241, %dma_wait3A_242] : memref<2x10000x128xf32, #tpu.memory_space<hbm>> -> memref<1x10000x128xf32, #tpu.memory_space<hbm>>
      %dma_wait3A_244 = tpu.memref_squeeze %dma_wait3A_243 : memref<1x10000x128xf32, #tpu.memory_space<hbm>> -> memref<10000x128xf32, #tpu.memory_space<hbm>>
      %dma_wait3A_245 = arith.constant 0 : i32
      %dma_wait3A_246 = tpu.memref_slice %dma_wait3A_244[%mul3A_201, %dma_wait3A_245] : memref<10000x128xf32, #tpu.memory_space<hbm>> -> memref<40x128xf32, #tpu.memory_space<hbm>>
      %dma_wait3A_247 = arith.constant 0 : i32
      %dma_wait3A_248 = tpu.memref_slice %arg11[%mul3A_199, %dma_wait3A_247] : memref<10008x128xf32, #tpu.memory_space<vmem_shared>> -> memref<40x128xf32, #tpu.memory_space<vmem_shared>>
      tpu.wait_dma2 semaphore(%run_scoped3A_232 : memref<!tpu.dma_semaphore, #tpu.memory_space<semaphore_mem>>) src(%dma_wait3A_248 : memref<40x128xf32, #tpu.memory_space<vmem_shared>>) dst(%dma_wait3A_246 : memref<40x128xf32, #tpu.memory_space<hbm>>)
      tpu.yield
    }) : () -> ()
    %lt3A_202 = arith.constant 15 : i32
    %lt3A_203 = arith.cmpi slt, %arg1, %lt3A_202 : i32
    %convert_element_type3A_204 = arith.extui %lt3A_203 : i1 to i32
    %cond3A_205 = arith.constant 0 : i32
    %cond3A_206 = arith.cmpi ne, %convert_element_type3A_204, %cond3A_205 : i32
    scf.if %cond3A_206 {
      %mul3A_232 = arith.constant 16 : i32
      %mul3A_233 = arith.muli %arg1, %mul3A_232 : i32
      %add3A_234 = arith.constant 10 : i32
      %add3A_235 = arith.addi %mul3A_233, %add3A_234 : i32
      %mul3A_236 = arith.constant 40 : i32
      %mul3A_237 = arith.muli %add3A_235, %mul3A_236 : i32
      %mul3A_238 = arith.constant 40 : i32
      %mul3A_239 = arith.muli %add3A_235, %mul3A_238 : i32
      "tpu.region"() ({
        %run_scoped3A_240 = tpu.sem_alloc : memref<!tpu.dma_semaphore, #tpu.memory_space<semaphore_mem>>
        %dma_start3A_241 = arith.constant 0 : i32
        %dma_start3A_242 = arith.constant 0 : i32
        %dma_start3A_243 = tpu.memref_slice %arg6[%arg0, %dma_start3A_241, %dma_start3A_242] : memref<2x10000x128xf32, #tpu.memory_space<hbm>> -> memref<1x10000x128xf32, #tpu.memory_space<hbm>>
        %dma_start3A_244 = tpu.memref_squeeze %dma_start3A_243 : memref<1x10000x128xf32, #tpu.memory_space<hbm>> -> memref<10000x128xf32, #tpu.memory_space<hbm>>
        %dma_start3A_245 = arith.constant 0 : i32
        %dma_start3A_246 = tpu.memref_slice %dma_start3A_244[%mul3A_239, %dma_start3A_245] : memref<10000x128xf32, #tpu.memory_space<hbm>> -> memref<40x128xf32, #tpu.memory_space<hbm>>
        %dma_start3A_247 = arith.constant 0 : i32
        %dma_start3A_248 = tpu.memref_slice %arg11[%mul3A_237, %dma_start3A_247] : memref<10008x128xf32, #tpu.memory_space<vmem_shared>> -> memref<40x128xf32, #tpu.memory_space<vmem_shared>>
        tpu.enqueue_dma source(%dma_start3A_248 : memref<40x128xf32, #tpu.memory_space<vmem_shared>>) target(%dma_start3A_246 : memref<40x128xf32, #tpu.memory_space<hbm>>) target_semaphore(%run_scoped3A_240 : memref<!tpu.dma_semaphore, #tpu.memory_space<semaphore_mem>>)
        %dma_wait3A_249 = arith.constant 0 : i32
        %dma_wait3A_250 = arith.constant 0 : i32
        %dma_wait3A_251 = tpu.memref_slice %arg6[%arg0, %dma_wait3A_249, %dma_wait3A_250] : memref<2x10000x128xf32, #tpu.memory_space<hbm>> -> memref<1x10000x128xf32, #tpu.memory_space<hbm>>
        %dma_wait3A_252 = tpu.memref_squeeze %dma_wait3A_251 : memref<1x10000x128xf32, #tpu.memory_space<hbm>> -> memref<10000x128xf32, #tpu.memory_space<hbm>>
        %dma_wait3A_253 = arith.constant 0 : i32
        %dma_wait3A_254 = tpu.memref_slice %dma_wait3A_252[%mul3A_239, %dma_wait3A_253] : memref<10000x128xf32, #tpu.memory_space<hbm>> -> memref<40x128xf32, #tpu.memory_space<hbm>>
        %dma_wait3A_255 = arith.constant 0 : i32
        %dma_wait3A_256 = tpu.memref_slice %arg11[%mul3A_237, %dma_wait3A_255] : memref<10008x128xf32, #tpu.memory_space<vmem_shared>> -> memref<40x128xf32, #tpu.memory_space<vmem_shared>>
        tpu.wait_dma2 semaphore(%run_scoped3A_240 : memref<!tpu.dma_semaphore, #tpu.memory_space<semaphore_mem>>) src(%dma_wait3A_256 : memref<40x128xf32, #tpu.memory_space<vmem_shared>>) dst(%dma_wait3A_254 : memref<40x128xf32, #tpu.memory_space<hbm>>)
        tpu.yield
      }) : () -> ()
    } else {
    }
    %lt3A_207 = arith.constant 15 : i32
    %lt3A_208 = arith.cmpi slt, %arg1, %lt3A_207 : i32
    %convert_element_type3A_209 = arith.extui %lt3A_208 : i1 to i32
    %cond3A_210 = arith.constant 0 : i32
    %cond3A_211 = arith.cmpi ne, %convert_element_type3A_209, %cond3A_210 : i32
    scf.if %cond3A_211 {
      %mul3A_232 = arith.constant 16 : i32
      %mul3A_233 = arith.muli %arg1, %mul3A_232 : i32
      %add3A_234 = arith.constant 11 : i32
      %add3A_235 = arith.addi %mul3A_233, %add3A_234 : i32
      %mul3A_236 = arith.constant 40 : i32
      %mul3A_237 = arith.muli %add3A_235, %mul3A_236 : i32
      %mul3A_238 = arith.constant 40 : i32
      %mul3A_239 = arith.muli %add3A_235, %mul3A_238 : i32
      "tpu.region"() ({
        %run_scoped3A_240 = tpu.sem_alloc : memref<!tpu.dma_semaphore, #tpu.memory_space<semaphore_mem>>
        %dma_start3A_241 = arith.constant 0 : i32
        %dma_start3A_242 = arith.constant 0 : i32
        %dma_start3A_243 = tpu.memref_slice %arg6[%arg0, %dma_start3A_241, %dma_start3A_242] : memref<2x10000x128xf32, #tpu.memory_space<hbm>> -> memref<1x10000x128xf32, #tpu.memory_space<hbm>>
        %dma_start3A_244 = tpu.memref_squeeze %dma_start3A_243 : memref<1x10000x128xf32, #tpu.memory_space<hbm>> -> memref<10000x128xf32, #tpu.memory_space<hbm>>
        %dma_start3A_245 = arith.constant 0 : i32
        %dma_start3A_246 = tpu.memref_slice %dma_start3A_244[%mul3A_239, %dma_start3A_245] : memref<10000x128xf32, #tpu.memory_space<hbm>> -> memref<40x128xf32, #tpu.memory_space<hbm>>
        %dma_start3A_247 = arith.constant 0 : i32
        %dma_start3A_248 = tpu.memref_slice %arg11[%mul3A_237, %dma_start3A_247] : memref<10008x128xf32, #tpu.memory_space<vmem_shared>> -> memref<40x128xf32, #tpu.memory_space<vmem_shared>>
        tpu.enqueue_dma source(%dma_start3A_248 : memref<40x128xf32, #tpu.memory_space<vmem_shared>>) target(%dma_start3A_246 : memref<40x128xf32, #tpu.memory_space<hbm>>) target_semaphore(%run_scoped3A_240 : memref<!tpu.dma_semaphore, #tpu.memory_space<semaphore_mem>>)
        %dma_wait3A_249 = arith.constant 0 : i32
        %dma_wait3A_250 = arith.constant 0 : i32
        %dma_wait3A_251 = tpu.memref_slice %arg6[%arg0, %dma_wait3A_249, %dma_wait3A_250] : memref<2x10000x128xf32, #tpu.memory_space<hbm>> -> memref<1x10000x128xf32, #tpu.memory_space<hbm>>
        %dma_wait3A_252 = tpu.memref_squeeze %dma_wait3A_251 : memref<1x10000x128xf32, #tpu.memory_space<hbm>> -> memref<10000x128xf32, #tpu.memory_space<hbm>>
        %dma_wait3A_253 = arith.constant 0 : i32
        %dma_wait3A_254 = tpu.memref_slice %dma_wait3A_252[%mul3A_239, %dma_wait3A_253] : memref<10000x128xf32, #tpu.memory_space<hbm>> -> memref<40x128xf32, #tpu.memory_space<hbm>>
        %dma_wait3A_255 = arith.constant 0 : i32
        %dma_wait3A_256 = tpu.memref_slice %arg11[%mul3A_237, %dma_wait3A_255] : memref<10008x128xf32, #tpu.memory_space<vmem_shared>> -> memref<40x128xf32, #tpu.memory_space<vmem_shared>>
        tpu.wait_dma2 semaphore(%run_scoped3A_240 : memref<!tpu.dma_semaphore, #tpu.memory_space<semaphore_mem>>) src(%dma_wait3A_256 : memref<40x128xf32, #tpu.memory_space<vmem_shared>>) dst(%dma_wait3A_254 : memref<40x128xf32, #tpu.memory_space<hbm>>)
        tpu.yield
      }) : () -> ()
    } else {
    }
    %lt3A_212 = arith.constant 15 : i32
    %lt3A_213 = arith.cmpi slt, %arg1, %lt3A_212 : i32
    %convert_element_type3A_214 = arith.extui %lt3A_213 : i1 to i32
    %cond3A_215 = arith.constant 0 : i32
    %cond3A_216 = arith.cmpi ne, %convert_element_type3A_214, %cond3A_215 : i32
    scf.if %cond3A_216 {
      %mul3A_232 = arith.constant 16 : i32
      %mul3A_233 = arith.muli %arg1, %mul3A_232 : i32
      %add3A_234 = arith.constant 12 : i32
      %add3A_235 = arith.addi %mul3A_233, %add3A_234 : i32
      %mul3A_236 = arith.constant 40 : i32
      %mul3A_237 = arith.muli %add3A_235, %mul3A_236 : i32
      %mul3A_238 = arith.constant 40 : i32
      %mul3A_239 = arith.muli %add3A_235, %mul3A_238 : i32
      "tpu.region"() ({
        %run_scoped3A_240 = tpu.sem_alloc : memref<!tpu.dma_semaphore, #tpu.memory_space<semaphore_mem>>
        %dma_start3A_241 = arith.constant 0 : i32
        %dma_start3A_242 = arith.constant 0 : i32
        %dma_start3A_243 = tpu.memref_slice %arg6[%arg0, %dma_start3A_241, %dma_start3A_242] : memref<2x10000x128xf32, #tpu.memory_space<hbm>> -> memref<1x10000x128xf32, #tpu.memory_space<hbm>>
        %dma_start3A_244 = tpu.memref_squeeze %dma_start3A_243 : memref<1x10000x128xf32, #tpu.memory_space<hbm>> -> memref<10000x128xf32, #tpu.memory_space<hbm>>
        %dma_start3A_245 = arith.constant 0 : i32
        %dma_start3A_246 = tpu.memref_slice %dma_start3A_244[%mul3A_239, %dma_start3A_245] : memref<10000x128xf32, #tpu.memory_space<hbm>> -> memref<40x128xf32, #tpu.memory_space<hbm>>
        %dma_start3A_247 = arith.constant 0 : i32
        %dma_start3A_248 = tpu.memref_slice %arg11[%mul3A_237, %dma_start3A_247] : memref<10008x128xf32, #tpu.memory_space<vmem_shared>> -> memref<40x128xf32, #tpu.memory_space<vmem_shared>>
        tpu.enqueue_dma source(%dma_start3A_248 : memref<40x128xf32, #tpu.memory_space<vmem_shared>>) target(%dma_start3A_246 : memref<40x128xf32, #tpu.memory_space<hbm>>) target_semaphore(%run_scoped3A_240 : memref<!tpu.dma_semaphore, #tpu.memory_space<semaphore_mem>>)
        %dma_wait3A_249 = arith.constant 0 : i32
        %dma_wait3A_250 = arith.constant 0 : i32
        %dma_wait3A_251 = tpu.memref_slice %arg6[%arg0, %dma_wait3A_249, %dma_wait3A_250] : memref<2x10000x128xf32, #tpu.memory_space<hbm>> -> memref<1x10000x128xf32, #tpu.memory_space<hbm>>
        %dma_wait3A_252 = tpu.memref_squeeze %dma_wait3A_251 : memref<1x10000x128xf32, #tpu.memory_space<hbm>> -> memref<10000x128xf32, #tpu.memory_space<hbm>>
        %dma_wait3A_253 = arith.constant 0 : i32
        %dma_wait3A_254 = tpu.memref_slice %dma_wait3A_252[%mul3A_239, %dma_wait3A_253] : memref<10000x128xf32, #tpu.memory_space<hbm>> -> memref<40x128xf32, #tpu.memory_space<hbm>>
        %dma_wait3A_255 = arith.constant 0 : i32
        %dma_wait3A_256 = tpu.memref_slice %arg11[%mul3A_237, %dma_wait3A_255] : memref<10008x128xf32, #tpu.memory_space<vmem_shared>> -> memref<40x128xf32, #tpu.memory_space<vmem_shared>>
        tpu.wait_dma2 semaphore(%run_scoped3A_240 : memref<!tpu.dma_semaphore, #tpu.memory_space<semaphore_mem>>) src(%dma_wait3A_256 : memref<40x128xf32, #tpu.memory_space<vmem_shared>>) dst(%dma_wait3A_254 : memref<40x128xf32, #tpu.memory_space<hbm>>)
        tpu.yield
      }) : () -> ()
    } else {
    }
    %lt3A_217 = arith.constant 15 : i32
    %lt3A_218 = arith.cmpi slt, %arg1, %lt3A_217 : i32
    %convert_element_type3A_219 = arith.extui %lt3A_218 : i1 to i32
    %cond3A_220 = arith.constant 0 : i32
    %cond3A_221 = arith.cmpi ne, %convert_element_type3A_219, %cond3A_220 : i32
    scf.if %cond3A_221 {
      %mul3A_232 = arith.constant 16 : i32
      %mul3A_233 = arith.muli %arg1, %mul3A_232 : i32
      %add3A_234 = arith.constant 13 : i32
      %add3A_235 = arith.addi %mul3A_233, %add3A_234 : i32
      %mul3A_236 = arith.constant 40 : i32
      %mul3A_237 = arith.muli %add3A_235, %mul3A_236 : i32
      %mul3A_238 = arith.constant 40 : i32
      %mul3A_239 = arith.muli %add3A_235, %mul3A_238 : i32
      "tpu.region"() ({
        %run_scoped3A_240 = tpu.sem_alloc : memref<!tpu.dma_semaphore, #tpu.memory_space<semaphore_mem>>
        %dma_start3A_241 = arith.constant 0 : i32
        %dma_start3A_242 = arith.constant 0 : i32
        %dma_start3A_243 = tpu.memref_slice %arg6[%arg0, %dma_start3A_241, %dma_start3A_242] : memref<2x10000x128xf32, #tpu.memory_space<hbm>> -> memref<1x10000x128xf32, #tpu.memory_space<hbm>>
        %dma_start3A_244 = tpu.memref_squeeze %dma_start3A_243 : memref<1x10000x128xf32, #tpu.memory_space<hbm>> -> memref<10000x128xf32, #tpu.memory_space<hbm>>
        %dma_start3A_245 = arith.constant 0 : i32
        %dma_start3A_246 = tpu.memref_slice %dma_start3A_244[%mul3A_239, %dma_start3A_245] : memref<10000x128xf32, #tpu.memory_space<hbm>> -> memref<40x128xf32, #tpu.memory_space<hbm>>
        %dma_start3A_247 = arith.constant 0 : i32
        %dma_start3A_248 = tpu.memref_slice %arg11[%mul3A_237, %dma_start3A_247] : memref<10008x128xf32, #tpu.memory_space<vmem_shared>> -> memref<40x128xf32, #tpu.memory_space<vmem_shared>>
        tpu.enqueue_dma source(%dma_start3A_248 : memref<40x128xf32, #tpu.memory_space<vmem_shared>>) target(%dma_start3A_246 : memref<40x128xf32, #tpu.memory_space<hbm>>) target_semaphore(%run_scoped3A_240 : memref<!tpu.dma_semaphore, #tpu.memory_space<semaphore_mem>>)
        %dma_wait3A_249 = arith.constant 0 : i32
        %dma_wait3A_250 = arith.constant 0 : i32
        %dma_wait3A_251 = tpu.memref_slice %arg6[%arg0, %dma_wait3A_249, %dma_wait3A_250] : memref<2x10000x128xf32, #tpu.memory_space<hbm>> -> memref<1x10000x128xf32, #tpu.memory_space<hbm>>
        %dma_wait3A_252 = tpu.memref_squeeze %dma_wait3A_251 : memref<1x10000x128xf32, #tpu.memory_space<hbm>> -> memref<10000x128xf32, #tpu.memory_space<hbm>>
        %dma_wait3A_253 = arith.constant 0 : i32
        %dma_wait3A_254 = tpu.memref_slice %dma_wait3A_252[%mul3A_239, %dma_wait3A_253] : memref<10000x128xf32, #tpu.memory_space<hbm>> -> memref<40x128xf32, #tpu.memory_space<hbm>>
        %dma_wait3A_255 = arith.constant 0 : i32
        %dma_wait3A_256 = tpu.memref_slice %arg11[%mul3A_237, %dma_wait3A_255] : memref<10008x128xf32, #tpu.memory_space<vmem_shared>> -> memref<40x128xf32, #tpu.memory_space<vmem_shared>>
        tpu.wait_dma2 semaphore(%run_scoped3A_240 : memref<!tpu.dma_semaphore, #tpu.memory_space<semaphore_mem>>) src(%dma_wait3A_256 : memref<40x128xf32, #tpu.memory_space<vmem_shared>>) dst(%dma_wait3A_254 : memref<40x128xf32, #tpu.memory_space<hbm>>)
        tpu.yield
      }) : () -> ()
    } else {
    }
    %lt3A_222 = arith.constant 15 : i32
    %lt3A_223 = arith.cmpi slt, %arg1, %lt3A_222 : i32
    %convert_element_type3A_224 = arith.extui %lt3A_223 : i1 to i32
    %cond3A_225 = arith.constant 0 : i32
    %cond3A_226 = arith.cmpi ne, %convert_element_type3A_224, %cond3A_225 : i32
    scf.if %cond3A_226 {
      %mul3A_232 = arith.constant 16 : i32
      %mul3A_233 = arith.muli %arg1, %mul3A_232 : i32
      %add3A_234 = arith.constant 14 : i32
      %add3A_235 = arith.addi %mul3A_233, %add3A_234 : i32
      %mul3A_236 = arith.constant 40 : i32
      %mul3A_237 = arith.muli %add3A_235, %mul3A_236 : i32
      %mul3A_238 = arith.constant 40 : i32
      %mul3A_239 = arith.muli %add3A_235, %mul3A_238 : i32
      "tpu.region"() ({
        %run_scoped3A_240 = tpu.sem_alloc : memref<!tpu.dma_semaphore, #tpu.memory_space<semaphore_mem>>
        %dma_start3A_241 = arith.constant 0 : i32
        %dma_start3A_242 = arith.constant 0 : i32
        %dma_start3A_243 = tpu.memref_slice %arg6[%arg0, %dma_start3A_241, %dma_start3A_242] : memref<2x10000x128xf32, #tpu.memory_space<hbm>> -> memref<1x10000x128xf32, #tpu.memory_space<hbm>>
        %dma_start3A_244 = tpu.memref_squeeze %dma_start3A_243 : memref<1x10000x128xf32, #tpu.memory_space<hbm>> -> memref<10000x128xf32, #tpu.memory_space<hbm>>
        %dma_start3A_245 = arith.constant 0 : i32
        %dma_start3A_246 = tpu.memref_slice %dma_start3A_244[%mul3A_239, %dma_start3A_245] : memref<10000x128xf32, #tpu.memory_space<hbm>> -> memref<40x128xf32, #tpu.memory_space<hbm>>
        %dma_start3A_247 = arith.constant 0 : i32
        %dma_start3A_248 = tpu.memref_slice %arg11[%mul3A_237, %dma_start3A_247] : memref<10008x128xf32, #tpu.memory_space<vmem_shared>> -> memref<40x128xf32, #tpu.memory_space<vmem_shared>>
        tpu.enqueue_dma source(%dma_start3A_248 : memref<40x128xf32, #tpu.memory_space<vmem_shared>>) target(%dma_start3A_246 : memref<40x128xf32, #tpu.memory_space<hbm>>) target_semaphore(%run_scoped3A_240 : memref<!tpu.dma_semaphore, #tpu.memory_space<semaphore_mem>>)
        %dma_wait3A_249 = arith.constant 0 : i32
        %dma_wait3A_250 = arith.constant 0 : i32
        %dma_wait3A_251 = tpu.memref_slice %arg6[%arg0, %dma_wait3A_249, %dma_wait3A_250] : memref<2x10000x128xf32, #tpu.memory_space<hbm>> -> memref<1x10000x128xf32, #tpu.memory_space<hbm>>
        %dma_wait3A_252 = tpu.memref_squeeze %dma_wait3A_251 : memref<1x10000x128xf32, #tpu.memory_space<hbm>> -> memref<10000x128xf32, #tpu.memory_space<hbm>>
        %dma_wait3A_253 = arith.constant 0 : i32
        %dma_wait3A_254 = tpu.memref_slice %dma_wait3A_252[%mul3A_239, %dma_wait3A_253] : memref<10000x128xf32, #tpu.memory_space<hbm>> -> memref<40x128xf32, #tpu.memory_space<hbm>>
        %dma_wait3A_255 = arith.constant 0 : i32
        %dma_wait3A_256 = tpu.memref_slice %arg11[%mul3A_237, %dma_wait3A_255] : memref<10008x128xf32, #tpu.memory_space<vmem_shared>> -> memref<40x128xf32, #tpu.memory_space<vmem_shared>>
        tpu.wait_dma2 semaphore(%run_scoped3A_240 : memref<!tpu.dma_semaphore, #tpu.memory_space<semaphore_mem>>) src(%dma_wait3A_256 : memref<40x128xf32, #tpu.memory_space<vmem_shared>>) dst(%dma_wait3A_254 : memref<40x128xf32, #tpu.memory_space<hbm>>)
        tpu.yield
      }) : () -> ()
    } else {
    }
    %lt3A_227 = arith.constant 15 : i32
    %lt3A_228 = arith.cmpi slt, %arg1, %lt3A_227 : i32
    %convert_element_type3A_229 = arith.extui %lt3A_228 : i1 to i32
    %cond3A_230 = arith.constant 0 : i32
    %cond3A_231 = arith.cmpi ne, %convert_element_type3A_229, %cond3A_230 : i32
    scf.if %cond3A_231 {
      %mul3A_232 = arith.constant 16 : i32
      %mul3A_233 = arith.muli %arg1, %mul3A_232 : i32
      %add3A_234 = arith.constant 15 : i32
      %add3A_235 = arith.addi %mul3A_233, %add3A_234 : i32
      %mul3A_236 = arith.constant 40 : i32
      %mul3A_237 = arith.muli %add3A_235, %mul3A_236 : i32
      %mul3A_238 = arith.constant 40 : i32
      %mul3A_239 = arith.muli %add3A_235, %mul3A_238 : i32
      "tpu.region"() ({
        %run_scoped3A_240 = tpu.sem_alloc : memref<!tpu.dma_semaphore, #tpu.memory_space<semaphore_mem>>
        %dma_start3A_241 = arith.constant 0 : i32
        %dma_start3A_242 = arith.constant 0 : i32
        %dma_start3A_243 = tpu.memref_slice %arg6[%arg0, %dma_start3A_241, %dma_start3A_242] : memref<2x10000x128xf32, #tpu.memory_space<hbm>> -> memref<1x10000x128xf32, #tpu.memory_space<hbm>>
        %dma_start3A_244 = tpu.memref_squeeze %dma_start3A_243 : memref<1x10000x128xf32, #tpu.memory_space<hbm>> -> memref<10000x128xf32, #tpu.memory_space<hbm>>
        %dma_start3A_245 = arith.constant 0 : i32
        %dma_start3A_246 = tpu.memref_slice %dma_start3A_244[%mul3A_239, %dma_start3A_245] : memref<10000x128xf32, #tpu.memory_space<hbm>> -> memref<40x128xf32, #tpu.memory_space<hbm>>
        %dma_start3A_247 = arith.constant 0 : i32
        %dma_start3A_248 = tpu.memref_slice %arg11[%mul3A_237, %dma_start3A_247] : memref<10008x128xf32, #tpu.memory_space<vmem_shared>> -> memref<40x128xf32, #tpu.memory_space<vmem_shared>>
        tpu.enqueue_dma source(%dma_start3A_248 : memref<40x128xf32, #tpu.memory_space<vmem_shared>>) target(%dma_start3A_246 : memref<40x128xf32, #tpu.memory_space<hbm>>) target_semaphore(%run_scoped3A_240 : memref<!tpu.dma_semaphore, #tpu.memory_space<semaphore_mem>>)
        %dma_wait3A_249 = arith.constant 0 : i32
        %dma_wait3A_250 = arith.constant 0 : i32
        %dma_wait3A_251 = tpu.memref_slice %arg6[%arg0, %dma_wait3A_249, %dma_wait3A_250] : memref<2x10000x128xf32, #tpu.memory_space<hbm>> -> memref<1x10000x128xf32, #tpu.memory_space<hbm>>
        %dma_wait3A_252 = tpu.memref_squeeze %dma_wait3A_251 : memref<1x10000x128xf32, #tpu.memory_space<hbm>> -> memref<10000x128xf32, #tpu.memory_space<hbm>>
        %dma_wait3A_253 = arith.constant 0 : i32
        %dma_wait3A_254 = tpu.memref_slice %dma_wait3A_252[%mul3A_239, %dma_wait3A_253] : memref<10000x128xf32, #tpu.memory_space<hbm>> -> memref<40x128xf32, #tpu.memory_space<hbm>>
        %dma_wait3A_255 = arith.constant 0 : i32
        %dma_wait3A_256 = tpu.memref_slice %arg11[%mul3A_237, %dma_wait3A_255] : memref<10008x128xf32, #tpu.memory_space<vmem_shared>> -> memref<40x128xf32, #tpu.memory_space<vmem_shared>>
        tpu.wait_dma2 semaphore(%run_scoped3A_240 : memref<!tpu.dma_semaphore, #tpu.memory_space<semaphore_mem>>) src(%dma_wait3A_256 : memref<40x128xf32, #tpu.memory_space<vmem_shared>>) dst(%dma_wait3A_254 : memref<40x128xf32, #tpu.memory_space<hbm>>)
        tpu.yield
      }) : () -> ()
    } else {
    }
    return
  }
}

#map = affine_map<(d0, d1) -> (0, 0, 0, 0)>
#map1 = affine_map<(d0, d1) -> (0, 0, 0)>
module attributes {stable_mosaic.version = 14 : i64} {
  func.func @_cnt_body(%arg0: i32, %arg1: i32, %arg2: memref<2x16x125x80xi32, #tpu.memory_space<hbm>>, %arg3: memref<2x10000x128xf32, #tpu.memory_space<hbm>>, %arg4: memref<125x80xi32, #tpu.memory_space<vmem>>, %arg5: memref<80x128xf32, #tpu.memory_space<vmem>>, %arg6: memref<40x128xf32, #tpu.memory_space<vmem>>, %arg7: memref<10000x128xf32, #tpu.memory_space<vmem_shared>>, %arg8: memref<!tpu.dma_semaphore, #tpu.memory_space<semaphore_mem>>) attributes {dimension_semantics = [#tpu.dimension_semantics<core_parallel>, #tpu.dimension_semantics<subcore_parallel>], iteration_bounds = array<i64: 2, 16>, scalar_prefetch = 0 : i64, scratch_operands = 5 : i64, tpu.core_type = #tpu.core_type<sc_vector_subcore>, window_params = [{transform_indices = #map}, {transform_indices = #map1}]} {
    %scan3A = arith.constant 0 : i32
    %scan3A_0 = arith.constant 0 : i32
    %scan3A_1 = arith.constant 320 : i32
    %scan3A_2 = arith.addi %scan3A_0, %scan3A_1 : i32
    %scan3A_3 = arith.constant 1 : i32
    %scan3A_4 = scf.for %scan3A_230 = %scan3A_0 to %scan3A_2 step %scan3A_3 iter_args(%scan3A_231 = %scan3A) -> (i32)  : i32 {
      %broadcast_in_dim3A = arith.constant 0.000000e+00 : f32
      %broadcast_in_dim3A_232 = vector.broadcast %broadcast_in_dim3A : f32 to vector<16xf32>
      %jit3A = arith.constant 8 : i32
      %div3A_233 = arith.divsi %scan3A_230, %jit3A : i32
      %sign3A = arith.constant 0 : i32
      %sign3A_234 = arith.cmpi sgt, %scan3A_230, %sign3A : i32
      %sign3A_235 = arith.extui %sign3A_234 : i1 to i32
      %sign3A_236 = arith.constant 0 : i32
      %sign3A_237 = arith.cmpi slt, %scan3A_230, %sign3A_236 : i32
      %sign3A_238 = arith.extui %sign3A_237 : i1 to i32
      %sign3A_239 = arith.subi %sign3A_235, %sign3A_238 : i32
      %sign3A_240 = arith.constant 0 : i32
      %sign3A_241 = arith.cmpi sgt, %jit3A, %sign3A_240 : i32
      %sign3A_242 = arith.extui %sign3A_241 : i1 to i32
      %sign3A_243 = arith.constant 0 : i32
      %sign3A_244 = arith.cmpi slt, %jit3A, %sign3A_243 : i32
      %sign3A_245 = arith.extui %sign3A_244 : i1 to i32
      %sign3A_246 = arith.subi %sign3A_242, %sign3A_245 : i32
      %ne3A = arith.cmpi ne, %sign3A_239, %sign3A_246 : i32
      %rem3A = arith.remsi %scan3A_230, %jit3A : i32
      %ne3A_247 = arith.constant 0 : i32
      %ne3A_248 = arith.cmpi ne, %rem3A, %ne3A_247 : i32
      %and3A = arith.andi %ne3A, %ne3A_248 : i1
      %sub3A_249 = arith.constant 1 : i32
      %sub3A_250 = arith.subi %div3A_233, %sub3A_249 : i32
      %select_n3A = arith.select %and3A, %sub3A_250, %div3A_233 : i32
      %jit3A_251 = arith.constant 8 : i32
      %eq3A = arith.constant 0 : i32
      %eq3A_252 = arith.cmpi eq, %jit3A_251, %eq3A : i32
      %jit3A_253 = arith.constant 1 : i32
      %select_n3A_254 = arith.select %eq3A_252, %jit3A_253, %jit3A_251 : i32
      %rem3A_255 = arith.remsi %scan3A_230, %select_n3A_254 : i32
      %ne3A_256 = arith.constant 0 : i32
      %ne3A_257 = arith.cmpi ne, %rem3A_255, %ne3A_256 : i32
      %lt3A_258 = arith.constant 0 : i32
      %lt3A_259 = arith.cmpi slt, %rem3A_255, %lt3A_258 : i32
      %lt3A_260 = arith.constant 0 : i32
      %lt3A_261 = arith.cmpi slt, %select_n3A_254, %lt3A_260 : i32
      %ne3A_262 = arith.xori %lt3A_259, %lt3A_261 : i1
      %and3A_263 = arith.andi %ne3A_262, %ne3A_257 : i1
      %add3A_264 = arith.addi %rem3A_255, %select_n3A_254 : i32
      %select_n3A_265 = arith.select %and3A_263, %add3A_264, %rem3A_255 : i32
      %mul3A_266 = arith.constant 16 : i32
      %mul3A_267 = arith.muli %select_n3A_265, %mul3A_266 : i32
      %swap3A = arith.index_cast %select_n3A : i32 to index
      %swap3A_268 = arith.index_cast %mul3A_267 : i32 to index
      %swap3A_269 = tpu.vector_load %arg6[%swap3A, %swap3A_268] {strides = array<i32>} : memref<40x128xf32, #tpu.memory_space<vmem>>, vector<1x16xf32>,
      %swap3A_270 = vector.shape_cast %swap3A_269 : vector<1x16xf32> to vector<16xf32>
      %swap3A_271 = vector.shape_cast %broadcast_in_dim3A_232 : vector<16xf32> to vector<1x16xf32>
      tpu.vector_store %arg6[%swap3A, %swap3A_268], %swap3A_271 {strides = array<i32>} : memref<40x128xf32, #tpu.memory_space<vmem>>, vector<1x16xf32>,
      %scan3A_272 = arith.constant 0 : i32
      scf.yield %scan3A_272 : i32
    }
    %scan3A_5 = arith.constant 320 : i32
    %mul3A = arith.constant 16 : i32
    %mul3A_6 = arith.muli %arg1, %mul3A : i32
    %add3A = arith.constant 0 : i32
    %add3A_7 = arith.addi %mul3A_6, %add3A : i32
    %mul3A_8 = arith.constant 40 : i32
    %mul3A_9 = arith.muli %add3A_7, %mul3A_8 : i32
    "tpu.region"() ({
      %run_scoped3A_230 = tpu.sem_alloc : memref<!tpu.dma_semaphore, #tpu.memory_space<semaphore_mem>>
      %dma_start3A = arith.constant 0 : i32
      %dma_start3A_231 = tpu.memref_slice %arg7[%mul3A_9, %dma_start3A] : memref<10000x128xf32, #tpu.memory_space<vmem_shared>> -> memref<40x128xf32, #tpu.memory_space<vmem_shared>>
      %dma_start3A_232 = arith.constant 0 : i32
      %dma_start3A_233 = tpu.memref_slice %arg7[%mul3A_9, %dma_start3A_232] : memref<10000x128xf32, #tpu.memory_space<vmem_shared>> -> memref<40x128xf32, #tpu.memory_space<vmem_shared>>
      tpu.enqueue_dma source(%arg6 : memref<40x128xf32, #tpu.memory_space<vmem>>) target(%dma_start3A_233 : memref<40x128xf32, #tpu.memory_space<vmem_shared>>) target_semaphore(%run_scoped3A_230 : memref<!tpu.dma_semaphore, #tpu.memory_space<semaphore_mem>>)
      %dma_wait3A = arith.constant 0 : i32
      %dma_wait3A_234 = tpu.memref_slice %arg7[%mul3A_9, %dma_wait3A] : memref<10000x128xf32, #tpu.memory_space<vmem_shared>> -> memref<40x128xf32, #tpu.memory_space<vmem_shared>>
      %dma_wait3A_235 = arith.constant 0 : i32
      %dma_wait3A_236 = tpu.memref_slice %arg7[%mul3A_9, %dma_wait3A_235] : memref<10000x128xf32, #tpu.memory_space<vmem_shared>> -> memref<40x128xf32, #tpu.memory_space<vmem_shared>>
      tpu.wait_dma2 semaphore(%run_scoped3A_230 : memref<!tpu.dma_semaphore, #tpu.memory_space<semaphore_mem>>) src(%arg6 : memref<40x128xf32, #tpu.memory_space<vmem>>) dst(%dma_wait3A_236 : memref<40x128xf32, #tpu.memory_space<vmem_shared>>)
      tpu.yield
    }) : () -> ()
    %mul3A_10 = arith.constant 16 : i32
    %mul3A_11 = arith.muli %arg1, %mul3A_10 : i32
    %add3A_12 = arith.constant 1 : i32
    %add3A_13 = arith.addi %mul3A_11, %add3A_12 : i32
    %mul3A_14 = arith.constant 40 : i32
    %mul3A_15 = arith.muli %add3A_13, %mul3A_14 : i32
    "tpu.region"() ({
      %run_scoped3A_230 = tpu.sem_alloc : memref<!tpu.dma_semaphore, #tpu.memory_space<semaphore_mem>>
      %dma_start3A = arith.constant 0 : i32
      %dma_start3A_231 = tpu.memref_slice %arg7[%mul3A_15, %dma_start3A] : memref<10000x128xf32, #tpu.memory_space<vmem_shared>> -> memref<40x128xf32, #tpu.memory_space<vmem_shared>>
      %dma_start3A_232 = arith.constant 0 : i32
      %dma_start3A_233 = tpu.memref_slice %arg7[%mul3A_15, %dma_start3A_232] : memref<10000x128xf32, #tpu.memory_space<vmem_shared>> -> memref<40x128xf32, #tpu.memory_space<vmem_shared>>
      tpu.enqueue_dma source(%arg6 : memref<40x128xf32, #tpu.memory_space<vmem>>) target(%dma_start3A_233 : memref<40x128xf32, #tpu.memory_space<vmem_shared>>) target_semaphore(%run_scoped3A_230 : memref<!tpu.dma_semaphore, #tpu.memory_space<semaphore_mem>>)
      %dma_wait3A = arith.constant 0 : i32
      %dma_wait3A_234 = tpu.memref_slice %arg7[%mul3A_15, %dma_wait3A] : memref<10000x128xf32, #tpu.memory_space<vmem_shared>> -> memref<40x128xf32, #tpu.memory_space<vmem_shared>>
      %dma_wait3A_235 = arith.constant 0 : i32
      %dma_wait3A_236 = tpu.memref_slice %arg7[%mul3A_15, %dma_wait3A_235] : memref<10000x128xf32, #tpu.memory_space<vmem_shared>> -> memref<40x128xf32, #tpu.memory_space<vmem_shared>>
      tpu.wait_dma2 semaphore(%run_scoped3A_230 : memref<!tpu.dma_semaphore, #tpu.memory_space<semaphore_mem>>) src(%arg6 : memref<40x128xf32, #tpu.memory_space<vmem>>) dst(%dma_wait3A_236 : memref<40x128xf32, #tpu.memory_space<vmem_shared>>)
      tpu.yield
    }) : () -> ()
    %mul3A_16 = arith.constant 16 : i32
    %mul3A_17 = arith.muli %arg1, %mul3A_16 : i32
    %add3A_18 = arith.constant 2 : i32
    %add3A_19 = arith.addi %mul3A_17, %add3A_18 : i32
    %mul3A_20 = arith.constant 40 : i32
    %mul3A_21 = arith.muli %add3A_19, %mul3A_20 : i32
    "tpu.region"() ({
      %run_scoped3A_230 = tpu.sem_alloc : memref<!tpu.dma_semaphore, #tpu.memory_space<semaphore_mem>>
      %dma_start3A = arith.constant 0 : i32
      %dma_start3A_231 = tpu.memref_slice %arg7[%mul3A_21, %dma_start3A] : memref<10000x128xf32, #tpu.memory_space<vmem_shared>> -> memref<40x128xf32, #tpu.memory_space<vmem_shared>>
      %dma_start3A_232 = arith.constant 0 : i32
      %dma_start3A_233 = tpu.memref_slice %arg7[%mul3A_21, %dma_start3A_232] : memref<10000x128xf32, #tpu.memory_space<vmem_shared>> -> memref<40x128xf32, #tpu.memory_space<vmem_shared>>
      tpu.enqueue_dma source(%arg6 : memref<40x128xf32, #tpu.memory_space<vmem>>) target(%dma_start3A_233 : memref<40x128xf32, #tpu.memory_space<vmem_shared>>) target_semaphore(%run_scoped3A_230 : memref<!tpu.dma_semaphore, #tpu.memory_space<semaphore_mem>>)
      %dma_wait3A = arith.constant 0 : i32
      %dma_wait3A_234 = tpu.memref_slice %arg7[%mul3A_21, %dma_wait3A] : memref<10000x128xf32, #tpu.memory_space<vmem_shared>> -> memref<40x128xf32, #tpu.memory_space<vmem_shared>>
      %dma_wait3A_235 = arith.constant 0 : i32
      %dma_wait3A_236 = tpu.memref_slice %arg7[%mul3A_21, %dma_wait3A_235] : memref<10000x128xf32, #tpu.memory_space<vmem_shared>> -> memref<40x128xf32, #tpu.memory_space<vmem_shared>>
      tpu.wait_dma2 semaphore(%run_scoped3A_230 : memref<!tpu.dma_semaphore, #tpu.memory_space<semaphore_mem>>) src(%arg6 : memref<40x128xf32, #tpu.memory_space<vmem>>) dst(%dma_wait3A_236 : memref<40x128xf32, #tpu.memory_space<vmem_shared>>)
      tpu.yield
    }) : () -> ()
    %mul3A_22 = arith.constant 16 : i32
    %mul3A_23 = arith.muli %arg1, %mul3A_22 : i32
    %add3A_24 = arith.constant 3 : i32
    %add3A_25 = arith.addi %mul3A_23, %add3A_24 : i32
    %mul3A_26 = arith.constant 40 : i32
    %mul3A_27 = arith.muli %add3A_25, %mul3A_26 : i32
    "tpu.region"() ({
      %run_scoped3A_230 = tpu.sem_alloc : memref<!tpu.dma_semaphore, #tpu.memory_space<semaphore_mem>>
      %dma_start3A = arith.constant 0 : i32
      %dma_start3A_231 = tpu.memref_slice %arg7[%mul3A_27, %dma_start3A] : memref<10000x128xf32, #tpu.memory_space<vmem_shared>> -> memref<40x128xf32, #tpu.memory_space<vmem_shared>>
      %dma_start3A_232 = arith.constant 0 : i32
      %dma_start3A_233 = tpu.memref_slice %arg7[%mul3A_27, %dma_start3A_232] : memref<10000x128xf32, #tpu.memory_space<vmem_shared>> -> memref<40x128xf32, #tpu.memory_space<vmem_shared>>
      tpu.enqueue_dma source(%arg6 : memref<40x128xf32, #tpu.memory_space<vmem>>) target(%dma_start3A_233 : memref<40x128xf32, #tpu.memory_space<vmem_shared>>) target_semaphore(%run_scoped3A_230 : memref<!tpu.dma_semaphore, #tpu.memory_space<semaphore_mem>>)
      %dma_wait3A = arith.constant 0 : i32
      %dma_wait3A_234 = tpu.memref_slice %arg7[%mul3A_27, %dma_wait3A] : memref<10000x128xf32, #tpu.memory_space<vmem_shared>> -> memref<40x128xf32, #tpu.memory_space<vmem_shared>>
      %dma_wait3A_235 = arith.constant 0 : i32
      %dma_wait3A_236 = tpu.memref_slice %arg7[%mul3A_27, %dma_wait3A_235] : memref<10000x128xf32, #tpu.memory_space<vmem_shared>> -> memref<40x128xf32, #tpu.memory_space<vmem_shared>>
      tpu.wait_dma2 semaphore(%run_scoped3A_230 : memref<!tpu.dma_semaphore, #tpu.memory_space<semaphore_mem>>) src(%arg6 : memref<40x128xf32, #tpu.memory_space<vmem>>) dst(%dma_wait3A_236 : memref<40x128xf32, #tpu.memory_space<vmem_shared>>)
      tpu.yield
    }) : () -> ()
    %mul3A_28 = arith.constant 16 : i32
    %mul3A_29 = arith.muli %arg1, %mul3A_28 : i32
    %add3A_30 = arith.constant 4 : i32
    %add3A_31 = arith.addi %mul3A_29, %add3A_30 : i32
    %mul3A_32 = arith.constant 40 : i32
    %mul3A_33 = arith.muli %add3A_31, %mul3A_32 : i32
    "tpu.region"() ({
      %run_scoped3A_230 = tpu.sem_alloc : memref<!tpu.dma_semaphore, #tpu.memory_space<semaphore_mem>>
      %dma_start3A = arith.constant 0 : i32
      %dma_start3A_231 = tpu.memref_slice %arg7[%mul3A_33, %dma_start3A] : memref<10000x128xf32, #tpu.memory_space<vmem_shared>> -> memref<40x128xf32, #tpu.memory_space<vmem_shared>>
      %dma_start3A_232 = arith.constant 0 : i32
      %dma_start3A_233 = tpu.memref_slice %arg7[%mul3A_33, %dma_start3A_232] : memref<10000x128xf32, #tpu.memory_space<vmem_shared>> -> memref<40x128xf32, #tpu.memory_space<vmem_shared>>
      tpu.enqueue_dma source(%arg6 : memref<40x128xf32, #tpu.memory_space<vmem>>) target(%dma_start3A_233 : memref<40x128xf32, #tpu.memory_space<vmem_shared>>) target_semaphore(%run_scoped3A_230 : memref<!tpu.dma_semaphore, #tpu.memory_space<semaphore_mem>>)
      %dma_wait3A = arith.constant 0 : i32
      %dma_wait3A_234 = tpu.memref_slice %arg7[%mul3A_33, %dma_wait3A] : memref<10000x128xf32, #tpu.memory_space<vmem_shared>> -> memref<40x128xf32, #tpu.memory_space<vmem_shared>>
      %dma_wait3A_235 = arith.constant 0 : i32
      %dma_wait3A_236 = tpu.memref_slice %arg7[%mul3A_33, %dma_wait3A_235] : memref<10000x128xf32, #tpu.memory_space<vmem_shared>> -> memref<40x128xf32, #tpu.memory_space<vmem_shared>>
      tpu.wait_dma2 semaphore(%run_scoped3A_230 : memref<!tpu.dma_semaphore, #tpu.memory_space<semaphore_mem>>) src(%arg6 : memref<40x128xf32, #tpu.memory_space<vmem>>) dst(%dma_wait3A_236 : memref<40x128xf32, #tpu.memory_space<vmem_shared>>)
      tpu.yield
    }) : () -> ()
    %mul3A_34 = arith.constant 16 : i32
    %mul3A_35 = arith.muli %arg1, %mul3A_34 : i32
    %add3A_36 = arith.constant 5 : i32
    %add3A_37 = arith.addi %mul3A_35, %add3A_36 : i32
    %mul3A_38 = arith.constant 40 : i32
    %mul3A_39 = arith.muli %add3A_37, %mul3A_38 : i32
    "tpu.region"() ({
      %run_scoped3A_230 = tpu.sem_alloc : memref<!tpu.dma_semaphore, #tpu.memory_space<semaphore_mem>>
      %dma_start3A = arith.constant 0 : i32
      %dma_start3A_231 = tpu.memref_slice %arg7[%mul3A_39, %dma_start3A] : memref<10000x128xf32, #tpu.memory_space<vmem_shared>> -> memref<40x128xf32, #tpu.memory_space<vmem_shared>>
      %dma_start3A_232 = arith.constant 0 : i32
      %dma_start3A_233 = tpu.memref_slice %arg7[%mul3A_39, %dma_start3A_232] : memref<10000x128xf32, #tpu.memory_space<vmem_shared>> -> memref<40x128xf32, #tpu.memory_space<vmem_shared>>
      tpu.enqueue_dma source(%arg6 : memref<40x128xf32, #tpu.memory_space<vmem>>) target(%dma_start3A_233 : memref<40x128xf32, #tpu.memory_space<vmem_shared>>) target_semaphore(%run_scoped3A_230 : memref<!tpu.dma_semaphore, #tpu.memory_space<semaphore_mem>>)
      %dma_wait3A = arith.constant 0 : i32
      %dma_wait3A_234 = tpu.memref_slice %arg7[%mul3A_39, %dma_wait3A] : memref<10000x128xf32, #tpu.memory_space<vmem_shared>> -> memref<40x128xf32, #tpu.memory_space<vmem_shared>>
      %dma_wait3A_235 = arith.constant 0 : i32
      %dma_wait3A_236 = tpu.memref_slice %arg7[%mul3A_39, %dma_wait3A_235] : memref<10000x128xf32, #tpu.memory_space<vmem_shared>> -> memref<40x128xf32, #tpu.memory_space<vmem_shared>>
      tpu.wait_dma2 semaphore(%run_scoped3A_230 : memref<!tpu.dma_semaphore, #tpu.memory_space<semaphore_mem>>) src(%arg6 : memref<40x128xf32, #tpu.memory_space<vmem>>) dst(%dma_wait3A_236 : memref<40x128xf32, #tpu.memory_space<vmem_shared>>)
      tpu.yield
    }) : () -> ()
    %mul3A_40 = arith.constant 16 : i32
    %mul3A_41 = arith.muli %arg1, %mul3A_40 : i32
    %add3A_42 = arith.constant 6 : i32
    %add3A_43 = arith.addi %mul3A_41, %add3A_42 : i32
    %mul3A_44 = arith.constant 40 : i32
    %mul3A_45 = arith.muli %add3A_43, %mul3A_44 : i32
    "tpu.region"() ({
      %run_scoped3A_230 = tpu.sem_alloc : memref<!tpu.dma_semaphore, #tpu.memory_space<semaphore_mem>>
      %dma_start3A = arith.constant 0 : i32
      %dma_start3A_231 = tpu.memref_slice %arg7[%mul3A_45, %dma_start3A] : memref<10000x128xf32, #tpu.memory_space<vmem_shared>> -> memref<40x128xf32, #tpu.memory_space<vmem_shared>>
      %dma_start3A_232 = arith.constant 0 : i32
      %dma_start3A_233 = tpu.memref_slice %arg7[%mul3A_45, %dma_start3A_232] : memref<10000x128xf32, #tpu.memory_space<vmem_shared>> -> memref<40x128xf32, #tpu.memory_space<vmem_shared>>
      tpu.enqueue_dma source(%arg6 : memref<40x128xf32, #tpu.memory_space<vmem>>) target(%dma_start3A_233 : memref<40x128xf32, #tpu.memory_space<vmem_shared>>) target_semaphore(%run_scoped3A_230 : memref<!tpu.dma_semaphore, #tpu.memory_space<semaphore_mem>>)
      %dma_wait3A = arith.constant 0 : i32
      %dma_wait3A_234 = tpu.memref_slice %arg7[%mul3A_45, %dma_wait3A] : memref<10000x128xf32, #tpu.memory_space<vmem_shared>> -> memref<40x128xf32, #tpu.memory_space<vmem_shared>>
      %dma_wait3A_235 = arith.constant 0 : i32
      %dma_wait3A_236 = tpu.memref_slice %arg7[%mul3A_45, %dma_wait3A_235] : memref<10000x128xf32, #tpu.memory_space<vmem_shared>> -> memref<40x128xf32, #tpu.memory_space<vmem_shared>>
      tpu.wait_dma2 semaphore(%run_scoped3A_230 : memref<!tpu.dma_semaphore, #tpu.memory_space<semaphore_mem>>) src(%arg6 : memref<40x128xf32, #tpu.memory_space<vmem>>) dst(%dma_wait3A_236 : memref<40x128xf32, #tpu.memory_space<vmem_shared>>)
      tpu.yield
    }) : () -> ()
    %mul3A_46 = arith.constant 16 : i32
    %mul3A_47 = arith.muli %arg1, %mul3A_46 : i32
    %add3A_48 = arith.constant 7 : i32
    %add3A_49 = arith.addi %mul3A_47, %add3A_48 : i32
    %mul3A_50 = arith.constant 40 : i32
    %mul3A_51 = arith.muli %add3A_49, %mul3A_50 : i32
    "tpu.region"() ({
      %run_scoped3A_230 = tpu.sem_alloc : memref<!tpu.dma_semaphore, #tpu.memory_space<semaphore_mem>>
      %dma_start3A = arith.constant 0 : i32
      %dma_start3A_231 = tpu.memref_slice %arg7[%mul3A_51, %dma_start3A] : memref<10000x128xf32, #tpu.memory_space<vmem_shared>> -> memref<40x128xf32, #tpu.memory_space<vmem_shared>>
      %dma_start3A_232 = arith.constant 0 : i32
      %dma_start3A_233 = tpu.memref_slice %arg7[%mul3A_51, %dma_start3A_232] : memref<10000x128xf32, #tpu.memory_space<vmem_shared>> -> memref<40x128xf32, #tpu.memory_space<vmem_shared>>
      tpu.enqueue_dma source(%arg6 : memref<40x128xf32, #tpu.memory_space<vmem>>) target(%dma_start3A_233 : memref<40x128xf32, #tpu.memory_space<vmem_shared>>) target_semaphore(%run_scoped3A_230 : memref<!tpu.dma_semaphore, #tpu.memory_space<semaphore_mem>>)
      %dma_wait3A = arith.constant 0 : i32
      %dma_wait3A_234 = tpu.memref_slice %arg7[%mul3A_51, %dma_wait3A] : memref<10000x128xf32, #tpu.memory_space<vmem_shared>> -> memref<40x128xf32, #tpu.memory_space<vmem_shared>>
      %dma_wait3A_235 = arith.constant 0 : i32
      %dma_wait3A_236 = tpu.memref_slice %arg7[%mul3A_51, %dma_wait3A_235] : memref<10000x128xf32, #tpu.memory_space<vmem_shared>> -> memref<40x128xf32, #tpu.memory_space<vmem_shared>>
      tpu.wait_dma2 semaphore(%run_scoped3A_230 : memref<!tpu.dma_semaphore, #tpu.memory_space<semaphore_mem>>) src(%arg6 : memref<40x128xf32, #tpu.memory_space<vmem>>) dst(%dma_wait3A_236 : memref<40x128xf32, #tpu.memory_space<vmem_shared>>)
      tpu.yield
    }) : () -> ()
    %mul3A_52 = arith.constant 16 : i32
    %mul3A_53 = arith.muli %arg1, %mul3A_52 : i32
    %add3A_54 = arith.constant 8 : i32
    %add3A_55 = arith.addi %mul3A_53, %add3A_54 : i32
    %mul3A_56 = arith.constant 40 : i32
    %mul3A_57 = arith.muli %add3A_55, %mul3A_56 : i32
    "tpu.region"() ({
      %run_scoped3A_230 = tpu.sem_alloc : memref<!tpu.dma_semaphore, #tpu.memory_space<semaphore_mem>>
      %dma_start3A = arith.constant 0 : i32
      %dma_start3A_231 = tpu.memref_slice %arg7[%mul3A_57, %dma_start3A] : memref<10000x128xf32, #tpu.memory_space<vmem_shared>> -> memref<40x128xf32, #tpu.memory_space<vmem_shared>>
      %dma_start3A_232 = arith.constant 0 : i32
      %dma_start3A_233 = tpu.memref_slice %arg7[%mul3A_57, %dma_start3A_232] : memref<10000x128xf32, #tpu.memory_space<vmem_shared>> -> memref<40x128xf32, #tpu.memory_space<vmem_shared>>
      tpu.enqueue_dma source(%arg6 : memref<40x128xf32, #tpu.memory_space<vmem>>) target(%dma_start3A_233 : memref<40x128xf32, #tpu.memory_space<vmem_shared>>) target_semaphore(%run_scoped3A_230 : memref<!tpu.dma_semaphore, #tpu.memory_space<semaphore_mem>>)
      %dma_wait3A = arith.constant 0 : i32
      %dma_wait3A_234 = tpu.memref_slice %arg7[%mul3A_57, %dma_wait3A] : memref<10000x128xf32, #tpu.memory_space<vmem_shared>> -> memref<40x128xf32, #tpu.memory_space<vmem_shared>>
      %dma_wait3A_235 = arith.constant 0 : i32
      %dma_wait3A_236 = tpu.memref_slice %arg7[%mul3A_57, %dma_wait3A_235] : memref<10000x128xf32, #tpu.memory_space<vmem_shared>> -> memref<40x128xf32, #tpu.memory_space<vmem_shared>>
      tpu.wait_dma2 semaphore(%run_scoped3A_230 : memref<!tpu.dma_semaphore, #tpu.memory_space<semaphore_mem>>) src(%arg6 : memref<40x128xf32, #tpu.memory_space<vmem>>) dst(%dma_wait3A_236 : memref<40x128xf32, #tpu.memory_space<vmem_shared>>)
      tpu.yield
    }) : () -> ()
    %mul3A_58 = arith.constant 16 : i32
    %mul3A_59 = arith.muli %arg1, %mul3A_58 : i32
    %add3A_60 = arith.constant 9 : i32
    %add3A_61 = arith.addi %mul3A_59, %add3A_60 : i32
    %mul3A_62 = arith.constant 40 : i32
    %mul3A_63 = arith.muli %add3A_61, %mul3A_62 : i32
    "tpu.region"() ({
      %run_scoped3A_230 = tpu.sem_alloc : memref<!tpu.dma_semaphore, #tpu.memory_space<semaphore_mem>>
      %dma_start3A = arith.constant 0 : i32
      %dma_start3A_231 = tpu.memref_slice %arg7[%mul3A_63, %dma_start3A] : memref<10000x128xf32, #tpu.memory_space<vmem_shared>> -> memref<40x128xf32, #tpu.memory_space<vmem_shared>>
      %dma_start3A_232 = arith.constant 0 : i32
      %dma_start3A_233 = tpu.memref_slice %arg7[%mul3A_63, %dma_start3A_232] : memref<10000x128xf32, #tpu.memory_space<vmem_shared>> -> memref<40x128xf32, #tpu.memory_space<vmem_shared>>
      tpu.enqueue_dma source(%arg6 : memref<40x128xf32, #tpu.memory_space<vmem>>) target(%dma_start3A_233 : memref<40x128xf32, #tpu.memory_space<vmem_shared>>) target_semaphore(%run_scoped3A_230 : memref<!tpu.dma_semaphore, #tpu.memory_space<semaphore_mem>>)
      %dma_wait3A = arith.constant 0 : i32
      %dma_wait3A_234 = tpu.memref_slice %arg7[%mul3A_63, %dma_wait3A] : memref<10000x128xf32, #tpu.memory_space<vmem_shared>> -> memref<40x128xf32, #tpu.memory_space<vmem_shared>>
      %dma_wait3A_235 = arith.constant 0 : i32
      %dma_wait3A_236 = tpu.memref_slice %arg7[%mul3A_63, %dma_wait3A_235] : memref<10000x128xf32, #tpu.memory_space<vmem_shared>> -> memref<40x128xf32, #tpu.memory_space<vmem_shared>>
      tpu.wait_dma2 semaphore(%run_scoped3A_230 : memref<!tpu.dma_semaphore, #tpu.memory_space<semaphore_mem>>) src(%arg6 : memref<40x128xf32, #tpu.memory_space<vmem>>) dst(%dma_wait3A_236 : memref<40x128xf32, #tpu.memory_space<vmem_shared>>)
      tpu.yield
    }) : () -> ()
    %lt3A = arith.constant 15 : i32
    %lt3A_64 = arith.cmpi slt, %arg1, %lt3A : i32
    %convert_element_type3A = arith.extui %lt3A_64 : i1 to i32
    %cond3A = arith.constant 0 : i32
    %cond3A_65 = arith.cmpi ne, %convert_element_type3A, %cond3A : i32
    scf.if %cond3A_65 {
      %mul3A_230 = arith.constant 16 : i32
      %mul3A_231 = arith.muli %arg1, %mul3A_230 : i32
      %add3A_232 = arith.constant 10 : i32
      %add3A_233 = arith.addi %mul3A_231, %add3A_232 : i32
      %mul3A_234 = arith.constant 40 : i32
      %mul3A_235 = arith.muli %add3A_233, %mul3A_234 : i32
      "tpu.region"() ({
        %run_scoped3A_236 = tpu.sem_alloc : memref<!tpu.dma_semaphore, #tpu.memory_space<semaphore_mem>>
        %dma_start3A = arith.constant 0 : i32
        %dma_start3A_237 = tpu.memref_slice %arg7[%mul3A_235, %dma_start3A] : memref<10000x128xf32, #tpu.memory_space<vmem_shared>> -> memref<40x128xf32, #tpu.memory_space<vmem_shared>>
        %dma_start3A_238 = arith.constant 0 : i32
        %dma_start3A_239 = tpu.memref_slice %arg7[%mul3A_235, %dma_start3A_238] : memref<10000x128xf32, #tpu.memory_space<vmem_shared>> -> memref<40x128xf32, #tpu.memory_space<vmem_shared>>
        tpu.enqueue_dma source(%arg6 : memref<40x128xf32, #tpu.memory_space<vmem>>) target(%dma_start3A_239 : memref<40x128xf32, #tpu.memory_space<vmem_shared>>) target_semaphore(%run_scoped3A_236 : memref<!tpu.dma_semaphore, #tpu.memory_space<semaphore_mem>>)
        %dma_wait3A = arith.constant 0 : i32
        %dma_wait3A_240 = tpu.memref_slice %arg7[%mul3A_235, %dma_wait3A] : memref<10000x128xf32, #tpu.memory_space<vmem_shared>> -> memref<40x128xf32, #tpu.memory_space<vmem_shared>>
        %dma_wait3A_241 = arith.constant 0 : i32
        %dma_wait3A_242 = tpu.memref_slice %arg7[%mul3A_235, %dma_wait3A_241] : memref<10000x128xf32, #tpu.memory_space<vmem_shared>> -> memref<40x128xf32, #tpu.memory_space<vmem_shared>>
        tpu.wait_dma2 semaphore(%run_scoped3A_236 : memref<!tpu.dma_semaphore, #tpu.memory_space<semaphore_mem>>) src(%arg6 : memref<40x128xf32, #tpu.memory_space<vmem>>) dst(%dma_wait3A_242 : memref<40x128xf32, #tpu.memory_space<vmem_shared>>)
        tpu.yield
      }) : () -> ()
    } else {
    }
    %lt3A_66 = arith.constant 15 : i32
    %lt3A_67 = arith.cmpi slt, %arg1, %lt3A_66 : i32
    %convert_element_type3A_68 = arith.extui %lt3A_67 : i1 to i32
    %cond3A_69 = arith.constant 0 : i32
    %cond3A_70 = arith.cmpi ne, %convert_element_type3A_68, %cond3A_69 : i32
    scf.if %cond3A_70 {
      %mul3A_230 = arith.constant 16 : i32
      %mul3A_231 = arith.muli %arg1, %mul3A_230 : i32
      %add3A_232 = arith.constant 11 : i32
      %add3A_233 = arith.addi %mul3A_231, %add3A_232 : i32
      %mul3A_234 = arith.constant 40 : i32
      %mul3A_235 = arith.muli %add3A_233, %mul3A_234 : i32
      "tpu.region"() ({
        %run_scoped3A_236 = tpu.sem_alloc : memref<!tpu.dma_semaphore, #tpu.memory_space<semaphore_mem>>
        %dma_start3A = arith.constant 0 : i32
        %dma_start3A_237 = tpu.memref_slice %arg7[%mul3A_235, %dma_start3A] : memref<10000x128xf32, #tpu.memory_space<vmem_shared>> -> memref<40x128xf32, #tpu.memory_space<vmem_shared>>
        %dma_start3A_238 = arith.constant 0 : i32
        %dma_start3A_239 = tpu.memref_slice %arg7[%mul3A_235, %dma_start3A_238] : memref<10000x128xf32, #tpu.memory_space<vmem_shared>> -> memref<40x128xf32, #tpu.memory_space<vmem_shared>>
        tpu.enqueue_dma source(%arg6 : memref<40x128xf32, #tpu.memory_space<vmem>>) target(%dma_start3A_239 : memref<40x128xf32, #tpu.memory_space<vmem_shared>>) target_semaphore(%run_scoped3A_236 : memref<!tpu.dma_semaphore, #tpu.memory_space<semaphore_mem>>)
        %dma_wait3A = arith.constant 0 : i32
        %dma_wait3A_240 = tpu.memref_slice %arg7[%mul3A_235, %dma_wait3A] : memref<10000x128xf32, #tpu.memory_space<vmem_shared>> -> memref<40x128xf32, #tpu.memory_space<vmem_shared>>
        %dma_wait3A_241 = arith.constant 0 : i32
        %dma_wait3A_242 = tpu.memref_slice %arg7[%mul3A_235, %dma_wait3A_241] : memref<10000x128xf32, #tpu.memory_space<vmem_shared>> -> memref<40x128xf32, #tpu.memory_space<vmem_shared>>
        tpu.wait_dma2 semaphore(%run_scoped3A_236 : memref<!tpu.dma_semaphore, #tpu.memory_space<semaphore_mem>>) src(%arg6 : memref<40x128xf32, #tpu.memory_space<vmem>>) dst(%dma_wait3A_242 : memref<40x128xf32, #tpu.memory_space<vmem_shared>>)
        tpu.yield
      }) : () -> ()
    } else {
    }
    %lt3A_71 = arith.constant 15 : i32
    %lt3A_72 = arith.cmpi slt, %arg1, %lt3A_71 : i32
    %convert_element_type3A_73 = arith.extui %lt3A_72 : i1 to i32
    %cond3A_74 = arith.constant 0 : i32
    %cond3A_75 = arith.cmpi ne, %convert_element_type3A_73, %cond3A_74 : i32
    scf.if %cond3A_75 {
      %mul3A_230 = arith.constant 16 : i32
      %mul3A_231 = arith.muli %arg1, %mul3A_230 : i32
      %add3A_232 = arith.constant 12 : i32
      %add3A_233 = arith.addi %mul3A_231, %add3A_232 : i32
      %mul3A_234 = arith.constant 40 : i32
      %mul3A_235 = arith.muli %add3A_233, %mul3A_234 : i32
      "tpu.region"() ({
        %run_scoped3A_236 = tpu.sem_alloc : memref<!tpu.dma_semaphore, #tpu.memory_space<semaphore_mem>>
        %dma_start3A = arith.constant 0 : i32
        %dma_start3A_237 = tpu.memref_slice %arg7[%mul3A_235, %dma_start3A] : memref<10000x128xf32, #tpu.memory_space<vmem_shared>> -> memref<40x128xf32, #tpu.memory_space<vmem_shared>>
        %dma_start3A_238 = arith.constant 0 : i32
        %dma_start3A_239 = tpu.memref_slice %arg7[%mul3A_235, %dma_start3A_238] : memref<10000x128xf32, #tpu.memory_space<vmem_shared>> -> memref<40x128xf32, #tpu.memory_space<vmem_shared>>
        tpu.enqueue_dma source(%arg6 : memref<40x128xf32, #tpu.memory_space<vmem>>) target(%dma_start3A_239 : memref<40x128xf32, #tpu.memory_space<vmem_shared>>) target_semaphore(%run_scoped3A_236 : memref<!tpu.dma_semaphore, #tpu.memory_space<semaphore_mem>>)
        %dma_wait3A = arith.constant 0 : i32
        %dma_wait3A_240 = tpu.memref_slice %arg7[%mul3A_235, %dma_wait3A] : memref<10000x128xf32, #tpu.memory_space<vmem_shared>> -> memref<40x128xf32, #tpu.memory_space<vmem_shared>>
        %dma_wait3A_241 = arith.constant 0 : i32
        %dma_wait3A_242 = tpu.memref_slice %arg7[%mul3A_235, %dma_wait3A_241] : memref<10000x128xf32, #tpu.memory_space<vmem_shared>> -> memref<40x128xf32, #tpu.memory_space<vmem_shared>>
        tpu.wait_dma2 semaphore(%run_scoped3A_236 : memref<!tpu.dma_semaphore, #tpu.memory_space<semaphore_mem>>) src(%arg6 : memref<40x128xf32, #tpu.memory_space<vmem>>) dst(%dma_wait3A_242 : memref<40x128xf32, #tpu.memory_space<vmem_shared>>)
        tpu.yield
      }) : () -> ()
    } else {
    }
    %lt3A_76 = arith.constant 15 : i32
    %lt3A_77 = arith.cmpi slt, %arg1, %lt3A_76 : i32
    %convert_element_type3A_78 = arith.extui %lt3A_77 : i1 to i32
    %cond3A_79 = arith.constant 0 : i32
    %cond3A_80 = arith.cmpi ne, %convert_element_type3A_78, %cond3A_79 : i32
    scf.if %cond3A_80 {
      %mul3A_230 = arith.constant 16 : i32
      %mul3A_231 = arith.muli %arg1, %mul3A_230 : i32
      %add3A_232 = arith.constant 13 : i32
      %add3A_233 = arith.addi %mul3A_231, %add3A_232 : i32
      %mul3A_234 = arith.constant 40 : i32
      %mul3A_235 = arith.muli %add3A_233, %mul3A_234 : i32
      "tpu.region"() ({
        %run_scoped3A_236 = tpu.sem_alloc : memref<!tpu.dma_semaphore, #tpu.memory_space<semaphore_mem>>
        %dma_start3A = arith.constant 0 : i32
        %dma_start3A_237 = tpu.memref_slice %arg7[%mul3A_235, %dma_start3A] : memref<10000x128xf32, #tpu.memory_space<vmem_shared>> -> memref<40x128xf32, #tpu.memory_space<vmem_shared>>
        %dma_start3A_238 = arith.constant 0 : i32
        %dma_start3A_239 = tpu.memref_slice %arg7[%mul3A_235, %dma_start3A_238] : memref<10000x128xf32, #tpu.memory_space<vmem_shared>> -> memref<40x128xf32, #tpu.memory_space<vmem_shared>>
        tpu.enqueue_dma source(%arg6 : memref<40x128xf32, #tpu.memory_space<vmem>>) target(%dma_start3A_239 : memref<40x128xf32, #tpu.memory_space<vmem_shared>>) target_semaphore(%run_scoped3A_236 : memref<!tpu.dma_semaphore, #tpu.memory_space<semaphore_mem>>)
        %dma_wait3A = arith.constant 0 : i32
        %dma_wait3A_240 = tpu.memref_slice %arg7[%mul3A_235, %dma_wait3A] : memref<10000x128xf32, #tpu.memory_space<vmem_shared>> -> memref<40x128xf32, #tpu.memory_space<vmem_shared>>
        %dma_wait3A_241 = arith.constant 0 : i32
        %dma_wait3A_242 = tpu.memref_slice %arg7[%mul3A_235, %dma_wait3A_241] : memref<10000x128xf32, #tpu.memory_space<vmem_shared>> -> memref<40x128xf32, #tpu.memory_space<vmem_shared>>
        tpu.wait_dma2 semaphore(%run_scoped3A_236 : memref<!tpu.dma_semaphore, #tpu.memory_space<semaphore_mem>>) src(%arg6 : memref<40x128xf32, #tpu.memory_space<vmem>>) dst(%dma_wait3A_242 : memref<40x128xf32, #tpu.memory_space<vmem_shared>>)
        tpu.yield
      }) : () -> ()
    } else {
    }
    %lt3A_81 = arith.constant 15 : i32
    %lt3A_82 = arith.cmpi slt, %arg1, %lt3A_81 : i32
    %convert_element_type3A_83 = arith.extui %lt3A_82 : i1 to i32
    %cond3A_84 = arith.constant 0 : i32
    %cond3A_85 = arith.cmpi ne, %convert_element_type3A_83, %cond3A_84 : i32
    scf.if %cond3A_85 {
      %mul3A_230 = arith.constant 16 : i32
      %mul3A_231 = arith.muli %arg1, %mul3A_230 : i32
      %add3A_232 = arith.constant 14 : i32
      %add3A_233 = arith.addi %mul3A_231, %add3A_232 : i32
      %mul3A_234 = arith.constant 40 : i32
      %mul3A_235 = arith.muli %add3A_233, %mul3A_234 : i32
      "tpu.region"() ({
        %run_scoped3A_236 = tpu.sem_alloc : memref<!tpu.dma_semaphore, #tpu.memory_space<semaphore_mem>>
        %dma_start3A = arith.constant 0 : i32
        %dma_start3A_237 = tpu.memref_slice %arg7[%mul3A_235, %dma_start3A] : memref<10000x128xf32, #tpu.memory_space<vmem_shared>> -> memref<40x128xf32, #tpu.memory_space<vmem_shared>>
        %dma_start3A_238 = arith.constant 0 : i32
        %dma_start3A_239 = tpu.memref_slice %arg7[%mul3A_235, %dma_start3A_238] : memref<10000x128xf32, #tpu.memory_space<vmem_shared>> -> memref<40x128xf32, #tpu.memory_space<vmem_shared>>
        tpu.enqueue_dma source(%arg6 : memref<40x128xf32, #tpu.memory_space<vmem>>) target(%dma_start3A_239 : memref<40x128xf32, #tpu.memory_space<vmem_shared>>) target_semaphore(%run_scoped3A_236 : memref<!tpu.dma_semaphore, #tpu.memory_space<semaphore_mem>>)
        %dma_wait3A = arith.constant 0 : i32
        %dma_wait3A_240 = tpu.memref_slice %arg7[%mul3A_235, %dma_wait3A] : memref<10000x128xf32, #tpu.memory_space<vmem_shared>> -> memref<40x128xf32, #tpu.memory_space<vmem_shared>>
        %dma_wait3A_241 = arith.constant 0 : i32
        %dma_wait3A_242 = tpu.memref_slice %arg7[%mul3A_235, %dma_wait3A_241] : memref<10000x128xf32, #tpu.memory_space<vmem_shared>> -> memref<40x128xf32, #tpu.memory_space<vmem_shared>>
        tpu.wait_dma2 semaphore(%run_scoped3A_236 : memref<!tpu.dma_semaphore, #tpu.memory_space<semaphore_mem>>) src(%arg6 : memref<40x128xf32, #tpu.memory_space<vmem>>) dst(%dma_wait3A_242 : memref<40x128xf32, #tpu.memory_space<vmem_shared>>)
        tpu.yield
      }) : () -> ()
    } else {
    }
    %lt3A_86 = arith.constant 15 : i32
    %lt3A_87 = arith.cmpi slt, %arg1, %lt3A_86 : i32
    %convert_element_type3A_88 = arith.extui %lt3A_87 : i1 to i32
    %cond3A_89 = arith.constant 0 : i32
    %cond3A_90 = arith.cmpi ne, %convert_element_type3A_88, %cond3A_89 : i32
    scf.if %cond3A_90 {
      %mul3A_230 = arith.constant 16 : i32
      %mul3A_231 = arith.muli %arg1, %mul3A_230 : i32
      %add3A_232 = arith.constant 15 : i32
      %add3A_233 = arith.addi %mul3A_231, %add3A_232 : i32
      %mul3A_234 = arith.constant 40 : i32
      %mul3A_235 = arith.muli %add3A_233, %mul3A_234 : i32
      "tpu.region"() ({
        %run_scoped3A_236 = tpu.sem_alloc : memref<!tpu.dma_semaphore, #tpu.memory_space<semaphore_mem>>
        %dma_start3A = arith.constant 0 : i32
        %dma_start3A_237 = tpu.memref_slice %arg7[%mul3A_235, %dma_start3A] : memref<10000x128xf32, #tpu.memory_space<vmem_shared>> -> memref<40x128xf32, #tpu.memory_space<vmem_shared>>
        %dma_start3A_238 = arith.constant 0 : i32
        %dma_start3A_239 = tpu.memref_slice %arg7[%mul3A_235, %dma_start3A_238] : memref<10000x128xf32, #tpu.memory_space<vmem_shared>> -> memref<40x128xf32, #tpu.memory_space<vmem_shared>>
        tpu.enqueue_dma source(%arg6 : memref<40x128xf32, #tpu.memory_space<vmem>>) target(%dma_start3A_239 : memref<40x128xf32, #tpu.memory_space<vmem_shared>>) target_semaphore(%run_scoped3A_236 : memref<!tpu.dma_semaphore, #tpu.memory_space<semaphore_mem>>)
        %dma_wait3A = arith.constant 0 : i32
        %dma_wait3A_240 = tpu.memref_slice %arg7[%mul3A_235, %dma_wait3A] : memref<10000x128xf32, #tpu.memory_space<vmem_shared>> -> memref<40x128xf32, #tpu.memory_space<vmem_shared>>
        %dma_wait3A_241 = arith.constant 0 : i32
        %dma_wait3A_242 = tpu.memref_slice %arg7[%mul3A_235, %dma_wait3A_241] : memref<10000x128xf32, #tpu.memory_space<vmem_shared>> -> memref<40x128xf32, #tpu.memory_space<vmem_shared>>
        tpu.wait_dma2 semaphore(%run_scoped3A_236 : memref<!tpu.dma_semaphore, #tpu.memory_space<semaphore_mem>>) src(%arg6 : memref<40x128xf32, #tpu.memory_space<vmem>>) dst(%dma_wait3A_242 : memref<40x128xf32, #tpu.memory_space<vmem_shared>>)
        tpu.yield
      }) : () -> ()
    } else {
    }
    %scan3A_91 = arith.constant 0 : i32
    %scan3A_92 = arith.constant 0 : i32
    %scan3A_93 = arith.constant 640 : i32
    %scan3A_94 = arith.addi %scan3A_92, %scan3A_93 : i32
    %scan3A_95 = arith.constant 1 : i32
    %scan3A_96 = scf.for %scan3A_230 = %scan3A_92 to %scan3A_94 step %scan3A_95 iter_args(%scan3A_231 = %scan3A_91) -> (i32)  : i32 {
      %broadcast_in_dim3A = arith.constant 1.000000e+00 : f32
      %broadcast_in_dim3A_232 = vector.broadcast %broadcast_in_dim3A : f32 to vector<16xf32>
      %jit3A = arith.constant 8 : i32
      %div3A_233 = arith.divsi %scan3A_230, %jit3A : i32
      %sign3A = arith.constant 0 : i32
      %sign3A_234 = arith.cmpi sgt, %scan3A_230, %sign3A : i32
      %sign3A_235 = arith.extui %sign3A_234 : i1 to i32
      %sign3A_236 = arith.constant 0 : i32
      %sign3A_237 = arith.cmpi slt, %scan3A_230, %sign3A_236 : i32
      %sign3A_238 = arith.extui %sign3A_237 : i1 to i32
      %sign3A_239 = arith.subi %sign3A_235, %sign3A_238 : i32
      %sign3A_240 = arith.constant 0 : i32
      %sign3A_241 = arith.cmpi sgt, %jit3A, %sign3A_240 : i32
      %sign3A_242 = arith.extui %sign3A_241 : i1 to i32
      %sign3A_243 = arith.constant 0 : i32
      %sign3A_244 = arith.cmpi slt, %jit3A, %sign3A_243 : i32
      %sign3A_245 = arith.extui %sign3A_244 : i1 to i32
      %sign3A_246 = arith.subi %sign3A_242, %sign3A_245 : i32
      %ne3A = arith.cmpi ne, %sign3A_239, %sign3A_246 : i32
      %rem3A = arith.remsi %scan3A_230, %jit3A : i32
      %ne3A_247 = arith.constant 0 : i32
      %ne3A_248 = arith.cmpi ne, %rem3A, %ne3A_247 : i32
      %and3A = arith.andi %ne3A, %ne3A_248 : i1
      %sub3A_249 = arith.constant 1 : i32
      %sub3A_250 = arith.subi %div3A_233, %sub3A_249 : i32
      %select_n3A = arith.select %and3A, %sub3A_250, %div3A_233 : i32
      %jit3A_251 = arith.constant 8 : i32
      %eq3A = arith.constant 0 : i32
      %eq3A_252 = arith.cmpi eq, %jit3A_251, %eq3A : i32
      %jit3A_253 = arith.constant 1 : i32
      %select_n3A_254 = arith.select %eq3A_252, %jit3A_253, %jit3A_251 : i32
      %rem3A_255 = arith.remsi %scan3A_230, %select_n3A_254 : i32
      %ne3A_256 = arith.constant 0 : i32
      %ne3A_257 = arith.cmpi ne, %rem3A_255, %ne3A_256 : i32
      %lt3A_258 = arith.constant 0 : i32
      %lt3A_259 = arith.cmpi slt, %rem3A_255, %lt3A_258 : i32
      %lt3A_260 = arith.constant 0 : i32
      %lt3A_261 = arith.cmpi slt, %select_n3A_254, %lt3A_260 : i32
      %ne3A_262 = arith.xori %lt3A_259, %lt3A_261 : i1
      %and3A_263 = arith.andi %ne3A_262, %ne3A_257 : i1
      %add3A_264 = arith.addi %rem3A_255, %select_n3A_254 : i32
      %select_n3A_265 = arith.select %and3A_263, %add3A_264, %rem3A_255 : i32
      %mul3A_266 = arith.constant 16 : i32
      %mul3A_267 = arith.muli %select_n3A_265, %mul3A_266 : i32
      %swap3A = arith.index_cast %select_n3A : i32 to index
      %swap3A_268 = arith.index_cast %mul3A_267 : i32 to index
      %swap3A_269 = tpu.vector_load %arg5[%swap3A, %swap3A_268] {strides = array<i32>} : memref<80x128xf32, #tpu.memory_space<vmem>>, vector<1x16xf32>,
      %swap3A_270 = vector.shape_cast %swap3A_269 : vector<1x16xf32> to vector<16xf32>
      %swap3A_271 = vector.shape_cast %broadcast_in_dim3A_232 : vector<16xf32> to vector<1x16xf32>
      tpu.vector_store %arg5[%swap3A, %swap3A_268], %swap3A_271 {strides = array<i32>} : memref<80x128xf32, #tpu.memory_space<vmem>>, vector<1x16xf32>,
      %scan3A_272 = arith.constant 0 : i32
      scf.yield %scan3A_272 : i32
    }
    %scan3A_97 = arith.constant 640 : i32
    %run_scoped3A = arith.constant 1 : i32
    "tpu.region"() ({
      %run_scoped3A_230 = tpu.sem_alloc : memref<!tpu.dma_semaphore, #tpu.memory_space<semaphore_mem>>
      %dma_start3A = arith.constant 0 : i32
      %dma_start3A_231 = arith.constant 0 : i32
      %dma_start3A_232 = tpu.memref_slice %arg2[%run_scoped3A, %arg1, %dma_start3A, %dma_start3A_231] : memref<2x16x125x80xi32, #tpu.memory_space<hbm>> -> memref<1x1x125x80xi32, #tpu.memory_space<hbm>>
      %dma_start3A_233 = tpu.memref_squeeze %dma_start3A_232 : memref<1x1x125x80xi32, #tpu.memory_space<hbm>> -> memref<125x80xi32, #tpu.memory_space<hbm>>
      %dma_start3A_234 = arith.constant 0 : i32
      %dma_start3A_235 = arith.constant 0 : i32
      %dma_start3A_236 = tpu.memref_slice %arg2[%run_scoped3A, %arg1, %dma_start3A_234, %dma_start3A_235] : memref<2x16x125x80xi32, #tpu.memory_space<hbm>> -> memref<1x1x125x80xi32, #tpu.memory_space<hbm>>
      %dma_start3A_237 = tpu.memref_squeeze %dma_start3A_236 : memref<1x1x125x80xi32, #tpu.memory_space<hbm>> -> memref<125x80xi32, #tpu.memory_space<hbm>>
      tpu.enqueue_dma source(%dma_start3A_237 : memref<125x80xi32, #tpu.memory_space<hbm>>) target(%arg4 : memref<125x80xi32, #tpu.memory_space<vmem>>) target_semaphore(%run_scoped3A_230 : memref<!tpu.dma_semaphore, #tpu.memory_space<semaphore_mem>>)
      %dma_wait3A = arith.constant 0 : i32
      %dma_wait3A_238 = arith.constant 0 : i32
      %dma_wait3A_239 = tpu.memref_slice %arg2[%run_scoped3A, %arg1, %dma_wait3A, %dma_wait3A_238] : memref<2x16x125x80xi32, #tpu.memory_space<hbm>> -> memref<1x1x125x80xi32, #tpu.memory_space<hbm>>
      %dma_wait3A_240 = tpu.memref_squeeze %dma_wait3A_239 : memref<1x1x125x80xi32, #tpu.memory_space<hbm>> -> memref<125x80xi32, #tpu.memory_space<hbm>>
      %dma_wait3A_241 = arith.constant 0 : i32
      %dma_wait3A_242 = arith.constant 0 : i32
      %dma_wait3A_243 = tpu.memref_slice %arg2[%run_scoped3A, %arg1, %dma_wait3A_241, %dma_wait3A_242] : memref<2x16x125x80xi32, #tpu.memory_space<hbm>> -> memref<1x1x125x80xi32, #tpu.memory_space<hbm>>
      %dma_wait3A_244 = tpu.memref_squeeze %dma_wait3A_243 : memref<1x1x125x80xi32, #tpu.memory_space<hbm>> -> memref<125x80xi32, #tpu.memory_space<hbm>>
      tpu.wait_dma2 semaphore(%run_scoped3A_230 : memref<!tpu.dma_semaphore, #tpu.memory_space<semaphore_mem>>) src(%dma_wait3A_244 : memref<125x80xi32, #tpu.memory_space<hbm>>) dst(%arg4 : memref<125x80xi32, #tpu.memory_space<vmem>>)
      tpu.yield
    }) : () -> ()
    %barrier3A = arith.constant 0 : index
    tpu.barrier barrier_id(%barrier3A)
    %mul3A_98 = arith.constant 62 : i32
    %mul3A_99 = arith.muli %arg0, %mul3A_98 : i32
    %add3A_100 = arith.constant 62 : i32
    %add3A_101 = arith.addi %mul3A_99, %add3A_100 : i32
    %mul3A_102 = arith.constant 1 : i32
    %mul3A_103 = arith.muli %arg0, %mul3A_102 : i32
    %add3A_104 = arith.addi %add3A_101, %mul3A_103 : i32
    %sub3A = arith.subi %add3A_104, %mul3A_99 : i32
    %sub3A_105 = arith.constant 1 : i32
    %sub3A_106 = arith.constant 1 : i32
    %sub3A_107 = arith.subi %sub3A_105, %sub3A_106 : i32
    %add3A_108 = arith.addi %sub3A, %sub3A_107 : i32
    %div3A = arith.constant 1 : i32
    %div3A_109 = arith.divsi %add3A_108, %div3A : i32
    %while3A = arith.constant 1 : i32
    %while3A_110 = arith.constant 0 : i32
    %while3A_111 = arith.subi %div3A_109, %while3A_110 : i32
    %while3A_112 = arith.addi %while3A_110, %while3A_111 : i32
    %while3A_113 = arith.constant 1 : i32
    %while3A_114 = arith.divsi %while3A_111, %while3A_113 : i32
    %while3A_115 = arith.muli %while3A_114, %while3A_113 : i32
    %while3A_116 = arith.addi %while3A_110, %while3A_115 : i32
    %while3A_117 = arith.constant 1 : i32
    scf.for %while3A_230 = %while3A_110 to %while3A_116 step %while3A_117  : i32 {
      %mul3A_231 = arith.muli %while3A_230, %while3A : i32
      %add3A_232 = arith.addi %mul3A_99, %mul3A_231 : i32
      "tpu.region"() ({
        %run_scoped3A_233 = tpu.sem_alloc : memref<!tpu.dma_semaphore, #tpu.memory_space<semaphore_mem>>
        %dma_start3A = arith.constant 0 : i32
        %dma_start3A_234 = tpu.memref_slice %arg4[%add3A_232, %dma_start3A] : memref<125x80xi32, #tpu.memory_space<vmem>> -> memref<1x80xi32, #tpu.memory_space<vmem>>
        %dma_start3A_235 = tpu.memref_squeeze %dma_start3A_234 : memref<1x80xi32, #tpu.memory_space<vmem>> -> memref<80xi32, #tpu.memory_space<vmem>>
        %dma_start3A_236 = arith.constant 0 : i32
        %dma_start3A_237 = arith.constant 0 : i32
        %dma_start3A_238 = tpu.memref_slice %arg7[%dma_start3A_236, %dma_start3A_237] : memref<10000x128xf32, #tpu.memory_space<vmem_shared>> -> memref<10000x128xf32, #tpu.memory_space<vmem_shared>>
        tpu.enqueue_indirect_dma source(%arg5 : memref<80x128xf32, #tpu.memory_space<vmem>>) target(%dma_start3A_238 : memref<10000x128xf32, #tpu.memory_space<vmem_shared>>) offsets(%dma_start3A_235 : memref<80xi32, #tpu.memory_space<vmem>>) semaphore(%run_scoped3A_233 : memref<!tpu.dma_semaphore, #tpu.memory_space<semaphore_mem>>) {add = true}
        %dma_wait3A = arith.constant 0 : i32
        %dma_wait3A_239 = tpu.memref_slice %arg4[%add3A_232, %dma_wait3A] : memref<125x80xi32, #tpu.memory_space<vmem>> -> memref<1x80xi32, #tpu.memory_space<vmem>>
        %dma_wait3A_240 = tpu.memref_squeeze %dma_wait3A_239 : memref<1x80xi32, #tpu.memory_space<vmem>> -> memref<80xi32, #tpu.memory_space<vmem>>
        %dma_wait3A_241 = arith.constant 0 : i32
        %dma_wait3A_242 = arith.constant 0 : i32
        %dma_wait3A_243 = tpu.memref_slice %arg7[%dma_wait3A_241, %dma_wait3A_242] : memref<10000x128xf32, #tpu.memory_space<vmem_shared>> -> memref<10000x128xf32, #tpu.memory_space<vmem_shared>>
        tpu.wait_indirect_dma semaphore(%run_scoped3A_233 : memref<!tpu.dma_semaphore, #tpu.memory_space<semaphore_mem>>) src(%arg5 : memref<80x128xf32, #tpu.memory_space<vmem>>) dst(%dma_wait3A_243 : memref<10000x128xf32, #tpu.memory_space<vmem_shared>>)
        tpu.yield
      }) : () -> ()
    }
    %while3A_118 = arith.constant 1 : i32
    scf.for %while3A_230 = %while3A_116 to %while3A_112 step %while3A_118  : i32 {
      %mul3A_231 = arith.muli %while3A_230, %while3A : i32
      %add3A_232 = arith.addi %mul3A_99, %mul3A_231 : i32
      "tpu.region"() ({
        %run_scoped3A_233 = tpu.sem_alloc : memref<!tpu.dma_semaphore, #tpu.memory_space<semaphore_mem>>
        %dma_start3A = arith.constant 0 : i32
        %dma_start3A_234 = tpu.memref_slice %arg4[%add3A_232, %dma_start3A] : memref<125x80xi32, #tpu.memory_space<vmem>> -> memref<1x80xi32, #tpu.memory_space<vmem>>
        %dma_start3A_235 = tpu.memref_squeeze %dma_start3A_234 : memref<1x80xi32, #tpu.memory_space<vmem>> -> memref<80xi32, #tpu.memory_space<vmem>>
        %dma_start3A_236 = arith.constant 0 : i32
        %dma_start3A_237 = arith.constant 0 : i32
        %dma_start3A_238 = tpu.memref_slice %arg7[%dma_start3A_236, %dma_start3A_237] : memref<10000x128xf32, #tpu.memory_space<vmem_shared>> -> memref<10000x128xf32, #tpu.memory_space<vmem_shared>>
        tpu.enqueue_indirect_dma source(%arg5 : memref<80x128xf32, #tpu.memory_space<vmem>>) target(%dma_start3A_238 : memref<10000x128xf32, #tpu.memory_space<vmem_shared>>) offsets(%dma_start3A_235 : memref<80xi32, #tpu.memory_space<vmem>>) semaphore(%run_scoped3A_233 : memref<!tpu.dma_semaphore, #tpu.memory_space<semaphore_mem>>) {add = true}
        %dma_wait3A = arith.constant 0 : i32
        %dma_wait3A_239 = tpu.memref_slice %arg4[%add3A_232, %dma_wait3A] : memref<125x80xi32, #tpu.memory_space<vmem>> -> memref<1x80xi32, #tpu.memory_space<vmem>>
        %dma_wait3A_240 = tpu.memref_squeeze %dma_wait3A_239 : memref<1x80xi32, #tpu.memory_space<vmem>> -> memref<80xi32, #tpu.memory_space<vmem>>
        %dma_wait3A_241 = arith.constant 0 : i32
        %dma_wait3A_242 = arith.constant 0 : i32
        %dma_wait3A_243 = tpu.memref_slice %arg7[%dma_wait3A_241, %dma_wait3A_242] : memref<10000x128xf32, #tpu.memory_space<vmem_shared>> -> memref<10000x128xf32, #tpu.memory_space<vmem_shared>>
        tpu.wait_indirect_dma semaphore(%run_scoped3A_233 : memref<!tpu.dma_semaphore, #tpu.memory_space<semaphore_mem>>) src(%arg5 : memref<80x128xf32, #tpu.memory_space<vmem>>) dst(%dma_wait3A_243 : memref<10000x128xf32, #tpu.memory_space<vmem_shared>>)
        tpu.yield
      }) : () -> ()
    }
    %barrier3A_119 = arith.constant 0 : index
    tpu.barrier barrier_id(%barrier3A_119)
    %mul3A_120 = arith.constant 16 : i32
    %mul3A_121 = arith.muli %arg1, %mul3A_120 : i32
    %add3A_122 = arith.constant 0 : i32
    %add3A_123 = arith.addi %mul3A_121, %add3A_122 : i32
    %mul3A_124 = arith.constant 40 : i32
    %mul3A_125 = arith.muli %add3A_123, %mul3A_124 : i32
    %mul3A_126 = arith.constant 40 : i32
    %mul3A_127 = arith.muli %add3A_123, %mul3A_126 : i32
    "tpu.region"() ({
      %run_scoped3A_230 = tpu.sem_alloc : memref<!tpu.dma_semaphore, #tpu.memory_space<semaphore_mem>>
      %dma_start3A = arith.constant 0 : i32
      %dma_start3A_231 = arith.constant 0 : i32
      %dma_start3A_232 = tpu.memref_slice %arg3[%arg0, %dma_start3A, %dma_start3A_231] : memref<2x10000x128xf32, #tpu.memory_space<hbm>> -> memref<1x10000x128xf32, #tpu.memory_space<hbm>>
      %dma_start3A_233 = tpu.memref_squeeze %dma_start3A_232 : memref<1x10000x128xf32, #tpu.memory_space<hbm>> -> memref<10000x128xf32, #tpu.memory_space<hbm>>
      %dma_start3A_234 = arith.constant 0 : i32
      %dma_start3A_235 = tpu.memref_slice %dma_start3A_233[%mul3A_127, %dma_start3A_234] : memref<10000x128xf32, #tpu.memory_space<hbm>> -> memref<40x128xf32, #tpu.memory_space<hbm>>
      %dma_start3A_236 = arith.constant 0 : i32
      %dma_start3A_237 = tpu.memref_slice %arg7[%mul3A_125, %dma_start3A_236] : memref<10000x128xf32, #tpu.memory_space<vmem_shared>> -> memref<40x128xf32, #tpu.memory_space<vmem_shared>>
      tpu.enqueue_dma source(%dma_start3A_237 : memref<40x128xf32, #tpu.memory_space<vmem_shared>>) target(%dma_start3A_235 : memref<40x128xf32, #tpu.memory_space<hbm>>) target_semaphore(%run_scoped3A_230 : memref<!tpu.dma_semaphore, #tpu.memory_space<semaphore_mem>>)
      %dma_wait3A = arith.constant 0 : i32
      %dma_wait3A_238 = arith.constant 0 : i32
      %dma_wait3A_239 = tpu.memref_slice %arg3[%arg0, %dma_wait3A, %dma_wait3A_238] : memref<2x10000x128xf32, #tpu.memory_space<hbm>> -> memref<1x10000x128xf32, #tpu.memory_space<hbm>>
      %dma_wait3A_240 = tpu.memref_squeeze %dma_wait3A_239 : memref<1x10000x128xf32, #tpu.memory_space<hbm>> -> memref<10000x128xf32, #tpu.memory_space<hbm>>
      %dma_wait3A_241 = arith.constant 0 : i32
      %dma_wait3A_242 = tpu.memref_slice %dma_wait3A_240[%mul3A_127, %dma_wait3A_241] : memref<10000x128xf32, #tpu.memory_space<hbm>> -> memref<40x128xf32, #tpu.memory_space<hbm>>
      %dma_wait3A_243 = arith.constant 0 : i32
      %dma_wait3A_244 = tpu.memref_slice %arg7[%mul3A_125, %dma_wait3A_243] : memref<10000x128xf32, #tpu.memory_space<vmem_shared>> -> memref<40x128xf32, #tpu.memory_space<vmem_shared>>
      tpu.wait_dma2 semaphore(%run_scoped3A_230 : memref<!tpu.dma_semaphore, #tpu.memory_space<semaphore_mem>>) src(%dma_wait3A_244 : memref<40x128xf32, #tpu.memory_space<vmem_shared>>) dst(%dma_wait3A_242 : memref<40x128xf32, #tpu.memory_space<hbm>>)
      tpu.yield
    }) : () -> ()
    %mul3A_128 = arith.constant 16 : i32
    %mul3A_129 = arith.muli %arg1, %mul3A_128 : i32
    %add3A_130 = arith.constant 1 : i32
    %add3A_131 = arith.addi %mul3A_129, %add3A_130 : i32
    %mul3A_132 = arith.constant 40 : i32
    %mul3A_133 = arith.muli %add3A_131, %mul3A_132 : i32
    %mul3A_134 = arith.constant 40 : i32
    %mul3A_135 = arith.muli %add3A_131, %mul3A_134 : i32
    "tpu.region"() ({
      %run_scoped3A_230 = tpu.sem_alloc : memref<!tpu.dma_semaphore, #tpu.memory_space<semaphore_mem>>
      %dma_start3A = arith.constant 0 : i32
      %dma_start3A_231 = arith.constant 0 : i32
      %dma_start3A_232 = tpu.memref_slice %arg3[%arg0, %dma_start3A, %dma_start3A_231] : memref<2x10000x128xf32, #tpu.memory_space<hbm>> -> memref<1x10000x128xf32, #tpu.memory_space<hbm>>
      %dma_start3A_233 = tpu.memref_squeeze %dma_start3A_232 : memref<1x10000x128xf32, #tpu.memory_space<hbm>> -> memref<10000x128xf32, #tpu.memory_space<hbm>>
      %dma_start3A_234 = arith.constant 0 : i32
      %dma_start3A_235 = tpu.memref_slice %dma_start3A_233[%mul3A_135, %dma_start3A_234] : memref<10000x128xf32, #tpu.memory_space<hbm>> -> memref<40x128xf32, #tpu.memory_space<hbm>>
      %dma_start3A_236 = arith.constant 0 : i32
      %dma_start3A_237 = tpu.memref_slice %arg7[%mul3A_133, %dma_start3A_236] : memref<10000x128xf32, #tpu.memory_space<vmem_shared>> -> memref<40x128xf32, #tpu.memory_space<vmem_shared>>
      tpu.enqueue_dma source(%dma_start3A_237 : memref<40x128xf32, #tpu.memory_space<vmem_shared>>) target(%dma_start3A_235 : memref<40x128xf32, #tpu.memory_space<hbm>>) target_semaphore(%run_scoped3A_230 : memref<!tpu.dma_semaphore, #tpu.memory_space<semaphore_mem>>)
      %dma_wait3A = arith.constant 0 : i32
      %dma_wait3A_238 = arith.constant 0 : i32
      %dma_wait3A_239 = tpu.memref_slice %arg3[%arg0, %dma_wait3A, %dma_wait3A_238] : memref<2x10000x128xf32, #tpu.memory_space<hbm>> -> memref<1x10000x128xf32, #tpu.memory_space<hbm>>
      %dma_wait3A_240 = tpu.memref_squeeze %dma_wait3A_239 : memref<1x10000x128xf32, #tpu.memory_space<hbm>> -> memref<10000x128xf32, #tpu.memory_space<hbm>>
      %dma_wait3A_241 = arith.constant 0 : i32
      %dma_wait3A_242 = tpu.memref_slice %dma_wait3A_240[%mul3A_135, %dma_wait3A_241] : memref<10000x128xf32, #tpu.memory_space<hbm>> -> memref<40x128xf32, #tpu.memory_space<hbm>>
      %dma_wait3A_243 = arith.constant 0 : i32
      %dma_wait3A_244 = tpu.memref_slice %arg7[%mul3A_133, %dma_wait3A_243] : memref<10000x128xf32, #tpu.memory_space<vmem_shared>> -> memref<40x128xf32, #tpu.memory_space<vmem_shared>>
      tpu.wait_dma2 semaphore(%run_scoped3A_230 : memref<!tpu.dma_semaphore, #tpu.memory_space<semaphore_mem>>) src(%dma_wait3A_244 : memref<40x128xf32, #tpu.memory_space<vmem_shared>>) dst(%dma_wait3A_242 : memref<40x128xf32, #tpu.memory_space<hbm>>)
      tpu.yield
    }) : () -> ()
    %mul3A_136 = arith.constant 16 : i32
    %mul3A_137 = arith.muli %arg1, %mul3A_136 : i32
    %add3A_138 = arith.constant 2 : i32
    %add3A_139 = arith.addi %mul3A_137, %add3A_138 : i32
    %mul3A_140 = arith.constant 40 : i32
    %mul3A_141 = arith.muli %add3A_139, %mul3A_140 : i32
    %mul3A_142 = arith.constant 40 : i32
    %mul3A_143 = arith.muli %add3A_139, %mul3A_142 : i32
    "tpu.region"() ({
      %run_scoped3A_230 = tpu.sem_alloc : memref<!tpu.dma_semaphore, #tpu.memory_space<semaphore_mem>>
      %dma_start3A = arith.constant 0 : i32
      %dma_start3A_231 = arith.constant 0 : i32
      %dma_start3A_232 = tpu.memref_slice %arg3[%arg0, %dma_start3A, %dma_start3A_231] : memref<2x10000x128xf32, #tpu.memory_space<hbm>> -> memref<1x10000x128xf32, #tpu.memory_space<hbm>>
      %dma_start3A_233 = tpu.memref_squeeze %dma_start3A_232 : memref<1x10000x128xf32, #tpu.memory_space<hbm>> -> memref<10000x128xf32, #tpu.memory_space<hbm>>
      %dma_start3A_234 = arith.constant 0 : i32
      %dma_start3A_235 = tpu.memref_slice %dma_start3A_233[%mul3A_143, %dma_start3A_234] : memref<10000x128xf32, #tpu.memory_space<hbm>> -> memref<40x128xf32, #tpu.memory_space<hbm>>
      %dma_start3A_236 = arith.constant 0 : i32
      %dma_start3A_237 = tpu.memref_slice %arg7[%mul3A_141, %dma_start3A_236] : memref<10000x128xf32, #tpu.memory_space<vmem_shared>> -> memref<40x128xf32, #tpu.memory_space<vmem_shared>>
      tpu.enqueue_dma source(%dma_start3A_237 : memref<40x128xf32, #tpu.memory_space<vmem_shared>>) target(%dma_start3A_235 : memref<40x128xf32, #tpu.memory_space<hbm>>) target_semaphore(%run_scoped3A_230 : memref<!tpu.dma_semaphore, #tpu.memory_space<semaphore_mem>>)
      %dma_wait3A = arith.constant 0 : i32
      %dma_wait3A_238 = arith.constant 0 : i32
      %dma_wait3A_239 = tpu.memref_slice %arg3[%arg0, %dma_wait3A, %dma_wait3A_238] : memref<2x10000x128xf32, #tpu.memory_space<hbm>> -> memref<1x10000x128xf32, #tpu.memory_space<hbm>>
      %dma_wait3A_240 = tpu.memref_squeeze %dma_wait3A_239 : memref<1x10000x128xf32, #tpu.memory_space<hbm>> -> memref<10000x128xf32, #tpu.memory_space<hbm>>
      %dma_wait3A_241 = arith.constant 0 : i32
      %dma_wait3A_242 = tpu.memref_slice %dma_wait3A_240[%mul3A_143, %dma_wait3A_241] : memref<10000x128xf32, #tpu.memory_space<hbm>> -> memref<40x128xf32, #tpu.memory_space<hbm>>
      %dma_wait3A_243 = arith.constant 0 : i32
      %dma_wait3A_244 = tpu.memref_slice %arg7[%mul3A_141, %dma_wait3A_243] : memref<10000x128xf32, #tpu.memory_space<vmem_shared>> -> memref<40x128xf32, #tpu.memory_space<vmem_shared>>
      tpu.wait_dma2 semaphore(%run_scoped3A_230 : memref<!tpu.dma_semaphore, #tpu.memory_space<semaphore_mem>>) src(%dma_wait3A_244 : memref<40x128xf32, #tpu.memory_space<vmem_shared>>) dst(%dma_wait3A_242 : memref<40x128xf32, #tpu.memory_space<hbm>>)
      tpu.yield
    }) : () -> ()
    %mul3A_144 = arith.constant 16 : i32
    %mul3A_145 = arith.muli %arg1, %mul3A_144 : i32
    %add3A_146 = arith.constant 3 : i32
    %add3A_147 = arith.addi %mul3A_145, %add3A_146 : i32
    %mul3A_148 = arith.constant 40 : i32
    %mul3A_149 = arith.muli %add3A_147, %mul3A_148 : i32
    %mul3A_150 = arith.constant 40 : i32
    %mul3A_151 = arith.muli %add3A_147, %mul3A_150 : i32
    "tpu.region"() ({
      %run_scoped3A_230 = tpu.sem_alloc : memref<!tpu.dma_semaphore, #tpu.memory_space<semaphore_mem>>
      %dma_start3A = arith.constant 0 : i32
      %dma_start3A_231 = arith.constant 0 : i32
      %dma_start3A_232 = tpu.memref_slice %arg3[%arg0, %dma_start3A, %dma_start3A_231] : memref<2x10000x128xf32, #tpu.memory_space<hbm>> -> memref<1x10000x128xf32, #tpu.memory_space<hbm>>
      %dma_start3A_233 = tpu.memref_squeeze %dma_start3A_232 : memref<1x10000x128xf32, #tpu.memory_space<hbm>> -> memref<10000x128xf32, #tpu.memory_space<hbm>>
      %dma_start3A_234 = arith.constant 0 : i32
      %dma_start3A_235 = tpu.memref_slice %dma_start3A_233[%mul3A_151, %dma_start3A_234] : memref<10000x128xf32, #tpu.memory_space<hbm>> -> memref<40x128xf32, #tpu.memory_space<hbm>>
      %dma_start3A_236 = arith.constant 0 : i32
      %dma_start3A_237 = tpu.memref_slice %arg7[%mul3A_149, %dma_start3A_236] : memref<10000x128xf32, #tpu.memory_space<vmem_shared>> -> memref<40x128xf32, #tpu.memory_space<vmem_shared>>
      tpu.enqueue_dma source(%dma_start3A_237 : memref<40x128xf32, #tpu.memory_space<vmem_shared>>) target(%dma_start3A_235 : memref<40x128xf32, #tpu.memory_space<hbm>>) target_semaphore(%run_scoped3A_230 : memref<!tpu.dma_semaphore, #tpu.memory_space<semaphore_mem>>)
      %dma_wait3A = arith.constant 0 : i32
      %dma_wait3A_238 = arith.constant 0 : i32
      %dma_wait3A_239 = tpu.memref_slice %arg3[%arg0, %dma_wait3A, %dma_wait3A_238] : memref<2x10000x128xf32, #tpu.memory_space<hbm>> -> memref<1x10000x128xf32, #tpu.memory_space<hbm>>
      %dma_wait3A_240 = tpu.memref_squeeze %dma_wait3A_239 : memref<1x10000x128xf32, #tpu.memory_space<hbm>> -> memref<10000x128xf32, #tpu.memory_space<hbm>>
      %dma_wait3A_241 = arith.constant 0 : i32
      %dma_wait3A_242 = tpu.memref_slice %dma_wait3A_240[%mul3A_151, %dma_wait3A_241] : memref<10000x128xf32, #tpu.memory_space<hbm>> -> memref<40x128xf32, #tpu.memory_space<hbm>>
      %dma_wait3A_243 = arith.constant 0 : i32
      %dma_wait3A_244 = tpu.memref_slice %arg7[%mul3A_149, %dma_wait3A_243] : memref<10000x128xf32, #tpu.memory_space<vmem_shared>> -> memref<40x128xf32, #tpu.memory_space<vmem_shared>>
      tpu.wait_dma2 semaphore(%run_scoped3A_230 : memref<!tpu.dma_semaphore, #tpu.memory_space<semaphore_mem>>) src(%dma_wait3A_244 : memref<40x128xf32, #tpu.memory_space<vmem_shared>>) dst(%dma_wait3A_242 : memref<40x128xf32, #tpu.memory_space<hbm>>)
      tpu.yield
    }) : () -> ()
    %mul3A_152 = arith.constant 16 : i32
    %mul3A_153 = arith.muli %arg1, %mul3A_152 : i32
    %add3A_154 = arith.constant 4 : i32
    %add3A_155 = arith.addi %mul3A_153, %add3A_154 : i32
    %mul3A_156 = arith.constant 40 : i32
    %mul3A_157 = arith.muli %add3A_155, %mul3A_156 : i32
    %mul3A_158 = arith.constant 40 : i32
    %mul3A_159 = arith.muli %add3A_155, %mul3A_158 : i32
    "tpu.region"() ({
      %run_scoped3A_230 = tpu.sem_alloc : memref<!tpu.dma_semaphore, #tpu.memory_space<semaphore_mem>>
      %dma_start3A = arith.constant 0 : i32
      %dma_start3A_231 = arith.constant 0 : i32
      %dma_start3A_232 = tpu.memref_slice %arg3[%arg0, %dma_start3A, %dma_start3A_231] : memref<2x10000x128xf32, #tpu.memory_space<hbm>> -> memref<1x10000x128xf32, #tpu.memory_space<hbm>>
      %dma_start3A_233 = tpu.memref_squeeze %dma_start3A_232 : memref<1x10000x128xf32, #tpu.memory_space<hbm>> -> memref<10000x128xf32, #tpu.memory_space<hbm>>
      %dma_start3A_234 = arith.constant 0 : i32
      %dma_start3A_235 = tpu.memref_slice %dma_start3A_233[%mul3A_159, %dma_start3A_234] : memref<10000x128xf32, #tpu.memory_space<hbm>> -> memref<40x128xf32, #tpu.memory_space<hbm>>
      %dma_start3A_236 = arith.constant 0 : i32
      %dma_start3A_237 = tpu.memref_slice %arg7[%mul3A_157, %dma_start3A_236] : memref<10000x128xf32, #tpu.memory_space<vmem_shared>> -> memref<40x128xf32, #tpu.memory_space<vmem_shared>>
      tpu.enqueue_dma source(%dma_start3A_237 : memref<40x128xf32, #tpu.memory_space<vmem_shared>>) target(%dma_start3A_235 : memref<40x128xf32, #tpu.memory_space<hbm>>) target_semaphore(%run_scoped3A_230 : memref<!tpu.dma_semaphore, #tpu.memory_space<semaphore_mem>>)
      %dma_wait3A = arith.constant 0 : i32
      %dma_wait3A_238 = arith.constant 0 : i32
      %dma_wait3A_239 = tpu.memref_slice %arg3[%arg0, %dma_wait3A, %dma_wait3A_238] : memref<2x10000x128xf32, #tpu.memory_space<hbm>> -> memref<1x10000x128xf32, #tpu.memory_space<hbm>>
      %dma_wait3A_240 = tpu.memref_squeeze %dma_wait3A_239 : memref<1x10000x128xf32, #tpu.memory_space<hbm>> -> memref<10000x128xf32, #tpu.memory_space<hbm>>
      %dma_wait3A_241 = arith.constant 0 : i32
      %dma_wait3A_242 = tpu.memref_slice %dma_wait3A_240[%mul3A_159, %dma_wait3A_241] : memref<10000x128xf32, #tpu.memory_space<hbm>> -> memref<40x128xf32, #tpu.memory_space<hbm>>
      %dma_wait3A_243 = arith.constant 0 : i32
      %dma_wait3A_244 = tpu.memref_slice %arg7[%mul3A_157, %dma_wait3A_243] : memref<10000x128xf32, #tpu.memory_space<vmem_shared>> -> memref<40x128xf32, #tpu.memory_space<vmem_shared>>
      tpu.wait_dma2 semaphore(%run_scoped3A_230 : memref<!tpu.dma_semaphore, #tpu.memory_space<semaphore_mem>>) src(%dma_wait3A_244 : memref<40x128xf32, #tpu.memory_space<vmem_shared>>) dst(%dma_wait3A_242 : memref<40x128xf32, #tpu.memory_space<hbm>>)
      tpu.yield
    }) : () -> ()
    %mul3A_160 = arith.constant 16 : i32
    %mul3A_161 = arith.muli %arg1, %mul3A_160 : i32
    %add3A_162 = arith.constant 5 : i32
    %add3A_163 = arith.addi %mul3A_161, %add3A_162 : i32
    %mul3A_164 = arith.constant 40 : i32
    %mul3A_165 = arith.muli %add3A_163, %mul3A_164 : i32
    %mul3A_166 = arith.constant 40 : i32
    %mul3A_167 = arith.muli %add3A_163, %mul3A_166 : i32
    "tpu.region"() ({
      %run_scoped3A_230 = tpu.sem_alloc : memref<!tpu.dma_semaphore, #tpu.memory_space<semaphore_mem>>
      %dma_start3A = arith.constant 0 : i32
      %dma_start3A_231 = arith.constant 0 : i32
      %dma_start3A_232 = tpu.memref_slice %arg3[%arg0, %dma_start3A, %dma_start3A_231] : memref<2x10000x128xf32, #tpu.memory_space<hbm>> -> memref<1x10000x128xf32, #tpu.memory_space<hbm>>
      %dma_start3A_233 = tpu.memref_squeeze %dma_start3A_232 : memref<1x10000x128xf32, #tpu.memory_space<hbm>> -> memref<10000x128xf32, #tpu.memory_space<hbm>>
      %dma_start3A_234 = arith.constant 0 : i32
      %dma_start3A_235 = tpu.memref_slice %dma_start3A_233[%mul3A_167, %dma_start3A_234] : memref<10000x128xf32, #tpu.memory_space<hbm>> -> memref<40x128xf32, #tpu.memory_space<hbm>>
      %dma_start3A_236 = arith.constant 0 : i32
      %dma_start3A_237 = tpu.memref_slice %arg7[%mul3A_165, %dma_start3A_236] : memref<10000x128xf32, #tpu.memory_space<vmem_shared>> -> memref<40x128xf32, #tpu.memory_space<vmem_shared>>
      tpu.enqueue_dma source(%dma_start3A_237 : memref<40x128xf32, #tpu.memory_space<vmem_shared>>) target(%dma_start3A_235 : memref<40x128xf32, #tpu.memory_space<hbm>>) target_semaphore(%run_scoped3A_230 : memref<!tpu.dma_semaphore, #tpu.memory_space<semaphore_mem>>)
      %dma_wait3A = arith.constant 0 : i32
      %dma_wait3A_238 = arith.constant 0 : i32
      %dma_wait3A_239 = tpu.memref_slice %arg3[%arg0, %dma_wait3A, %dma_wait3A_238] : memref<2x10000x128xf32, #tpu.memory_space<hbm>> -> memref<1x10000x128xf32, #tpu.memory_space<hbm>>
      %dma_wait3A_240 = tpu.memref_squeeze %dma_wait3A_239 : memref<1x10000x128xf32, #tpu.memory_space<hbm>> -> memref<10000x128xf32, #tpu.memory_space<hbm>>
      %dma_wait3A_241 = arith.constant 0 : i32
      %dma_wait3A_242 = tpu.memref_slice %dma_wait3A_240[%mul3A_167, %dma_wait3A_241] : memref<10000x128xf32, #tpu.memory_space<hbm>> -> memref<40x128xf32, #tpu.memory_space<hbm>>
      %dma_wait3A_243 = arith.constant 0 : i32
      %dma_wait3A_244 = tpu.memref_slice %arg7[%mul3A_165, %dma_wait3A_243] : memref<10000x128xf32, #tpu.memory_space<vmem_shared>> -> memref<40x128xf32, #tpu.memory_space<vmem_shared>>
      tpu.wait_dma2 semaphore(%run_scoped3A_230 : memref<!tpu.dma_semaphore, #tpu.memory_space<semaphore_mem>>) src(%dma_wait3A_244 : memref<40x128xf32, #tpu.memory_space<vmem_shared>>) dst(%dma_wait3A_242 : memref<40x128xf32, #tpu.memory_space<hbm>>)
      tpu.yield
    }) : () -> ()
    %mul3A_168 = arith.constant 16 : i32
    %mul3A_169 = arith.muli %arg1, %mul3A_168 : i32
    %add3A_170 = arith.constant 6 : i32
    %add3A_171 = arith.addi %mul3A_169, %add3A_170 : i32
    %mul3A_172 = arith.constant 40 : i32
    %mul3A_173 = arith.muli %add3A_171, %mul3A_172 : i32
    %mul3A_174 = arith.constant 40 : i32
    %mul3A_175 = arith.muli %add3A_171, %mul3A_174 : i32
    "tpu.region"() ({
      %run_scoped3A_230 = tpu.sem_alloc : memref<!tpu.dma_semaphore, #tpu.memory_space<semaphore_mem>>
      %dma_start3A = arith.constant 0 : i32
      %dma_start3A_231 = arith.constant 0 : i32
      %dma_start3A_232 = tpu.memref_slice %arg3[%arg0, %dma_start3A, %dma_start3A_231] : memref<2x10000x128xf32, #tpu.memory_space<hbm>> -> memref<1x10000x128xf32, #tpu.memory_space<hbm>>
      %dma_start3A_233 = tpu.memref_squeeze %dma_start3A_232 : memref<1x10000x128xf32, #tpu.memory_space<hbm>> -> memref<10000x128xf32, #tpu.memory_space<hbm>>
      %dma_start3A_234 = arith.constant 0 : i32
      %dma_start3A_235 = tpu.memref_slice %dma_start3A_233[%mul3A_175, %dma_start3A_234] : memref<10000x128xf32, #tpu.memory_space<hbm>> -> memref<40x128xf32, #tpu.memory_space<hbm>>
      %dma_start3A_236 = arith.constant 0 : i32
      %dma_start3A_237 = tpu.memref_slice %arg7[%mul3A_173, %dma_start3A_236] : memref<10000x128xf32, #tpu.memory_space<vmem_shared>> -> memref<40x128xf32, #tpu.memory_space<vmem_shared>>
      tpu.enqueue_dma source(%dma_start3A_237 : memref<40x128xf32, #tpu.memory_space<vmem_shared>>) target(%dma_start3A_235 : memref<40x128xf32, #tpu.memory_space<hbm>>) target_semaphore(%run_scoped3A_230 : memref<!tpu.dma_semaphore, #tpu.memory_space<semaphore_mem>>)
      %dma_wait3A = arith.constant 0 : i32
      %dma_wait3A_238 = arith.constant 0 : i32
      %dma_wait3A_239 = tpu.memref_slice %arg3[%arg0, %dma_wait3A, %dma_wait3A_238] : memref<2x10000x128xf32, #tpu.memory_space<hbm>> -> memref<1x10000x128xf32, #tpu.memory_space<hbm>>
      %dma_wait3A_240 = tpu.memref_squeeze %dma_wait3A_239 : memref<1x10000x128xf32, #tpu.memory_space<hbm>> -> memref<10000x128xf32, #tpu.memory_space<hbm>>
      %dma_wait3A_241 = arith.constant 0 : i32
      %dma_wait3A_242 = tpu.memref_slice %dma_wait3A_240[%mul3A_175, %dma_wait3A_241] : memref<10000x128xf32, #tpu.memory_space<hbm>> -> memref<40x128xf32, #tpu.memory_space<hbm>>
      %dma_wait3A_243 = arith.constant 0 : i32
      %dma_wait3A_244 = tpu.memref_slice %arg7[%mul3A_173, %dma_wait3A_243] : memref<10000x128xf32, #tpu.memory_space<vmem_shared>> -> memref<40x128xf32, #tpu.memory_space<vmem_shared>>
      tpu.wait_dma2 semaphore(%run_scoped3A_230 : memref<!tpu.dma_semaphore, #tpu.memory_space<semaphore_mem>>) src(%dma_wait3A_244 : memref<40x128xf32, #tpu.memory_space<vmem_shared>>) dst(%dma_wait3A_242 : memref<40x128xf32, #tpu.memory_space<hbm>>)
      tpu.yield
    }) : () -> ()
    %mul3A_176 = arith.constant 16 : i32
    %mul3A_177 = arith.muli %arg1, %mul3A_176 : i32
    %add3A_178 = arith.constant 7 : i32
    %add3A_179 = arith.addi %mul3A_177, %add3A_178 : i32
    %mul3A_180 = arith.constant 40 : i32
    %mul3A_181 = arith.muli %add3A_179, %mul3A_180 : i32
    %mul3A_182 = arith.constant 40 : i32
    %mul3A_183 = arith.muli %add3A_179, %mul3A_182 : i32
    "tpu.region"() ({
      %run_scoped3A_230 = tpu.sem_alloc : memref<!tpu.dma_semaphore, #tpu.memory_space<semaphore_mem>>
      %dma_start3A = arith.constant 0 : i32
      %dma_start3A_231 = arith.constant 0 : i32
      %dma_start3A_232 = tpu.memref_slice %arg3[%arg0, %dma_start3A, %dma_start3A_231] : memref<2x10000x128xf32, #tpu.memory_space<hbm>> -> memref<1x10000x128xf32, #tpu.memory_space<hbm>>
      %dma_start3A_233 = tpu.memref_squeeze %dma_start3A_232 : memref<1x10000x128xf32, #tpu.memory_space<hbm>> -> memref<10000x128xf32, #tpu.memory_space<hbm>>
      %dma_start3A_234 = arith.constant 0 : i32
      %dma_start3A_235 = tpu.memref_slice %dma_start3A_233[%mul3A_183, %dma_start3A_234] : memref<10000x128xf32, #tpu.memory_space<hbm>> -> memref<40x128xf32, #tpu.memory_space<hbm>>
      %dma_start3A_236 = arith.constant 0 : i32
      %dma_start3A_237 = tpu.memref_slice %arg7[%mul3A_181, %dma_start3A_236] : memref<10000x128xf32, #tpu.memory_space<vmem_shared>> -> memref<40x128xf32, #tpu.memory_space<vmem_shared>>
      tpu.enqueue_dma source(%dma_start3A_237 : memref<40x128xf32, #tpu.memory_space<vmem_shared>>) target(%dma_start3A_235 : memref<40x128xf32, #tpu.memory_space<hbm>>) target_semaphore(%run_scoped3A_230 : memref<!tpu.dma_semaphore, #tpu.memory_space<semaphore_mem>>)
      %dma_wait3A = arith.constant 0 : i32
      %dma_wait3A_238 = arith.constant 0 : i32
      %dma_wait3A_239 = tpu.memref_slice %arg3[%arg0, %dma_wait3A, %dma_wait3A_238] : memref<2x10000x128xf32, #tpu.memory_space<hbm>> -> memref<1x10000x128xf32, #tpu.memory_space<hbm>>
      %dma_wait3A_240 = tpu.memref_squeeze %dma_wait3A_239 : memref<1x10000x128xf32, #tpu.memory_space<hbm>> -> memref<10000x128xf32, #tpu.memory_space<hbm>>
      %dma_wait3A_241 = arith.constant 0 : i32
      %dma_wait3A_242 = tpu.memref_slice %dma_wait3A_240[%mul3A_183, %dma_wait3A_241] : memref<10000x128xf32, #tpu.memory_space<hbm>> -> memref<40x128xf32, #tpu.memory_space<hbm>>
      %dma_wait3A_243 = arith.constant 0 : i32
      %dma_wait3A_244 = tpu.memref_slice %arg7[%mul3A_181, %dma_wait3A_243] : memref<10000x128xf32, #tpu.memory_space<vmem_shared>> -> memref<40x128xf32, #tpu.memory_space<vmem_shared>>
      tpu.wait_dma2 semaphore(%run_scoped3A_230 : memref<!tpu.dma_semaphore, #tpu.memory_space<semaphore_mem>>) src(%dma_wait3A_244 : memref<40x128xf32, #tpu.memory_space<vmem_shared>>) dst(%dma_wait3A_242 : memref<40x128xf32, #tpu.memory_space<hbm>>)
      tpu.yield
    }) : () -> ()
    %mul3A_184 = arith.constant 16 : i32
    %mul3A_185 = arith.muli %arg1, %mul3A_184 : i32
    %add3A_186 = arith.constant 8 : i32
    %add3A_187 = arith.addi %mul3A_185, %add3A_186 : i32
    %mul3A_188 = arith.constant 40 : i32
    %mul3A_189 = arith.muli %add3A_187, %mul3A_188 : i32
    %mul3A_190 = arith.constant 40 : i32
    %mul3A_191 = arith.muli %add3A_187, %mul3A_190 : i32
    "tpu.region"() ({
      %run_scoped3A_230 = tpu.sem_alloc : memref<!tpu.dma_semaphore, #tpu.memory_space<semaphore_mem>>
      %dma_start3A = arith.constant 0 : i32
      %dma_start3A_231 = arith.constant 0 : i32
      %dma_start3A_232 = tpu.memref_slice %arg3[%arg0, %dma_start3A, %dma_start3A_231] : memref<2x10000x128xf32, #tpu.memory_space<hbm>> -> memref<1x10000x128xf32, #tpu.memory_space<hbm>>
      %dma_start3A_233 = tpu.memref_squeeze %dma_start3A_232 : memref<1x10000x128xf32, #tpu.memory_space<hbm>> -> memref<10000x128xf32, #tpu.memory_space<hbm>>
      %dma_start3A_234 = arith.constant 0 : i32
      %dma_start3A_235 = tpu.memref_slice %dma_start3A_233[%mul3A_191, %dma_start3A_234] : memref<10000x128xf32, #tpu.memory_space<hbm>> -> memref<40x128xf32, #tpu.memory_space<hbm>>
      %dma_start3A_236 = arith.constant 0 : i32
      %dma_start3A_237 = tpu.memref_slice %arg7[%mul3A_189, %dma_start3A_236] : memref<10000x128xf32, #tpu.memory_space<vmem_shared>> -> memref<40x128xf32, #tpu.memory_space<vmem_shared>>
      tpu.enqueue_dma source(%dma_start3A_237 : memref<40x128xf32, #tpu.memory_space<vmem_shared>>) target(%dma_start3A_235 : memref<40x128xf32, #tpu.memory_space<hbm>>) target_semaphore(%run_scoped3A_230 : memref<!tpu.dma_semaphore, #tpu.memory_space<semaphore_mem>>)
      %dma_wait3A = arith.constant 0 : i32
      %dma_wait3A_238 = arith.constant 0 : i32
      %dma_wait3A_239 = tpu.memref_slice %arg3[%arg0, %dma_wait3A, %dma_wait3A_238] : memref<2x10000x128xf32, #tpu.memory_space<hbm>> -> memref<1x10000x128xf32, #tpu.memory_space<hbm>>
      %dma_wait3A_240 = tpu.memref_squeeze %dma_wait3A_239 : memref<1x10000x128xf32, #tpu.memory_space<hbm>> -> memref<10000x128xf32, #tpu.memory_space<hbm>>
      %dma_wait3A_241 = arith.constant 0 : i32
      %dma_wait3A_242 = tpu.memref_slice %dma_wait3A_240[%mul3A_191, %dma_wait3A_241] : memref<10000x128xf32, #tpu.memory_space<hbm>> -> memref<40x128xf32, #tpu.memory_space<hbm>>
      %dma_wait3A_243 = arith.constant 0 : i32
      %dma_wait3A_244 = tpu.memref_slice %arg7[%mul3A_189, %dma_wait3A_243] : memref<10000x128xf32, #tpu.memory_space<vmem_shared>> -> memref<40x128xf32, #tpu.memory_space<vmem_shared>>
      tpu.wait_dma2 semaphore(%run_scoped3A_230 : memref<!tpu.dma_semaphore, #tpu.memory_space<semaphore_mem>>) src(%dma_wait3A_244 : memref<40x128xf32, #tpu.memory_space<vmem_shared>>) dst(%dma_wait3A_242 : memref<40x128xf32, #tpu.memory_space<hbm>>)
      tpu.yield
    }) : () -> ()
    %mul3A_192 = arith.constant 16 : i32
    %mul3A_193 = arith.muli %arg1, %mul3A_192 : i32
    %add3A_194 = arith.constant 9 : i32
    %add3A_195 = arith.addi %mul3A_193, %add3A_194 : i32
    %mul3A_196 = arith.constant 40 : i32
    %mul3A_197 = arith.muli %add3A_195, %mul3A_196 : i32
    %mul3A_198 = arith.constant 40 : i32
    %mul3A_199 = arith.muli %add3A_195, %mul3A_198 : i32
    "tpu.region"() ({
      %run_scoped3A_230 = tpu.sem_alloc : memref<!tpu.dma_semaphore, #tpu.memory_space<semaphore_mem>>
      %dma_start3A = arith.constant 0 : i32
      %dma_start3A_231 = arith.constant 0 : i32
      %dma_start3A_232 = tpu.memref_slice %arg3[%arg0, %dma_start3A, %dma_start3A_231] : memref<2x10000x128xf32, #tpu.memory_space<hbm>> -> memref<1x10000x128xf32, #tpu.memory_space<hbm>>
      %dma_start3A_233 = tpu.memref_squeeze %dma_start3A_232 : memref<1x10000x128xf32, #tpu.memory_space<hbm>> -> memref<10000x128xf32, #tpu.memory_space<hbm>>
      %dma_start3A_234 = arith.constant 0 : i32
      %dma_start3A_235 = tpu.memref_slice %dma_start3A_233[%mul3A_199, %dma_start3A_234] : memref<10000x128xf32, #tpu.memory_space<hbm>> -> memref<40x128xf32, #tpu.memory_space<hbm>>
      %dma_start3A_236 = arith.constant 0 : i32
      %dma_start3A_237 = tpu.memref_slice %arg7[%mul3A_197, %dma_start3A_236] : memref<10000x128xf32, #tpu.memory_space<vmem_shared>> -> memref<40x128xf32, #tpu.memory_space<vmem_shared>>
      tpu.enqueue_dma source(%dma_start3A_237 : memref<40x128xf32, #tpu.memory_space<vmem_shared>>) target(%dma_start3A_235 : memref<40x128xf32, #tpu.memory_space<hbm>>) target_semaphore(%run_scoped3A_230 : memref<!tpu.dma_semaphore, #tpu.memory_space<semaphore_mem>>)
      %dma_wait3A = arith.constant 0 : i32
      %dma_wait3A_238 = arith.constant 0 : i32
      %dma_wait3A_239 = tpu.memref_slice %arg3[%arg0, %dma_wait3A, %dma_wait3A_238] : memref<2x10000x128xf32, #tpu.memory_space<hbm>> -> memref<1x10000x128xf32, #tpu.memory_space<hbm>>
      %dma_wait3A_240 = tpu.memref_squeeze %dma_wait3A_239 : memref<1x10000x128xf32, #tpu.memory_space<hbm>> -> memref<10000x128xf32, #tpu.memory_space<hbm>>
      %dma_wait3A_241 = arith.constant 0 : i32
      %dma_wait3A_242 = tpu.memref_slice %dma_wait3A_240[%mul3A_199, %dma_wait3A_241] : memref<10000x128xf32, #tpu.memory_space<hbm>> -> memref<40x128xf32, #tpu.memory_space<hbm>>
      %dma_wait3A_243 = arith.constant 0 : i32
      %dma_wait3A_244 = tpu.memref_slice %arg7[%mul3A_197, %dma_wait3A_243] : memref<10000x128xf32, #tpu.memory_space<vmem_shared>> -> memref<40x128xf32, #tpu.memory_space<vmem_shared>>
      tpu.wait_dma2 semaphore(%run_scoped3A_230 : memref<!tpu.dma_semaphore, #tpu.memory_space<semaphore_mem>>) src(%dma_wait3A_244 : memref<40x128xf32, #tpu.memory_space<vmem_shared>>) dst(%dma_wait3A_242 : memref<40x128xf32, #tpu.memory_space<hbm>>)
      tpu.yield
    }) : () -> ()
    %lt3A_200 = arith.constant 15 : i32
    %lt3A_201 = arith.cmpi slt, %arg1, %lt3A_200 : i32
    %convert_element_type3A_202 = arith.extui %lt3A_201 : i1 to i32
    %cond3A_203 = arith.constant 0 : i32
    %cond3A_204 = arith.cmpi ne, %convert_element_type3A_202, %cond3A_203 : i32
    scf.if %cond3A_204 {
      %mul3A_230 = arith.constant 16 : i32
      %mul3A_231 = arith.muli %arg1, %mul3A_230 : i32
      %add3A_232 = arith.constant 10 : i32
      %add3A_233 = arith.addi %mul3A_231, %add3A_232 : i32
      %mul3A_234 = arith.constant 40 : i32
      %mul3A_235 = arith.muli %add3A_233, %mul3A_234 : i32
      %mul3A_236 = arith.constant 40 : i32
      %mul3A_237 = arith.muli %add3A_233, %mul3A_236 : i32
      "tpu.region"() ({
        %run_scoped3A_238 = tpu.sem_alloc : memref<!tpu.dma_semaphore, #tpu.memory_space<semaphore_mem>>
        %dma_start3A = arith.constant 0 : i32
        %dma_start3A_239 = arith.constant 0 : i32
        %dma_start3A_240 = tpu.memref_slice %arg3[%arg0, %dma_start3A, %dma_start3A_239] : memref<2x10000x128xf32, #tpu.memory_space<hbm>> -> memref<1x10000x128xf32, #tpu.memory_space<hbm>>
        %dma_start3A_241 = tpu.memref_squeeze %dma_start3A_240 : memref<1x10000x128xf32, #tpu.memory_space<hbm>> -> memref<10000x128xf32, #tpu.memory_space<hbm>>
        %dma_start3A_242 = arith.constant 0 : i32
        %dma_start3A_243 = tpu.memref_slice %dma_start3A_241[%mul3A_237, %dma_start3A_242] : memref<10000x128xf32, #tpu.memory_space<hbm>> -> memref<40x128xf32, #tpu.memory_space<hbm>>
        %dma_start3A_244 = arith.constant 0 : i32
        %dma_start3A_245 = tpu.memref_slice %arg7[%mul3A_235, %dma_start3A_244] : memref<10000x128xf32, #tpu.memory_space<vmem_shared>> -> memref<40x128xf32, #tpu.memory_space<vmem_shared>>
        tpu.enqueue_dma source(%dma_start3A_245 : memref<40x128xf32, #tpu.memory_space<vmem_shared>>) target(%dma_start3A_243 : memref<40x128xf32, #tpu.memory_space<hbm>>) target_semaphore(%run_scoped3A_238 : memref<!tpu.dma_semaphore, #tpu.memory_space<semaphore_mem>>)
        %dma_wait3A = arith.constant 0 : i32
        %dma_wait3A_246 = arith.constant 0 : i32
        %dma_wait3A_247 = tpu.memref_slice %arg3[%arg0, %dma_wait3A, %dma_wait3A_246] : memref<2x10000x128xf32, #tpu.memory_space<hbm>> -> memref<1x10000x128xf32, #tpu.memory_space<hbm>>
        %dma_wait3A_248 = tpu.memref_squeeze %dma_wait3A_247 : memref<1x10000x128xf32, #tpu.memory_space<hbm>> -> memref<10000x128xf32, #tpu.memory_space<hbm>>
        %dma_wait3A_249 = arith.constant 0 : i32
        %dma_wait3A_250 = tpu.memref_slice %dma_wait3A_248[%mul3A_237, %dma_wait3A_249] : memref<10000x128xf32, #tpu.memory_space<hbm>> -> memref<40x128xf32, #tpu.memory_space<hbm>>
        %dma_wait3A_251 = arith.constant 0 : i32
        %dma_wait3A_252 = tpu.memref_slice %arg7[%mul3A_235, %dma_wait3A_251] : memref<10000x128xf32, #tpu.memory_space<vmem_shared>> -> memref<40x128xf32, #tpu.memory_space<vmem_shared>>
        tpu.wait_dma2 semaphore(%run_scoped3A_238 : memref<!tpu.dma_semaphore, #tpu.memory_space<semaphore_mem>>) src(%dma_wait3A_252 : memref<40x128xf32, #tpu.memory_space<vmem_shared>>) dst(%dma_wait3A_250 : memref<40x128xf32, #tpu.memory_space<hbm>>)
        tpu.yield
      }) : () -> ()
    } else {
    }
    %lt3A_205 = arith.constant 15 : i32
    %lt3A_206 = arith.cmpi slt, %arg1, %lt3A_205 : i32
    %convert_element_type3A_207 = arith.extui %lt3A_206 : i1 to i32
    %cond3A_208 = arith.constant 0 : i32
    %cond3A_209 = arith.cmpi ne, %convert_element_type3A_207, %cond3A_208 : i32
    scf.if %cond3A_209 {
      %mul3A_230 = arith.constant 16 : i32
      %mul3A_231 = arith.muli %arg1, %mul3A_230 : i32
      %add3A_232 = arith.constant 11 : i32
      %add3A_233 = arith.addi %mul3A_231, %add3A_232 : i32
      %mul3A_234 = arith.constant 40 : i32
      %mul3A_235 = arith.muli %add3A_233, %mul3A_234 : i32
      %mul3A_236 = arith.constant 40 : i32
      %mul3A_237 = arith.muli %add3A_233, %mul3A_236 : i32
      "tpu.region"() ({
        %run_scoped3A_238 = tpu.sem_alloc : memref<!tpu.dma_semaphore, #tpu.memory_space<semaphore_mem>>
        %dma_start3A = arith.constant 0 : i32
        %dma_start3A_239 = arith.constant 0 : i32
        %dma_start3A_240 = tpu.memref_slice %arg3[%arg0, %dma_start3A, %dma_start3A_239] : memref<2x10000x128xf32, #tpu.memory_space<hbm>> -> memref<1x10000x128xf32, #tpu.memory_space<hbm>>
        %dma_start3A_241 = tpu.memref_squeeze %dma_start3A_240 : memref<1x10000x128xf32, #tpu.memory_space<hbm>> -> memref<10000x128xf32, #tpu.memory_space<hbm>>
        %dma_start3A_242 = arith.constant 0 : i32
        %dma_start3A_243 = tpu.memref_slice %dma_start3A_241[%mul3A_237, %dma_start3A_242] : memref<10000x128xf32, #tpu.memory_space<hbm>> -> memref<40x128xf32, #tpu.memory_space<hbm>>
        %dma_start3A_244 = arith.constant 0 : i32
        %dma_start3A_245 = tpu.memref_slice %arg7[%mul3A_235, %dma_start3A_244] : memref<10000x128xf32, #tpu.memory_space<vmem_shared>> -> memref<40x128xf32, #tpu.memory_space<vmem_shared>>
        tpu.enqueue_dma source(%dma_start3A_245 : memref<40x128xf32, #tpu.memory_space<vmem_shared>>) target(%dma_start3A_243 : memref<40x128xf32, #tpu.memory_space<hbm>>) target_semaphore(%run_scoped3A_238 : memref<!tpu.dma_semaphore, #tpu.memory_space<semaphore_mem>>)
        %dma_wait3A = arith.constant 0 : i32
        %dma_wait3A_246 = arith.constant 0 : i32
        %dma_wait3A_247 = tpu.memref_slice %arg3[%arg0, %dma_wait3A, %dma_wait3A_246] : memref<2x10000x128xf32, #tpu.memory_space<hbm>> -> memref<1x10000x128xf32, #tpu.memory_space<hbm>>
        %dma_wait3A_248 = tpu.memref_squeeze %dma_wait3A_247 : memref<1x10000x128xf32, #tpu.memory_space<hbm>> -> memref<10000x128xf32, #tpu.memory_space<hbm>>
        %dma_wait3A_249 = arith.constant 0 : i32
        %dma_wait3A_250 = tpu.memref_slice %dma_wait3A_248[%mul3A_237, %dma_wait3A_249] : memref<10000x128xf32, #tpu.memory_space<hbm>> -> memref<40x128xf32, #tpu.memory_space<hbm>>
        %dma_wait3A_251 = arith.constant 0 : i32
        %dma_wait3A_252 = tpu.memref_slice %arg7[%mul3A_235, %dma_wait3A_251] : memref<10000x128xf32, #tpu.memory_space<vmem_shared>> -> memref<40x128xf32, #tpu.memory_space<vmem_shared>>
        tpu.wait_dma2 semaphore(%run_scoped3A_238 : memref<!tpu.dma_semaphore, #tpu.memory_space<semaphore_mem>>) src(%dma_wait3A_252 : memref<40x128xf32, #tpu.memory_space<vmem_shared>>) dst(%dma_wait3A_250 : memref<40x128xf32, #tpu.memory_space<hbm>>)
        tpu.yield
      }) : () -> ()
    } else {
    }
    %lt3A_210 = arith.constant 15 : i32
    %lt3A_211 = arith.cmpi slt, %arg1, %lt3A_210 : i32
    %convert_element_type3A_212 = arith.extui %lt3A_211 : i1 to i32
    %cond3A_213 = arith.constant 0 : i32
    %cond3A_214 = arith.cmpi ne, %convert_element_type3A_212, %cond3A_213 : i32
    scf.if %cond3A_214 {
      %mul3A_230 = arith.constant 16 : i32
      %mul3A_231 = arith.muli %arg1, %mul3A_230 : i32
      %add3A_232 = arith.constant 12 : i32
      %add3A_233 = arith.addi %mul3A_231, %add3A_232 : i32
      %mul3A_234 = arith.constant 40 : i32
      %mul3A_235 = arith.muli %add3A_233, %mul3A_234 : i32
      %mul3A_236 = arith.constant 40 : i32
      %mul3A_237 = arith.muli %add3A_233, %mul3A_236 : i32
      "tpu.region"() ({
        %run_scoped3A_238 = tpu.sem_alloc : memref<!tpu.dma_semaphore, #tpu.memory_space<semaphore_mem>>
        %dma_start3A = arith.constant 0 : i32
        %dma_start3A_239 = arith.constant 0 : i32
        %dma_start3A_240 = tpu.memref_slice %arg3[%arg0, %dma_start3A, %dma_start3A_239] : memref<2x10000x128xf32, #tpu.memory_space<hbm>> -> memref<1x10000x128xf32, #tpu.memory_space<hbm>>
        %dma_start3A_241 = tpu.memref_squeeze %dma_start3A_240 : memref<1x10000x128xf32, #tpu.memory_space<hbm>> -> memref<10000x128xf32, #tpu.memory_space<hbm>>
        %dma_start3A_242 = arith.constant 0 : i32
        %dma_start3A_243 = tpu.memref_slice %dma_start3A_241[%mul3A_237, %dma_start3A_242] : memref<10000x128xf32, #tpu.memory_space<hbm>> -> memref<40x128xf32, #tpu.memory_space<hbm>>
        %dma_start3A_244 = arith.constant 0 : i32
        %dma_start3A_245 = tpu.memref_slice %arg7[%mul3A_235, %dma_start3A_244] : memref<10000x128xf32, #tpu.memory_space<vmem_shared>> -> memref<40x128xf32, #tpu.memory_space<vmem_shared>>
        tpu.enqueue_dma source(%dma_start3A_245 : memref<40x128xf32, #tpu.memory_space<vmem_shared>>) target(%dma_start3A_243 : memref<40x128xf32, #tpu.memory_space<hbm>>) target_semaphore(%run_scoped3A_238 : memref<!tpu.dma_semaphore, #tpu.memory_space<semaphore_mem>>)
        %dma_wait3A = arith.constant 0 : i32
        %dma_wait3A_246 = arith.constant 0 : i32
        %dma_wait3A_247 = tpu.memref_slice %arg3[%arg0, %dma_wait3A, %dma_wait3A_246] : memref<2x10000x128xf32, #tpu.memory_space<hbm>> -> memref<1x10000x128xf32, #tpu.memory_space<hbm>>
        %dma_wait3A_248 = tpu.memref_squeeze %dma_wait3A_247 : memref<1x10000x128xf32, #tpu.memory_space<hbm>> -> memref<10000x128xf32, #tpu.memory_space<hbm>>
        %dma_wait3A_249 = arith.constant 0 : i32
        %dma_wait3A_250 = tpu.memref_slice %dma_wait3A_248[%mul3A_237, %dma_wait3A_249] : memref<10000x128xf32, #tpu.memory_space<hbm>> -> memref<40x128xf32, #tpu.memory_space<hbm>>
        %dma_wait3A_251 = arith.constant 0 : i32
        %dma_wait3A_252 = tpu.memref_slice %arg7[%mul3A_235, %dma_wait3A_251] : memref<10000x128xf32, #tpu.memory_space<vmem_shared>> -> memref<40x128xf32, #tpu.memory_space<vmem_shared>>
        tpu.wait_dma2 semaphore(%run_scoped3A_238 : memref<!tpu.dma_semaphore, #tpu.memory_space<semaphore_mem>>) src(%dma_wait3A_252 : memref<40x128xf32, #tpu.memory_space<vmem_shared>>) dst(%dma_wait3A_250 : memref<40x128xf32, #tpu.memory_space<hbm>>)
        tpu.yield
      }) : () -> ()
    } else {
    }
    %lt3A_215 = arith.constant 15 : i32
    %lt3A_216 = arith.cmpi slt, %arg1, %lt3A_215 : i32
    %convert_element_type3A_217 = arith.extui %lt3A_216 : i1 to i32
    %cond3A_218 = arith.constant 0 : i32
    %cond3A_219 = arith.cmpi ne, %convert_element_type3A_217, %cond3A_218 : i32
    scf.if %cond3A_219 {
      %mul3A_230 = arith.constant 16 : i32
      %mul3A_231 = arith.muli %arg1, %mul3A_230 : i32
      %add3A_232 = arith.constant 13 : i32
      %add3A_233 = arith.addi %mul3A_231, %add3A_232 : i32
      %mul3A_234 = arith.constant 40 : i32
      %mul3A_235 = arith.muli %add3A_233, %mul3A_234 : i32
      %mul3A_236 = arith.constant 40 : i32
      %mul3A_237 = arith.muli %add3A_233, %mul3A_236 : i32
      "tpu.region"() ({
        %run_scoped3A_238 = tpu.sem_alloc : memref<!tpu.dma_semaphore, #tpu.memory_space<semaphore_mem>>
        %dma_start3A = arith.constant 0 : i32
        %dma_start3A_239 = arith.constant 0 : i32
        %dma_start3A_240 = tpu.memref_slice %arg3[%arg0, %dma_start3A, %dma_start3A_239] : memref<2x10000x128xf32, #tpu.memory_space<hbm>> -> memref<1x10000x128xf32, #tpu.memory_space<hbm>>
        %dma_start3A_241 = tpu.memref_squeeze %dma_start3A_240 : memref<1x10000x128xf32, #tpu.memory_space<hbm>> -> memref<10000x128xf32, #tpu.memory_space<hbm>>
        %dma_start3A_242 = arith.constant 0 : i32
        %dma_start3A_243 = tpu.memref_slice %dma_start3A_241[%mul3A_237, %dma_start3A_242] : memref<10000x128xf32, #tpu.memory_space<hbm>> -> memref<40x128xf32, #tpu.memory_space<hbm>>
        %dma_start3A_244 = arith.constant 0 : i32
        %dma_start3A_245 = tpu.memref_slice %arg7[%mul3A_235, %dma_start3A_244] : memref<10000x128xf32, #tpu.memory_space<vmem_shared>> -> memref<40x128xf32, #tpu.memory_space<vmem_shared>>
        tpu.enqueue_dma source(%dma_start3A_245 : memref<40x128xf32, #tpu.memory_space<vmem_shared>>) target(%dma_start3A_243 : memref<40x128xf32, #tpu.memory_space<hbm>>) target_semaphore(%run_scoped3A_238 : memref<!tpu.dma_semaphore, #tpu.memory_space<semaphore_mem>>)
        %dma_wait3A = arith.constant 0 : i32
        %dma_wait3A_246 = arith.constant 0 : i32
        %dma_wait3A_247 = tpu.memref_slice %arg3[%arg0, %dma_wait3A, %dma_wait3A_246] : memref<2x10000x128xf32, #tpu.memory_space<hbm>> -> memref<1x10000x128xf32, #tpu.memory_space<hbm>>
        %dma_wait3A_248 = tpu.memref_squeeze %dma_wait3A_247 : memref<1x10000x128xf32, #tpu.memory_space<hbm>> -> memref<10000x128xf32, #tpu.memory_space<hbm>>
        %dma_wait3A_249 = arith.constant 0 : i32
        %dma_wait3A_250 = tpu.memref_slice %dma_wait3A_248[%mul3A_237, %dma_wait3A_249] : memref<10000x128xf32, #tpu.memory_space<hbm>> -> memref<40x128xf32, #tpu.memory_space<hbm>>
        %dma_wait3A_251 = arith.constant 0 : i32
        %dma_wait3A_252 = tpu.memref_slice %arg7[%mul3A_235, %dma_wait3A_251] : memref<10000x128xf32, #tpu.memory_space<vmem_shared>> -> memref<40x128xf32, #tpu.memory_space<vmem_shared>>
        tpu.wait_dma2 semaphore(%run_scoped3A_238 : memref<!tpu.dma_semaphore, #tpu.memory_space<semaphore_mem>>) src(%dma_wait3A_252 : memref<40x128xf32, #tpu.memory_space<vmem_shared>>) dst(%dma_wait3A_250 : memref<40x128xf32, #tpu.memory_space<hbm>>)
        tpu.yield
      }) : () -> ()
    } else {
    }
    %lt3A_220 = arith.constant 15 : i32
    %lt3A_221 = arith.cmpi slt, %arg1, %lt3A_220 : i32
    %convert_element_type3A_222 = arith.extui %lt3A_221 : i1 to i32
    %cond3A_223 = arith.constant 0 : i32
    %cond3A_224 = arith.cmpi ne, %convert_element_type3A_222, %cond3A_223 : i32
    scf.if %cond3A_224 {
      %mul3A_230 = arith.constant 16 : i32
      %mul3A_231 = arith.muli %arg1, %mul3A_230 : i32
      %add3A_232 = arith.constant 14 : i32
      %add3A_233 = arith.addi %mul3A_231, %add3A_232 : i32
      %mul3A_234 = arith.constant 40 : i32
      %mul3A_235 = arith.muli %add3A_233, %mul3A_234 : i32
      %mul3A_236 = arith.constant 40 : i32
      %mul3A_237 = arith.muli %add3A_233, %mul3A_236 : i32
      "tpu.region"() ({
        %run_scoped3A_238 = tpu.sem_alloc : memref<!tpu.dma_semaphore, #tpu.memory_space<semaphore_mem>>
        %dma_start3A = arith.constant 0 : i32
        %dma_start3A_239 = arith.constant 0 : i32
        %dma_start3A_240 = tpu.memref_slice %arg3[%arg0, %dma_start3A, %dma_start3A_239] : memref<2x10000x128xf32, #tpu.memory_space<hbm>> -> memref<1x10000x128xf32, #tpu.memory_space<hbm>>
        %dma_start3A_241 = tpu.memref_squeeze %dma_start3A_240 : memref<1x10000x128xf32, #tpu.memory_space<hbm>> -> memref<10000x128xf32, #tpu.memory_space<hbm>>
        %dma_start3A_242 = arith.constant 0 : i32
        %dma_start3A_243 = tpu.memref_slice %dma_start3A_241[%mul3A_237, %dma_start3A_242] : memref<10000x128xf32, #tpu.memory_space<hbm>> -> memref<40x128xf32, #tpu.memory_space<hbm>>
        %dma_start3A_244 = arith.constant 0 : i32
        %dma_start3A_245 = tpu.memref_slice %arg7[%mul3A_235, %dma_start3A_244] : memref<10000x128xf32, #tpu.memory_space<vmem_shared>> -> memref<40x128xf32, #tpu.memory_space<vmem_shared>>
        tpu.enqueue_dma source(%dma_start3A_245 : memref<40x128xf32, #tpu.memory_space<vmem_shared>>) target(%dma_start3A_243 : memref<40x128xf32, #tpu.memory_space<hbm>>) target_semaphore(%run_scoped3A_238 : memref<!tpu.dma_semaphore, #tpu.memory_space<semaphore_mem>>)
        %dma_wait3A = arith.constant 0 : i32
        %dma_wait3A_246 = arith.constant 0 : i32
        %dma_wait3A_247 = tpu.memref_slice %arg3[%arg0, %dma_wait3A, %dma_wait3A_246] : memref<2x10000x128xf32, #tpu.memory_space<hbm>> -> memref<1x10000x128xf32, #tpu.memory_space<hbm>>
        %dma_wait3A_248 = tpu.memref_squeeze %dma_wait3A_247 : memref<1x10000x128xf32, #tpu.memory_space<hbm>> -> memref<10000x128xf32, #tpu.memory_space<hbm>>
        %dma_wait3A_249 = arith.constant 0 : i32
        %dma_wait3A_250 = tpu.memref_slice %dma_wait3A_248[%mul3A_237, %dma_wait3A_249] : memref<10000x128xf32, #tpu.memory_space<hbm>> -> memref<40x128xf32, #tpu.memory_space<hbm>>
        %dma_wait3A_251 = arith.constant 0 : i32
        %dma_wait3A_252 = tpu.memref_slice %arg7[%mul3A_235, %dma_wait3A_251] : memref<10000x128xf32, #tpu.memory_space<vmem_shared>> -> memref<40x128xf32, #tpu.memory_space<vmem_shared>>
        tpu.wait_dma2 semaphore(%run_scoped3A_238 : memref<!tpu.dma_semaphore, #tpu.memory_space<semaphore_mem>>) src(%dma_wait3A_252 : memref<40x128xf32, #tpu.memory_space<vmem_shared>>) dst(%dma_wait3A_250 : memref<40x128xf32, #tpu.memory_space<hbm>>)
        tpu.yield
      }) : () -> ()
    } else {
    }
    %lt3A_225 = arith.constant 15 : i32
    %lt3A_226 = arith.cmpi slt, %arg1, %lt3A_225 : i32
    %convert_element_type3A_227 = arith.extui %lt3A_226 : i1 to i32
    %cond3A_228 = arith.constant 0 : i32
    %cond3A_229 = arith.cmpi ne, %convert_element_type3A_227, %cond3A_228 : i32
    scf.if %cond3A_229 {
      %mul3A_230 = arith.constant 16 : i32
      %mul3A_231 = arith.muli %arg1, %mul3A_230 : i32
      %add3A_232 = arith.constant 15 : i32
      %add3A_233 = arith.addi %mul3A_231, %add3A_232 : i32
      %mul3A_234 = arith.constant 40 : i32
      %mul3A_235 = arith.muli %add3A_233, %mul3A_234 : i32
      %mul3A_236 = arith.constant 40 : i32
      %mul3A_237 = arith.muli %add3A_233, %mul3A_236 : i32
      "tpu.region"() ({
        %run_scoped3A_238 = tpu.sem_alloc : memref<!tpu.dma_semaphore, #tpu.memory_space<semaphore_mem>>
        %dma_start3A = arith.constant 0 : i32
        %dma_start3A_239 = arith.constant 0 : i32
        %dma_start3A_240 = tpu.memref_slice %arg3[%arg0, %dma_start3A, %dma_start3A_239] : memref<2x10000x128xf32, #tpu.memory_space<hbm>> -> memref<1x10000x128xf32, #tpu.memory_space<hbm>>
        %dma_start3A_241 = tpu.memref_squeeze %dma_start3A_240 : memref<1x10000x128xf32, #tpu.memory_space<hbm>> -> memref<10000x128xf32, #tpu.memory_space<hbm>>
        %dma_start3A_242 = arith.constant 0 : i32
        %dma_start3A_243 = tpu.memref_slice %dma_start3A_241[%mul3A_237, %dma_start3A_242] : memref<10000x128xf32, #tpu.memory_space<hbm>> -> memref<40x128xf32, #tpu.memory_space<hbm>>
        %dma_start3A_244 = arith.constant 0 : i32
        %dma_start3A_245 = tpu.memref_slice %arg7[%mul3A_235, %dma_start3A_244] : memref<10000x128xf32, #tpu.memory_space<vmem_shared>> -> memref<40x128xf32, #tpu.memory_space<vmem_shared>>
        tpu.enqueue_dma source(%dma_start3A_245 : memref<40x128xf32, #tpu.memory_space<vmem_shared>>) target(%dma_start3A_243 : memref<40x128xf32, #tpu.memory_space<hbm>>) target_semaphore(%run_scoped3A_238 : memref<!tpu.dma_semaphore, #tpu.memory_space<semaphore_mem>>)
        %dma_wait3A = arith.constant 0 : i32
        %dma_wait3A_246 = arith.constant 0 : i32
        %dma_wait3A_247 = tpu.memref_slice %arg3[%arg0, %dma_wait3A, %dma_wait3A_246] : memref<2x10000x128xf32, #tpu.memory_space<hbm>> -> memref<1x10000x128xf32, #tpu.memory_space<hbm>>
        %dma_wait3A_248 = tpu.memref_squeeze %dma_wait3A_247 : memref<1x10000x128xf32, #tpu.memory_space<hbm>> -> memref<10000x128xf32, #tpu.memory_space<hbm>>
        %dma_wait3A_249 = arith.constant 0 : i32
        %dma_wait3A_250 = tpu.memref_slice %dma_wait3A_248[%mul3A_237, %dma_wait3A_249] : memref<10000x128xf32, #tpu.memory_space<hbm>> -> memref<40x128xf32, #tpu.memory_space<hbm>>
        %dma_wait3A_251 = arith.constant 0 : i32
        %dma_wait3A_252 = tpu.memref_slice %arg7[%mul3A_235, %dma_wait3A_251] : memref<10000x128xf32, #tpu.memory_space<vmem_shared>> -> memref<40x128xf32, #tpu.memory_space<vmem_shared>>
        tpu.wait_dma2 semaphore(%run_scoped3A_238 : memref<!tpu.dma_semaphore, #tpu.memory_space<semaphore_mem>>) src(%dma_wait3A_252 : memref<40x128xf32, #tpu.memory_space<vmem_shared>>) dst(%dma_wait3A_250 : memref<40x128xf32, #tpu.memory_space<hbm>>)
        tpu.yield
      }) : () -> ()
    } else {
    }
    return
  }
}

#map = affine_map<(d0, d1) -> (0, 0, 0)>
#map1 = affine_map<(d0, d1) -> (0, 0)>
module attributes {stable_mosaic.version = 14 : i64} {
  func.func @_seg_body(%arg0: i32, %arg1: i32, %arg2: memref<2x10000x128xf32, #tpu.memory_space<hbm>>, %arg3: memref<16x10000xi32, #tpu.memory_space<hbm>>, %arg4: memref<16x125x80xi32, #tpu.memory_space<hbm>>, %arg5: memref<2x10000x128xf32, #tpu.memory_space<hbm>>, %arg6: memref<2x10000x128xf32, #tpu.memory_space<hbm>>, %arg7: memref<10000xi32, #tpu.memory_space<vmem>>, %arg8: memref<125x80xi32, #tpu.memory_space<vmem>>, %arg9: memref<80x128xf32, #tpu.memory_space<vmem>>, %arg10: memref<80x128xf32, #tpu.memory_space<vmem>>, %arg11: memref<10008x128xf32, #tpu.memory_space<vmem_shared>>, %arg12: memref<!tpu.dma_semaphore, #tpu.memory_space<semaphore_mem>>, %arg13: memref<!tpu.dma_semaphore, #tpu.memory_space<semaphore_mem>>) attributes {dimension_semantics = [#tpu.dimension_semantics<core_parallel>, #tpu.dimension_semantics<subcore_parallel>], iteration_bounds = array<i64: 2, 16>, scalar_prefetch = 0 : i64, scratch_operands = 7 : i64, tpu.core_type = #tpu.core_type<sc_vector_subcore>, window_params = [{transform_indices = #map}, {transform_indices = #map1}, {transform_indices = #map}, {transform_indices = #map}, {transform_indices = #map}]} {
    %scan3A = arith.constant 0 : i32
    %scan3A_0 = arith.constant 0 : i32
    %scan3A_1 = arith.constant 320 : i32
    %scan3A_2 = arith.addi %scan3A_0, %scan3A_1 : i32
    %scan3A_3 = arith.constant 1 : i32
    %scan3A_4 = scf.for %scan3A_232 = %scan3A_0 to %scan3A_2 step %scan3A_3 iter_args(%scan3A_233 = %scan3A) -> (i32)  : i32 {
      %broadcast_in_dim3A = arith.constant 0.000000e+00 : f32
      %broadcast_in_dim3A_234 = vector.broadcast %broadcast_in_dim3A : f32 to vector<16xf32>
      %jit3A = arith.constant 8 : i32
      %div3A = arith.divsi %scan3A_232, %jit3A : i32
      %sign3A = arith.constant 0 : i32
      %sign3A_235 = arith.cmpi sgt, %scan3A_232, %sign3A : i32
      %sign3A_236 = arith.extui %sign3A_235 : i1 to i32
      %sign3A_237 = arith.constant 0 : i32
      %sign3A_238 = arith.cmpi slt, %scan3A_232, %sign3A_237 : i32
      %sign3A_239 = arith.extui %sign3A_238 : i1 to i32
      %sign3A_240 = arith.subi %sign3A_236, %sign3A_239 : i32
      %sign3A_241 = arith.constant 0 : i32
      %sign3A_242 = arith.cmpi sgt, %jit3A, %sign3A_241 : i32
      %sign3A_243 = arith.extui %sign3A_242 : i1 to i32
      %sign3A_244 = arith.constant 0 : i32
      %sign3A_245 = arith.cmpi slt, %jit3A, %sign3A_244 : i32
      %sign3A_246 = arith.extui %sign3A_245 : i1 to i32
      %sign3A_247 = arith.subi %sign3A_243, %sign3A_246 : i32
      %ne3A = arith.cmpi ne, %sign3A_240, %sign3A_247 : i32
      %rem3A = arith.remsi %scan3A_232, %jit3A : i32
      %ne3A_248 = arith.constant 0 : i32
      %ne3A_249 = arith.cmpi ne, %rem3A, %ne3A_248 : i32
      %and3A = arith.andi %ne3A, %ne3A_249 : i1
      %sub3A = arith.constant 1 : i32
      %sub3A_250 = arith.subi %div3A, %sub3A : i32
      %select_n3A = arith.select %and3A, %sub3A_250, %div3A : i32
      %jit3A_251 = arith.constant 8 : i32
      %eq3A = arith.constant 0 : i32
      %eq3A_252 = arith.cmpi eq, %jit3A_251, %eq3A : i32
      %jit3A_253 = arith.constant 1 : i32
      %select_n3A_254 = arith.select %eq3A_252, %jit3A_253, %jit3A_251 : i32
      %rem3A_255 = arith.remsi %scan3A_232, %select_n3A_254 : i32
      %ne3A_256 = arith.constant 0 : i32
      %ne3A_257 = arith.cmpi ne, %rem3A_255, %ne3A_256 : i32
      %lt3A_258 = arith.constant 0 : i32
      %lt3A_259 = arith.cmpi slt, %rem3A_255, %lt3A_258 : i32
      %lt3A_260 = arith.constant 0 : i32
      %lt3A_261 = arith.cmpi slt, %select_n3A_254, %lt3A_260 : i32
      %ne3A_262 = arith.xori %lt3A_259, %lt3A_261 : i1
      %and3A_263 = arith.andi %ne3A_262, %ne3A_257 : i1
      %add3A_264 = arith.addi %rem3A_255, %select_n3A_254 : i32
      %select_n3A_265 = arith.select %and3A_263, %add3A_264, %rem3A_255 : i32
      %mul3A_266 = arith.constant 16 : i32
      %mul3A_267 = arith.muli %select_n3A_265, %mul3A_266 : i32
      %swap3A = arith.constant 0 : i32
      %swap3A_268 = arith.constant 0 : i32
      %swap3A_269 = tpu.memref_slice %arg9[%swap3A, %swap3A_268] : memref<80x128xf32, #tpu.memory_space<vmem>> -> memref<40x128xf32, #tpu.memory_space<vmem>>
      %swap3A_270 = arith.index_cast %select_n3A : i32 to index
      %swap3A_271 = arith.index_cast %mul3A_267 : i32 to index
      %swap3A_272 = tpu.vector_load %swap3A_269[%swap3A_270, %swap3A_271] {strides = array<i32>} : memref<40x128xf32, #tpu.memory_space<vmem>>, vector<1x16xf32>,
      %swap3A_273 = vector.shape_cast %swap3A_272 : vector<1x16xf32> to vector<16xf32>
      %swap3A_274 = vector.shape_cast %broadcast_in_dim3A_234 : vector<16xf32> to vector<1x16xf32>
      tpu.vector_store %swap3A_269[%swap3A_270, %swap3A_271], %swap3A_274 {strides = array<i32>} : memref<40x128xf32, #tpu.memory_space<vmem>>, vector<1x16xf32>,
      %scan3A_275 = arith.constant 0 : i32
      scf.yield %scan3A_275 : i32
    }
    %scan3A_5 = arith.constant 320 : i32
    %mul3A = arith.constant 16 : i32
    %mul3A_6 = arith.muli %arg1, %mul3A : i32
    %add3A = arith.constant 0 : i32
    %add3A_7 = arith.addi %mul3A_6, %add3A : i32
    %mul3A_8 = arith.constant 40 : i32
    %mul3A_9 = arith.muli %add3A_7, %mul3A_8 : i32
    "tpu.region"() ({
      %run_scoped3A_232 = tpu.sem_alloc : memref<!tpu.dma_semaphore, #tpu.memory_space<semaphore_mem>>
      %dma_start3A_233 = arith.constant 0 : i32
      %dma_start3A_234 = arith.constant 0 : i32
      %dma_start3A_235 = tpu.memref_slice %arg9[%dma_start3A_233, %dma_start3A_234] : memref<80x128xf32, #tpu.memory_space<vmem>> -> memref<40x128xf32, #tpu.memory_space<vmem>>
      %dma_start3A_236 = arith.constant 0 : i32
      %dma_start3A_237 = tpu.memref_slice %arg11[%mul3A_9, %dma_start3A_236] : memref<10008x128xf32, #tpu.memory_space<vmem_shared>> -> memref<40x128xf32, #tpu.memory_space<vmem_shared>>
      %dma_start3A_238 = arith.constant 0 : i32
      %dma_start3A_239 = tpu.memref_slice %arg11[%mul3A_9, %dma_start3A_238] : memref<10008x128xf32, #tpu.memory_space<vmem_shared>> -> memref<40x128xf32, #tpu.memory_space<vmem_shared>>
      %dma_start3A_240 = arith.constant 0 : i32
      %dma_start3A_241 = arith.constant 0 : i32
      %dma_start3A_242 = tpu.memref_slice %arg9[%dma_start3A_240, %dma_start3A_241] : memref<80x128xf32, #tpu.memory_space<vmem>> -> memref<40x128xf32, #tpu.memory_space<vmem>>
      tpu.enqueue_dma source(%dma_start3A_242 : memref<40x128xf32, #tpu.memory_space<vmem>>) target(%dma_start3A_239 : memref<40x128xf32, #tpu.memory_space<vmem_shared>>) target_semaphore(%run_scoped3A_232 : memref<!tpu.dma_semaphore, #tpu.memory_space<semaphore_mem>>)
      %dma_wait3A_243 = arith.constant 0 : i32
      %dma_wait3A_244 = arith.constant 0 : i32
      %dma_wait3A_245 = tpu.memref_slice %arg9[%dma_wait3A_243, %dma_wait3A_244] : memref<80x128xf32, #tpu.memory_space<vmem>> -> memref<40x128xf32, #tpu.memory_space<vmem>>
      %dma_wait3A_246 = arith.constant 0 : i32
      %dma_wait3A_247 = tpu.memref_slice %arg11[%mul3A_9, %dma_wait3A_246] : memref<10008x128xf32, #tpu.memory_space<vmem_shared>> -> memref<40x128xf32, #tpu.memory_space<vmem_shared>>
      %dma_wait3A_248 = arith.constant 0 : i32
      %dma_wait3A_249 = tpu.memref_slice %arg11[%mul3A_9, %dma_wait3A_248] : memref<10008x128xf32, #tpu.memory_space<vmem_shared>> -> memref<40x128xf32, #tpu.memory_space<vmem_shared>>
      %dma_wait3A_250 = arith.constant 0 : i32
      %dma_wait3A_251 = arith.constant 0 : i32
      %dma_wait3A_252 = tpu.memref_slice %arg9[%dma_wait3A_250, %dma_wait3A_251] : memref<80x128xf32, #tpu.memory_space<vmem>> -> memref<40x128xf32, #tpu.memory_space<vmem>>
      tpu.wait_dma2 semaphore(%run_scoped3A_232 : memref<!tpu.dma_semaphore, #tpu.memory_space<semaphore_mem>>) src(%dma_wait3A_252 : memref<40x128xf32, #tpu.memory_space<vmem>>) dst(%dma_wait3A_249 : memref<40x128xf32, #tpu.memory_space<vmem_shared>>)
      tpu.yield
    }) : () -> ()
    %mul3A_10 = arith.constant 16 : i32
    %mul3A_11 = arith.muli %arg1, %mul3A_10 : i32
    %add3A_12 = arith.constant 1 : i32
    %add3A_13 = arith.addi %mul3A_11, %add3A_12 : i32
    %mul3A_14 = arith.constant 40 : i32
    %mul3A_15 = arith.muli %add3A_13, %mul3A_14 : i32
    "tpu.region"() ({
      %run_scoped3A_232 = tpu.sem_alloc : memref<!tpu.dma_semaphore, #tpu.memory_space<semaphore_mem>>
      %dma_start3A_233 = arith.constant 0 : i32
      %dma_start3A_234 = arith.constant 0 : i32
      %dma_start3A_235 = tpu.memref_slice %arg9[%dma_start3A_233, %dma_start3A_234] : memref<80x128xf32, #tpu.memory_space<vmem>> -> memref<40x128xf32, #tpu.memory_space<vmem>>
      %dma_start3A_236 = arith.constant 0 : i32
      %dma_start3A_237 = tpu.memref_slice %arg11[%mul3A_15, %dma_start3A_236] : memref<10008x128xf32, #tpu.memory_space<vmem_shared>> -> memref<40x128xf32, #tpu.memory_space<vmem_shared>>
      %dma_start3A_238 = arith.constant 0 : i32
      %dma_start3A_239 = tpu.memref_slice %arg11[%mul3A_15, %dma_start3A_238] : memref<10008x128xf32, #tpu.memory_space<vmem_shared>> -> memref<40x128xf32, #tpu.memory_space<vmem_shared>>
      %dma_start3A_240 = arith.constant 0 : i32
      %dma_start3A_241 = arith.constant 0 : i32
      %dma_start3A_242 = tpu.memref_slice %arg9[%dma_start3A_240, %dma_start3A_241] : memref<80x128xf32, #tpu.memory_space<vmem>> -> memref<40x128xf32, #tpu.memory_space<vmem>>
      tpu.enqueue_dma source(%dma_start3A_242 : memref<40x128xf32, #tpu.memory_space<vmem>>) target(%dma_start3A_239 : memref<40x128xf32, #tpu.memory_space<vmem_shared>>) target_semaphore(%run_scoped3A_232 : memref<!tpu.dma_semaphore, #tpu.memory_space<semaphore_mem>>)
      %dma_wait3A_243 = arith.constant 0 : i32
      %dma_wait3A_244 = arith.constant 0 : i32
      %dma_wait3A_245 = tpu.memref_slice %arg9[%dma_wait3A_243, %dma_wait3A_244] : memref<80x128xf32, #tpu.memory_space<vmem>> -> memref<40x128xf32, #tpu.memory_space<vmem>>
      %dma_wait3A_246 = arith.constant 0 : i32
      %dma_wait3A_247 = tpu.memref_slice %arg11[%mul3A_15, %dma_wait3A_246] : memref<10008x128xf32, #tpu.memory_space<vmem_shared>> -> memref<40x128xf32, #tpu.memory_space<vmem_shared>>
      %dma_wait3A_248 = arith.constant 0 : i32
      %dma_wait3A_249 = tpu.memref_slice %arg11[%mul3A_15, %dma_wait3A_248] : memref<10008x128xf32, #tpu.memory_space<vmem_shared>> -> memref<40x128xf32, #tpu.memory_space<vmem_shared>>
      %dma_wait3A_250 = arith.constant 0 : i32
      %dma_wait3A_251 = arith.constant 0 : i32
      %dma_wait3A_252 = tpu.memref_slice %arg9[%dma_wait3A_250, %dma_wait3A_251] : memref<80x128xf32, #tpu.memory_space<vmem>> -> memref<40x128xf32, #tpu.memory_space<vmem>>
      tpu.wait_dma2 semaphore(%run_scoped3A_232 : memref<!tpu.dma_semaphore, #tpu.memory_space<semaphore_mem>>) src(%dma_wait3A_252 : memref<40x128xf32, #tpu.memory_space<vmem>>) dst(%dma_wait3A_249 : memref<40x128xf32, #tpu.memory_space<vmem_shared>>)
      tpu.yield
    }) : () -> ()
    %mul3A_16 = arith.constant 16 : i32
    %mul3A_17 = arith.muli %arg1, %mul3A_16 : i32
    %add3A_18 = arith.constant 2 : i32
    %add3A_19 = arith.addi %mul3A_17, %add3A_18 : i32
    %mul3A_20 = arith.constant 40 : i32
    %mul3A_21 = arith.muli %add3A_19, %mul3A_20 : i32
    "tpu.region"() ({
      %run_scoped3A_232 = tpu.sem_alloc : memref<!tpu.dma_semaphore, #tpu.memory_space<semaphore_mem>>
      %dma_start3A_233 = arith.constant 0 : i32
      %dma_start3A_234 = arith.constant 0 : i32
      %dma_start3A_235 = tpu.memref_slice %arg9[%dma_start3A_233, %dma_start3A_234] : memref<80x128xf32, #tpu.memory_space<vmem>> -> memref<40x128xf32, #tpu.memory_space<vmem>>
      %dma_start3A_236 = arith.constant 0 : i32
      %dma_start3A_237 = tpu.memref_slice %arg11[%mul3A_21, %dma_start3A_236] : memref<10008x128xf32, #tpu.memory_space<vmem_shared>> -> memref<40x128xf32, #tpu.memory_space<vmem_shared>>
      %dma_start3A_238 = arith.constant 0 : i32
      %dma_start3A_239 = tpu.memref_slice %arg11[%mul3A_21, %dma_start3A_238] : memref<10008x128xf32, #tpu.memory_space<vmem_shared>> -> memref<40x128xf32, #tpu.memory_space<vmem_shared>>
      %dma_start3A_240 = arith.constant 0 : i32
      %dma_start3A_241 = arith.constant 0 : i32
      %dma_start3A_242 = tpu.memref_slice %arg9[%dma_start3A_240, %dma_start3A_241] : memref<80x128xf32, #tpu.memory_space<vmem>> -> memref<40x128xf32, #tpu.memory_space<vmem>>
      tpu.enqueue_dma source(%dma_start3A_242 : memref<40x128xf32, #tpu.memory_space<vmem>>) target(%dma_start3A_239 : memref<40x128xf32, #tpu.memory_space<vmem_shared>>) target_semaphore(%run_scoped3A_232 : memref<!tpu.dma_semaphore, #tpu.memory_space<semaphore_mem>>)
      %dma_wait3A_243 = arith.constant 0 : i32
      %dma_wait3A_244 = arith.constant 0 : i32
      %dma_wait3A_245 = tpu.memref_slice %arg9[%dma_wait3A_243, %dma_wait3A_244] : memref<80x128xf32, #tpu.memory_space<vmem>> -> memref<40x128xf32, #tpu.memory_space<vmem>>
      %dma_wait3A_246 = arith.constant 0 : i32
      %dma_wait3A_247 = tpu.memref_slice %arg11[%mul3A_21, %dma_wait3A_246] : memref<10008x128xf32, #tpu.memory_space<vmem_shared>> -> memref<40x128xf32, #tpu.memory_space<vmem_shared>>
      %dma_wait3A_248 = arith.constant 0 : i32
      %dma_wait3A_249 = tpu.memref_slice %arg11[%mul3A_21, %dma_wait3A_248] : memref<10008x128xf32, #tpu.memory_space<vmem_shared>> -> memref<40x128xf32, #tpu.memory_space<vmem_shared>>
      %dma_wait3A_250 = arith.constant 0 : i32
      %dma_wait3A_251 = arith.constant 0 : i32
      %dma_wait3A_252 = tpu.memref_slice %arg9[%dma_wait3A_250, %dma_wait3A_251] : memref<80x128xf32, #tpu.memory_space<vmem>> -> memref<40x128xf32, #tpu.memory_space<vmem>>
      tpu.wait_dma2 semaphore(%run_scoped3A_232 : memref<!tpu.dma_semaphore, #tpu.memory_space<semaphore_mem>>) src(%dma_wait3A_252 : memref<40x128xf32, #tpu.memory_space<vmem>>) dst(%dma_wait3A_249 : memref<40x128xf32, #tpu.memory_space<vmem_shared>>)
      tpu.yield
    }) : () -> ()
    %mul3A_22 = arith.constant 16 : i32
    %mul3A_23 = arith.muli %arg1, %mul3A_22 : i32
    %add3A_24 = arith.constant 3 : i32
    %add3A_25 = arith.addi %mul3A_23, %add3A_24 : i32
    %mul3A_26 = arith.constant 40 : i32
    %mul3A_27 = arith.muli %add3A_25, %mul3A_26 : i32
    "tpu.region"() ({
      %run_scoped3A_232 = tpu.sem_alloc : memref<!tpu.dma_semaphore, #tpu.memory_space<semaphore_mem>>
      %dma_start3A_233 = arith.constant 0 : i32
      %dma_start3A_234 = arith.constant 0 : i32
      %dma_start3A_235 = tpu.memref_slice %arg9[%dma_start3A_233, %dma_start3A_234] : memref<80x128xf32, #tpu.memory_space<vmem>> -> memref<40x128xf32, #tpu.memory_space<vmem>>
      %dma_start3A_236 = arith.constant 0 : i32
      %dma_start3A_237 = tpu.memref_slice %arg11[%mul3A_27, %dma_start3A_236] : memref<10008x128xf32, #tpu.memory_space<vmem_shared>> -> memref<40x128xf32, #tpu.memory_space<vmem_shared>>
      %dma_start3A_238 = arith.constant 0 : i32
      %dma_start3A_239 = tpu.memref_slice %arg11[%mul3A_27, %dma_start3A_238] : memref<10008x128xf32, #tpu.memory_space<vmem_shared>> -> memref<40x128xf32, #tpu.memory_space<vmem_shared>>
      %dma_start3A_240 = arith.constant 0 : i32
      %dma_start3A_241 = arith.constant 0 : i32
      %dma_start3A_242 = tpu.memref_slice %arg9[%dma_start3A_240, %dma_start3A_241] : memref<80x128xf32, #tpu.memory_space<vmem>> -> memref<40x128xf32, #tpu.memory_space<vmem>>
      tpu.enqueue_dma source(%dma_start3A_242 : memref<40x128xf32, #tpu.memory_space<vmem>>) target(%dma_start3A_239 : memref<40x128xf32, #tpu.memory_space<vmem_shared>>) target_semaphore(%run_scoped3A_232 : memref<!tpu.dma_semaphore, #tpu.memory_space<semaphore_mem>>)
      %dma_wait3A_243 = arith.constant 0 : i32
      %dma_wait3A_244 = arith.constant 0 : i32
      %dma_wait3A_245 = tpu.memref_slice %arg9[%dma_wait3A_243, %dma_wait3A_244] : memref<80x128xf32, #tpu.memory_space<vmem>> -> memref<40x128xf32, #tpu.memory_space<vmem>>
      %dma_wait3A_246 = arith.constant 0 : i32
      %dma_wait3A_247 = tpu.memref_slice %arg11[%mul3A_27, %dma_wait3A_246] : memref<10008x128xf32, #tpu.memory_space<vmem_shared>> -> memref<40x128xf32, #tpu.memory_space<vmem_shared>>
      %dma_wait3A_248 = arith.constant 0 : i32
      %dma_wait3A_249 = tpu.memref_slice %arg11[%mul3A_27, %dma_wait3A_248] : memref<10008x128xf32, #tpu.memory_space<vmem_shared>> -> memref<40x128xf32, #tpu.memory_space<vmem_shared>>
      %dma_wait3A_250 = arith.constant 0 : i32
      %dma_wait3A_251 = arith.constant 0 : i32
      %dma_wait3A_252 = tpu.memref_slice %arg9[%dma_wait3A_250, %dma_wait3A_251] : memref<80x128xf32, #tpu.memory_space<vmem>> -> memref<40x128xf32, #tpu.memory_space<vmem>>
      tpu.wait_dma2 semaphore(%run_scoped3A_232 : memref<!tpu.dma_semaphore, #tpu.memory_space<semaphore_mem>>) src(%dma_wait3A_252 : memref<40x128xf32, #tpu.memory_space<vmem>>) dst(%dma_wait3A_249 : memref<40x128xf32, #tpu.memory_space<vmem_shared>>)
      tpu.yield
    }) : () -> ()
    %mul3A_28 = arith.constant 16 : i32
    %mul3A_29 = arith.muli %arg1, %mul3A_28 : i32
    %add3A_30 = arith.constant 4 : i32
    %add3A_31 = arith.addi %mul3A_29, %add3A_30 : i32
    %mul3A_32 = arith.constant 40 : i32
    %mul3A_33 = arith.muli %add3A_31, %mul3A_32 : i32
    "tpu.region"() ({
      %run_scoped3A_232 = tpu.sem_alloc : memref<!tpu.dma_semaphore, #tpu.memory_space<semaphore_mem>>
      %dma_start3A_233 = arith.constant 0 : i32
      %dma_start3A_234 = arith.constant 0 : i32
      %dma_start3A_235 = tpu.memref_slice %arg9[%dma_start3A_233, %dma_start3A_234] : memref<80x128xf32, #tpu.memory_space<vmem>> -> memref<40x128xf32, #tpu.memory_space<vmem>>
      %dma_start3A_236 = arith.constant 0 : i32
      %dma_start3A_237 = tpu.memref_slice %arg11[%mul3A_33, %dma_start3A_236] : memref<10008x128xf32, #tpu.memory_space<vmem_shared>> -> memref<40x128xf32, #tpu.memory_space<vmem_shared>>
      %dma_start3A_238 = arith.constant 0 : i32
      %dma_start3A_239 = tpu.memref_slice %arg11[%mul3A_33, %dma_start3A_238] : memref<10008x128xf32, #tpu.memory_space<vmem_shared>> -> memref<40x128xf32, #tpu.memory_space<vmem_shared>>
      %dma_start3A_240 = arith.constant 0 : i32
      %dma_start3A_241 = arith.constant 0 : i32
      %dma_start3A_242 = tpu.memref_slice %arg9[%dma_start3A_240, %dma_start3A_241] : memref<80x128xf32, #tpu.memory_space<vmem>> -> memref<40x128xf32, #tpu.memory_space<vmem>>
      tpu.enqueue_dma source(%dma_start3A_242 : memref<40x128xf32, #tpu.memory_space<vmem>>) target(%dma_start3A_239 : memref<40x128xf32, #tpu.memory_space<vmem_shared>>) target_semaphore(%run_scoped3A_232 : memref<!tpu.dma_semaphore, #tpu.memory_space<semaphore_mem>>)
      %dma_wait3A_243 = arith.constant 0 : i32
      %dma_wait3A_244 = arith.constant 0 : i32
      %dma_wait3A_245 = tpu.memref_slice %arg9[%dma_wait3A_243, %dma_wait3A_244] : memref<80x128xf32, #tpu.memory_space<vmem>> -> memref<40x128xf32, #tpu.memory_space<vmem>>
      %dma_wait3A_246 = arith.constant 0 : i32
      %dma_wait3A_247 = tpu.memref_slice %arg11[%mul3A_33, %dma_wait3A_246] : memref<10008x128xf32, #tpu.memory_space<vmem_shared>> -> memref<40x128xf32, #tpu.memory_space<vmem_shared>>
      %dma_wait3A_248 = arith.constant 0 : i32
      %dma_wait3A_249 = tpu.memref_slice %arg11[%mul3A_33, %dma_wait3A_248] : memref<10008x128xf32, #tpu.memory_space<vmem_shared>> -> memref<40x128xf32, #tpu.memory_space<vmem_shared>>
      %dma_wait3A_250 = arith.constant 0 : i32
      %dma_wait3A_251 = arith.constant 0 : i32
      %dma_wait3A_252 = tpu.memref_slice %arg9[%dma_wait3A_250, %dma_wait3A_251] : memref<80x128xf32, #tpu.memory_space<vmem>> -> memref<40x128xf32, #tpu.memory_space<vmem>>
      tpu.wait_dma2 semaphore(%run_scoped3A_232 : memref<!tpu.dma_semaphore, #tpu.memory_space<semaphore_mem>>) src(%dma_wait3A_252 : memref<40x128xf32, #tpu.memory_space<vmem>>) dst(%dma_wait3A_249 : memref<40x128xf32, #tpu.memory_space<vmem_shared>>)
      tpu.yield
    }) : () -> ()
    %mul3A_34 = arith.constant 16 : i32
    %mul3A_35 = arith.muli %arg1, %mul3A_34 : i32
    %add3A_36 = arith.constant 5 : i32
    %add3A_37 = arith.addi %mul3A_35, %add3A_36 : i32
    %mul3A_38 = arith.constant 40 : i32
    %mul3A_39 = arith.muli %add3A_37, %mul3A_38 : i32
    "tpu.region"() ({
      %run_scoped3A_232 = tpu.sem_alloc : memref<!tpu.dma_semaphore, #tpu.memory_space<semaphore_mem>>
      %dma_start3A_233 = arith.constant 0 : i32
      %dma_start3A_234 = arith.constant 0 : i32
      %dma_start3A_235 = tpu.memref_slice %arg9[%dma_start3A_233, %dma_start3A_234] : memref<80x128xf32, #tpu.memory_space<vmem>> -> memref<40x128xf32, #tpu.memory_space<vmem>>
      %dma_start3A_236 = arith.constant 0 : i32
      %dma_start3A_237 = tpu.memref_slice %arg11[%mul3A_39, %dma_start3A_236] : memref<10008x128xf32, #tpu.memory_space<vmem_shared>> -> memref<40x128xf32, #tpu.memory_space<vmem_shared>>
      %dma_start3A_238 = arith.constant 0 : i32
      %dma_start3A_239 = tpu.memref_slice %arg11[%mul3A_39, %dma_start3A_238] : memref<10008x128xf32, #tpu.memory_space<vmem_shared>> -> memref<40x128xf32, #tpu.memory_space<vmem_shared>>
      %dma_start3A_240 = arith.constant 0 : i32
      %dma_start3A_241 = arith.constant 0 : i32
      %dma_start3A_242 = tpu.memref_slice %arg9[%dma_start3A_240, %dma_start3A_241] : memref<80x128xf32, #tpu.memory_space<vmem>> -> memref<40x128xf32, #tpu.memory_space<vmem>>
      tpu.enqueue_dma source(%dma_start3A_242 : memref<40x128xf32, #tpu.memory_space<vmem>>) target(%dma_start3A_239 : memref<40x128xf32, #tpu.memory_space<vmem_shared>>) target_semaphore(%run_scoped3A_232 : memref<!tpu.dma_semaphore, #tpu.memory_space<semaphore_mem>>)
      %dma_wait3A_243 = arith.constant 0 : i32
      %dma_wait3A_244 = arith.constant 0 : i32
      %dma_wait3A_245 = tpu.memref_slice %arg9[%dma_wait3A_243, %dma_wait3A_244] : memref<80x128xf32, #tpu.memory_space<vmem>> -> memref<40x128xf32, #tpu.memory_space<vmem>>
      %dma_wait3A_246 = arith.constant 0 : i32
      %dma_wait3A_247 = tpu.memref_slice %arg11[%mul3A_39, %dma_wait3A_246] : memref<10008x128xf32, #tpu.memory_space<vmem_shared>> -> memref<40x128xf32, #tpu.memory_space<vmem_shared>>
      %dma_wait3A_248 = arith.constant 0 : i32
      %dma_wait3A_249 = tpu.memref_slice %arg11[%mul3A_39, %dma_wait3A_248] : memref<10008x128xf32, #tpu.memory_space<vmem_shared>> -> memref<40x128xf32, #tpu.memory_space<vmem_shared>>
      %dma_wait3A_250 = arith.constant 0 : i32
      %dma_wait3A_251 = arith.constant 0 : i32
      %dma_wait3A_252 = tpu.memref_slice %arg9[%dma_wait3A_250, %dma_wait3A_251] : memref<80x128xf32, #tpu.memory_space<vmem>> -> memref<40x128xf32, #tpu.memory_space<vmem>>
      tpu.wait_dma2 semaphore(%run_scoped3A_232 : memref<!tpu.dma_semaphore, #tpu.memory_space<semaphore_mem>>) src(%dma_wait3A_252 : memref<40x128xf32, #tpu.memory_space<vmem>>) dst(%dma_wait3A_249 : memref<40x128xf32, #tpu.memory_space<vmem_shared>>)
      tpu.yield
    }) : () -> ()
    %mul3A_40 = arith.constant 16 : i32
    %mul3A_41 = arith.muli %arg1, %mul3A_40 : i32
    %add3A_42 = arith.constant 6 : i32
    %add3A_43 = arith.addi %mul3A_41, %add3A_42 : i32
    %mul3A_44 = arith.constant 40 : i32
    %mul3A_45 = arith.muli %add3A_43, %mul3A_44 : i32
    "tpu.region"() ({
      %run_scoped3A_232 = tpu.sem_alloc : memref<!tpu.dma_semaphore, #tpu.memory_space<semaphore_mem>>
      %dma_start3A_233 = arith.constant 0 : i32
      %dma_start3A_234 = arith.constant 0 : i32
      %dma_start3A_235 = tpu.memref_slice %arg9[%dma_start3A_233, %dma_start3A_234] : memref<80x128xf32, #tpu.memory_space<vmem>> -> memref<40x128xf32, #tpu.memory_space<vmem>>
      %dma_start3A_236 = arith.constant 0 : i32
      %dma_start3A_237 = tpu.memref_slice %arg11[%mul3A_45, %dma_start3A_236] : memref<10008x128xf32, #tpu.memory_space<vmem_shared>> -> memref<40x128xf32, #tpu.memory_space<vmem_shared>>
      %dma_start3A_238 = arith.constant 0 : i32
      %dma_start3A_239 = tpu.memref_slice %arg11[%mul3A_45, %dma_start3A_238] : memref<10008x128xf32, #tpu.memory_space<vmem_shared>> -> memref<40x128xf32, #tpu.memory_space<vmem_shared>>
      %dma_start3A_240 = arith.constant 0 : i32
      %dma_start3A_241 = arith.constant 0 : i32
      %dma_start3A_242 = tpu.memref_slice %arg9[%dma_start3A_240, %dma_start3A_241] : memref<80x128xf32, #tpu.memory_space<vmem>> -> memref<40x128xf32, #tpu.memory_space<vmem>>
      tpu.enqueue_dma source(%dma_start3A_242 : memref<40x128xf32, #tpu.memory_space<vmem>>) target(%dma_start3A_239 : memref<40x128xf32, #tpu.memory_space<vmem_shared>>) target_semaphore(%run_scoped3A_232 : memref<!tpu.dma_semaphore, #tpu.memory_space<semaphore_mem>>)
      %dma_wait3A_243 = arith.constant 0 : i32
      %dma_wait3A_244 = arith.constant 0 : i32
      %dma_wait3A_245 = tpu.memref_slice %arg9[%dma_wait3A_243, %dma_wait3A_244] : memref<80x128xf32, #tpu.memory_space<vmem>> -> memref<40x128xf32, #tpu.memory_space<vmem>>
      %dma_wait3A_246 = arith.constant 0 : i32
      %dma_wait3A_247 = tpu.memref_slice %arg11[%mul3A_45, %dma_wait3A_246] : memref<10008x128xf32, #tpu.memory_space<vmem_shared>> -> memref<40x128xf32, #tpu.memory_space<vmem_shared>>
      %dma_wait3A_248 = arith.constant 0 : i32
      %dma_wait3A_249 = tpu.memref_slice %arg11[%mul3A_45, %dma_wait3A_248] : memref<10008x128xf32, #tpu.memory_space<vmem_shared>> -> memref<40x128xf32, #tpu.memory_space<vmem_shared>>
      %dma_wait3A_250 = arith.constant 0 : i32
      %dma_wait3A_251 = arith.constant 0 : i32
      %dma_wait3A_252 = tpu.memref_slice %arg9[%dma_wait3A_250, %dma_wait3A_251] : memref<80x128xf32, #tpu.memory_space<vmem>> -> memref<40x128xf32, #tpu.memory_space<vmem>>
      tpu.wait_dma2 semaphore(%run_scoped3A_232 : memref<!tpu.dma_semaphore, #tpu.memory_space<semaphore_mem>>) src(%dma_wait3A_252 : memref<40x128xf32, #tpu.memory_space<vmem>>) dst(%dma_wait3A_249 : memref<40x128xf32, #tpu.memory_space<vmem_shared>>)
      tpu.yield
    }) : () -> ()
    %mul3A_46 = arith.constant 16 : i32
    %mul3A_47 = arith.muli %arg1, %mul3A_46 : i32
    %add3A_48 = arith.constant 7 : i32
    %add3A_49 = arith.addi %mul3A_47, %add3A_48 : i32
    %mul3A_50 = arith.constant 40 : i32
    %mul3A_51 = arith.muli %add3A_49, %mul3A_50 : i32
    "tpu.region"() ({
      %run_scoped3A_232 = tpu.sem_alloc : memref<!tpu.dma_semaphore, #tpu.memory_space<semaphore_mem>>
      %dma_start3A_233 = arith.constant 0 : i32
      %dma_start3A_234 = arith.constant 0 : i32
      %dma_start3A_235 = tpu.memref_slice %arg9[%dma_start3A_233, %dma_start3A_234] : memref<80x128xf32, #tpu.memory_space<vmem>> -> memref<40x128xf32, #tpu.memory_space<vmem>>
      %dma_start3A_236 = arith.constant 0 : i32
      %dma_start3A_237 = tpu.memref_slice %arg11[%mul3A_51, %dma_start3A_236] : memref<10008x128xf32, #tpu.memory_space<vmem_shared>> -> memref<40x128xf32, #tpu.memory_space<vmem_shared>>
      %dma_start3A_238 = arith.constant 0 : i32
      %dma_start3A_239 = tpu.memref_slice %arg11[%mul3A_51, %dma_start3A_238] : memref<10008x128xf32, #tpu.memory_space<vmem_shared>> -> memref<40x128xf32, #tpu.memory_space<vmem_shared>>
      %dma_start3A_240 = arith.constant 0 : i32
      %dma_start3A_241 = arith.constant 0 : i32
      %dma_start3A_242 = tpu.memref_slice %arg9[%dma_start3A_240, %dma_start3A_241] : memref<80x128xf32, #tpu.memory_space<vmem>> -> memref<40x128xf32, #tpu.memory_space<vmem>>
      tpu.enqueue_dma source(%dma_start3A_242 : memref<40x128xf32, #tpu.memory_space<vmem>>) target(%dma_start3A_239 : memref<40x128xf32, #tpu.memory_space<vmem_shared>>) target_semaphore(%run_scoped3A_232 : memref<!tpu.dma_semaphore, #tpu.memory_space<semaphore_mem>>)
      %dma_wait3A_243 = arith.constant 0 : i32
      %dma_wait3A_244 = arith.constant 0 : i32
      %dma_wait3A_245 = tpu.memref_slice %arg9[%dma_wait3A_243, %dma_wait3A_244] : memref<80x128xf32, #tpu.memory_space<vmem>> -> memref<40x128xf32, #tpu.memory_space<vmem>>
      %dma_wait3A_246 = arith.constant 0 : i32
      %dma_wait3A_247 = tpu.memref_slice %arg11[%mul3A_51, %dma_wait3A_246] : memref<10008x128xf32, #tpu.memory_space<vmem_shared>> -> memref<40x128xf32, #tpu.memory_space<vmem_shared>>
      %dma_wait3A_248 = arith.constant 0 : i32
      %dma_wait3A_249 = tpu.memref_slice %arg11[%mul3A_51, %dma_wait3A_248] : memref<10008x128xf32, #tpu.memory_space<vmem_shared>> -> memref<40x128xf32, #tpu.memory_space<vmem_shared>>
      %dma_wait3A_250 = arith.constant 0 : i32
      %dma_wait3A_251 = arith.constant 0 : i32
      %dma_wait3A_252 = tpu.memref_slice %arg9[%dma_wait3A_250, %dma_wait3A_251] : memref<80x128xf32, #tpu.memory_space<vmem>> -> memref<40x128xf32, #tpu.memory_space<vmem>>
      tpu.wait_dma2 semaphore(%run_scoped3A_232 : memref<!tpu.dma_semaphore, #tpu.memory_space<semaphore_mem>>) src(%dma_wait3A_252 : memref<40x128xf32, #tpu.memory_space<vmem>>) dst(%dma_wait3A_249 : memref<40x128xf32, #tpu.memory_space<vmem_shared>>)
      tpu.yield
    }) : () -> ()
    %mul3A_52 = arith.constant 16 : i32
    %mul3A_53 = arith.muli %arg1, %mul3A_52 : i32
    %add3A_54 = arith.constant 8 : i32
    %add3A_55 = arith.addi %mul3A_53, %add3A_54 : i32
    %mul3A_56 = arith.constant 40 : i32
    %mul3A_57 = arith.muli %add3A_55, %mul3A_56 : i32
    "tpu.region"() ({
      %run_scoped3A_232 = tpu.sem_alloc : memref<!tpu.dma_semaphore, #tpu.memory_space<semaphore_mem>>
      %dma_start3A_233 = arith.constant 0 : i32
      %dma_start3A_234 = arith.constant 0 : i32
      %dma_start3A_235 = tpu.memref_slice %arg9[%dma_start3A_233, %dma_start3A_234] : memref<80x128xf32, #tpu.memory_space<vmem>> -> memref<40x128xf32, #tpu.memory_space<vmem>>
      %dma_start3A_236 = arith.constant 0 : i32
      %dma_start3A_237 = tpu.memref_slice %arg11[%mul3A_57, %dma_start3A_236] : memref<10008x128xf32, #tpu.memory_space<vmem_shared>> -> memref<40x128xf32, #tpu.memory_space<vmem_shared>>
      %dma_start3A_238 = arith.constant 0 : i32
      %dma_start3A_239 = tpu.memref_slice %arg11[%mul3A_57, %dma_start3A_238] : memref<10008x128xf32, #tpu.memory_space<vmem_shared>> -> memref<40x128xf32, #tpu.memory_space<vmem_shared>>
      %dma_start3A_240 = arith.constant 0 : i32
      %dma_start3A_241 = arith.constant 0 : i32
      %dma_start3A_242 = tpu.memref_slice %arg9[%dma_start3A_240, %dma_start3A_241] : memref<80x128xf32, #tpu.memory_space<vmem>> -> memref<40x128xf32, #tpu.memory_space<vmem>>
      tpu.enqueue_dma source(%dma_start3A_242 : memref<40x128xf32, #tpu.memory_space<vmem>>) target(%dma_start3A_239 : memref<40x128xf32, #tpu.memory_space<vmem_shared>>) target_semaphore(%run_scoped3A_232 : memref<!tpu.dma_semaphore, #tpu.memory_space<semaphore_mem>>)
      %dma_wait3A_243 = arith.constant 0 : i32
      %dma_wait3A_244 = arith.constant 0 : i32
      %dma_wait3A_245 = tpu.memref_slice %arg9[%dma_wait3A_243, %dma_wait3A_244] : memref<80x128xf32, #tpu.memory_space<vmem>> -> memref<40x128xf32, #tpu.memory_space<vmem>>
      %dma_wait3A_246 = arith.constant 0 : i32
      %dma_wait3A_247 = tpu.memref_slice %arg11[%mul3A_57, %dma_wait3A_246] : memref<10008x128xf32, #tpu.memory_space<vmem_shared>> -> memref<40x128xf32, #tpu.memory_space<vmem_shared>>
      %dma_wait3A_248 = arith.constant 0 : i32
      %dma_wait3A_249 = tpu.memref_slice %arg11[%mul3A_57, %dma_wait3A_248] : memref<10008x128xf32, #tpu.memory_space<vmem_shared>> -> memref<40x128xf32, #tpu.memory_space<vmem_shared>>
      %dma_wait3A_250 = arith.constant 0 : i32
      %dma_wait3A_251 = arith.constant 0 : i32
      %dma_wait3A_252 = tpu.memref_slice %arg9[%dma_wait3A_250, %dma_wait3A_251] : memref<80x128xf32, #tpu.memory_space<vmem>> -> memref<40x128xf32, #tpu.memory_space<vmem>>
      tpu.wait_dma2 semaphore(%run_scoped3A_232 : memref<!tpu.dma_semaphore, #tpu.memory_space<semaphore_mem>>) src(%dma_wait3A_252 : memref<40x128xf32, #tpu.memory_space<vmem>>) dst(%dma_wait3A_249 : memref<40x128xf32, #tpu.memory_space<vmem_shared>>)
      tpu.yield
    }) : () -> ()
    %mul3A_58 = arith.constant 16 : i32
    %mul3A_59 = arith.muli %arg1, %mul3A_58 : i32
    %add3A_60 = arith.constant 9 : i32
    %add3A_61 = arith.addi %mul3A_59, %add3A_60 : i32
    %mul3A_62 = arith.constant 40 : i32
    %mul3A_63 = arith.muli %add3A_61, %mul3A_62 : i32
    "tpu.region"() ({
      %run_scoped3A_232 = tpu.sem_alloc : memref<!tpu.dma_semaphore, #tpu.memory_space<semaphore_mem>>
      %dma_start3A_233 = arith.constant 0 : i32
      %dma_start3A_234 = arith.constant 0 : i32
      %dma_start3A_235 = tpu.memref_slice %arg9[%dma_start3A_233, %dma_start3A_234] : memref<80x128xf32, #tpu.memory_space<vmem>> -> memref<40x128xf32, #tpu.memory_space<vmem>>
      %dma_start3A_236 = arith.constant 0 : i32
      %dma_start3A_237 = tpu.memref_slice %arg11[%mul3A_63, %dma_start3A_236] : memref<10008x128xf32, #tpu.memory_space<vmem_shared>> -> memref<40x128xf32, #tpu.memory_space<vmem_shared>>
      %dma_start3A_238 = arith.constant 0 : i32
      %dma_start3A_239 = tpu.memref_slice %arg11[%mul3A_63, %dma_start3A_238] : memref<10008x128xf32, #tpu.memory_space<vmem_shared>> -> memref<40x128xf32, #tpu.memory_space<vmem_shared>>
      %dma_start3A_240 = arith.constant 0 : i32
      %dma_start3A_241 = arith.constant 0 : i32
      %dma_start3A_242 = tpu.memref_slice %arg9[%dma_start3A_240, %dma_start3A_241] : memref<80x128xf32, #tpu.memory_space<vmem>> -> memref<40x128xf32, #tpu.memory_space<vmem>>
      tpu.enqueue_dma source(%dma_start3A_242 : memref<40x128xf32, #tpu.memory_space<vmem>>) target(%dma_start3A_239 : memref<40x128xf32, #tpu.memory_space<vmem_shared>>) target_semaphore(%run_scoped3A_232 : memref<!tpu.dma_semaphore, #tpu.memory_space<semaphore_mem>>)
      %dma_wait3A_243 = arith.constant 0 : i32
      %dma_wait3A_244 = arith.constant 0 : i32
      %dma_wait3A_245 = tpu.memref_slice %arg9[%dma_wait3A_243, %dma_wait3A_244] : memref<80x128xf32, #tpu.memory_space<vmem>> -> memref<40x128xf32, #tpu.memory_space<vmem>>
      %dma_wait3A_246 = arith.constant 0 : i32
      %dma_wait3A_247 = tpu.memref_slice %arg11[%mul3A_63, %dma_wait3A_246] : memref<10008x128xf32, #tpu.memory_space<vmem_shared>> -> memref<40x128xf32, #tpu.memory_space<vmem_shared>>
      %dma_wait3A_248 = arith.constant 0 : i32
      %dma_wait3A_249 = tpu.memref_slice %arg11[%mul3A_63, %dma_wait3A_248] : memref<10008x128xf32, #tpu.memory_space<vmem_shared>> -> memref<40x128xf32, #tpu.memory_space<vmem_shared>>
      %dma_wait3A_250 = arith.constant 0 : i32
      %dma_wait3A_251 = arith.constant 0 : i32
      %dma_wait3A_252 = tpu.memref_slice %arg9[%dma_wait3A_250, %dma_wait3A_251] : memref<80x128xf32, #tpu.memory_space<vmem>> -> memref<40x128xf32, #tpu.memory_space<vmem>>
      tpu.wait_dma2 semaphore(%run_scoped3A_232 : memref<!tpu.dma_semaphore, #tpu.memory_space<semaphore_mem>>) src(%dma_wait3A_252 : memref<40x128xf32, #tpu.memory_space<vmem>>) dst(%dma_wait3A_249 : memref<40x128xf32, #tpu.memory_space<vmem_shared>>)
      tpu.yield
    }) : () -> ()
    %lt3A = arith.constant 15 : i32
    %lt3A_64 = arith.cmpi slt, %arg1, %lt3A : i32
    %convert_element_type3A = arith.extui %lt3A_64 : i1 to i32
    %cond3A = arith.constant 0 : i32
    %cond3A_65 = arith.cmpi ne, %convert_element_type3A, %cond3A : i32
    scf.if %cond3A_65 {
      %mul3A_232 = arith.constant 16 : i32
      %mul3A_233 = arith.muli %arg1, %mul3A_232 : i32
      %add3A_234 = arith.constant 10 : i32
      %add3A_235 = arith.addi %mul3A_233, %add3A_234 : i32
      %mul3A_236 = arith.constant 40 : i32
      %mul3A_237 = arith.muli %add3A_235, %mul3A_236 : i32
      "tpu.region"() ({
        %run_scoped3A_238 = tpu.sem_alloc : memref<!tpu.dma_semaphore, #tpu.memory_space<semaphore_mem>>
        %dma_start3A_239 = arith.constant 0 : i32
        %dma_start3A_240 = arith.constant 0 : i32
        %dma_start3A_241 = tpu.memref_slice %arg9[%dma_start3A_239, %dma_start3A_240] : memref<80x128xf32, #tpu.memory_space<vmem>> -> memref<40x128xf32, #tpu.memory_space<vmem>>
        %dma_start3A_242 = arith.constant 0 : i32
        %dma_start3A_243 = tpu.memref_slice %arg11[%mul3A_237, %dma_start3A_242] : memref<10008x128xf32, #tpu.memory_space<vmem_shared>> -> memref<40x128xf32, #tpu.memory_space<vmem_shared>>
        %dma_start3A_244 = arith.constant 0 : i32
        %dma_start3A_245 = tpu.memref_slice %arg11[%mul3A_237, %dma_start3A_244] : memref<10008x128xf32, #tpu.memory_space<vmem_shared>> -> memref<40x128xf32, #tpu.memory_space<vmem_shared>>
        %dma_start3A_246 = arith.constant 0 : i32
        %dma_start3A_247 = arith.constant 0 : i32
        %dma_start3A_248 = tpu.memref_slice %arg9[%dma_start3A_246, %dma_start3A_247] : memref<80x128xf32, #tpu.memory_space<vmem>> -> memref<40x128xf32, #tpu.memory_space<vmem>>
        tpu.enqueue_dma source(%dma_start3A_248 : memref<40x128xf32, #tpu.memory_space<vmem>>) target(%dma_start3A_245 : memref<40x128xf32, #tpu.memory_space<vmem_shared>>) target_semaphore(%run_scoped3A_238 : memref<!tpu.dma_semaphore, #tpu.memory_space<semaphore_mem>>)
        %dma_wait3A_249 = arith.constant 0 : i32
        %dma_wait3A_250 = arith.constant 0 : i32
        %dma_wait3A_251 = tpu.memref_slice %arg9[%dma_wait3A_249, %dma_wait3A_250] : memref<80x128xf32, #tpu.memory_space<vmem>> -> memref<40x128xf32, #tpu.memory_space<vmem>>
        %dma_wait3A_252 = arith.constant 0 : i32
        %dma_wait3A_253 = tpu.memref_slice %arg11[%mul3A_237, %dma_wait3A_252] : memref<10008x128xf32, #tpu.memory_space<vmem_shared>> -> memref<40x128xf32, #tpu.memory_space<vmem_shared>>
        %dma_wait3A_254 = arith.constant 0 : i32
        %dma_wait3A_255 = tpu.memref_slice %arg11[%mul3A_237, %dma_wait3A_254] : memref<10008x128xf32, #tpu.memory_space<vmem_shared>> -> memref<40x128xf32, #tpu.memory_space<vmem_shared>>
        %dma_wait3A_256 = arith.constant 0 : i32
        %dma_wait3A_257 = arith.constant 0 : i32
        %dma_wait3A_258 = tpu.memref_slice %arg9[%dma_wait3A_256, %dma_wait3A_257] : memref<80x128xf32, #tpu.memory_space<vmem>> -> memref<40x128xf32, #tpu.memory_space<vmem>>
        tpu.wait_dma2 semaphore(%run_scoped3A_238 : memref<!tpu.dma_semaphore, #tpu.memory_space<semaphore_mem>>) src(%dma_wait3A_258 : memref<40x128xf32, #tpu.memory_space<vmem>>) dst(%dma_wait3A_255 : memref<40x128xf32, #tpu.memory_space<vmem_shared>>)
        tpu.yield
      }) : () -> ()
    } else {
    }
    %lt3A_66 = arith.constant 15 : i32
    %lt3A_67 = arith.cmpi slt, %arg1, %lt3A_66 : i32
    %convert_element_type3A_68 = arith.extui %lt3A_67 : i1 to i32
    %cond3A_69 = arith.constant 0 : i32
    %cond3A_70 = arith.cmpi ne, %convert_element_type3A_68, %cond3A_69 : i32
    scf.if %cond3A_70 {
      %mul3A_232 = arith.constant 16 : i32
      %mul3A_233 = arith.muli %arg1, %mul3A_232 : i32
      %add3A_234 = arith.constant 11 : i32
      %add3A_235 = arith.addi %mul3A_233, %add3A_234 : i32
      %mul3A_236 = arith.constant 40 : i32
      %mul3A_237 = arith.muli %add3A_235, %mul3A_236 : i32
      "tpu.region"() ({
        %run_scoped3A_238 = tpu.sem_alloc : memref<!tpu.dma_semaphore, #tpu.memory_space<semaphore_mem>>
        %dma_start3A_239 = arith.constant 0 : i32
        %dma_start3A_240 = arith.constant 0 : i32
        %dma_start3A_241 = tpu.memref_slice %arg9[%dma_start3A_239, %dma_start3A_240] : memref<80x128xf32, #tpu.memory_space<vmem>> -> memref<40x128xf32, #tpu.memory_space<vmem>>
        %dma_start3A_242 = arith.constant 0 : i32
        %dma_start3A_243 = tpu.memref_slice %arg11[%mul3A_237, %dma_start3A_242] : memref<10008x128xf32, #tpu.memory_space<vmem_shared>> -> memref<40x128xf32, #tpu.memory_space<vmem_shared>>
        %dma_start3A_244 = arith.constant 0 : i32
        %dma_start3A_245 = tpu.memref_slice %arg11[%mul3A_237, %dma_start3A_244] : memref<10008x128xf32, #tpu.memory_space<vmem_shared>> -> memref<40x128xf32, #tpu.memory_space<vmem_shared>>
        %dma_start3A_246 = arith.constant 0 : i32
        %dma_start3A_247 = arith.constant 0 : i32
        %dma_start3A_248 = tpu.memref_slice %arg9[%dma_start3A_246, %dma_start3A_247] : memref<80x128xf32, #tpu.memory_space<vmem>> -> memref<40x128xf32, #tpu.memory_space<vmem>>
        tpu.enqueue_dma source(%dma_start3A_248 : memref<40x128xf32, #tpu.memory_space<vmem>>) target(%dma_start3A_245 : memref<40x128xf32, #tpu.memory_space<vmem_shared>>) target_semaphore(%run_scoped3A_238 : memref<!tpu.dma_semaphore, #tpu.memory_space<semaphore_mem>>)
        %dma_wait3A_249 = arith.constant 0 : i32
        %dma_wait3A_250 = arith.constant 0 : i32
        %dma_wait3A_251 = tpu.memref_slice %arg9[%dma_wait3A_249, %dma_wait3A_250] : memref<80x128xf32, #tpu.memory_space<vmem>> -> memref<40x128xf32, #tpu.memory_space<vmem>>
        %dma_wait3A_252 = arith.constant 0 : i32
        %dma_wait3A_253 = tpu.memref_slice %arg11[%mul3A_237, %dma_wait3A_252] : memref<10008x128xf32, #tpu.memory_space<vmem_shared>> -> memref<40x128xf32, #tpu.memory_space<vmem_shared>>
        %dma_wait3A_254 = arith.constant 0 : i32
        %dma_wait3A_255 = tpu.memref_slice %arg11[%mul3A_237, %dma_wait3A_254] : memref<10008x128xf32, #tpu.memory_space<vmem_shared>> -> memref<40x128xf32, #tpu.memory_space<vmem_shared>>
        %dma_wait3A_256 = arith.constant 0 : i32
        %dma_wait3A_257 = arith.constant 0 : i32
        %dma_wait3A_258 = tpu.memref_slice %arg9[%dma_wait3A_256, %dma_wait3A_257] : memref<80x128xf32, #tpu.memory_space<vmem>> -> memref<40x128xf32, #tpu.memory_space<vmem>>
        tpu.wait_dma2 semaphore(%run_scoped3A_238 : memref<!tpu.dma_semaphore, #tpu.memory_space<semaphore_mem>>) src(%dma_wait3A_258 : memref<40x128xf32, #tpu.memory_space<vmem>>) dst(%dma_wait3A_255 : memref<40x128xf32, #tpu.memory_space<vmem_shared>>)
        tpu.yield
      }) : () -> ()
    } else {
    }
    %lt3A_71 = arith.constant 15 : i32
    %lt3A_72 = arith.cmpi slt, %arg1, %lt3A_71 : i32
    %convert_element_type3A_73 = arith.extui %lt3A_72 : i1 to i32
    %cond3A_74 = arith.constant 0 : i32
    %cond3A_75 = arith.cmpi ne, %convert_element_type3A_73, %cond3A_74 : i32
    scf.if %cond3A_75 {
      %mul3A_232 = arith.constant 16 : i32
      %mul3A_233 = arith.muli %arg1, %mul3A_232 : i32
      %add3A_234 = arith.constant 12 : i32
      %add3A_235 = arith.addi %mul3A_233, %add3A_234 : i32
      %mul3A_236 = arith.constant 40 : i32
      %mul3A_237 = arith.muli %add3A_235, %mul3A_236 : i32
      "tpu.region"() ({
        %run_scoped3A_238 = tpu.sem_alloc : memref<!tpu.dma_semaphore, #tpu.memory_space<semaphore_mem>>
        %dma_start3A_239 = arith.constant 0 : i32
        %dma_start3A_240 = arith.constant 0 : i32
        %dma_start3A_241 = tpu.memref_slice %arg9[%dma_start3A_239, %dma_start3A_240] : memref<80x128xf32, #tpu.memory_space<vmem>> -> memref<40x128xf32, #tpu.memory_space<vmem>>
        %dma_start3A_242 = arith.constant 0 : i32
        %dma_start3A_243 = tpu.memref_slice %arg11[%mul3A_237, %dma_start3A_242] : memref<10008x128xf32, #tpu.memory_space<vmem_shared>> -> memref<40x128xf32, #tpu.memory_space<vmem_shared>>
        %dma_start3A_244 = arith.constant 0 : i32
        %dma_start3A_245 = tpu.memref_slice %arg11[%mul3A_237, %dma_start3A_244] : memref<10008x128xf32, #tpu.memory_space<vmem_shared>> -> memref<40x128xf32, #tpu.memory_space<vmem_shared>>
        %dma_start3A_246 = arith.constant 0 : i32
        %dma_start3A_247 = arith.constant 0 : i32
        %dma_start3A_248 = tpu.memref_slice %arg9[%dma_start3A_246, %dma_start3A_247] : memref<80x128xf32, #tpu.memory_space<vmem>> -> memref<40x128xf32, #tpu.memory_space<vmem>>
        tpu.enqueue_dma source(%dma_start3A_248 : memref<40x128xf32, #tpu.memory_space<vmem>>) target(%dma_start3A_245 : memref<40x128xf32, #tpu.memory_space<vmem_shared>>) target_semaphore(%run_scoped3A_238 : memref<!tpu.dma_semaphore, #tpu.memory_space<semaphore_mem>>)
        %dma_wait3A_249 = arith.constant 0 : i32
        %dma_wait3A_250 = arith.constant 0 : i32
        %dma_wait3A_251 = tpu.memref_slice %arg9[%dma_wait3A_249, %dma_wait3A_250] : memref<80x128xf32, #tpu.memory_space<vmem>> -> memref<40x128xf32, #tpu.memory_space<vmem>>
        %dma_wait3A_252 = arith.constant 0 : i32
        %dma_wait3A_253 = tpu.memref_slice %arg11[%mul3A_237, %dma_wait3A_252] : memref<10008x128xf32, #tpu.memory_space<vmem_shared>> -> memref<40x128xf32, #tpu.memory_space<vmem_shared>>
        %dma_wait3A_254 = arith.constant 0 : i32
        %dma_wait3A_255 = tpu.memref_slice %arg11[%mul3A_237, %dma_wait3A_254] : memref<10008x128xf32, #tpu.memory_space<vmem_shared>> -> memref<40x128xf32, #tpu.memory_space<vmem_shared>>
        %dma_wait3A_256 = arith.constant 0 : i32
        %dma_wait3A_257 = arith.constant 0 : i32
        %dma_wait3A_258 = tpu.memref_slice %arg9[%dma_wait3A_256, %dma_wait3A_257] : memref<80x128xf32, #tpu.memory_space<vmem>> -> memref<40x128xf32, #tpu.memory_space<vmem>>
        tpu.wait_dma2 semaphore(%run_scoped3A_238 : memref<!tpu.dma_semaphore, #tpu.memory_space<semaphore_mem>>) src(%dma_wait3A_258 : memref<40x128xf32, #tpu.memory_space<vmem>>) dst(%dma_wait3A_255 : memref<40x128xf32, #tpu.memory_space<vmem_shared>>)
        tpu.yield
      }) : () -> ()
    } else {
    }
    %lt3A_76 = arith.constant 15 : i32
    %lt3A_77 = arith.cmpi slt, %arg1, %lt3A_76 : i32
    %convert_element_type3A_78 = arith.extui %lt3A_77 : i1 to i32
    %cond3A_79 = arith.constant 0 : i32
    %cond3A_80 = arith.cmpi ne, %convert_element_type3A_78, %cond3A_79 : i32
    scf.if %cond3A_80 {
      %mul3A_232 = arith.constant 16 : i32
      %mul3A_233 = arith.muli %arg1, %mul3A_232 : i32
      %add3A_234 = arith.constant 13 : i32
      %add3A_235 = arith.addi %mul3A_233, %add3A_234 : i32
      %mul3A_236 = arith.constant 40 : i32
      %mul3A_237 = arith.muli %add3A_235, %mul3A_236 : i32
      "tpu.region"() ({
        %run_scoped3A_238 = tpu.sem_alloc : memref<!tpu.dma_semaphore, #tpu.memory_space<semaphore_mem>>
        %dma_start3A_239 = arith.constant 0 : i32
        %dma_start3A_240 = arith.constant 0 : i32
        %dma_start3A_241 = tpu.memref_slice %arg9[%dma_start3A_239, %dma_start3A_240] : memref<80x128xf32, #tpu.memory_space<vmem>> -> memref<40x128xf32, #tpu.memory_space<vmem>>
        %dma_start3A_242 = arith.constant 0 : i32
        %dma_start3A_243 = tpu.memref_slice %arg11[%mul3A_237, %dma_start3A_242] : memref<10008x128xf32, #tpu.memory_space<vmem_shared>> -> memref<40x128xf32, #tpu.memory_space<vmem_shared>>
        %dma_start3A_244 = arith.constant 0 : i32
        %dma_start3A_245 = tpu.memref_slice %arg11[%mul3A_237, %dma_start3A_244] : memref<10008x128xf32, #tpu.memory_space<vmem_shared>> -> memref<40x128xf32, #tpu.memory_space<vmem_shared>>
        %dma_start3A_246 = arith.constant 0 : i32
        %dma_start3A_247 = arith.constant 0 : i32
        %dma_start3A_248 = tpu.memref_slice %arg9[%dma_start3A_246, %dma_start3A_247] : memref<80x128xf32, #tpu.memory_space<vmem>> -> memref<40x128xf32, #tpu.memory_space<vmem>>
        tpu.enqueue_dma source(%dma_start3A_248 : memref<40x128xf32, #tpu.memory_space<vmem>>) target(%dma_start3A_245 : memref<40x128xf32, #tpu.memory_space<vmem_shared>>) target_semaphore(%run_scoped3A_238 : memref<!tpu.dma_semaphore, #tpu.memory_space<semaphore_mem>>)
        %dma_wait3A_249 = arith.constant 0 : i32
        %dma_wait3A_250 = arith.constant 0 : i32
        %dma_wait3A_251 = tpu.memref_slice %arg9[%dma_wait3A_249, %dma_wait3A_250] : memref<80x128xf32, #tpu.memory_space<vmem>> -> memref<40x128xf32, #tpu.memory_space<vmem>>
        %dma_wait3A_252 = arith.constant 0 : i32
        %dma_wait3A_253 = tpu.memref_slice %arg11[%mul3A_237, %dma_wait3A_252] : memref<10008x128xf32, #tpu.memory_space<vmem_shared>> -> memref<40x128xf32, #tpu.memory_space<vmem_shared>>
        %dma_wait3A_254 = arith.constant 0 : i32
        %dma_wait3A_255 = tpu.memref_slice %arg11[%mul3A_237, %dma_wait3A_254] : memref<10008x128xf32, #tpu.memory_space<vmem_shared>> -> memref<40x128xf32, #tpu.memory_space<vmem_shared>>
        %dma_wait3A_256 = arith.constant 0 : i32
        %dma_wait3A_257 = arith.constant 0 : i32
        %dma_wait3A_258 = tpu.memref_slice %arg9[%dma_wait3A_256, %dma_wait3A_257] : memref<80x128xf32, #tpu.memory_space<vmem>> -> memref<40x128xf32, #tpu.memory_space<vmem>>
        tpu.wait_dma2 semaphore(%run_scoped3A_238 : memref<!tpu.dma_semaphore, #tpu.memory_space<semaphore_mem>>) src(%dma_wait3A_258 : memref<40x128xf32, #tpu.memory_space<vmem>>) dst(%dma_wait3A_255 : memref<40x128xf32, #tpu.memory_space<vmem_shared>>)
        tpu.yield
      }) : () -> ()
    } else {
    }
    %lt3A_81 = arith.constant 15 : i32
    %lt3A_82 = arith.cmpi slt, %arg1, %lt3A_81 : i32
    %convert_element_type3A_83 = arith.extui %lt3A_82 : i1 to i32
    %cond3A_84 = arith.constant 0 : i32
    %cond3A_85 = arith.cmpi ne, %convert_element_type3A_83, %cond3A_84 : i32
    scf.if %cond3A_85 {
      %mul3A_232 = arith.constant 16 : i32
      %mul3A_233 = arith.muli %arg1, %mul3A_232 : i32
      %add3A_234 = arith.constant 14 : i32
      %add3A_235 = arith.addi %mul3A_233, %add3A_234 : i32
      %mul3A_236 = arith.constant 40 : i32
      %mul3A_237 = arith.muli %add3A_235, %mul3A_236 : i32
      "tpu.region"() ({
        %run_scoped3A_238 = tpu.sem_alloc : memref<!tpu.dma_semaphore, #tpu.memory_space<semaphore_mem>>
        %dma_start3A_239 = arith.constant 0 : i32
        %dma_start3A_240 = arith.constant 0 : i32
        %dma_start3A_241 = tpu.memref_slice %arg9[%dma_start3A_239, %dma_start3A_240] : memref<80x128xf32, #tpu.memory_space<vmem>> -> memref<40x128xf32, #tpu.memory_space<vmem>>
        %dma_start3A_242 = arith.constant 0 : i32
        %dma_start3A_243 = tpu.memref_slice %arg11[%mul3A_237, %dma_start3A_242] : memref<10008x128xf32, #tpu.memory_space<vmem_shared>> -> memref<40x128xf32, #tpu.memory_space<vmem_shared>>
        %dma_start3A_244 = arith.constant 0 : i32
        %dma_start3A_245 = tpu.memref_slice %arg11[%mul3A_237, %dma_start3A_244] : memref<10008x128xf32, #tpu.memory_space<vmem_shared>> -> memref<40x128xf32, #tpu.memory_space<vmem_shared>>
        %dma_start3A_246 = arith.constant 0 : i32
        %dma_start3A_247 = arith.constant 0 : i32
        %dma_start3A_248 = tpu.memref_slice %arg9[%dma_start3A_246, %dma_start3A_247] : memref<80x128xf32, #tpu.memory_space<vmem>> -> memref<40x128xf32, #tpu.memory_space<vmem>>
        tpu.enqueue_dma source(%dma_start3A_248 : memref<40x128xf32, #tpu.memory_space<vmem>>) target(%dma_start3A_245 : memref<40x128xf32, #tpu.memory_space<vmem_shared>>) target_semaphore(%run_scoped3A_238 : memref<!tpu.dma_semaphore, #tpu.memory_space<semaphore_mem>>)
        %dma_wait3A_249 = arith.constant 0 : i32
        %dma_wait3A_250 = arith.constant 0 : i32
        %dma_wait3A_251 = tpu.memref_slice %arg9[%dma_wait3A_249, %dma_wait3A_250] : memref<80x128xf32, #tpu.memory_space<vmem>> -> memref<40x128xf32, #tpu.memory_space<vmem>>
        %dma_wait3A_252 = arith.constant 0 : i32
        %dma_wait3A_253 = tpu.memref_slice %arg11[%mul3A_237, %dma_wait3A_252] : memref<10008x128xf32, #tpu.memory_space<vmem_shared>> -> memref<40x128xf32, #tpu.memory_space<vmem_shared>>
        %dma_wait3A_254 = arith.constant 0 : i32
        %dma_wait3A_255 = tpu.memref_slice %arg11[%mul3A_237, %dma_wait3A_254] : memref<10008x128xf32, #tpu.memory_space<vmem_shared>> -> memref<40x128xf32, #tpu.memory_space<vmem_shared>>
        %dma_wait3A_256 = arith.constant 0 : i32
        %dma_wait3A_257 = arith.constant 0 : i32
        %dma_wait3A_258 = tpu.memref_slice %arg9[%dma_wait3A_256, %dma_wait3A_257] : memref<80x128xf32, #tpu.memory_space<vmem>> -> memref<40x128xf32, #tpu.memory_space<vmem>>
        tpu.wait_dma2 semaphore(%run_scoped3A_238 : memref<!tpu.dma_semaphore, #tpu.memory_space<semaphore_mem>>) src(%dma_wait3A_258 : memref<40x128xf32, #tpu.memory_space<vmem>>) dst(%dma_wait3A_255 : memref<40x128xf32, #tpu.memory_space<vmem_shared>>)
        tpu.yield
      }) : () -> ()
    } else {
    }
    %lt3A_86 = arith.constant 15 : i32
    %lt3A_87 = arith.cmpi slt, %arg1, %lt3A_86 : i32
    %convert_element_type3A_88 = arith.extui %lt3A_87 : i1 to i32
    %cond3A_89 = arith.constant 0 : i32
    %cond3A_90 = arith.cmpi ne, %convert_element_type3A_88, %cond3A_89 : i32
    scf.if %cond3A_90 {
      %mul3A_232 = arith.constant 16 : i32
      %mul3A_233 = arith.muli %arg1, %mul3A_232 : i32
      %add3A_234 = arith.constant 15 : i32
      %add3A_235 = arith.addi %mul3A_233, %add3A_234 : i32
      %mul3A_236 = arith.constant 40 : i32
      %mul3A_237 = arith.muli %add3A_235, %mul3A_236 : i32
      "tpu.region"() ({
        %run_scoped3A_238 = tpu.sem_alloc : memref<!tpu.dma_semaphore, #tpu.memory_space<semaphore_mem>>
        %dma_start3A_239 = arith.constant 0 : i32
        %dma_start3A_240 = arith.constant 0 : i32
        %dma_start3A_241 = tpu.memref_slice %arg9[%dma_start3A_239, %dma_start3A_240] : memref<80x128xf32, #tpu.memory_space<vmem>> -> memref<40x128xf32, #tpu.memory_space<vmem>>
        %dma_start3A_242 = arith.constant 0 : i32
        %dma_start3A_243 = tpu.memref_slice %arg11[%mul3A_237, %dma_start3A_242] : memref<10008x128xf32, #tpu.memory_space<vmem_shared>> -> memref<40x128xf32, #tpu.memory_space<vmem_shared>>
        %dma_start3A_244 = arith.constant 0 : i32
        %dma_start3A_245 = tpu.memref_slice %arg11[%mul3A_237, %dma_start3A_244] : memref<10008x128xf32, #tpu.memory_space<vmem_shared>> -> memref<40x128xf32, #tpu.memory_space<vmem_shared>>
        %dma_start3A_246 = arith.constant 0 : i32
        %dma_start3A_247 = arith.constant 0 : i32
        %dma_start3A_248 = tpu.memref_slice %arg9[%dma_start3A_246, %dma_start3A_247] : memref<80x128xf32, #tpu.memory_space<vmem>> -> memref<40x128xf32, #tpu.memory_space<vmem>>
        tpu.enqueue_dma source(%dma_start3A_248 : memref<40x128xf32, #tpu.memory_space<vmem>>) target(%dma_start3A_245 : memref<40x128xf32, #tpu.memory_space<vmem_shared>>) target_semaphore(%run_scoped3A_238 : memref<!tpu.dma_semaphore, #tpu.memory_space<semaphore_mem>>)
        %dma_wait3A_249 = arith.constant 0 : i32
        %dma_wait3A_250 = arith.constant 0 : i32
        %dma_wait3A_251 = tpu.memref_slice %arg9[%dma_wait3A_249, %dma_wait3A_250] : memref<80x128xf32, #tpu.memory_space<vmem>> -> memref<40x128xf32, #tpu.memory_space<vmem>>
        %dma_wait3A_252 = arith.constant 0 : i32
        %dma_wait3A_253 = tpu.memref_slice %arg11[%mul3A_237, %dma_wait3A_252] : memref<10008x128xf32, #tpu.memory_space<vmem_shared>> -> memref<40x128xf32, #tpu.memory_space<vmem_shared>>
        %dma_wait3A_254 = arith.constant 0 : i32
        %dma_wait3A_255 = tpu.memref_slice %arg11[%mul3A_237, %dma_wait3A_254] : memref<10008x128xf32, #tpu.memory_space<vmem_shared>> -> memref<40x128xf32, #tpu.memory_space<vmem_shared>>
        %dma_wait3A_256 = arith.constant 0 : i32
        %dma_wait3A_257 = arith.constant 0 : i32
        %dma_wait3A_258 = tpu.memref_slice %arg9[%dma_wait3A_256, %dma_wait3A_257] : memref<80x128xf32, #tpu.memory_space<vmem>> -> memref<40x128xf32, #tpu.memory_space<vmem>>
        tpu.wait_dma2 semaphore(%run_scoped3A_238 : memref<!tpu.dma_semaphore, #tpu.memory_space<semaphore_mem>>) src(%dma_wait3A_258 : memref<40x128xf32, #tpu.memory_space<vmem>>) dst(%dma_wait3A_255 : memref<40x128xf32, #tpu.memory_space<vmem_shared>>)
        tpu.yield
      }) : () -> ()
    } else {
    }
    "tpu.region"() ({
      %run_scoped3A_232 = tpu.sem_alloc : memref<!tpu.dma_semaphore, #tpu.memory_space<semaphore_mem>>
      %dma_start3A_233 = arith.constant 0 : i32
      %dma_start3A_234 = tpu.memref_slice %arg3[%arg1, %dma_start3A_233] : memref<16x10000xi32, #tpu.memory_space<hbm>> -> memref<1x10000xi32, #tpu.memory_space<hbm>>
      %dma_start3A_235 = tpu.memref_squeeze %dma_start3A_234 : memref<1x10000xi32, #tpu.memory_space<hbm>> -> memref<10000xi32, #tpu.memory_space<hbm>>
      %dma_start3A_236 = arith.constant 0 : i32
      %dma_start3A_237 = tpu.memref_slice %arg3[%arg1, %dma_start3A_236] : memref<16x10000xi32, #tpu.memory_space<hbm>> -> memref<1x10000xi32, #tpu.memory_space<hbm>>
      %dma_start3A_238 = tpu.memref_squeeze %dma_start3A_237 : memref<1x10000xi32, #tpu.memory_space<hbm>> -> memref<10000xi32, #tpu.memory_space<hbm>>
      tpu.enqueue_dma source(%dma_start3A_238 : memref<10000xi32, #tpu.memory_space<hbm>>) target(%arg7 : memref<10000xi32, #tpu.memory_space<vmem>>) target_semaphore(%run_scoped3A_232 : memref<!tpu.dma_semaphore, #tpu.memory_space<semaphore_mem>>)
      %dma_wait3A_239 = arith.constant 0 : i32
      %dma_wait3A_240 = tpu.memref_slice %arg3[%arg1, %dma_wait3A_239] : memref<16x10000xi32, #tpu.memory_space<hbm>> -> memref<1x10000xi32, #tpu.memory_space<hbm>>
      %dma_wait3A_241 = tpu.memref_squeeze %dma_wait3A_240 : memref<1x10000xi32, #tpu.memory_space<hbm>> -> memref<10000xi32, #tpu.memory_space<hbm>>
      %dma_wait3A_242 = arith.constant 0 : i32
      %dma_wait3A_243 = tpu.memref_slice %arg3[%arg1, %dma_wait3A_242] : memref<16x10000xi32, #tpu.memory_space<hbm>> -> memref<1x10000xi32, #tpu.memory_space<hbm>>
      %dma_wait3A_244 = tpu.memref_squeeze %dma_wait3A_243 : memref<1x10000xi32, #tpu.memory_space<hbm>> -> memref<10000xi32, #tpu.memory_space<hbm>>
      tpu.wait_dma2 semaphore(%run_scoped3A_232 : memref<!tpu.dma_semaphore, #tpu.memory_space<semaphore_mem>>) src(%dma_wait3A_244 : memref<10000xi32, #tpu.memory_space<hbm>>) dst(%arg7 : memref<10000xi32, #tpu.memory_space<vmem>>)
      tpu.yield
    }) : () -> ()
    "tpu.region"() ({
      %run_scoped3A_232 = tpu.sem_alloc : memref<!tpu.dma_semaphore, #tpu.memory_space<semaphore_mem>>
      %dma_start3A_233 = arith.constant 0 : i32
      %dma_start3A_234 = arith.constant 0 : i32
      %dma_start3A_235 = tpu.memref_slice %arg4[%arg1, %dma_start3A_233, %dma_start3A_234] : memref<16x125x80xi32, #tpu.memory_space<hbm>> -> memref<1x125x80xi32, #tpu.memory_space<hbm>>
      %dma_start3A_236 = tpu.memref_squeeze %dma_start3A_235 : memref<1x125x80xi32, #tpu.memory_space<hbm>> -> memref<125x80xi32, #tpu.memory_space<hbm>>
      %dma_start3A_237 = arith.constant 0 : i32
      %dma_start3A_238 = arith.constant 0 : i32
      %dma_start3A_239 = tpu.memref_slice %arg4[%arg1, %dma_start3A_237, %dma_start3A_238] : memref<16x125x80xi32, #tpu.memory_space<hbm>> -> memref<1x125x80xi32, #tpu.memory_space<hbm>>
      %dma_start3A_240 = tpu.memref_squeeze %dma_start3A_239 : memref<1x125x80xi32, #tpu.memory_space<hbm>> -> memref<125x80xi32, #tpu.memory_space<hbm>>
      tpu.enqueue_dma source(%dma_start3A_240 : memref<125x80xi32, #tpu.memory_space<hbm>>) target(%arg8 : memref<125x80xi32, #tpu.memory_space<vmem>>) target_semaphore(%run_scoped3A_232 : memref<!tpu.dma_semaphore, #tpu.memory_space<semaphore_mem>>)
      %dma_wait3A_241 = arith.constant 0 : i32
      %dma_wait3A_242 = arith.constant 0 : i32
      %dma_wait3A_243 = tpu.memref_slice %arg4[%arg1, %dma_wait3A_241, %dma_wait3A_242] : memref<16x125x80xi32, #tpu.memory_space<hbm>> -> memref<1x125x80xi32, #tpu.memory_space<hbm>>
      %dma_wait3A_244 = tpu.memref_squeeze %dma_wait3A_243 : memref<1x125x80xi32, #tpu.memory_space<hbm>> -> memref<125x80xi32, #tpu.memory_space<hbm>>
      %dma_wait3A_245 = arith.constant 0 : i32
      %dma_wait3A_246 = arith.constant 0 : i32
      %dma_wait3A_247 = tpu.memref_slice %arg4[%arg1, %dma_wait3A_245, %dma_wait3A_246] : memref<16x125x80xi32, #tpu.memory_space<hbm>> -> memref<1x125x80xi32, #tpu.memory_space<hbm>>
      %dma_wait3A_248 = tpu.memref_squeeze %dma_wait3A_247 : memref<1x125x80xi32, #tpu.memory_space<hbm>> -> memref<125x80xi32, #tpu.memory_space<hbm>>
      tpu.wait_dma2 semaphore(%run_scoped3A_232 : memref<!tpu.dma_semaphore, #tpu.memory_space<semaphore_mem>>) src(%dma_wait3A_248 : memref<125x80xi32, #tpu.memory_space<hbm>>) dst(%arg8 : memref<125x80xi32, #tpu.memory_space<vmem>>)
      tpu.yield
    }) : () -> ()
    %barrier3A = arith.constant 0 : index
    tpu.barrier barrier_id(%barrier3A)
    %dma_start3A = arith.constant 0 : i32
    %dma_start3A_91 = tpu.memref_slice %arg7[%dma_start3A] : memref<10000xi32, #tpu.memory_space<vmem>> -> memref<80xi32, #tpu.memory_space<vmem>>
    %dma_start3A_92 = arith.constant 0 : i32
    %dma_start3A_93 = arith.constant 0 : i32
    %dma_start3A_94 = tpu.memref_slice %arg2[%arg0, %dma_start3A_92, %dma_start3A_93] : memref<2x10000x128xf32, #tpu.memory_space<hbm>> -> memref<1x10000x128xf32, #tpu.memory_space<hbm>>
    %dma_start3A_95 = tpu.memref_squeeze %dma_start3A_94 : memref<1x10000x128xf32, #tpu.memory_space<hbm>> -> memref<10000x128xf32, #tpu.memory_space<hbm>>
    %dma_start3A_96 = arith.constant 0 : i32
    %dma_start3A_97 = arith.constant 0 : i32
    %dma_start3A_98 = tpu.memref_slice %dma_start3A_95[%dma_start3A_96, %dma_start3A_97] : memref<10000x128xf32, #tpu.memory_space<hbm>> -> memref<10000x128xf32, #tpu.memory_space<hbm>>
    tpu.enqueue_indirect_dma source(%dma_start3A_98 : memref<10000x128xf32, #tpu.memory_space<hbm>>) target(%arg9 : memref<80x128xf32, #tpu.memory_space<vmem>>) offsets(%dma_start3A_91 : memref<80xi32, #tpu.memory_space<vmem>>) semaphore(%arg12 : memref<!tpu.dma_semaphore, #tpu.memory_space<semaphore_mem>>)
    %dma_start3A_99 = arith.constant 80 : i32
    %dma_start3A_100 = tpu.memref_slice %arg7[%dma_start3A_99] : memref<10000xi32, #tpu.memory_space<vmem>> -> memref<80xi32, #tpu.memory_space<vmem>>
    %dma_start3A_101 = arith.constant 0 : i32
    %dma_start3A_102 = arith.constant 0 : i32
    %dma_start3A_103 = tpu.memref_slice %arg2[%arg0, %dma_start3A_101, %dma_start3A_102] : memref<2x10000x128xf32, #tpu.memory_space<hbm>> -> memref<1x10000x128xf32, #tpu.memory_space<hbm>>
    %dma_start3A_104 = tpu.memref_squeeze %dma_start3A_103 : memref<1x10000x128xf32, #tpu.memory_space<hbm>> -> memref<10000x128xf32, #tpu.memory_space<hbm>>
    %dma_start3A_105 = arith.constant 0 : i32
    %dma_start3A_106 = arith.constant 0 : i32
    %dma_start3A_107 = tpu.memref_slice %dma_start3A_104[%dma_start3A_105, %dma_start3A_106] : memref<10000x128xf32, #tpu.memory_space<hbm>> -> memref<10000x128xf32, #tpu.memory_space<hbm>>
    tpu.enqueue_indirect_dma source(%dma_start3A_107 : memref<10000x128xf32, #tpu.memory_space<hbm>>) target(%arg10 : memref<80x128xf32, #tpu.memory_space<vmem>>) offsets(%dma_start3A_100 : memref<80xi32, #tpu.memory_space<vmem>>) semaphore(%arg13 : memref<!tpu.dma_semaphore, #tpu.memory_space<semaphore_mem>>)
    %scan3A_108 = arith.constant 0 : i32
    %scan3A_109 = arith.constant 62 : i32
    %scan3A_110 = arith.addi %scan3A_108, %scan3A_109 : i32
    %scan3A_111 = arith.constant 1 : i32
    scf.for %scan3A_232 = %scan3A_108 to %scan3A_110 step %scan3A_111  : i32 {
      %mul3A_233 = arith.constant 2 : i32
      %mul3A_234 = arith.muli %scan3A_232, %mul3A_233 : i32
      %add3A_235 = arith.constant 0 : i32
      %add3A_236 = arith.addi %add3A_235, %mul3A_234 : i32
      %add3A_237 = arith.constant 0 : i32
      %add3A_238 = arith.addi %add3A_236, %add3A_237 : i32
      %mul3A_239 = arith.constant 80 : i32
      %mul3A_240 = arith.muli %add3A_238, %mul3A_239 : i32
      %dma_wait3A_241 = tpu.memref_slice %arg7[%mul3A_240] : memref<10000xi32, #tpu.memory_space<vmem>> -> memref<80xi32, #tpu.memory_space<vmem>>
      %dma_wait3A_242 = arith.constant 0 : i32
      %dma_wait3A_243 = arith.constant 0 : i32
      %dma_wait3A_244 = tpu.memref_slice %arg2[%arg0, %dma_wait3A_242, %dma_wait3A_243] : memref<2x10000x128xf32, #tpu.memory_space<hbm>> -> memref<1x10000x128xf32, #tpu.memory_space<hbm>>
      %dma_wait3A_245 = tpu.memref_squeeze %dma_wait3A_244 : memref<1x10000x128xf32, #tpu.memory_space<hbm>> -> memref<10000x128xf32, #tpu.memory_space<hbm>>
      %dma_wait3A_246 = arith.constant 0 : i32
      %dma_wait3A_247 = arith.constant 0 : i32
      %dma_wait3A_248 = tpu.memref_slice %dma_wait3A_245[%dma_wait3A_246, %dma_wait3A_247] : memref<10000x128xf32, #tpu.memory_space<hbm>> -> memref<10000x128xf32, #tpu.memory_space<hbm>>
      tpu.wait_indirect_dma semaphore(%arg12 : memref<!tpu.dma_semaphore, #tpu.memory_space<semaphore_mem>>) src(%dma_wait3A_248 : memref<10000x128xf32, #tpu.memory_space<hbm>>) dst(%arg9 : memref<80x128xf32, #tpu.memory_space<vmem>>)
      "tpu.region"() ({
        %run_scoped3A_275 = tpu.sem_alloc : memref<!tpu.dma_semaphore, #tpu.memory_space<semaphore_mem>>
        %dma_start3A_276 = arith.constant 0 : i32
        %dma_start3A_277 = tpu.memref_slice %arg8[%add3A_238, %dma_start3A_276] : memref<125x80xi32, #tpu.memory_space<vmem>> -> memref<1x80xi32, #tpu.memory_space<vmem>>
        %dma_start3A_278 = tpu.memref_squeeze %dma_start3A_277 : memref<1x80xi32, #tpu.memory_space<vmem>> -> memref<80xi32, #tpu.memory_space<vmem>>
        %dma_start3A_279 = arith.constant 0 : i32
        %dma_start3A_280 = arith.constant 0 : i32
        %dma_start3A_281 = tpu.memref_slice %arg11[%dma_start3A_279, %dma_start3A_280] : memref<10008x128xf32, #tpu.memory_space<vmem_shared>> -> memref<10008x128xf32, #tpu.memory_space<vmem_shared>>
        tpu.enqueue_indirect_dma source(%arg9 : memref<80x128xf32, #tpu.memory_space<vmem>>) target(%dma_start3A_281 : memref<10008x128xf32, #tpu.memory_space<vmem_shared>>) offsets(%dma_start3A_278 : memref<80xi32, #tpu.memory_space<vmem>>) semaphore(%run_scoped3A_275 : memref<!tpu.dma_semaphore, #tpu.memory_space<semaphore_mem>>) {add = true}
        %dma_wait3A_282 = arith.constant 0 : i32
        %dma_wait3A_283 = tpu.memref_slice %arg8[%add3A_238, %dma_wait3A_282] : memref<125x80xi32, #tpu.memory_space<vmem>> -> memref<1x80xi32, #tpu.memory_space<vmem>>
        %dma_wait3A_284 = tpu.memref_squeeze %dma_wait3A_283 : memref<1x80xi32, #tpu.memory_space<vmem>> -> memref<80xi32, #tpu.memory_space<vmem>>
        %dma_wait3A_285 = arith.constant 0 : i32
        %dma_wait3A_286 = arith.constant 0 : i32
        %dma_wait3A_287 = tpu.memref_slice %arg11[%dma_wait3A_285, %dma_wait3A_286] : memref<10008x128xf32, #tpu.memory_space<vmem_shared>> -> memref<10008x128xf32, #tpu.memory_space<vmem_shared>>
        tpu.wait_indirect_dma semaphore(%run_scoped3A_275 : memref<!tpu.dma_semaphore, #tpu.memory_space<semaphore_mem>>) src(%arg9 : memref<80x128xf32, #tpu.memory_space<vmem>>) dst(%dma_wait3A_287 : memref<10008x128xf32, #tpu.memory_space<vmem_shared>>)
        tpu.yield
      }) : () -> ()
      %add3A_249 = arith.constant 2 : i32
      %add3A_250 = arith.addi %add3A_238, %add3A_249 : i32
      %lt3A_251 = arith.constant 125 : i32
      %lt3A_252 = arith.cmpi slt, %add3A_250, %lt3A_251 : i32
      %convert_element_type3A_253 = arith.extui %lt3A_252 : i1 to i32
      %cond3A_254 = arith.constant 0 : i32
      %cond3A_255 = arith.cmpi ne, %convert_element_type3A_253, %cond3A_254 : i32
      scf.if %cond3A_255 {
        %add3A_275 = arith.constant 2 : i32
        %add3A_276 = arith.addi %add3A_238, %add3A_275 : i32
        %mul3A_277 = arith.constant 80 : i32
        %mul3A_278 = arith.muli %add3A_276, %mul3A_277 : i32
        %dma_start3A_279 = tpu.memref_slice %arg7[%mul3A_278] : memref<10000xi32, #tpu.memory_space<vmem>> -> memref<80xi32, #tpu.memory_space<vmem>>
        %dma_start3A_280 = arith.constant 0 : i32
        %dma_start3A_281 = arith.constant 0 : i32
        %dma_start3A_282 = tpu.memref_slice %arg2[%arg0, %dma_start3A_280, %dma_start3A_281] : memref<2x10000x128xf32, #tpu.memory_space<hbm>> -> memref<1x10000x128xf32, #tpu.memory_space<hbm>>
        %dma_start3A_283 = tpu.memref_squeeze %dma_start3A_282 : memref<1x10000x128xf32, #tpu.memory_space<hbm>> -> memref<10000x128xf32, #tpu.memory_space<hbm>>
        %dma_start3A_284 = arith.constant 0 : i32
        %dma_start3A_285 = arith.constant 0 : i32
        %dma_start3A_286 = tpu.memref_slice %dma_start3A_283[%dma_start3A_284, %dma_start3A_285] : memref<10000x128xf32, #tpu.memory_space<hbm>> -> memref<10000x128xf32, #tpu.memory_space<hbm>>
        tpu.enqueue_indirect_dma source(%dma_start3A_286 : memref<10000x128xf32, #tpu.memory_space<hbm>>) target(%arg9 : memref<80x128xf32, #tpu.memory_space<vmem>>) offsets(%dma_start3A_279 : memref<80xi32, #tpu.memory_space<vmem>>) semaphore(%arg12 : memref<!tpu.dma_semaphore, #tpu.memory_space<semaphore_mem>>)
      } else {
      }
      %add3A_256 = arith.constant 1 : i32
      %add3A_257 = arith.addi %add3A_236, %add3A_256 : i32
      %mul3A_258 = arith.constant 80 : i32
      %mul3A_259 = arith.muli %add3A_257, %mul3A_258 : i32
      %dma_wait3A_260 = tpu.memref_slice %arg7[%mul3A_259] : memref<10000xi32, #tpu.memory_space<vmem>> -> memref<80xi32, #tpu.memory_space<vmem>>
      %dma_wait3A_261 = arith.constant 0 : i32
      %dma_wait3A_262 = arith.constant 0 : i32
      %dma_wait3A_263 = tpu.memref_slice %arg2[%arg0, %dma_wait3A_261, %dma_wait3A_262] : memref<2x10000x128xf32, #tpu.memory_space<hbm>> -> memref<1x10000x128xf32, #tpu.memory_space<hbm>>
      %dma_wait3A_264 = tpu.memref_squeeze %dma_wait3A_263 : memref<1x10000x128xf32, #tpu.memory_space<hbm>> -> memref<10000x128xf32, #tpu.memory_space<hbm>>
      %dma_wait3A_265 = arith.constant 0 : i32
      %dma_wait3A_266 = arith.constant 0 : i32
      %dma_wait3A_267 = tpu.memref_slice %dma_wait3A_264[%dma_wait3A_265, %dma_wait3A_266] : memref<10000x128xf32, #tpu.memory_space<hbm>> -> memref<10000x128xf32, #tpu.memory_space<hbm>>
      tpu.wait_indirect_dma semaphore(%arg13 : memref<!tpu.dma_semaphore, #tpu.memory_space<semaphore_mem>>) src(%dma_wait3A_267 : memref<10000x128xf32, #tpu.memory_space<hbm>>) dst(%arg10 : memref<80x128xf32, #tpu.memory_space<vmem>>)
      "tpu.region"() ({
        %run_scoped3A_275 = tpu.sem_alloc : memref<!tpu.dma_semaphore, #tpu.memory_space<semaphore_mem>>
        %dma_start3A_276 = arith.constant 0 : i32
        %dma_start3A_277 = tpu.memref_slice %arg8[%add3A_257, %dma_start3A_276] : memref<125x80xi32, #tpu.memory_space<vmem>> -> memref<1x80xi32, #tpu.memory_space<vmem>>
        %dma_start3A_278 = tpu.memref_squeeze %dma_start3A_277 : memref<1x80xi32, #tpu.memory_space<vmem>> -> memref<80xi32, #tpu.memory_space<vmem>>
        %dma_start3A_279 = arith.constant 0 : i32
        %dma_start3A_280 = arith.constant 0 : i32
        %dma_start3A_281 = tpu.memref_slice %arg11[%dma_start3A_279, %dma_start3A_280] : memref<10008x128xf32, #tpu.memory_space<vmem_shared>> -> memref<10008x128xf32, #tpu.memory_space<vmem_shared>>
        tpu.enqueue_indirect_dma source(%arg10 : memref<80x128xf32, #tpu.memory_space<vmem>>) target(%dma_start3A_281 : memref<10008x128xf32, #tpu.memory_space<vmem_shared>>) offsets(%dma_start3A_278 : memref<80xi32, #tpu.memory_space<vmem>>) semaphore(%run_scoped3A_275 : memref<!tpu.dma_semaphore, #tpu.memory_space<semaphore_mem>>) {add = true}
        %dma_wait3A_282 = arith.constant 0 : i32
        %dma_wait3A_283 = tpu.memref_slice %arg8[%add3A_257, %dma_wait3A_282] : memref<125x80xi32, #tpu.memory_space<vmem>> -> memref<1x80xi32, #tpu.memory_space<vmem>>
        %dma_wait3A_284 = tpu.memref_squeeze %dma_wait3A_283 : memref<1x80xi32, #tpu.memory_space<vmem>> -> memref<80xi32, #tpu.memory_space<vmem>>
        %dma_wait3A_285 = arith.constant 0 : i32
        %dma_wait3A_286 = arith.constant 0 : i32
        %dma_wait3A_287 = tpu.memref_slice %arg11[%dma_wait3A_285, %dma_wait3A_286] : memref<10008x128xf32, #tpu.memory_space<vmem_shared>> -> memref<10008x128xf32, #tpu.memory_space<vmem_shared>>
        tpu.wait_indirect_dma semaphore(%run_scoped3A_275 : memref<!tpu.dma_semaphore, #tpu.memory_space<semaphore_mem>>) src(%arg10 : memref<80x128xf32, #tpu.memory_space<vmem>>) dst(%dma_wait3A_287 : memref<10008x128xf32, #tpu.memory_space<vmem_shared>>)
        tpu.yield
      }) : () -> ()
      %add3A_268 = arith.constant 2 : i32
      %add3A_269 = arith.addi %add3A_257, %add3A_268 : i32
      %lt3A_270 = arith.constant 125 : i32
      %lt3A_271 = arith.cmpi slt, %add3A_269, %lt3A_270 : i32
      %convert_element_type3A_272 = arith.extui %lt3A_271 : i1 to i32
      %cond3A_273 = arith.constant 0 : i32
      %cond3A_274 = arith.cmpi ne, %convert_element_type3A_272, %cond3A_273 : i32
      scf.if %cond3A_274 {
        %add3A_275 = arith.constant 2 : i32
        %add3A_276 = arith.addi %add3A_257, %add3A_275 : i32
        %mul3A_277 = arith.constant 80 : i32
        %mul3A_278 = arith.muli %add3A_276, %mul3A_277 : i32
        %dma_start3A_279 = tpu.memref_slice %arg7[%mul3A_278] : memref<10000xi32, #tpu.memory_space<vmem>> -> memref<80xi32, #tpu.memory_space<vmem>>
        %dma_start3A_280 = arith.constant 0 : i32
        %dma_start3A_281 = arith.constant 0 : i32
        %dma_start3A_282 = tpu.memref_slice %arg2[%arg0, %dma_start3A_280, %dma_start3A_281] : memref<2x10000x128xf32, #tpu.memory_space<hbm>> -> memref<1x10000x128xf32, #tpu.memory_space<hbm>>
        %dma_start3A_283 = tpu.memref_squeeze %dma_start3A_282 : memref<1x10000x128xf32, #tpu.memory_space<hbm>> -> memref<10000x128xf32, #tpu.memory_space<hbm>>
        %dma_start3A_284 = arith.constant 0 : i32
        %dma_start3A_285 = arith.constant 0 : i32
        %dma_start3A_286 = tpu.memref_slice %dma_start3A_283[%dma_start3A_284, %dma_start3A_285] : memref<10000x128xf32, #tpu.memory_space<hbm>> -> memref<10000x128xf32, #tpu.memory_space<hbm>>
        tpu.enqueue_indirect_dma source(%dma_start3A_286 : memref<10000x128xf32, #tpu.memory_space<hbm>>) target(%arg10 : memref<80x128xf32, #tpu.memory_space<vmem>>) offsets(%dma_start3A_279 : memref<80xi32, #tpu.memory_space<vmem>>) semaphore(%arg13 : memref<!tpu.dma_semaphore, #tpu.memory_space<semaphore_mem>>)
      } else {
      }
    }
    %scan3A_112 = arith.constant 62 : i32
    %dma_wait3A = arith.constant 9920 : i32
    %dma_wait3A_113 = tpu.memref_slice %arg7[%dma_wait3A] : memref<10000xi32, #tpu.memory_space<vmem>> -> memref<80xi32, #tpu.memory_space<vmem>>
    %dma_wait3A_114 = arith.constant 0 : i32
    %dma_wait3A_115 = arith.constant 0 : i32
    %dma_wait3A_116 = tpu.memref_slice %arg2[%arg0, %dma_wait3A_114, %dma_wait3A_115] : memref<2x10000x128xf32, #tpu.memory_space<hbm>> -> memref<1x10000x128xf32, #tpu.memory_space<hbm>>
    %dma_wait3A_117 = tpu.memref_squeeze %dma_wait3A_116 : memref<1x10000x128xf32, #tpu.memory_space<hbm>> -> memref<10000x128xf32, #tpu.memory_space<hbm>>
    %dma_wait3A_118 = arith.constant 0 : i32
    %dma_wait3A_119 = arith.constant 0 : i32
    %dma_wait3A_120 = tpu.memref_slice %dma_wait3A_117[%dma_wait3A_118, %dma_wait3A_119] : memref<10000x128xf32, #tpu.memory_space<hbm>> -> memref<10000x128xf32, #tpu.memory_space<hbm>>
    tpu.wait_indirect_dma semaphore(%arg12 : memref<!tpu.dma_semaphore, #tpu.memory_space<semaphore_mem>>) src(%dma_wait3A_120 : memref<10000x128xf32, #tpu.memory_space<hbm>>) dst(%arg9 : memref<80x128xf32, #tpu.memory_space<vmem>>)
    %run_scoped3A = arith.constant 124 : i32
    "tpu.region"() ({
      %run_scoped3A_232 = tpu.sem_alloc : memref<!tpu.dma_semaphore, #tpu.memory_space<semaphore_mem>>
      %dma_start3A_233 = arith.constant 0 : i32
      %dma_start3A_234 = tpu.memref_slice %arg8[%run_scoped3A, %dma_start3A_233] : memref<125x80xi32, #tpu.memory_space<vmem>> -> memref<1x80xi32, #tpu.memory_space<vmem>>
      %dma_start3A_235 = tpu.memref_squeeze %dma_start3A_234 : memref<1x80xi32, #tpu.memory_space<vmem>> -> memref<80xi32, #tpu.memory_space<vmem>>
      %dma_start3A_236 = arith.constant 0 : i32
      %dma_start3A_237 = arith.constant 0 : i32
      %dma_start3A_238 = tpu.memref_slice %arg11[%dma_start3A_236, %dma_start3A_237] : memref<10008x128xf32, #tpu.memory_space<vmem_shared>> -> memref<10008x128xf32, #tpu.memory_space<vmem_shared>>
      tpu.enqueue_indirect_dma source(%arg9 : memref<80x128xf32, #tpu.memory_space<vmem>>) target(%dma_start3A_238 : memref<10008x128xf32, #tpu.memory_space<vmem_shared>>) offsets(%dma_start3A_235 : memref<80xi32, #tpu.memory_space<vmem>>) semaphore(%run_scoped3A_232 : memref<!tpu.dma_semaphore, #tpu.memory_space<semaphore_mem>>) {add = true}
      %dma_wait3A_239 = arith.constant 0 : i32
      %dma_wait3A_240 = tpu.memref_slice %arg8[%run_scoped3A, %dma_wait3A_239] : memref<125x80xi32, #tpu.memory_space<vmem>> -> memref<1x80xi32, #tpu.memory_space<vmem>>
      %dma_wait3A_241 = tpu.memref_squeeze %dma_wait3A_240 : memref<1x80xi32, #tpu.memory_space<vmem>> -> memref<80xi32, #tpu.memory_space<vmem>>
      %dma_wait3A_242 = arith.constant 0 : i32
      %dma_wait3A_243 = arith.constant 0 : i32
      %dma_wait3A_244 = tpu.memref_slice %arg11[%dma_wait3A_242, %dma_wait3A_243] : memref<10008x128xf32, #tpu.memory_space<vmem_shared>> -> memref<10008x128xf32, #tpu.memory_space<vmem_shared>>
      tpu.wait_indirect_dma semaphore(%run_scoped3A_232 : memref<!tpu.dma_semaphore, #tpu.memory_space<semaphore_mem>>) src(%arg9 : memref<80x128xf32, #tpu.memory_space<vmem>>) dst(%dma_wait3A_244 : memref<10008x128xf32, #tpu.memory_space<vmem_shared>>)
      tpu.yield
    }) : () -> ()
    %barrier3A_121 = arith.constant 0 : index
    tpu.barrier barrier_id(%barrier3A_121)
    %mul3A_122 = arith.constant 16 : i32
    %mul3A_123 = arith.muli %arg1, %mul3A_122 : i32
    %add3A_124 = arith.constant 0 : i32
    %add3A_125 = arith.addi %mul3A_123, %add3A_124 : i32
    %mul3A_126 = arith.constant 40 : i32
    %mul3A_127 = arith.muli %add3A_125, %mul3A_126 : i32
    %mul3A_128 = arith.constant 40 : i32
    %mul3A_129 = arith.muli %add3A_125, %mul3A_128 : i32
    "tpu.region"() ({
      %run_scoped3A_232 = tpu.sem_alloc : memref<!tpu.dma_semaphore, #tpu.memory_space<semaphore_mem>>
      %dma_start3A_233 = arith.constant 0 : i32
      %dma_start3A_234 = arith.constant 0 : i32
      %dma_start3A_235 = tpu.memref_slice %arg6[%arg0, %dma_start3A_233, %dma_start3A_234] : memref<2x10000x128xf32, #tpu.memory_space<hbm>> -> memref<1x10000x128xf32, #tpu.memory_space<hbm>>
      %dma_start3A_236 = tpu.memref_squeeze %dma_start3A_235 : memref<1x10000x128xf32, #tpu.memory_space<hbm>> -> memref<10000x128xf32, #tpu.memory_space<hbm>>
      %dma_start3A_237 = arith.constant 0 : i32
      %dma_start3A_238 = tpu.memref_slice %dma_start3A_236[%mul3A_129, %dma_start3A_237] : memref<10000x128xf32, #tpu.memory_space<hbm>> -> memref<40x128xf32, #tpu.memory_space<hbm>>
      %dma_start3A_239 = arith.constant 0 : i32
      %dma_start3A_240 = tpu.memref_slice %arg11[%mul3A_127, %dma_start3A_239] : memref<10008x128xf32, #tpu.memory_space<vmem_shared>> -> memref<40x128xf32, #tpu.memory_space<vmem_shared>>
      tpu.enqueue_dma source(%dma_start3A_240 : memref<40x128xf32, #tpu.memory_space<vmem_shared>>) target(%dma_start3A_238 : memref<40x128xf32, #tpu.memory_space<hbm>>) target_semaphore(%run_scoped3A_232 : memref<!tpu.dma_semaphore, #tpu.memory_space<semaphore_mem>>)
      %dma_wait3A_241 = arith.constant 0 : i32
      %dma_wait3A_242 = arith.constant 0 : i32
      %dma_wait3A_243 = tpu.memref_slice %arg6[%arg0, %dma_wait3A_241, %dma_wait3A_242] : memref<2x10000x128xf32, #tpu.memory_space<hbm>> -> memref<1x10000x128xf32, #tpu.memory_space<hbm>>
      %dma_wait3A_244 = tpu.memref_squeeze %dma_wait3A_243 : memref<1x10000x128xf32, #tpu.memory_space<hbm>> -> memref<10000x128xf32, #tpu.memory_space<hbm>>
      %dma_wait3A_245 = arith.constant 0 : i32
      %dma_wait3A_246 = tpu.memref_slice %dma_wait3A_244[%mul3A_129, %dma_wait3A_245] : memref<10000x128xf32, #tpu.memory_space<hbm>> -> memref<40x128xf32, #tpu.memory_space<hbm>>
      %dma_wait3A_247 = arith.constant 0 : i32
      %dma_wait3A_248 = tpu.memref_slice %arg11[%mul3A_127, %dma_wait3A_247] : memref<10008x128xf32, #tpu.memory_space<vmem_shared>> -> memref<40x128xf32, #tpu.memory_space<vmem_shared>>
      tpu.wait_dma2 semaphore(%run_scoped3A_232 : memref<!tpu.dma_semaphore, #tpu.memory_space<semaphore_mem>>) src(%dma_wait3A_248 : memref<40x128xf32, #tpu.memory_space<vmem_shared>>) dst(%dma_wait3A_246 : memref<40x128xf32, #tpu.memory_space<hbm>>)
      tpu.yield
    }) : () -> ()
    %mul3A_130 = arith.constant 16 : i32
    %mul3A_131 = arith.muli %arg1, %mul3A_130 : i32
    %add3A_132 = arith.constant 1 : i32
    %add3A_133 = arith.addi %mul3A_131, %add3A_132 : i32
    %mul3A_134 = arith.constant 40 : i32
    %mul3A_135 = arith.muli %add3A_133, %mul3A_134 : i32
    %mul3A_136 = arith.constant 40 : i32
    %mul3A_137 = arith.muli %add3A_133, %mul3A_136 : i32
    "tpu.region"() ({
      %run_scoped3A_232 = tpu.sem_alloc : memref<!tpu.dma_semaphore, #tpu.memory_space<semaphore_mem>>
      %dma_start3A_233 = arith.constant 0 : i32
      %dma_start3A_234 = arith.constant 0 : i32
      %dma_start3A_235 = tpu.memref_slice %arg6[%arg0, %dma_start3A_233, %dma_start3A_234] : memref<2x10000x128xf32, #tpu.memory_space<hbm>> -> memref<1x10000x128xf32, #tpu.memory_space<hbm>>
      %dma_start3A_236 = tpu.memref_squeeze %dma_start3A_235 : memref<1x10000x128xf32, #tpu.memory_space<hbm>> -> memref<10000x128xf32, #tpu.memory_space<hbm>>
      %dma_start3A_237 = arith.constant 0 : i32
      %dma_start3A_238 = tpu.memref_slice %dma_start3A_236[%mul3A_137, %dma_start3A_237] : memref<10000x128xf32, #tpu.memory_space<hbm>> -> memref<40x128xf32, #tpu.memory_space<hbm>>
      %dma_start3A_239 = arith.constant 0 : i32
      %dma_start3A_240 = tpu.memref_slice %arg11[%mul3A_135, %dma_start3A_239] : memref<10008x128xf32, #tpu.memory_space<vmem_shared>> -> memref<40x128xf32, #tpu.memory_space<vmem_shared>>
      tpu.enqueue_dma source(%dma_start3A_240 : memref<40x128xf32, #tpu.memory_space<vmem_shared>>) target(%dma_start3A_238 : memref<40x128xf32, #tpu.memory_space<hbm>>) target_semaphore(%run_scoped3A_232 : memref<!tpu.dma_semaphore, #tpu.memory_space<semaphore_mem>>)
      %dma_wait3A_241 = arith.constant 0 : i32
      %dma_wait3A_242 = arith.constant 0 : i32
      %dma_wait3A_243 = tpu.memref_slice %arg6[%arg0, %dma_wait3A_241, %dma_wait3A_242] : memref<2x10000x128xf32, #tpu.memory_space<hbm>> -> memref<1x10000x128xf32, #tpu.memory_space<hbm>>
      %dma_wait3A_244 = tpu.memref_squeeze %dma_wait3A_243 : memref<1x10000x128xf32, #tpu.memory_space<hbm>> -> memref<10000x128xf32, #tpu.memory_space<hbm>>
      %dma_wait3A_245 = arith.constant 0 : i32
      %dma_wait3A_246 = tpu.memref_slice %dma_wait3A_244[%mul3A_137, %dma_wait3A_245] : memref<10000x128xf32, #tpu.memory_space<hbm>> -> memref<40x128xf32, #tpu.memory_space<hbm>>
      %dma_wait3A_247 = arith.constant 0 : i32
      %dma_wait3A_248 = tpu.memref_slice %arg11[%mul3A_135, %dma_wait3A_247] : memref<10008x128xf32, #tpu.memory_space<vmem_shared>> -> memref<40x128xf32, #tpu.memory_space<vmem_shared>>
      tpu.wait_dma2 semaphore(%run_scoped3A_232 : memref<!tpu.dma_semaphore, #tpu.memory_space<semaphore_mem>>) src(%dma_wait3A_248 : memref<40x128xf32, #tpu.memory_space<vmem_shared>>) dst(%dma_wait3A_246 : memref<40x128xf32, #tpu.memory_space<hbm>>)
      tpu.yield
    }) : () -> ()
    %mul3A_138 = arith.constant 16 : i32
    %mul3A_139 = arith.muli %arg1, %mul3A_138 : i32
    %add3A_140 = arith.constant 2 : i32
    %add3A_141 = arith.addi %mul3A_139, %add3A_140 : i32
    %mul3A_142 = arith.constant 40 : i32
    %mul3A_143 = arith.muli %add3A_141, %mul3A_142 : i32
    %mul3A_144 = arith.constant 40 : i32
    %mul3A_145 = arith.muli %add3A_141, %mul3A_144 : i32
    "tpu.region"() ({
      %run_scoped3A_232 = tpu.sem_alloc : memref<!tpu.dma_semaphore, #tpu.memory_space<semaphore_mem>>
      %dma_start3A_233 = arith.constant 0 : i32
      %dma_start3A_234 = arith.constant 0 : i32
      %dma_start3A_235 = tpu.memref_slice %arg6[%arg0, %dma_start3A_233, %dma_start3A_234] : memref<2x10000x128xf32, #tpu.memory_space<hbm>> -> memref<1x10000x128xf32, #tpu.memory_space<hbm>>
      %dma_start3A_236 = tpu.memref_squeeze %dma_start3A_235 : memref<1x10000x128xf32, #tpu.memory_space<hbm>> -> memref<10000x128xf32, #tpu.memory_space<hbm>>
      %dma_start3A_237 = arith.constant 0 : i32
      %dma_start3A_238 = tpu.memref_slice %dma_start3A_236[%mul3A_145, %dma_start3A_237] : memref<10000x128xf32, #tpu.memory_space<hbm>> -> memref<40x128xf32, #tpu.memory_space<hbm>>
      %dma_start3A_239 = arith.constant 0 : i32
      %dma_start3A_240 = tpu.memref_slice %arg11[%mul3A_143, %dma_start3A_239] : memref<10008x128xf32, #tpu.memory_space<vmem_shared>> -> memref<40x128xf32, #tpu.memory_space<vmem_shared>>
      tpu.enqueue_dma source(%dma_start3A_240 : memref<40x128xf32, #tpu.memory_space<vmem_shared>>) target(%dma_start3A_238 : memref<40x128xf32, #tpu.memory_space<hbm>>) target_semaphore(%run_scoped3A_232 : memref<!tpu.dma_semaphore, #tpu.memory_space<semaphore_mem>>)
      %dma_wait3A_241 = arith.constant 0 : i32
      %dma_wait3A_242 = arith.constant 0 : i32
      %dma_wait3A_243 = tpu.memref_slice %arg6[%arg0, %dma_wait3A_241, %dma_wait3A_242] : memref<2x10000x128xf32, #tpu.memory_space<hbm>> -> memref<1x10000x128xf32, #tpu.memory_space<hbm>>
      %dma_wait3A_244 = tpu.memref_squeeze %dma_wait3A_243 : memref<1x10000x128xf32, #tpu.memory_space<hbm>> -> memref<10000x128xf32, #tpu.memory_space<hbm>>
      %dma_wait3A_245 = arith.constant 0 : i32
      %dma_wait3A_246 = tpu.memref_slice %dma_wait3A_244[%mul3A_145, %dma_wait3A_245] : memref<10000x128xf32, #tpu.memory_space<hbm>> -> memref<40x128xf32, #tpu.memory_space<hbm>>
      %dma_wait3A_247 = arith.constant 0 : i32
      %dma_wait3A_248 = tpu.memref_slice %arg11[%mul3A_143, %dma_wait3A_247] : memref<10008x128xf32, #tpu.memory_space<vmem_shared>> -> memref<40x128xf32, #tpu.memory_space<vmem_shared>>
      tpu.wait_dma2 semaphore(%run_scoped3A_232 : memref<!tpu.dma_semaphore, #tpu.memory_space<semaphore_mem>>) src(%dma_wait3A_248 : memref<40x128xf32, #tpu.memory_space<vmem_shared>>) dst(%dma_wait3A_246 : memref<40x128xf32, #tpu.memory_space<hbm>>)
      tpu.yield
    }) : () -> ()
    %mul3A_146 = arith.constant 16 : i32
    %mul3A_147 = arith.muli %arg1, %mul3A_146 : i32
    %add3A_148 = arith.constant 3 : i32
    %add3A_149 = arith.addi %mul3A_147, %add3A_148 : i32
    %mul3A_150 = arith.constant 40 : i32
    %mul3A_151 = arith.muli %add3A_149, %mul3A_150 : i32
    %mul3A_152 = arith.constant 40 : i32
    %mul3A_153 = arith.muli %add3A_149, %mul3A_152 : i32
    "tpu.region"() ({
      %run_scoped3A_232 = tpu.sem_alloc : memref<!tpu.dma_semaphore, #tpu.memory_space<semaphore_mem>>
      %dma_start3A_233 = arith.constant 0 : i32
      %dma_start3A_234 = arith.constant 0 : i32
      %dma_start3A_235 = tpu.memref_slice %arg6[%arg0, %dma_start3A_233, %dma_start3A_234] : memref<2x10000x128xf32, #tpu.memory_space<hbm>> -> memref<1x10000x128xf32, #tpu.memory_space<hbm>>
      %dma_start3A_236 = tpu.memref_squeeze %dma_start3A_235 : memref<1x10000x128xf32, #tpu.memory_space<hbm>> -> memref<10000x128xf32, #tpu.memory_space<hbm>>
      %dma_start3A_237 = arith.constant 0 : i32
      %dma_start3A_238 = tpu.memref_slice %dma_start3A_236[%mul3A_153, %dma_start3A_237] : memref<10000x128xf32, #tpu.memory_space<hbm>> -> memref<40x128xf32, #tpu.memory_space<hbm>>
      %dma_start3A_239 = arith.constant 0 : i32
      %dma_start3A_240 = tpu.memref_slice %arg11[%mul3A_151, %dma_start3A_239] : memref<10008x128xf32, #tpu.memory_space<vmem_shared>> -> memref<40x128xf32, #tpu.memory_space<vmem_shared>>
      tpu.enqueue_dma source(%dma_start3A_240 : memref<40x128xf32, #tpu.memory_space<vmem_shared>>) target(%dma_start3A_238 : memref<40x128xf32, #tpu.memory_space<hbm>>) target_semaphore(%run_scoped3A_232 : memref<!tpu.dma_semaphore, #tpu.memory_space<semaphore_mem>>)
      %dma_wait3A_241 = arith.constant 0 : i32
      %dma_wait3A_242 = arith.constant 0 : i32
      %dma_wait3A_243 = tpu.memref_slice %arg6[%arg0, %dma_wait3A_241, %dma_wait3A_242] : memref<2x10000x128xf32, #tpu.memory_space<hbm>> -> memref<1x10000x128xf32, #tpu.memory_space<hbm>>
      %dma_wait3A_244 = tpu.memref_squeeze %dma_wait3A_243 : memref<1x10000x128xf32, #tpu.memory_space<hbm>> -> memref<10000x128xf32, #tpu.memory_space<hbm>>
      %dma_wait3A_245 = arith.constant 0 : i32
      %dma_wait3A_246 = tpu.memref_slice %dma_wait3A_244[%mul3A_153, %dma_wait3A_245] : memref<10000x128xf32, #tpu.memory_space<hbm>> -> memref<40x128xf32, #tpu.memory_space<hbm>>
      %dma_wait3A_247 = arith.constant 0 : i32
      %dma_wait3A_248 = tpu.memref_slice %arg11[%mul3A_151, %dma_wait3A_247] : memref<10008x128xf32, #tpu.memory_space<vmem_shared>> -> memref<40x128xf32, #tpu.memory_space<vmem_shared>>
      tpu.wait_dma2 semaphore(%run_scoped3A_232 : memref<!tpu.dma_semaphore, #tpu.memory_space<semaphore_mem>>) src(%dma_wait3A_248 : memref<40x128xf32, #tpu.memory_space<vmem_shared>>) dst(%dma_wait3A_246 : memref<40x128xf32, #tpu.memory_space<hbm>>)
      tpu.yield
    }) : () -> ()
    %mul3A_154 = arith.constant 16 : i32
    %mul3A_155 = arith.muli %arg1, %mul3A_154 : i32
    %add3A_156 = arith.constant 4 : i32
    %add3A_157 = arith.addi %mul3A_155, %add3A_156 : i32
    %mul3A_158 = arith.constant 40 : i32
    %mul3A_159 = arith.muli %add3A_157, %mul3A_158 : i32
    %mul3A_160 = arith.constant 40 : i32
    %mul3A_161 = arith.muli %add3A_157, %mul3A_160 : i32
    "tpu.region"() ({
      %run_scoped3A_232 = tpu.sem_alloc : memref<!tpu.dma_semaphore, #tpu.memory_space<semaphore_mem>>
      %dma_start3A_233 = arith.constant 0 : i32
      %dma_start3A_234 = arith.constant 0 : i32
      %dma_start3A_235 = tpu.memref_slice %arg6[%arg0, %dma_start3A_233, %dma_start3A_234] : memref<2x10000x128xf32, #tpu.memory_space<hbm>> -> memref<1x10000x128xf32, #tpu.memory_space<hbm>>
      %dma_start3A_236 = tpu.memref_squeeze %dma_start3A_235 : memref<1x10000x128xf32, #tpu.memory_space<hbm>> -> memref<10000x128xf32, #tpu.memory_space<hbm>>
      %dma_start3A_237 = arith.constant 0 : i32
      %dma_start3A_238 = tpu.memref_slice %dma_start3A_236[%mul3A_161, %dma_start3A_237] : memref<10000x128xf32, #tpu.memory_space<hbm>> -> memref<40x128xf32, #tpu.memory_space<hbm>>
      %dma_start3A_239 = arith.constant 0 : i32
      %dma_start3A_240 = tpu.memref_slice %arg11[%mul3A_159, %dma_start3A_239] : memref<10008x128xf32, #tpu.memory_space<vmem_shared>> -> memref<40x128xf32, #tpu.memory_space<vmem_shared>>
      tpu.enqueue_dma source(%dma_start3A_240 : memref<40x128xf32, #tpu.memory_space<vmem_shared>>) target(%dma_start3A_238 : memref<40x128xf32, #tpu.memory_space<hbm>>) target_semaphore(%run_scoped3A_232 : memref<!tpu.dma_semaphore, #tpu.memory_space<semaphore_mem>>)
      %dma_wait3A_241 = arith.constant 0 : i32
      %dma_wait3A_242 = arith.constant 0 : i32
      %dma_wait3A_243 = tpu.memref_slice %arg6[%arg0, %dma_wait3A_241, %dma_wait3A_242] : memref<2x10000x128xf32, #tpu.memory_space<hbm>> -> memref<1x10000x128xf32, #tpu.memory_space<hbm>>
      %dma_wait3A_244 = tpu.memref_squeeze %dma_wait3A_243 : memref<1x10000x128xf32, #tpu.memory_space<hbm>> -> memref<10000x128xf32, #tpu.memory_space<hbm>>
      %dma_wait3A_245 = arith.constant 0 : i32
      %dma_wait3A_246 = tpu.memref_slice %dma_wait3A_244[%mul3A_161, %dma_wait3A_245] : memref<10000x128xf32, #tpu.memory_space<hbm>> -> memref<40x128xf32, #tpu.memory_space<hbm>>
      %dma_wait3A_247 = arith.constant 0 : i32
      %dma_wait3A_248 = tpu.memref_slice %arg11[%mul3A_159, %dma_wait3A_247] : memref<10008x128xf32, #tpu.memory_space<vmem_shared>> -> memref<40x128xf32, #tpu.memory_space<vmem_shared>>
      tpu.wait_dma2 semaphore(%run_scoped3A_232 : memref<!tpu.dma_semaphore, #tpu.memory_space<semaphore_mem>>) src(%dma_wait3A_248 : memref<40x128xf32, #tpu.memory_space<vmem_shared>>) dst(%dma_wait3A_246 : memref<40x128xf32, #tpu.memory_space<hbm>>)
      tpu.yield
    }) : () -> ()
    %mul3A_162 = arith.constant 16 : i32
    %mul3A_163 = arith.muli %arg1, %mul3A_162 : i32
    %add3A_164 = arith.constant 5 : i32
    %add3A_165 = arith.addi %mul3A_163, %add3A_164 : i32
    %mul3A_166 = arith.constant 40 : i32
    %mul3A_167 = arith.muli %add3A_165, %mul3A_166 : i32
    %mul3A_168 = arith.constant 40 : i32
    %mul3A_169 = arith.muli %add3A_165, %mul3A_168 : i32
    "tpu.region"() ({
      %run_scoped3A_232 = tpu.sem_alloc : memref<!tpu.dma_semaphore, #tpu.memory_space<semaphore_mem>>
      %dma_start3A_233 = arith.constant 0 : i32
      %dma_start3A_234 = arith.constant 0 : i32
      %dma_start3A_235 = tpu.memref_slice %arg6[%arg0, %dma_start3A_233, %dma_start3A_234] : memref<2x10000x128xf32, #tpu.memory_space<hbm>> -> memref<1x10000x128xf32, #tpu.memory_space<hbm>>
      %dma_start3A_236 = tpu.memref_squeeze %dma_start3A_235 : memref<1x10000x128xf32, #tpu.memory_space<hbm>> -> memref<10000x128xf32, #tpu.memory_space<hbm>>
      %dma_start3A_237 = arith.constant 0 : i32
      %dma_start3A_238 = tpu.memref_slice %dma_start3A_236[%mul3A_169, %dma_start3A_237] : memref<10000x128xf32, #tpu.memory_space<hbm>> -> memref<40x128xf32, #tpu.memory_space<hbm>>
      %dma_start3A_239 = arith.constant 0 : i32
      %dma_start3A_240 = tpu.memref_slice %arg11[%mul3A_167, %dma_start3A_239] : memref<10008x128xf32, #tpu.memory_space<vmem_shared>> -> memref<40x128xf32, #tpu.memory_space<vmem_shared>>
      tpu.enqueue_dma source(%dma_start3A_240 : memref<40x128xf32, #tpu.memory_space<vmem_shared>>) target(%dma_start3A_238 : memref<40x128xf32, #tpu.memory_space<hbm>>) target_semaphore(%run_scoped3A_232 : memref<!tpu.dma_semaphore, #tpu.memory_space<semaphore_mem>>)
      %dma_wait3A_241 = arith.constant 0 : i32
      %dma_wait3A_242 = arith.constant 0 : i32
      %dma_wait3A_243 = tpu.memref_slice %arg6[%arg0, %dma_wait3A_241, %dma_wait3A_242] : memref<2x10000x128xf32, #tpu.memory_space<hbm>> -> memref<1x10000x128xf32, #tpu.memory_space<hbm>>
      %dma_wait3A_244 = tpu.memref_squeeze %dma_wait3A_243 : memref<1x10000x128xf32, #tpu.memory_space<hbm>> -> memref<10000x128xf32, #tpu.memory_space<hbm>>
      %dma_wait3A_245 = arith.constant 0 : i32
      %dma_wait3A_246 = tpu.memref_slice %dma_wait3A_244[%mul3A_169, %dma_wait3A_245] : memref<10000x128xf32, #tpu.memory_space<hbm>> -> memref<40x128xf32, #tpu.memory_space<hbm>>
      %dma_wait3A_247 = arith.constant 0 : i32
      %dma_wait3A_248 = tpu.memref_slice %arg11[%mul3A_167, %dma_wait3A_247] : memref<10008x128xf32, #tpu.memory_space<vmem_shared>> -> memref<40x128xf32, #tpu.memory_space<vmem_shared>>
      tpu.wait_dma2 semaphore(%run_scoped3A_232 : memref<!tpu.dma_semaphore, #tpu.memory_space<semaphore_mem>>) src(%dma_wait3A_248 : memref<40x128xf32, #tpu.memory_space<vmem_shared>>) dst(%dma_wait3A_246 : memref<40x128xf32, #tpu.memory_space<hbm>>)
      tpu.yield
    }) : () -> ()
    %mul3A_170 = arith.constant 16 : i32
    %mul3A_171 = arith.muli %arg1, %mul3A_170 : i32
    %add3A_172 = arith.constant 6 : i32
    %add3A_173 = arith.addi %mul3A_171, %add3A_172 : i32
    %mul3A_174 = arith.constant 40 : i32
    %mul3A_175 = arith.muli %add3A_173, %mul3A_174 : i32
    %mul3A_176 = arith.constant 40 : i32
    %mul3A_177 = arith.muli %add3A_173, %mul3A_176 : i32
    "tpu.region"() ({
      %run_scoped3A_232 = tpu.sem_alloc : memref<!tpu.dma_semaphore, #tpu.memory_space<semaphore_mem>>
      %dma_start3A_233 = arith.constant 0 : i32
      %dma_start3A_234 = arith.constant 0 : i32
      %dma_start3A_235 = tpu.memref_slice %arg6[%arg0, %dma_start3A_233, %dma_start3A_234] : memref<2x10000x128xf32, #tpu.memory_space<hbm>> -> memref<1x10000x128xf32, #tpu.memory_space<hbm>>
      %dma_start3A_236 = tpu.memref_squeeze %dma_start3A_235 : memref<1x10000x128xf32, #tpu.memory_space<hbm>> -> memref<10000x128xf32, #tpu.memory_space<hbm>>
      %dma_start3A_237 = arith.constant 0 : i32
      %dma_start3A_238 = tpu.memref_slice %dma_start3A_236[%mul3A_177, %dma_start3A_237] : memref<10000x128xf32, #tpu.memory_space<hbm>> -> memref<40x128xf32, #tpu.memory_space<hbm>>
      %dma_start3A_239 = arith.constant 0 : i32
      %dma_start3A_240 = tpu.memref_slice %arg11[%mul3A_175, %dma_start3A_239] : memref<10008x128xf32, #tpu.memory_space<vmem_shared>> -> memref<40x128xf32, #tpu.memory_space<vmem_shared>>
      tpu.enqueue_dma source(%dma_start3A_240 : memref<40x128xf32, #tpu.memory_space<vmem_shared>>) target(%dma_start3A_238 : memref<40x128xf32, #tpu.memory_space<hbm>>) target_semaphore(%run_scoped3A_232 : memref<!tpu.dma_semaphore, #tpu.memory_space<semaphore_mem>>)
      %dma_wait3A_241 = arith.constant 0 : i32
      %dma_wait3A_242 = arith.constant 0 : i32
      %dma_wait3A_243 = tpu.memref_slice %arg6[%arg0, %dma_wait3A_241, %dma_wait3A_242] : memref<2x10000x128xf32, #tpu.memory_space<hbm>> -> memref<1x10000x128xf32, #tpu.memory_space<hbm>>
      %dma_wait3A_244 = tpu.memref_squeeze %dma_wait3A_243 : memref<1x10000x128xf32, #tpu.memory_space<hbm>> -> memref<10000x128xf32, #tpu.memory_space<hbm>>
      %dma_wait3A_245 = arith.constant 0 : i32
      %dma_wait3A_246 = tpu.memref_slice %dma_wait3A_244[%mul3A_177, %dma_wait3A_245] : memref<10000x128xf32, #tpu.memory_space<hbm>> -> memref<40x128xf32, #tpu.memory_space<hbm>>
      %dma_wait3A_247 = arith.constant 0 : i32
      %dma_wait3A_248 = tpu.memref_slice %arg11[%mul3A_175, %dma_wait3A_247] : memref<10008x128xf32, #tpu.memory_space<vmem_shared>> -> memref<40x128xf32, #tpu.memory_space<vmem_shared>>
      tpu.wait_dma2 semaphore(%run_scoped3A_232 : memref<!tpu.dma_semaphore, #tpu.memory_space<semaphore_mem>>) src(%dma_wait3A_248 : memref<40x128xf32, #tpu.memory_space<vmem_shared>>) dst(%dma_wait3A_246 : memref<40x128xf32, #tpu.memory_space<hbm>>)
      tpu.yield
    }) : () -> ()
    %mul3A_178 = arith.constant 16 : i32
    %mul3A_179 = arith.muli %arg1, %mul3A_178 : i32
    %add3A_180 = arith.constant 7 : i32
    %add3A_181 = arith.addi %mul3A_179, %add3A_180 : i32
    %mul3A_182 = arith.constant 40 : i32
    %mul3A_183 = arith.muli %add3A_181, %mul3A_182 : i32
    %mul3A_184 = arith.constant 40 : i32
    %mul3A_185 = arith.muli %add3A_181, %mul3A_184 : i32
    "tpu.region"() ({
      %run_scoped3A_232 = tpu.sem_alloc : memref<!tpu.dma_semaphore, #tpu.memory_space<semaphore_mem>>
      %dma_start3A_233 = arith.constant 0 : i32
      %dma_start3A_234 = arith.constant 0 : i32
      %dma_start3A_235 = tpu.memref_slice %arg6[%arg0, %dma_start3A_233, %dma_start3A_234] : memref<2x10000x128xf32, #tpu.memory_space<hbm>> -> memref<1x10000x128xf32, #tpu.memory_space<hbm>>
      %dma_start3A_236 = tpu.memref_squeeze %dma_start3A_235 : memref<1x10000x128xf32, #tpu.memory_space<hbm>> -> memref<10000x128xf32, #tpu.memory_space<hbm>>
      %dma_start3A_237 = arith.constant 0 : i32
      %dma_start3A_238 = tpu.memref_slice %dma_start3A_236[%mul3A_185, %dma_start3A_237] : memref<10000x128xf32, #tpu.memory_space<hbm>> -> memref<40x128xf32, #tpu.memory_space<hbm>>
      %dma_start3A_239 = arith.constant 0 : i32
      %dma_start3A_240 = tpu.memref_slice %arg11[%mul3A_183, %dma_start3A_239] : memref<10008x128xf32, #tpu.memory_space<vmem_shared>> -> memref<40x128xf32, #tpu.memory_space<vmem_shared>>
      tpu.enqueue_dma source(%dma_start3A_240 : memref<40x128xf32, #tpu.memory_space<vmem_shared>>) target(%dma_start3A_238 : memref<40x128xf32, #tpu.memory_space<hbm>>) target_semaphore(%run_scoped3A_232 : memref<!tpu.dma_semaphore, #tpu.memory_space<semaphore_mem>>)
      %dma_wait3A_241 = arith.constant 0 : i32
      %dma_wait3A_242 = arith.constant 0 : i32
      %dma_wait3A_243 = tpu.memref_slice %arg6[%arg0, %dma_wait3A_241, %dma_wait3A_242] : memref<2x10000x128xf32, #tpu.memory_space<hbm>> -> memref<1x10000x128xf32, #tpu.memory_space<hbm>>
      %dma_wait3A_244 = tpu.memref_squeeze %dma_wait3A_243 : memref<1x10000x128xf32, #tpu.memory_space<hbm>> -> memref<10000x128xf32, #tpu.memory_space<hbm>>
      %dma_wait3A_245 = arith.constant 0 : i32
      %dma_wait3A_246 = tpu.memref_slice %dma_wait3A_244[%mul3A_185, %dma_wait3A_245] : memref<10000x128xf32, #tpu.memory_space<hbm>> -> memref<40x128xf32, #tpu.memory_space<hbm>>
      %dma_wait3A_247 = arith.constant 0 : i32
      %dma_wait3A_248 = tpu.memref_slice %arg11[%mul3A_183, %dma_wait3A_247] : memref<10008x128xf32, #tpu.memory_space<vmem_shared>> -> memref<40x128xf32, #tpu.memory_space<vmem_shared>>
      tpu.wait_dma2 semaphore(%run_scoped3A_232 : memref<!tpu.dma_semaphore, #tpu.memory_space<semaphore_mem>>) src(%dma_wait3A_248 : memref<40x128xf32, #tpu.memory_space<vmem_shared>>) dst(%dma_wait3A_246 : memref<40x128xf32, #tpu.memory_space<hbm>>)
      tpu.yield
    }) : () -> ()
    %mul3A_186 = arith.constant 16 : i32
    %mul3A_187 = arith.muli %arg1, %mul3A_186 : i32
    %add3A_188 = arith.constant 8 : i32
    %add3A_189 = arith.addi %mul3A_187, %add3A_188 : i32
    %mul3A_190 = arith.constant 40 : i32
    %mul3A_191 = arith.muli %add3A_189, %mul3A_190 : i32
    %mul3A_192 = arith.constant 40 : i32
    %mul3A_193 = arith.muli %add3A_189, %mul3A_192 : i32
    "tpu.region"() ({
      %run_scoped3A_232 = tpu.sem_alloc : memref<!tpu.dma_semaphore, #tpu.memory_space<semaphore_mem>>
      %dma_start3A_233 = arith.constant 0 : i32
      %dma_start3A_234 = arith.constant 0 : i32
      %dma_start3A_235 = tpu.memref_slice %arg6[%arg0, %dma_start3A_233, %dma_start3A_234] : memref<2x10000x128xf32, #tpu.memory_space<hbm>> -> memref<1x10000x128xf32, #tpu.memory_space<hbm>>
      %dma_start3A_236 = tpu.memref_squeeze %dma_start3A_235 : memref<1x10000x128xf32, #tpu.memory_space<hbm>> -> memref<10000x128xf32, #tpu.memory_space<hbm>>
      %dma_start3A_237 = arith.constant 0 : i32
      %dma_start3A_238 = tpu.memref_slice %dma_start3A_236[%mul3A_193, %dma_start3A_237] : memref<10000x128xf32, #tpu.memory_space<hbm>> -> memref<40x128xf32, #tpu.memory_space<hbm>>
      %dma_start3A_239 = arith.constant 0 : i32
      %dma_start3A_240 = tpu.memref_slice %arg11[%mul3A_191, %dma_start3A_239] : memref<10008x128xf32, #tpu.memory_space<vmem_shared>> -> memref<40x128xf32, #tpu.memory_space<vmem_shared>>
      tpu.enqueue_dma source(%dma_start3A_240 : memref<40x128xf32, #tpu.memory_space<vmem_shared>>) target(%dma_start3A_238 : memref<40x128xf32, #tpu.memory_space<hbm>>) target_semaphore(%run_scoped3A_232 : memref<!tpu.dma_semaphore, #tpu.memory_space<semaphore_mem>>)
      %dma_wait3A_241 = arith.constant 0 : i32
      %dma_wait3A_242 = arith.constant 0 : i32
      %dma_wait3A_243 = tpu.memref_slice %arg6[%arg0, %dma_wait3A_241, %dma_wait3A_242] : memref<2x10000x128xf32, #tpu.memory_space<hbm>> -> memref<1x10000x128xf32, #tpu.memory_space<hbm>>
      %dma_wait3A_244 = tpu.memref_squeeze %dma_wait3A_243 : memref<1x10000x128xf32, #tpu.memory_space<hbm>> -> memref<10000x128xf32, #tpu.memory_space<hbm>>
      %dma_wait3A_245 = arith.constant 0 : i32
      %dma_wait3A_246 = tpu.memref_slice %dma_wait3A_244[%mul3A_193, %dma_wait3A_245] : memref<10000x128xf32, #tpu.memory_space<hbm>> -> memref<40x128xf32, #tpu.memory_space<hbm>>
      %dma_wait3A_247 = arith.constant 0 : i32
      %dma_wait3A_248 = tpu.memref_slice %arg11[%mul3A_191, %dma_wait3A_247] : memref<10008x128xf32, #tpu.memory_space<vmem_shared>> -> memref<40x128xf32, #tpu.memory_space<vmem_shared>>
      tpu.wait_dma2 semaphore(%run_scoped3A_232 : memref<!tpu.dma_semaphore, #tpu.memory_space<semaphore_mem>>) src(%dma_wait3A_248 : memref<40x128xf32, #tpu.memory_space<vmem_shared>>) dst(%dma_wait3A_246 : memref<40x128xf32, #tpu.memory_space<hbm>>)
      tpu.yield
    }) : () -> ()
    %mul3A_194 = arith.constant 16 : i32
    %mul3A_195 = arith.muli %arg1, %mul3A_194 : i32
    %add3A_196 = arith.constant 9 : i32
    %add3A_197 = arith.addi %mul3A_195, %add3A_196 : i32
    %mul3A_198 = arith.constant 40 : i32
    %mul3A_199 = arith.muli %add3A_197, %mul3A_198 : i32
    %mul3A_200 = arith.constant 40 : i32
    %mul3A_201 = arith.muli %add3A_197, %mul3A_200 : i32
    "tpu.region"() ({
      %run_scoped3A_232 = tpu.sem_alloc : memref<!tpu.dma_semaphore, #tpu.memory_space<semaphore_mem>>
      %dma_start3A_233 = arith.constant 0 : i32
      %dma_start3A_234 = arith.constant 0 : i32
      %dma_start3A_235 = tpu.memref_slice %arg6[%arg0, %dma_start3A_233, %dma_start3A_234] : memref<2x10000x128xf32, #tpu.memory_space<hbm>> -> memref<1x10000x128xf32, #tpu.memory_space<hbm>>
      %dma_start3A_236 = tpu.memref_squeeze %dma_start3A_235 : memref<1x10000x128xf32, #tpu.memory_space<hbm>> -> memref<10000x128xf32, #tpu.memory_space<hbm>>
      %dma_start3A_237 = arith.constant 0 : i32
      %dma_start3A_238 = tpu.memref_slice %dma_start3A_236[%mul3A_201, %dma_start3A_237] : memref<10000x128xf32, #tpu.memory_space<hbm>> -> memref<40x128xf32, #tpu.memory_space<hbm>>
      %dma_start3A_239 = arith.constant 0 : i32
      %dma_start3A_240 = tpu.memref_slice %arg11[%mul3A_199, %dma_start3A_239] : memref<10008x128xf32, #tpu.memory_space<vmem_shared>> -> memref<40x128xf32, #tpu.memory_space<vmem_shared>>
      tpu.enqueue_dma source(%dma_start3A_240 : memref<40x128xf32, #tpu.memory_space<vmem_shared>>) target(%dma_start3A_238 : memref<40x128xf32, #tpu.memory_space<hbm>>) target_semaphore(%run_scoped3A_232 : memref<!tpu.dma_semaphore, #tpu.memory_space<semaphore_mem>>)
      %dma_wait3A_241 = arith.constant 0 : i32
      %dma_wait3A_242 = arith.constant 0 : i32
      %dma_wait3A_243 = tpu.memref_slice %arg6[%arg0, %dma_wait3A_241, %dma_wait3A_242] : memref<2x10000x128xf32, #tpu.memory_space<hbm>> -> memref<1x10000x128xf32, #tpu.memory_space<hbm>>
      %dma_wait3A_244 = tpu.memref_squeeze %dma_wait3A_243 : memref<1x10000x128xf32, #tpu.memory_space<hbm>> -> memref<10000x128xf32, #tpu.memory_space<hbm>>
      %dma_wait3A_245 = arith.constant 0 : i32
      %dma_wait3A_246 = tpu.memref_slice %dma_wait3A_244[%mul3A_201, %dma_wait3A_245] : memref<10000x128xf32, #tpu.memory_space<hbm>> -> memref<40x128xf32, #tpu.memory_space<hbm>>
      %dma_wait3A_247 = arith.constant 0 : i32
      %dma_wait3A_248 = tpu.memref_slice %arg11[%mul3A_199, %dma_wait3A_247] : memref<10008x128xf32, #tpu.memory_space<vmem_shared>> -> memref<40x128xf32, #tpu.memory_space<vmem_shared>>
      tpu.wait_dma2 semaphore(%run_scoped3A_232 : memref<!tpu.dma_semaphore, #tpu.memory_space<semaphore_mem>>) src(%dma_wait3A_248 : memref<40x128xf32, #tpu.memory_space<vmem_shared>>) dst(%dma_wait3A_246 : memref<40x128xf32, #tpu.memory_space<hbm>>)
      tpu.yield
    }) : () -> ()
    %lt3A_202 = arith.constant 15 : i32
    %lt3A_203 = arith.cmpi slt, %arg1, %lt3A_202 : i32
    %convert_element_type3A_204 = arith.extui %lt3A_203 : i1 to i32
    %cond3A_205 = arith.constant 0 : i32
    %cond3A_206 = arith.cmpi ne, %convert_element_type3A_204, %cond3A_205 : i32
    scf.if %cond3A_206 {
      %mul3A_232 = arith.constant 16 : i32
      %mul3A_233 = arith.muli %arg1, %mul3A_232 : i32
      %add3A_234 = arith.constant 10 : i32
      %add3A_235 = arith.addi %mul3A_233, %add3A_234 : i32
      %mul3A_236 = arith.constant 40 : i32
      %mul3A_237 = arith.muli %add3A_235, %mul3A_236 : i32
      %mul3A_238 = arith.constant 40 : i32
      %mul3A_239 = arith.muli %add3A_235, %mul3A_238 : i32
      "tpu.region"() ({
        %run_scoped3A_240 = tpu.sem_alloc : memref<!tpu.dma_semaphore, #tpu.memory_space<semaphore_mem>>
        %dma_start3A_241 = arith.constant 0 : i32
        %dma_start3A_242 = arith.constant 0 : i32
        %dma_start3A_243 = tpu.memref_slice %arg6[%arg0, %dma_start3A_241, %dma_start3A_242] : memref<2x10000x128xf32, #tpu.memory_space<hbm>> -> memref<1x10000x128xf32, #tpu.memory_space<hbm>>
        %dma_start3A_244 = tpu.memref_squeeze %dma_start3A_243 : memref<1x10000x128xf32, #tpu.memory_space<hbm>> -> memref<10000x128xf32, #tpu.memory_space<hbm>>
        %dma_start3A_245 = arith.constant 0 : i32
        %dma_start3A_246 = tpu.memref_slice %dma_start3A_244[%mul3A_239, %dma_start3A_245] : memref<10000x128xf32, #tpu.memory_space<hbm>> -> memref<40x128xf32, #tpu.memory_space<hbm>>
        %dma_start3A_247 = arith.constant 0 : i32
        %dma_start3A_248 = tpu.memref_slice %arg11[%mul3A_237, %dma_start3A_247] : memref<10008x128xf32, #tpu.memory_space<vmem_shared>> -> memref<40x128xf32, #tpu.memory_space<vmem_shared>>
        tpu.enqueue_dma source(%dma_start3A_248 : memref<40x128xf32, #tpu.memory_space<vmem_shared>>) target(%dma_start3A_246 : memref<40x128xf32, #tpu.memory_space<hbm>>) target_semaphore(%run_scoped3A_240 : memref<!tpu.dma_semaphore, #tpu.memory_space<semaphore_mem>>)
        %dma_wait3A_249 = arith.constant 0 : i32
        %dma_wait3A_250 = arith.constant 0 : i32
        %dma_wait3A_251 = tpu.memref_slice %arg6[%arg0, %dma_wait3A_249, %dma_wait3A_250] : memref<2x10000x128xf32, #tpu.memory_space<hbm>> -> memref<1x10000x128xf32, #tpu.memory_space<hbm>>
        %dma_wait3A_252 = tpu.memref_squeeze %dma_wait3A_251 : memref<1x10000x128xf32, #tpu.memory_space<hbm>> -> memref<10000x128xf32, #tpu.memory_space<hbm>>
        %dma_wait3A_253 = arith.constant 0 : i32
        %dma_wait3A_254 = tpu.memref_slice %dma_wait3A_252[%mul3A_239, %dma_wait3A_253] : memref<10000x128xf32, #tpu.memory_space<hbm>> -> memref<40x128xf32, #tpu.memory_space<hbm>>
        %dma_wait3A_255 = arith.constant 0 : i32
        %dma_wait3A_256 = tpu.memref_slice %arg11[%mul3A_237, %dma_wait3A_255] : memref<10008x128xf32, #tpu.memory_space<vmem_shared>> -> memref<40x128xf32, #tpu.memory_space<vmem_shared>>
        tpu.wait_dma2 semaphore(%run_scoped3A_240 : memref<!tpu.dma_semaphore, #tpu.memory_space<semaphore_mem>>) src(%dma_wait3A_256 : memref<40x128xf32, #tpu.memory_space<vmem_shared>>) dst(%dma_wait3A_254 : memref<40x128xf32, #tpu.memory_space<hbm>>)
        tpu.yield
      }) : () -> ()
    } else {
    }
    %lt3A_207 = arith.constant 15 : i32
    %lt3A_208 = arith.cmpi slt, %arg1, %lt3A_207 : i32
    %convert_element_type3A_209 = arith.extui %lt3A_208 : i1 to i32
    %cond3A_210 = arith.constant 0 : i32
    %cond3A_211 = arith.cmpi ne, %convert_element_type3A_209, %cond3A_210 : i32
    scf.if %cond3A_211 {
      %mul3A_232 = arith.constant 16 : i32
      %mul3A_233 = arith.muli %arg1, %mul3A_232 : i32
      %add3A_234 = arith.constant 11 : i32
      %add3A_235 = arith.addi %mul3A_233, %add3A_234 : i32
      %mul3A_236 = arith.constant 40 : i32
      %mul3A_237 = arith.muli %add3A_235, %mul3A_236 : i32
      %mul3A_238 = arith.constant 40 : i32
      %mul3A_239 = arith.muli %add3A_235, %mul3A_238 : i32
      "tpu.region"() ({
        %run_scoped3A_240 = tpu.sem_alloc : memref<!tpu.dma_semaphore, #tpu.memory_space<semaphore_mem>>
        %dma_start3A_241 = arith.constant 0 : i32
        %dma_start3A_242 = arith.constant 0 : i32
        %dma_start3A_243 = tpu.memref_slice %arg6[%arg0, %dma_start3A_241, %dma_start3A_242] : memref<2x10000x128xf32, #tpu.memory_space<hbm>> -> memref<1x10000x128xf32, #tpu.memory_space<hbm>>
        %dma_start3A_244 = tpu.memref_squeeze %dma_start3A_243 : memref<1x10000x128xf32, #tpu.memory_space<hbm>> -> memref<10000x128xf32, #tpu.memory_space<hbm>>
        %dma_start3A_245 = arith.constant 0 : i32
        %dma_start3A_246 = tpu.memref_slice %dma_start3A_244[%mul3A_239, %dma_start3A_245] : memref<10000x128xf32, #tpu.memory_space<hbm>> -> memref<40x128xf32, #tpu.memory_space<hbm>>
        %dma_start3A_247 = arith.constant 0 : i32
        %dma_start3A_248 = tpu.memref_slice %arg11[%mul3A_237, %dma_start3A_247] : memref<10008x128xf32, #tpu.memory_space<vmem_shared>> -> memref<40x128xf32, #tpu.memory_space<vmem_shared>>
        tpu.enqueue_dma source(%dma_start3A_248 : memref<40x128xf32, #tpu.memory_space<vmem_shared>>) target(%dma_start3A_246 : memref<40x128xf32, #tpu.memory_space<hbm>>) target_semaphore(%run_scoped3A_240 : memref<!tpu.dma_semaphore, #tpu.memory_space<semaphore_mem>>)
        %dma_wait3A_249 = arith.constant 0 : i32
        %dma_wait3A_250 = arith.constant 0 : i32
        %dma_wait3A_251 = tpu.memref_slice %arg6[%arg0, %dma_wait3A_249, %dma_wait3A_250] : memref<2x10000x128xf32, #tpu.memory_space<hbm>> -> memref<1x10000x128xf32, #tpu.memory_space<hbm>>
        %dma_wait3A_252 = tpu.memref_squeeze %dma_wait3A_251 : memref<1x10000x128xf32, #tpu.memory_space<hbm>> -> memref<10000x128xf32, #tpu.memory_space<hbm>>
        %dma_wait3A_253 = arith.constant 0 : i32
        %dma_wait3A_254 = tpu.memref_slice %dma_wait3A_252[%mul3A_239, %dma_wait3A_253] : memref<10000x128xf32, #tpu.memory_space<hbm>> -> memref<40x128xf32, #tpu.memory_space<hbm>>
        %dma_wait3A_255 = arith.constant 0 : i32
        %dma_wait3A_256 = tpu.memref_slice %arg11[%mul3A_237, %dma_wait3A_255] : memref<10008x128xf32, #tpu.memory_space<vmem_shared>> -> memref<40x128xf32, #tpu.memory_space<vmem_shared>>
        tpu.wait_dma2 semaphore(%run_scoped3A_240 : memref<!tpu.dma_semaphore, #tpu.memory_space<semaphore_mem>>) src(%dma_wait3A_256 : memref<40x128xf32, #tpu.memory_space<vmem_shared>>) dst(%dma_wait3A_254 : memref<40x128xf32, #tpu.memory_space<hbm>>)
        tpu.yield
      }) : () -> ()
    } else {
    }
    %lt3A_212 = arith.constant 15 : i32
    %lt3A_213 = arith.cmpi slt, %arg1, %lt3A_212 : i32
    %convert_element_type3A_214 = arith.extui %lt3A_213 : i1 to i32
    %cond3A_215 = arith.constant 0 : i32
    %cond3A_216 = arith.cmpi ne, %convert_element_type3A_214, %cond3A_215 : i32
    scf.if %cond3A_216 {
      %mul3A_232 = arith.constant 16 : i32
      %mul3A_233 = arith.muli %arg1, %mul3A_232 : i32
      %add3A_234 = arith.constant 12 : i32
      %add3A_235 = arith.addi %mul3A_233, %add3A_234 : i32
      %mul3A_236 = arith.constant 40 : i32
      %mul3A_237 = arith.muli %add3A_235, %mul3A_236 : i32
      %mul3A_238 = arith.constant 40 : i32
      %mul3A_239 = arith.muli %add3A_235, %mul3A_238 : i32
      "tpu.region"() ({
        %run_scoped3A_240 = tpu.sem_alloc : memref<!tpu.dma_semaphore, #tpu.memory_space<semaphore_mem>>
        %dma_start3A_241 = arith.constant 0 : i32
        %dma_start3A_242 = arith.constant 0 : i32
        %dma_start3A_243 = tpu.memref_slice %arg6[%arg0, %dma_start3A_241, %dma_start3A_242] : memref<2x10000x128xf32, #tpu.memory_space<hbm>> -> memref<1x10000x128xf32, #tpu.memory_space<hbm>>
        %dma_start3A_244 = tpu.memref_squeeze %dma_start3A_243 : memref<1x10000x128xf32, #tpu.memory_space<hbm>> -> memref<10000x128xf32, #tpu.memory_space<hbm>>
        %dma_start3A_245 = arith.constant 0 : i32
        %dma_start3A_246 = tpu.memref_slice %dma_start3A_244[%mul3A_239, %dma_start3A_245] : memref<10000x128xf32, #tpu.memory_space<hbm>> -> memref<40x128xf32, #tpu.memory_space<hbm>>
        %dma_start3A_247 = arith.constant 0 : i32
        %dma_start3A_248 = tpu.memref_slice %arg11[%mul3A_237, %dma_start3A_247] : memref<10008x128xf32, #tpu.memory_space<vmem_shared>> -> memref<40x128xf32, #tpu.memory_space<vmem_shared>>
        tpu.enqueue_dma source(%dma_start3A_248 : memref<40x128xf32, #tpu.memory_space<vmem_shared>>) target(%dma_start3A_246 : memref<40x128xf32, #tpu.memory_space<hbm>>) target_semaphore(%run_scoped3A_240 : memref<!tpu.dma_semaphore, #tpu.memory_space<semaphore_mem>>)
        %dma_wait3A_249 = arith.constant 0 : i32
        %dma_wait3A_250 = arith.constant 0 : i32
        %dma_wait3A_251 = tpu.memref_slice %arg6[%arg0, %dma_wait3A_249, %dma_wait3A_250] : memref<2x10000x128xf32, #tpu.memory_space<hbm>> -> memref<1x10000x128xf32, #tpu.memory_space<hbm>>
        %dma_wait3A_252 = tpu.memref_squeeze %dma_wait3A_251 : memref<1x10000x128xf32, #tpu.memory_space<hbm>> -> memref<10000x128xf32, #tpu.memory_space<hbm>>
        %dma_wait3A_253 = arith.constant 0 : i32
        %dma_wait3A_254 = tpu.memref_slice %dma_wait3A_252[%mul3A_239, %dma_wait3A_253] : memref<10000x128xf32, #tpu.memory_space<hbm>> -> memref<40x128xf32, #tpu.memory_space<hbm>>
        %dma_wait3A_255 = arith.constant 0 : i32
        %dma_wait3A_256 = tpu.memref_slice %arg11[%mul3A_237, %dma_wait3A_255] : memref<10008x128xf32, #tpu.memory_space<vmem_shared>> -> memref<40x128xf32, #tpu.memory_space<vmem_shared>>
        tpu.wait_dma2 semaphore(%run_scoped3A_240 : memref<!tpu.dma_semaphore, #tpu.memory_space<semaphore_mem>>) src(%dma_wait3A_256 : memref<40x128xf32, #tpu.memory_space<vmem_shared>>) dst(%dma_wait3A_254 : memref<40x128xf32, #tpu.memory_space<hbm>>)
        tpu.yield
      }) : () -> ()
    } else {
    }
    %lt3A_217 = arith.constant 15 : i32
    %lt3A_218 = arith.cmpi slt, %arg1, %lt3A_217 : i32
    %convert_element_type3A_219 = arith.extui %lt3A_218 : i1 to i32
    %cond3A_220 = arith.constant 0 : i32
    %cond3A_221 = arith.cmpi ne, %convert_element_type3A_219, %cond3A_220 : i32
    scf.if %cond3A_221 {
      %mul3A_232 = arith.constant 16 : i32
      %mul3A_233 = arith.muli %arg1, %mul3A_232 : i32
      %add3A_234 = arith.constant 13 : i32
      %add3A_235 = arith.addi %mul3A_233, %add3A_234 : i32
      %mul3A_236 = arith.constant 40 : i32
      %mul3A_237 = arith.muli %add3A_235, %mul3A_236 : i32
      %mul3A_238 = arith.constant 40 : i32
      %mul3A_239 = arith.muli %add3A_235, %mul3A_238 : i32
      "tpu.region"() ({
        %run_scoped3A_240 = tpu.sem_alloc : memref<!tpu.dma_semaphore, #tpu.memory_space<semaphore_mem>>
        %dma_start3A_241 = arith.constant 0 : i32
        %dma_start3A_242 = arith.constant 0 : i32
        %dma_start3A_243 = tpu.memref_slice %arg6[%arg0, %dma_start3A_241, %dma_start3A_242] : memref<2x10000x128xf32, #tpu.memory_space<hbm>> -> memref<1x10000x128xf32, #tpu.memory_space<hbm>>
        %dma_start3A_244 = tpu.memref_squeeze %dma_start3A_243 : memref<1x10000x128xf32, #tpu.memory_space<hbm>> -> memref<10000x128xf32, #tpu.memory_space<hbm>>
        %dma_start3A_245 = arith.constant 0 : i32
        %dma_start3A_246 = tpu.memref_slice %dma_start3A_244[%mul3A_239, %dma_start3A_245] : memref<10000x128xf32, #tpu.memory_space<hbm>> -> memref<40x128xf32, #tpu.memory_space<hbm>>
        %dma_start3A_247 = arith.constant 0 : i32
        %dma_start3A_248 = tpu.memref_slice %arg11[%mul3A_237, %dma_start3A_247] : memref<10008x128xf32, #tpu.memory_space<vmem_shared>> -> memref<40x128xf32, #tpu.memory_space<vmem_shared>>
        tpu.enqueue_dma source(%dma_start3A_248 : memref<40x128xf32, #tpu.memory_space<vmem_shared>>) target(%dma_start3A_246 : memref<40x128xf32, #tpu.memory_space<hbm>>) target_semaphore(%run_scoped3A_240 : memref<!tpu.dma_semaphore, #tpu.memory_space<semaphore_mem>>)
        %dma_wait3A_249 = arith.constant 0 : i32
        %dma_wait3A_250 = arith.constant 0 : i32
        %dma_wait3A_251 = tpu.memref_slice %arg6[%arg0, %dma_wait3A_249, %dma_wait3A_250] : memref<2x10000x128xf32, #tpu.memory_space<hbm>> -> memref<1x10000x128xf32, #tpu.memory_space<hbm>>
        %dma_wait3A_252 = tpu.memref_squeeze %dma_wait3A_251 : memref<1x10000x128xf32, #tpu.memory_space<hbm>> -> memref<10000x128xf32, #tpu.memory_space<hbm>>
        %dma_wait3A_253 = arith.constant 0 : i32
        %dma_wait3A_254 = tpu.memref_slice %dma_wait3A_252[%mul3A_239, %dma_wait3A_253] : memref<10000x128xf32, #tpu.memory_space<hbm>> -> memref<40x128xf32, #tpu.memory_space<hbm>>
        %dma_wait3A_255 = arith.constant 0 : i32
        %dma_wait3A_256 = tpu.memref_slice %arg11[%mul3A_237, %dma_wait3A_255] : memref<10008x128xf32, #tpu.memory_space<vmem_shared>> -> memref<40x128xf32, #tpu.memory_space<vmem_shared>>
        tpu.wait_dma2 semaphore(%run_scoped3A_240 : memref<!tpu.dma_semaphore, #tpu.memory_space<semaphore_mem>>) src(%dma_wait3A_256 : memref<40x128xf32, #tpu.memory_space<vmem_shared>>) dst(%dma_wait3A_254 : memref<40x128xf32, #tpu.memory_space<hbm>>)
        tpu.yield
      }) : () -> ()
    } else {
    }
    %lt3A_222 = arith.constant 15 : i32
    %lt3A_223 = arith.cmpi slt, %arg1, %lt3A_222 : i32
    %convert_element_type3A_224 = arith.extui %lt3A_223 : i1 to i32
    %cond3A_225 = arith.constant 0 : i32
    %cond3A_226 = arith.cmpi ne, %convert_element_type3A_224, %cond3A_225 : i32
    scf.if %cond3A_226 {
      %mul3A_232 = arith.constant 16 : i32
      %mul3A_233 = arith.muli %arg1, %mul3A_232 : i32
      %add3A_234 = arith.constant 14 : i32
      %add3A_235 = arith.addi %mul3A_233, %add3A_234 : i32
      %mul3A_236 = arith.constant 40 : i32
      %mul3A_237 = arith.muli %add3A_235, %mul3A_236 : i32
      %mul3A_238 = arith.constant 40 : i32
      %mul3A_239 = arith.muli %add3A_235, %mul3A_238 : i32
      "tpu.region"() ({
        %run_scoped3A_240 = tpu.sem_alloc : memref<!tpu.dma_semaphore, #tpu.memory_space<semaphore_mem>>
        %dma_start3A_241 = arith.constant 0 : i32
        %dma_start3A_242 = arith.constant 0 : i32
        %dma_start3A_243 = tpu.memref_slice %arg6[%arg0, %dma_start3A_241, %dma_start3A_242] : memref<2x10000x128xf32, #tpu.memory_space<hbm>> -> memref<1x10000x128xf32, #tpu.memory_space<hbm>>
        %dma_start3A_244 = tpu.memref_squeeze %dma_start3A_243 : memref<1x10000x128xf32, #tpu.memory_space<hbm>> -> memref<10000x128xf32, #tpu.memory_space<hbm>>
        %dma_start3A_245 = arith.constant 0 : i32
        %dma_start3A_246 = tpu.memref_slice %dma_start3A_244[%mul3A_239, %dma_start3A_245] : memref<10000x128xf32, #tpu.memory_space<hbm>> -> memref<40x128xf32, #tpu.memory_space<hbm>>
        %dma_start3A_247 = arith.constant 0 : i32
        %dma_start3A_248 = tpu.memref_slice %arg11[%mul3A_237, %dma_start3A_247] : memref<10008x128xf32, #tpu.memory_space<vmem_shared>> -> memref<40x128xf32, #tpu.memory_space<vmem_shared>>
        tpu.enqueue_dma source(%dma_start3A_248 : memref<40x128xf32, #tpu.memory_space<vmem_shared>>) target(%dma_start3A_246 : memref<40x128xf32, #tpu.memory_space<hbm>>) target_semaphore(%run_scoped3A_240 : memref<!tpu.dma_semaphore, #tpu.memory_space<semaphore_mem>>)
        %dma_wait3A_249 = arith.constant 0 : i32
        %dma_wait3A_250 = arith.constant 0 : i32
        %dma_wait3A_251 = tpu.memref_slice %arg6[%arg0, %dma_wait3A_249, %dma_wait3A_250] : memref<2x10000x128xf32, #tpu.memory_space<hbm>> -> memref<1x10000x128xf32, #tpu.memory_space<hbm>>
        %dma_wait3A_252 = tpu.memref_squeeze %dma_wait3A_251 : memref<1x10000x128xf32, #tpu.memory_space<hbm>> -> memref<10000x128xf32, #tpu.memory_space<hbm>>
        %dma_wait3A_253 = arith.constant 0 : i32
        %dma_wait3A_254 = tpu.memref_slice %dma_wait3A_252[%mul3A_239, %dma_wait3A_253] : memref<10000x128xf32, #tpu.memory_space<hbm>> -> memref<40x128xf32, #tpu.memory_space<hbm>>
        %dma_wait3A_255 = arith.constant 0 : i32
        %dma_wait3A_256 = tpu.memref_slice %arg11[%mul3A_237, %dma_wait3A_255] : memref<10008x128xf32, #tpu.memory_space<vmem_shared>> -> memref<40x128xf32, #tpu.memory_space<vmem_shared>>
        tpu.wait_dma2 semaphore(%run_scoped3A_240 : memref<!tpu.dma_semaphore, #tpu.memory_space<semaphore_mem>>) src(%dma_wait3A_256 : memref<40x128xf32, #tpu.memory_space<vmem_shared>>) dst(%dma_wait3A_254 : memref<40x128xf32, #tpu.memory_space<hbm>>)
        tpu.yield
      }) : () -> ()
    } else {
    }
    %lt3A_227 = arith.constant 15 : i32
    %lt3A_228 = arith.cmpi slt, %arg1, %lt3A_227 : i32
    %convert_element_type3A_229 = arith.extui %lt3A_228 : i1 to i32
    %cond3A_230 = arith.constant 0 : i32
    %cond3A_231 = arith.cmpi ne, %convert_element_type3A_229, %cond3A_230 : i32
    scf.if %cond3A_231 {
      %mul3A_232 = arith.constant 16 : i32
      %mul3A_233 = arith.muli %arg1, %mul3A_232 : i32
      %add3A_234 = arith.constant 15 : i32
      %add3A_235 = arith.addi %mul3A_233, %add3A_234 : i32
      %mul3A_236 = arith.constant 40 : i32
      %mul3A_237 = arith.muli %add3A_235, %mul3A_236 : i32
      %mul3A_238 = arith.constant 40 : i32
      %mul3A_239 = arith.muli %add3A_235, %mul3A_238 : i32
      "tpu.region"() ({
        %run_scoped3A_240 = tpu.sem_alloc : memref<!tpu.dma_semaphore, #tpu.memory_space<semaphore_mem>>
        %dma_start3A_241 = arith.constant 0 : i32
        %dma_start3A_242 = arith.constant 0 : i32
        %dma_start3A_243 = tpu.memref_slice %arg6[%arg0, %dma_start3A_241, %dma_start3A_242] : memref<2x10000x128xf32, #tpu.memory_space<hbm>> -> memref<1x10000x128xf32, #tpu.memory_space<hbm>>
        %dma_start3A_244 = tpu.memref_squeeze %dma_start3A_243 : memref<1x10000x128xf32, #tpu.memory_space<hbm>> -> memref<10000x128xf32, #tpu.memory_space<hbm>>
        %dma_start3A_245 = arith.constant 0 : i32
        %dma_start3A_246 = tpu.memref_slice %dma_start3A_244[%mul3A_239, %dma_start3A_245] : memref<10000x128xf32, #tpu.memory_space<hbm>> -> memref<40x128xf32, #tpu.memory_space<hbm>>
        %dma_start3A_247 = arith.constant 0 : i32
        %dma_start3A_248 = tpu.memref_slice %arg11[%mul3A_237, %dma_start3A_247] : memref<10008x128xf32, #tpu.memory_space<vmem_shared>> -> memref<40x128xf32, #tpu.memory_space<vmem_shared>>
        tpu.enqueue_dma source(%dma_start3A_248 : memref<40x128xf32, #tpu.memory_space<vmem_shared>>) target(%dma_start3A_246 : memref<40x128xf32, #tpu.memory_space<hbm>>) target_semaphore(%run_scoped3A_240 : memref<!tpu.dma_semaphore, #tpu.memory_space<semaphore_mem>>)
        %dma_wait3A_249 = arith.constant 0 : i32
        %dma_wait3A_250 = arith.constant 0 : i32
        %dma_wait3A_251 = tpu.memref_slice %arg6[%arg0, %dma_wait3A_249, %dma_wait3A_250] : memref<2x10000x128xf32, #tpu.memory_space<hbm>> -> memref<1x10000x128xf32, #tpu.memory_space<hbm>>
        %dma_wait3A_252 = tpu.memref_squeeze %dma_wait3A_251 : memref<1x10000x128xf32, #tpu.memory_space<hbm>> -> memref<10000x128xf32, #tpu.memory_space<hbm>>
        %dma_wait3A_253 = arith.constant 0 : i32
        %dma_wait3A_254 = tpu.memref_slice %dma_wait3A_252[%mul3A_239, %dma_wait3A_253] : memref<10000x128xf32, #tpu.memory_space<hbm>> -> memref<40x128xf32, #tpu.memory_space<hbm>>
        %dma_wait3A_255 = arith.constant 0 : i32
        %dma_wait3A_256 = tpu.memref_slice %arg11[%mul3A_237, %dma_wait3A_255] : memref<10008x128xf32, #tpu.memory_space<vmem_shared>> -> memref<40x128xf32, #tpu.memory_space<vmem_shared>>
        tpu.wait_dma2 semaphore(%run_scoped3A_240 : memref<!tpu.dma_semaphore, #tpu.memory_space<semaphore_mem>>) src(%dma_wait3A_256 : memref<40x128xf32, #tpu.memory_space<vmem_shared>>) dst(%dma_wait3A_254 : memref<40x128xf32, #tpu.memory_space<hbm>>)
        tpu.yield
      }) : () -> ()
    } else {
    }
    return
  }
}

module attributes {stable_mosaic.version = 14 : i64} {
  func.func @_pre_body(%arg0: i32, %arg1: memref<1000x256xf32, #tpu.memory_space<vmem>>, %arg2: memref<256x256xf32, #tpu.memory_space<vmem>>, %arg3: memref<1x256xf32, #tpu.memory_space<vmem>>, %arg4: memref<2x1000x128xf32, #tpu.memory_space<vmem>>, %arg5: memref<2x1000x128xf32, #tpu.memory_space<vmem>>) attributes {dimension_semantics = [#tpu.dimension_semantics<arbitrary>], iteration_bounds = array<i64: 10>, scalar_prefetch = 0 : i64, scratch_operands = 0 : i64, tpu.core_type = #tpu.core_type<tc>, window_params = [{transform_indices = @transform_0, window_bounds = array<i64: 1000, 256>}, {pipeline_mode = #tpu.pipeline_mode<synchronous>, transform_indices = @transform_1, window_bounds = array<i64: 256, 256>}, {pipeline_mode = #tpu.pipeline_mode<synchronous>, transform_indices = @transform_2, window_bounds = array<i64: 1, 256>}, {transform_indices = @transform_3, window_bounds = array<i64: 2, 1000, 128>}, {transform_indices = @transform_4, window_bounds = array<i64: 2, 1000, 128>}]} {
    %get3A = arith.constant 0 : index
    %get3A_0 = arith.constant 0 : index
    %get3A_1 = vector.load %arg1[%get3A, %get3A_0] : memref<1000x256xf32, #tpu.memory_space<vmem>>, vector<1000x256xf32>
    %slice3A = vector.extract_strided_slice %get3A_1 {offsets = [0, 0], sizes = [1000, 128], strides = [1, 1]} : vector<1000x256xf32> to vector<1000x128xf32>
    %swap3A = arith.constant 0 : index
    %swap3A_2 = arith.constant 0 : index
    %swap3A_3 = arith.constant 0 : index
    %swap3A_4 = vector.load %arg4[%swap3A, %swap3A_2, %swap3A_3] : memref<2x1000x128xf32, #tpu.memory_space<vmem>>, vector<1x1000x128xf32>
    %swap3A_5 = vector.shape_cast %swap3A_4 : vector<1x1000x128xf32> to vector<1000x128xf32>
    %swap3A_6 = vector.shape_cast %slice3A : vector<1000x128xf32> to vector<1x1000x128xf32>
    tpu.vector_store %arg4[%swap3A, %swap3A_2, %swap3A_3], %swap3A_6 {strides = array<i32>} : memref<2x1000x128xf32, #tpu.memory_space<vmem>>, vector<1x1000x128xf32>,
    %slice3A_7 = vector.extract_strided_slice %get3A_1 {offsets = [0, 128], sizes = [1000, 128], strides = [1, 1]} : vector<1000x256xf32> to vector<1000x128xf32>
    %swap3A_8 = arith.constant 1 : index
    %swap3A_9 = arith.constant 0 : index
    %swap3A_10 = arith.constant 0 : index
    %swap3A_11 = vector.load %arg4[%swap3A_8, %swap3A_9, %swap3A_10] : memref<2x1000x128xf32, #tpu.memory_space<vmem>>, vector<1x1000x128xf32>
    %swap3A_12 = vector.shape_cast %swap3A_11 : vector<1x1000x128xf32> to vector<1000x128xf32>
    %swap3A_13 = vector.shape_cast %slice3A_7 : vector<1000x128xf32> to vector<1x1000x128xf32>
    tpu.vector_store %arg4[%swap3A_8, %swap3A_9, %swap3A_10], %swap3A_13 {strides = array<i32>} : memref<2x1000x128xf32, #tpu.memory_space<vmem>>, vector<1x1000x128xf32>,
    %get3A_14 = arith.constant 0 : index
    %get3A_15 = arith.constant 0 : index
    %get3A_16 = vector.load %arg2[%get3A_14, %get3A_15] : memref<256x256xf32, #tpu.memory_space<vmem>>, vector<256x256xf32>
    %dot_general3A = arith.constant dense<0.000000e+00> : vector<1000x256xf32>
    %dot_general3A_17 = tpu.matmul %get3A_1, %get3A_16, %dot_general3A {dimension_numbers = #tpu.dot_dimension_numbers<[1], [0], [0], [1], [0, 0, 1, 1], [], []>, transpose_lhs_hint = false} : vector<1000x256xf32>, vector<256x256xf32>, vector<1000x256xf32> -> vector<1000x256xf32>
    %get3A_18 = arith.constant 0 : index
    %get3A_19 = arith.constant 0 : index
    %get3A_20 = vector.load %arg3[%get3A_18, %get3A_19] : memref<1x256xf32, #tpu.memory_space<vmem>>, vector<1x256xf32>
    %add3A = vector.broadcast %get3A_20 : vector<1x256xf32> to vector<1000x256xf32>
    %add3A_21 = arith.addf %dot_general3A_17, %add3A : vector<1000x256xf32>
    %slice3A_22 = vector.extract_strided_slice %add3A_21 {offsets = [0, 0], sizes = [1000, 128], strides = [1, 1]} : vector<1000x256xf32> to vector<1000x128xf32>
    %swap3A_23 = arith.constant 0 : index
    %swap3A_24 = arith.constant 0 : index
    %swap3A_25 = arith.constant 0 : index
    %swap3A_26 = vector.load %arg5[%swap3A_23, %swap3A_24, %swap3A_25] : memref<2x1000x128xf32, #tpu.memory_space<vmem>>, vector<1x1000x128xf32>
    %swap3A_27 = vector.shape_cast %swap3A_26 : vector<1x1000x128xf32> to vector<1000x128xf32>
    %swap3A_28 = vector.shape_cast %slice3A_22 : vector<1000x128xf32> to vector<1x1000x128xf32>
    tpu.vector_store %arg5[%swap3A_23, %swap3A_24, %swap3A_25], %swap3A_28 {strides = array<i32>} : memref<2x1000x128xf32, #tpu.memory_space<vmem>>, vector<1x1000x128xf32>,
    %slice3A_29 = vector.extract_strided_slice %add3A_21 {offsets = [0, 128], sizes = [1000, 128], strides = [1, 1]} : vector<1000x256xf32> to vector<1000x128xf32>
    %swap3A_30 = arith.constant 1 : index
    %swap3A_31 = arith.constant 0 : index
    %swap3A_32 = arith.constant 0 : index
    %swap3A_33 = vector.load %arg5[%swap3A_30, %swap3A_31, %swap3A_32] : memref<2x1000x128xf32, #tpu.memory_space<vmem>>, vector<1x1000x128xf32>
    %swap3A_34 = vector.shape_cast %swap3A_33 : vector<1x1000x128xf32> to vector<1000x128xf32>
    %swap3A_35 = vector.shape_cast %slice3A_29 : vector<1000x128xf32> to vector<1x1000x128xf32>
    tpu.vector_store %arg5[%swap3A_30, %swap3A_31, %swap3A_32], %swap3A_35 {strides = array<i32>} : memref<2x1000x128xf32, #tpu.memory_space<vmem>>, vector<1x1000x128xf32>,
    return
  }
  func.func @transform_0(%arg0: i32) -> (i32, i32) {
    %c0_i32 = arith.constant 0 : i32
    %c0_i32_0 = arith.constant 0 : i32
    return %arg0, %c0_i32 : i32, i32
  }
  func.func @transform_1(%arg0: i32) -> (i32, i32) {
    %c0_i32 = arith.constant 0 : i32
    %c0_i32_0 = arith.constant 0 : i32
    %c0_i32_1 = arith.constant 0 : i32
    return %c0_i32, %c0_i32_0 : i32, i32
  }
  func.func @transform_2(%arg0: i32) -> (i32, i32) {
    %c0_i32 = arith.constant 0 : i32
    %c0_i32_0 = arith.constant 0 : i32
    %c0_i32_1 = arith.constant 0 : i32
    return %c0_i32, %c0_i32_0 : i32, i32
  }
  func.func @transform_3(%arg0: i32) -> (i32, i32, i32) {
    %c0_i32 = arith.constant 0 : i32
    %c0_i32_0 = arith.constant 0 : i32
    %c0_i32_1 = arith.constant 0 : i32
    return %c0_i32, %arg0, %c0_i32_0 : i32, i32, i32
  }
  func.func @transform_4(%arg0: i32) -> (i32, i32, i32) {
    %c0_i32 = arith.constant 0 : i32
    %c0_i32_0 = arith.constant 0 : i32
    %c0_i32_1 = arith.constant 0 : i32
    return %c0_i32, %arg0, %c0_i32_0 : i32, i32, i32
  }
}

module attributes {stable_mosaic.version = 14 : i64} {
  func.func @_aggmm_body(%arg0: i32, %arg1: memref<2x1000x128xf32, #tpu.memory_space<vmem>>, %arg2: memref<2x1000x128xf32, #tpu.memory_space<vmem>>, %arg3: memref<2x1000x128xf32, #tpu.memory_space<vmem>>, %arg4: memref<256x256xf32, #tpu.memory_space<vmem>>, %arg5: memref<2x1000x128xf32, #tpu.memory_space<vmem>>) attributes {dimension_semantics = [#tpu.dimension_semantics<arbitrary>], iteration_bounds = array<i64: 10>, scalar_prefetch = 0 : i64, scratch_operands = 0 : i64, tpu.core_type = #tpu.core_type<tc>, window_params = [{transform_indices = @transform_0, window_bounds = array<i64: 2, 1000, 128>}, {transform_indices = @transform_1, window_bounds = array<i64: 2, 1000, 128>}, {transform_indices = @transform_2, window_bounds = array<i64: 2, 1000, 128>}, {pipeline_mode = #tpu.pipeline_mode<synchronous>, transform_indices = @transform_3, window_bounds = array<i64: 256, 256>}, {transform_indices = @transform_4, window_bounds = array<i64: 2, 1000, 128>}]} {
    %get3A = arith.constant 0 : index
    %get3A_0 = arith.constant 0 : index
    %get3A_1 = arith.constant 0 : index
    %get3A_2 = vector.load %arg2[%get3A, %get3A_0, %get3A_1] : memref<2x1000x128xf32, #tpu.memory_space<vmem>>, vector<1x1000x1xf32>
    %get3A_3 = vector.shape_cast %get3A_2 : vector<1x1000x1xf32> to vector<1000x1xf32>
    %get3A_4 = arith.constant 1 : index
    %get3A_5 = arith.constant 0 : index
    %get3A_6 = arith.constant 0 : index
    %get3A_7 = vector.load %arg2[%get3A_4, %get3A_5, %get3A_6] : memref<2x1000x128xf32, #tpu.memory_space<vmem>>, vector<1x1000x1xf32>
    %get3A_8 = vector.shape_cast %get3A_7 : vector<1x1000x1xf32> to vector<1000x1xf32>
    %add3A = arith.addf %get3A_3, %get3A_8 : vector<1000x1xf32>
    %max3A = arith.constant 1.000000e+00 : f32
    %max3A_9 = vector.broadcast %max3A : f32 to vector<1000x1xf32>
    %max3A_10 = arith.maximumf %add3A, %max3A_9 : vector<1000x1xf32>
    %get3A_11 = arith.constant 0 : index
    %get3A_12 = arith.constant 0 : index
    %get3A_13 = arith.constant 0 : index
    %get3A_14 = vector.load %arg1[%get3A_11, %get3A_12, %get3A_13] : memref<2x1000x128xf32, #tpu.memory_space<vmem>>, vector<1x1000x128xf32>
    %get3A_15 = vector.shape_cast %get3A_14 : vector<1x1000x128xf32> to vector<1000x128xf32>
    %div3A = vector.broadcast %max3A_10 : vector<1000x1xf32> to vector<1000x128xf32>
    %div3A_16 = arith.divf %get3A_15, %div3A : vector<1000x128xf32>
    %get3A_17 = arith.constant 0 : index
    %get3A_18 = arith.constant 0 : index
    %get3A_19 = vector.load %arg4[%get3A_17, %get3A_18] : memref<256x256xf32, #tpu.memory_space<vmem>>, vector<128x256xf32>
    %dot_general3A = arith.constant dense<0.000000e+00> : vector<1000x256xf32>
    %dot_general3A_20 = tpu.matmul %div3A_16, %get3A_19, %dot_general3A {dimension_numbers = #tpu.dot_dimension_numbers<[1], [0], [0], [1], [0, 0, 1, 1], [], []>, transpose_lhs_hint = false} : vector<1000x128xf32>, vector<128x256xf32>, vector<1000x256xf32> -> vector<1000x256xf32>
    %get3A_21 = arith.constant 1 : index
    %get3A_22 = arith.constant 0 : index
    %get3A_23 = arith.constant 0 : index
    %get3A_24 = vector.load %arg1[%get3A_21, %get3A_22, %get3A_23] : memref<2x1000x128xf32, #tpu.memory_space<vmem>>, vector<1x1000x128xf32>
    %get3A_25 = vector.shape_cast %get3A_24 : vector<1x1000x128xf32> to vector<1000x128xf32>
    %div3A_26 = vector.broadcast %max3A_10 : vector<1000x1xf32> to vector<1000x128xf32>
    %div3A_27 = arith.divf %get3A_25, %div3A_26 : vector<1000x128xf32>
    %get3A_28 = arith.constant 128 : index
    %get3A_29 = arith.constant 0 : index
    %get3A_30 = vector.load %arg4[%get3A_28, %get3A_29] : memref<256x256xf32, #tpu.memory_space<vmem>>, vector<128x256xf32>
    %dot_general3A_31 = arith.constant dense<0.000000e+00> : vector<1000x256xf32>
    %dot_general3A_32 = tpu.matmul %div3A_27, %get3A_30, %dot_general3A_31 {dimension_numbers = #tpu.dot_dimension_numbers<[1], [0], [0], [1], [0, 0, 1, 1], [], []>, transpose_lhs_hint = false} : vector<1000x128xf32>, vector<128x256xf32>, vector<1000x256xf32> -> vector<1000x256xf32>
    %add3A_33 = arith.addf %dot_general3A_20, %dot_general3A_32 : vector<1000x256xf32>
    %get3A_34 = arith.constant 0 : index
    %get3A_35 = arith.constant 0 : index
    %get3A_36 = arith.constant 0 : index
    %get3A_37 = vector.load %arg3[%get3A_34, %get3A_35, %get3A_36] : memref<2x1000x128xf32, #tpu.memory_space<vmem>>, vector<1x1000x128xf32>
    %get3A_38 = vector.shape_cast %get3A_37 : vector<1x1000x128xf32> to vector<1000x128xf32>
    %get3A_39 = arith.constant 1 : index
    %get3A_40 = arith.constant 0 : index
    %get3A_41 = arith.constant 0 : index
    %get3A_42 = vector.load %arg3[%get3A_39, %get3A_40, %get3A_41] : memref<2x1000x128xf32, #tpu.memory_space<vmem>>, vector<1x1000x128xf32>
    %get3A_43 = vector.shape_cast %get3A_42 : vector<1x1000x128xf32> to vector<1000x128xf32>
    %concatenate3A = tpu.concatenate %get3A_38, %get3A_43 in 1 : vector<1000x128xf32>, vector<1000x128xf32> -> vector<1000x256xf32>
    %add3A_44 = arith.addf %add3A_33, %concatenate3A : vector<1000x256xf32>
    %max3A_45 = arith.constant 0.000000e+00 : f32
    %max3A_46 = vector.broadcast %max3A_45 : f32 to vector<1000x256xf32>
    %max3A_47 = arith.maximumf %add3A_44, %max3A_46 : vector<1000x256xf32>
    %slice3A = vector.extract_strided_slice %max3A_47 {offsets = [0, 0], sizes = [1000, 128], strides = [1, 1]} : vector<1000x256xf32> to vector<1000x128xf32>
    %swap3A = arith.constant 0 : index
    %swap3A_48 = arith.constant 0 : index
    %swap3A_49 = arith.constant 0 : index
    %swap3A_50 = vector.load %arg5[%swap3A, %swap3A_48, %swap3A_49] : memref<2x1000x128xf32, #tpu.memory_space<vmem>>, vector<1x1000x128xf32>
    %swap3A_51 = vector.shape_cast %swap3A_50 : vector<1x1000x128xf32> to vector<1000x128xf32>
    %swap3A_52 = vector.shape_cast %slice3A : vector<1000x128xf32> to vector<1x1000x128xf32>
    tpu.vector_store %arg5[%swap3A, %swap3A_48, %swap3A_49], %swap3A_52 {strides = array<i32>} : memref<2x1000x128xf32, #tpu.memory_space<vmem>>, vector<1x1000x128xf32>,
    %slice3A_53 = vector.extract_strided_slice %max3A_47 {offsets = [0, 128], sizes = [1000, 128], strides = [1, 1]} : vector<1000x256xf32> to vector<1000x128xf32>
    %swap3A_54 = arith.constant 1 : index
    %swap3A_55 = arith.constant 0 : index
    %swap3A_56 = arith.constant 0 : index
    %swap3A_57 = vector.load %arg5[%swap3A_54, %swap3A_55, %swap3A_56] : memref<2x1000x128xf32, #tpu.memory_space<vmem>>, vector<1x1000x128xf32>
    %swap3A_58 = vector.shape_cast %swap3A_57 : vector<1x1000x128xf32> to vector<1000x128xf32>
    %swap3A_59 = vector.shape_cast %slice3A_53 : vector<1000x128xf32> to vector<1x1000x128xf32>
    tpu.vector_store %arg5[%swap3A_54, %swap3A_55, %swap3A_56], %swap3A_59 {strides = array<i32>} : memref<2x1000x128xf32, #tpu.memory_space<vmem>>, vector<1x1000x128xf32>,
    return
  }
  func.func @transform_0(%arg0: i32) -> (i32, i32, i32) {
    %c0_i32 = arith.constant 0 : i32
    %c0_i32_0 = arith.constant 0 : i32
    %c0_i32_1 = arith.constant 0 : i32
    return %c0_i32, %arg0, %c0_i32_0 : i32, i32, i32
  }
  func.func @transform_1(%arg0: i32) -> (i32, i32, i32) {
    %c0_i32 = arith.constant 0 : i32
    %c0_i32_0 = arith.constant 0 : i32
    %c0_i32_1 = arith.constant 0 : i32
    return %c0_i32, %arg0, %c0_i32_0 : i32, i32, i32
  }
  func.func @transform_2(%arg0: i32) -> (i32, i32, i32) {
    %c0_i32 = arith.constant 0 : i32
    %c0_i32_0 = arith.constant 0 : i32
    %c0_i32_1 = arith.constant 0 : i32
    return %c0_i32, %arg0, %c0_i32_0 : i32, i32, i32
  }
  func.func @transform_3(%arg0: i32) -> (i32, i32) {
    %c0_i32 = arith.constant 0 : i32
    %c0_i32_0 = arith.constant 0 : i32
    %c0_i32_1 = arith.constant 0 : i32
    return %c0_i32, %c0_i32_0 : i32, i32
  }
  func.func @transform_4(%arg0: i32) -> (i32, i32, i32) {
    %c0_i32 = arith.constant 0 : i32
    %c0_i32_0 = arith.constant 0 : i32
    %c0_i32_1 = arith.constant 0 : i32
    return %c0_i32, %arg0, %c0_i32_0 : i32, i32, i32
  }
}

module attributes {stable_mosaic.version = 14 : i64} {
  func.func @_selfmm_body(%arg0: i32, %arg1: memref<2x1000x128xf32, #tpu.memory_space<vmem>>, %arg2: memref<256x256xf32, #tpu.memory_space<vmem>>, %arg3: memref<1x256xf32, #tpu.memory_space<vmem>>, %arg4: memref<2x1000x128xf32, #tpu.memory_space<vmem>>) attributes {dimension_semantics = [#tpu.dimension_semantics<arbitrary>], iteration_bounds = array<i64: 10>, scalar_prefetch = 0 : i64, scratch_operands = 0 : i64, tpu.core_type = #tpu.core_type<tc>, window_params = [{transform_indices = @transform_0, window_bounds = array<i64: 2, 1000, 128>}, {pipeline_mode = #tpu.pipeline_mode<synchronous>, transform_indices = @transform_1, window_bounds = array<i64: 256, 256>}, {pipeline_mode = #tpu.pipeline_mode<synchronous>, transform_indices = @transform_2, window_bounds = array<i64: 1, 256>}, {transform_indices = @transform_3, window_bounds = array<i64: 2, 1000, 128>}]} {
    %get3A = arith.constant 0 : index
    %get3A_0 = arith.constant 0 : index
    %get3A_1 = arith.constant 0 : index
    %get3A_2 = vector.load %arg1[%get3A, %get3A_0, %get3A_1] : memref<2x1000x128xf32, #tpu.memory_space<vmem>>, vector<1x1000x128xf32>
    %get3A_3 = vector.shape_cast %get3A_2 : vector<1x1000x128xf32> to vector<1000x128xf32>
    %get3A_4 = arith.constant 0 : index
    %get3A_5 = arith.constant 0 : index
    %get3A_6 = vector.load %arg2[%get3A_4, %get3A_5] : memref<256x256xf32, #tpu.memory_space<vmem>>, vector<128x256xf32>
    %dot_general3A = arith.constant dense<0.000000e+00> : vector<1000x256xf32>
    %dot_general3A_7 = tpu.matmul %get3A_3, %get3A_6, %dot_general3A {dimension_numbers = #tpu.dot_dimension_numbers<[1], [0], [0], [1], [0, 0, 1, 1], [], []>, transpose_lhs_hint = false} : vector<1000x128xf32>, vector<128x256xf32>, vector<1000x256xf32> -> vector<1000x256xf32>
    %get3A_8 = arith.constant 1 : index
    %get3A_9 = arith.constant 0 : index
    %get3A_10 = arith.constant 0 : index
    %get3A_11 = vector.load %arg1[%get3A_8, %get3A_9, %get3A_10] : memref<2x1000x128xf32, #tpu.memory_space<vmem>>, vector<1x1000x128xf32>
    %get3A_12 = vector.shape_cast %get3A_11 : vector<1x1000x128xf32> to vector<1000x128xf32>
    %get3A_13 = arith.constant 128 : index
    %get3A_14 = arith.constant 0 : index
    %get3A_15 = vector.load %arg2[%get3A_13, %get3A_14] : memref<256x256xf32, #tpu.memory_space<vmem>>, vector<128x256xf32>
    %dot_general3A_16 = arith.constant dense<0.000000e+00> : vector<1000x256xf32>
    %dot_general3A_17 = tpu.matmul %get3A_12, %get3A_15, %dot_general3A_16 {dimension_numbers = #tpu.dot_dimension_numbers<[1], [0], [0], [1], [0, 0, 1, 1], [], []>, transpose_lhs_hint = false} : vector<1000x128xf32>, vector<128x256xf32>, vector<1000x256xf32> -> vector<1000x256xf32>
    %add3A = arith.addf %dot_general3A_7, %dot_general3A_17 : vector<1000x256xf32>
    %get3A_18 = arith.constant 0 : index
    %get3A_19 = arith.constant 0 : index
    %get3A_20 = vector.load %arg3[%get3A_18, %get3A_19] : memref<1x256xf32, #tpu.memory_space<vmem>>, vector<1x256xf32>
    %add3A_21 = vector.broadcast %get3A_20 : vector<1x256xf32> to vector<1000x256xf32>
    %add3A_22 = arith.addf %add3A, %add3A_21 : vector<1000x256xf32>
    %slice3A = vector.extract_strided_slice %add3A_22 {offsets = [0, 0], sizes = [1000, 128], strides = [1, 1]} : vector<1000x256xf32> to vector<1000x128xf32>
    %swap3A = arith.constant 0 : index
    %swap3A_23 = arith.constant 0 : index
    %swap3A_24 = arith.constant 0 : index
    %swap3A_25 = vector.load %arg4[%swap3A, %swap3A_23, %swap3A_24] : memref<2x1000x128xf32, #tpu.memory_space<vmem>>, vector<1x1000x128xf32>
    %swap3A_26 = vector.shape_cast %swap3A_25 : vector<1x1000x128xf32> to vector<1000x128xf32>
    %swap3A_27 = vector.shape_cast %slice3A : vector<1000x128xf32> to vector<1x1000x128xf32>
    tpu.vector_store %arg4[%swap3A, %swap3A_23, %swap3A_24], %swap3A_27 {strides = array<i32>} : memref<2x1000x128xf32, #tpu.memory_space<vmem>>, vector<1x1000x128xf32>,
    %slice3A_28 = vector.extract_strided_slice %add3A_22 {offsets = [0, 128], sizes = [1000, 128], strides = [1, 1]} : vector<1000x256xf32> to vector<1000x128xf32>
    %swap3A_29 = arith.constant 1 : index
    %swap3A_30 = arith.constant 0 : index
    %swap3A_31 = arith.constant 0 : index
    %swap3A_32 = vector.load %arg4[%swap3A_29, %swap3A_30, %swap3A_31] : memref<2x1000x128xf32, #tpu.memory_space<vmem>>, vector<1x1000x128xf32>
    %swap3A_33 = vector.shape_cast %swap3A_32 : vector<1x1000x128xf32> to vector<1000x128xf32>
    %swap3A_34 = vector.shape_cast %slice3A_28 : vector<1000x128xf32> to vector<1x1000x128xf32>
    tpu.vector_store %arg4[%swap3A_29, %swap3A_30, %swap3A_31], %swap3A_34 {strides = array<i32>} : memref<2x1000x128xf32, #tpu.memory_space<vmem>>, vector<1x1000x128xf32>,
    return
  }
  func.func @transform_0(%arg0: i32) -> (i32, i32, i32) {
    %c0_i32 = arith.constant 0 : i32
    %c0_i32_0 = arith.constant 0 : i32
    %c0_i32_1 = arith.constant 0 : i32
    return %c0_i32, %arg0, %c0_i32_0 : i32, i32, i32
  }
  func.func @transform_1(%arg0: i32) -> (i32, i32) {
    %c0_i32 = arith.constant 0 : i32
    %c0_i32_0 = arith.constant 0 : i32
    %c0_i32_1 = arith.constant 0 : i32
    return %c0_i32, %c0_i32_0 : i32, i32
  }
  func.func @transform_2(%arg0: i32) -> (i32, i32) {
    %c0_i32 = arith.constant 0 : i32
    %c0_i32_0 = arith.constant 0 : i32
    %c0_i32_1 = arith.constant 0 : i32
    return %c0_i32, %c0_i32_0 : i32, i32
  }
  func.func @transform_3(%arg0: i32) -> (i32, i32, i32) {
    %c0_i32 = arith.constant 0 : i32
    %c0_i32_0 = arith.constant 0 : i32
    %c0_i32_1 = arith.constant 0 : i32
    return %c0_i32, %arg0, %c0_i32_0 : i32, i32, i32
  }
}

module attributes {stable_mosaic.version = 14 : i64} {
  func.func @_aggmm_body(%arg0: i32, %arg1: memref<2x1000x128xf32, #tpu.memory_space<vmem>>, %arg2: memref<2x1000x128xf32, #tpu.memory_space<vmem>>, %arg3: memref<2x1000x128xf32, #tpu.memory_space<vmem>>, %arg4: memref<256x256xf32, #tpu.memory_space<vmem>>, %arg5: memref<1000x256xf32, #tpu.memory_space<vmem>>) attributes {dimension_semantics = [#tpu.dimension_semantics<arbitrary>], iteration_bounds = array<i64: 10>, scalar_prefetch = 0 : i64, scratch_operands = 0 : i64, tpu.core_type = #tpu.core_type<tc>, window_params = [{transform_indices = @transform_0, window_bounds = array<i64: 2, 1000, 128>}, {transform_indices = @transform_1, window_bounds = array<i64: 2, 1000, 128>}, {transform_indices = @transform_2, window_bounds = array<i64: 2, 1000, 128>}, {pipeline_mode = #tpu.pipeline_mode<synchronous>, transform_indices = @transform_3, window_bounds = array<i64: 256, 256>}, {transform_indices = @transform_4, window_bounds = array<i64: 1000, 256>}]} {
    %get3A = arith.constant 0 : index
    %get3A_0 = arith.constant 0 : index
    %get3A_1 = arith.constant 0 : index
    %get3A_2 = vector.load %arg2[%get3A, %get3A_0, %get3A_1] : memref<2x1000x128xf32, #tpu.memory_space<vmem>>, vector<1x1000x1xf32>
    %get3A_3 = vector.shape_cast %get3A_2 : vector<1x1000x1xf32> to vector<1000x1xf32>
    %get3A_4 = arith.constant 1 : index
    %get3A_5 = arith.constant 0 : index
    %get3A_6 = arith.constant 0 : index
    %get3A_7 = vector.load %arg2[%get3A_4, %get3A_5, %get3A_6] : memref<2x1000x128xf32, #tpu.memory_space<vmem>>, vector<1x1000x1xf32>
    %get3A_8 = vector.shape_cast %get3A_7 : vector<1x1000x1xf32> to vector<1000x1xf32>
    %add3A = arith.addf %get3A_3, %get3A_8 : vector<1000x1xf32>
    %max3A = arith.constant 1.000000e+00 : f32
    %max3A_9 = vector.broadcast %max3A : f32 to vector<1000x1xf32>
    %max3A_10 = arith.maximumf %add3A, %max3A_9 : vector<1000x1xf32>
    %get3A_11 = arith.constant 0 : index
    %get3A_12 = arith.constant 0 : index
    %get3A_13 = arith.constant 0 : index
    %get3A_14 = vector.load %arg1[%get3A_11, %get3A_12, %get3A_13] : memref<2x1000x128xf32, #tpu.memory_space<vmem>>, vector<1x1000x128xf32>
    %get3A_15 = vector.shape_cast %get3A_14 : vector<1x1000x128xf32> to vector<1000x128xf32>
    %div3A = vector.broadcast %max3A_10 : vector<1000x1xf32> to vector<1000x128xf32>
    %div3A_16 = arith.divf %get3A_15, %div3A : vector<1000x128xf32>
    %get3A_17 = arith.constant 0 : index
    %get3A_18 = arith.constant 0 : index
    %get3A_19 = vector.load %arg4[%get3A_17, %get3A_18] : memref<256x256xf32, #tpu.memory_space<vmem>>, vector<128x256xf32>
    %dot_general3A = arith.constant dense<0.000000e+00> : vector<1000x256xf32>
    %dot_general3A_20 = tpu.matmul %div3A_16, %get3A_19, %dot_general3A {dimension_numbers = #tpu.dot_dimension_numbers<[1], [0], [0], [1], [0, 0, 1, 1], [], []>, transpose_lhs_hint = false} : vector<1000x128xf32>, vector<128x256xf32>, vector<1000x256xf32> -> vector<1000x256xf32>
    %get3A_21 = arith.constant 1 : index
    %get3A_22 = arith.constant 0 : index
    %get3A_23 = arith.constant 0 : index
    %get3A_24 = vector.load %arg1[%get3A_21, %get3A_22, %get3A_23] : memref<2x1000x128xf32, #tpu.memory_space<vmem>>, vector<1x1000x128xf32>
    %get3A_25 = vector.shape_cast %get3A_24 : vector<1x1000x128xf32> to vector<1000x128xf32>
    %div3A_26 = vector.broadcast %max3A_10 : vector<1000x1xf32> to vector<1000x128xf32>
    %div3A_27 = arith.divf %get3A_25, %div3A_26 : vector<1000x128xf32>
    %get3A_28 = arith.constant 128 : index
    %get3A_29 = arith.constant 0 : index
    %get3A_30 = vector.load %arg4[%get3A_28, %get3A_29] : memref<256x256xf32, #tpu.memory_space<vmem>>, vector<128x256xf32>
    %dot_general3A_31 = arith.constant dense<0.000000e+00> : vector<1000x256xf32>
    %dot_general3A_32 = tpu.matmul %div3A_27, %get3A_30, %dot_general3A_31 {dimension_numbers = #tpu.dot_dimension_numbers<[1], [0], [0], [1], [0, 0, 1, 1], [], []>, transpose_lhs_hint = false} : vector<1000x128xf32>, vector<128x256xf32>, vector<1000x256xf32> -> vector<1000x256xf32>
    %add3A_33 = arith.addf %dot_general3A_20, %dot_general3A_32 : vector<1000x256xf32>
    %get3A_34 = arith.constant 0 : index
    %get3A_35 = arith.constant 0 : index
    %get3A_36 = arith.constant 0 : index
    %get3A_37 = vector.load %arg3[%get3A_34, %get3A_35, %get3A_36] : memref<2x1000x128xf32, #tpu.memory_space<vmem>>, vector<1x1000x128xf32>
    %get3A_38 = vector.shape_cast %get3A_37 : vector<1x1000x128xf32> to vector<1000x128xf32>
    %get3A_39 = arith.constant 1 : index
    %get3A_40 = arith.constant 0 : index
    %get3A_41 = arith.constant 0 : index
    %get3A_42 = vector.load %arg3[%get3A_39, %get3A_40, %get3A_41] : memref<2x1000x128xf32, #tpu.memory_space<vmem>>, vector<1x1000x128xf32>
    %get3A_43 = vector.shape_cast %get3A_42 : vector<1x1000x128xf32> to vector<1000x128xf32>
    %concatenate3A = tpu.concatenate %get3A_38, %get3A_43 in 1 : vector<1000x128xf32>, vector<1000x128xf32> -> vector<1000x256xf32>
    %add3A_44 = arith.addf %add3A_33, %concatenate3A : vector<1000x256xf32>
    %logistic3A = arith.negf %add3A_44 : vector<1000x256xf32>
    %logistic3A_45 = math.exp %logistic3A : vector<1000x256xf32>
    %logistic3A_46 = arith.constant 1.000000e+00 : f32
    %logistic3A_47 = vector.broadcast %logistic3A_46 : f32 to vector<1000x256xf32>
    %logistic3A_48 = arith.addf %logistic3A_47, %logistic3A_45 : vector<1000x256xf32>
    %logistic3A_49 = arith.divf %logistic3A_47, %logistic3A_48 : vector<1000x256xf32>
    %swap3A = arith.constant 0 : index
    %swap3A_50 = arith.constant 0 : index
    %swap3A_51 = vector.load %arg5[%swap3A, %swap3A_50] : memref<1000x256xf32, #tpu.memory_space<vmem>>, vector<1000x256xf32>
    tpu.vector_store %arg5[%swap3A, %swap3A_50], %logistic3A_49 {strides = array<i32>} : memref<1000x256xf32, #tpu.memory_space<vmem>>, vector<1000x256xf32>,
    return
  }
  func.func @transform_0(%arg0: i32) -> (i32, i32, i32) {
    %c0_i32 = arith.constant 0 : i32
    %c0_i32_0 = arith.constant 0 : i32
    %c0_i32_1 = arith.constant 0 : i32
    return %c0_i32, %arg0, %c0_i32_0 : i32, i32, i32
  }
  func.func @transform_1(%arg0: i32) -> (i32, i32, i32) {
    %c0_i32 = arith.constant 0 : i32
    %c0_i32_0 = arith.constant 0 : i32
    %c0_i32_1 = arith.constant 0 : i32
    return %c0_i32, %arg0, %c0_i32_0 : i32, i32, i32
  }
  func.func @transform_2(%arg0: i32) -> (i32, i32, i32) {
    %c0_i32 = arith.constant 0 : i32
    %c0_i32_0 = arith.constant 0 : i32
    %c0_i32_1 = arith.constant 0 : i32
    return %c0_i32, %arg0, %c0_i32_0 : i32, i32, i32
  }
  func.func @transform_3(%arg0: i32) -> (i32, i32) {
    %c0_i32 = arith.constant 0 : i32
    %c0_i32_0 = arith.constant 0 : i32
    %c0_i32_1 = arith.constant 0 : i32
    return %c0_i32, %c0_i32_0 : i32, i32
  }
  func.func @transform_4(%arg0: i32) -> (i32, i32) {
    %c0_i32 = arith.constant 0 : i32
    %c0_i32_0 = arith.constant 0 : i32
    return %arg0, %c0_i32 : i32, i32
  }
}

</mosaic_0001>

<sc_bundles>
// kernel: kernel.12.cloned.1.call-start
scs
__scs_entry_jumppad:
0x0: {  	(pc) =	sbr.rel $0x88, $3  }
0x1: {  	(tag) =	ssettag $0x0;
	lr =	simm.s32 $0x1  }
0x2: {  	[smem:$0x3F99] =	sst lr;
	_ =	strace $0xD0000000  }
0x3: {  	_ = 	snop  }
0x4: {  	_ = 	snop  }
0x5: {  	_ = 	snop  }
0x6: {  	_ = 	snop  }
0x7: {  	_ = 	snop  }
__scs_overlays_trampoline_lowered:
0x8: {  	[smem:$0x3FA8] =	sst s0  }
0x9: {  	[smem:$0x3FA9] =	sst s1  }
0xa: {  	[smem:$0x3FAA] =	sst s2  }
0xb: {  	[smem:$0x3FAB] =	sst s3  }
0xc: {  	[smem:$0x3FAC] =	sst s4  }
0xd: {  	[smem:$0x3FAD] =	sst s5  }
0xe: {  	[smem:$0x3FAE] =	sst s6  }
0xf: {  	[smem:$0x3FAF] =	sst s7  }
0x10: {  	[smem:$0x3FB0] =	sst s8  }
0x11: {  	[smem:$0x3FB1] =	sst s9;
	s0 =	simm.s32 @!p0 $0x0  }
0x12: {  	s1 =	sld [smem:$0x3F97];
	s0 =	simm.s32 @p0 $0x1  }
0x13: {  	[smem:$0x3FB2] =	sst s0;
	s0 =	simm.s32 @!p1 $0x0  }
0x14: {  	s2 =	sld [smem:$0x3F96];
	s0 =	simm.s32 @p1 $0x1  }
0x15: {  	[smem:$0x3FB3] =	sst s0;
	s0 =	simm.s32 @!p2 $0x0  }
0x16: {  	s3 =	sld [smem:$0x3FDB];
	s0 =	simm.s32 @p2 $0x1  }
0x17: {  	s4 =	simm.s32 $0x1BF5;
	[smem:$0x3FB5] =	sst s0  }
0x18: {  	s0 =	sld [smem:$0x3F98];
	_ =	swait.ge [sflag:s4], $0x0  }
0x19: {  	s7 =	sld [smem:$0x3F99]  }
0x1a: {  	s8 =	sadd.s32 $0xFFFFE003, lr  }
0x1b: {  	s9 =	sadd.s32 $0xFFFFFEF7, lr;
	s5 =	simm.s32 $0xFFFFFFFF;
	p2 =	slt.u32 s8, $0xFFFFF086  }
0x1c: {  	p1 =	slt.u32 s9, $0xF7A;
	s5 =	simm.s32 @!p2 $0x0  }
0x1d: {  	s5 =	simm.s32 @p1 $0x1;
	p0 =	seq.s32 s7, s2  }
0x1e: {  	s7 =	smul.u32 @!p0 $0xF7A, s2;
	p2 =	seq.s32 @!p0 s5, $0x0  }
0x1f: {  	s9 =	smul.u32 $0xF7A, s1;
	s8 =	simm.s32 @!p0 $0x1BF5;
	p2 =	por !p2, p0  }
0x20: {  	[sflag:s8] =	ssyncset.s32 @!p0 $0xFFFFF086;
	s6 =	sadd.s32 @!p0 s3, s7;
	s7 =	simm.s32 @!p0 $0x108  }
0x21: {  	s3 =	sadd.s32 s3, s9;
	s6 =	sadd.s32 @!p0 $0x88, s6;
	s7 =	simm.s32 @p2 $0x1082  }
0x22: {  	[simem:s7], [sflag:s8] =	dma.local @!p0 [hbm:s6], $0xF7A  }
0x23: {  	s9 =	sor.u32 $0xD0000000, s2;
	s6 =	simm.s32 $0x108;
	_ =	swait.ge @!p0 [sflag:s8], $0x0  }
0x24: {  	s3 =	sadd.s32 $0x88, s3;
	s6 =	simm.s32 @!p1 $0x1082;
	[sflag:s4] =	ssyncset.s32 $0xFFFFF086  }
0x25: {  	[simem:s6], [sflag:s4] =	dma.local [hbm:s3], $0xF7A  }
0x26: {  	[smem:$0x3F99] =	sst s1;
	(tag) =	ssettag s2;
	_ =	strace s9  }
0x27: {  	s1 =	sld [smem:$0x3FA9]  }
0x28: {  	s2 =	sld [smem:$0x3FAA]  }
0x29: {  	s4 =	sld [smem:$0x3FAC]  }
0x2a: {  	p0 =	seq.s32 s5, $0x0;
	s5 =	sld [smem:$0x3FAD]  }
0x2b: {  	s6 =	sld [smem:$0x3FAE]  }
0x2c: {  	s7 =	sld [smem:$0x3FAF]  }
0x2d: {  	s3 =	simm.s32 $0x108;
	s8 =	sld [smem:$0x3FB0]  }
0x2e: {  	s3 =	simm.s32 @!p0 $0x1082;
	s9 =	sld [smem:$0x3FB1]  }
0x2f: {  	lr =	sadd.s32 s0, s3;
	s0 =	sld [smem:$0x3FA8]  }
0x30: {  	s3 =	sld [smem:$0x3FAB]  }
0x31: {  	[smem:$0x3FB4] =	sst s10  }
0x32: {  	s10 =	sld [smem:$0x3FB2];
	_ =	sdelay $0x3  }
0x33: {  	p0 =	seq.s32 s10, $0x1;
	s10 =	sld [smem:$0x3FB4];
	_ =	sdelay $0x3  }
0x34: {  	[smem:$0x3FB4] =	sst s10  }
0x35: {  	s10 =	sld [smem:$0x3FB3];
	_ =	sdelay $0x3  }
0x36: {  	p1 =	seq.s32 s10, $0x1;
	s10 =	sld [smem:$0x3FB4];
	_ =	sdelay $0x3  }
0x37: {  	[smem:$0x3FB4] =	sst s10  }
0x38: {  	s10 =	sld [smem:$0x3FB5]  }
0x39: {  	_ = 	snop;
	(pc) =	sbr.ind lr, $3  }
0x3a: {  	_ = 	snop  }
0x3b: {  	_ = 	snop  }
0x3c: {  	p2 =	seq.s32 s10, $0x1;
	s10 =	sld [smem:$0x3FB4]  }
0x3d: {  	_ =	shalt  }
0x3e: {  	_ =	shalt  }
0x3f: {  	_ =	shalt  }
0x40: {  	_ =	shalt  }
0x41: {  	_ =	shalt  }
0x42: {  	_ =	shalt  }
0x43: {  	_ =	shalt  }
0x44: {  	_ =	shalt  }
0x45: {  	_ =	shalt  }
0x46: {  	_ =	shalt  }
0x47: {  	_ =	shalt  }
0x48: {  	_ =	shalt  }
0x49: {  	_ =	shalt  }
0x4a: {  	_ =	shalt  }
0x4b: {  	_ =	shalt  }
0x4c: {  	_ =	shalt  }
0x4d: {  	_ =	shalt  }
0x4e: {  	_ =	shalt  }
0x4f: {  	_ =	shalt  }
0x50: {  	_ =	shalt  }
0x51: {  	_ =	shalt  }
0x52: {  	_ =	shalt  }
0x53: {  	_ =	shalt  }
0x54: {  	_ =	shalt  }
0x55: {  	_ =	shalt  }
0x56: {  	_ =	shalt  }
0x57: {  	_ =	shalt  }
0x58: {  	_ =	shalt  }
0x59: {  	_ =	shalt  }
0x5a: {  	_ =	shalt  }
0x5b: {  	_ =	shalt  }
0x5c: {  	_ =	shalt  }
0x5d: {  	_ =	shalt  }
0x5e: {  	_ =	shalt  }
0x5f: {  	_ =	shalt  }
0x60: {  	_ =	shalt  }
0x61: {  	_ =	shalt  }
0x62: {  	_ =	shalt  }
0x63: {  	_ =	shalt  }
0x64: {  	_ =	shalt  }
0x65: {  	_ =	shalt  }
0x66: {  	_ =	shalt  }
0x67: {  	_ =	shalt  }
0x68: {  	_ =	shalt  }
0x69: {  	_ =	shalt  }
0x6a: {  	_ =	shalt  }
0x6b: {  	_ =	shalt  }
0x6c: {  	_ =	shalt  }
0x6d: {  	_ =	shalt  }
0x6e: {  	_ =	shalt  }
0x6f: {  	_ =	shalt  }
0x70: {  	_ =	shalt  }
0x71: {  	_ =	shalt  }
0x72: {  	_ =	shalt  }
0x73: {  	_ =	shalt  }
0x74: {  	_ =	shalt  }
0x75: {  	_ =	shalt  }
0x76: {  	_ =	shalt  }
0x77: {  	_ =	shalt  }
0x78: {  	_ =	shalt  }
0x79: {  	_ =	shalt  }
0x7a: {  	_ =	shalt  }
0x7b: {  	_ =	shalt  }
0x7c: {  	_ =	shalt  }
0x7d: {  	_ =	shalt  }
0x7e: {  	_ =	shalt  }
0x7f: {  	_ =	shalt  }
0x80: {  	_ =	shalt  }
0x81: {  	_ =	shalt  }
0x82: {  	_ =	shalt  }
0x83: {  	_ =	shalt  }
0x84: {  	_ =	shalt  }
0x85: {  	_ =	shalt  }
0x86: {  	_ =	shalt  }
0x87: {  	_ =	shalt  }
.Lfunc_end0:
.L_simem_size_0:
called_computation.1_lowered:
.L_overlay_start_0:
0x88: {  	s2 =	sld [smem:$0x3FD9]  }
0x89: {  	s3 =	sld [smem:$0x3FFE];
	_ =	sdelay $0x1  }
0x8a: {  	s1 =	srdreg.scid  }
0x8b: {  	s0 =	sand.u32 $0x1, s1  }
0x8c: {  	s17 =	sshll.u32 s0, $0xA;
	s2 =	sadd.s32 s3, s2  }
0x8d: {  	s2 =	sadd.s32 s2, s17  }
0x8e: {  	[smem:$0x3FC0] =	sst s2  }
0x8f: {  	_ = 	snop  }
0x90: {  	s2 =	sld [smem:$0x3FD0];
	(tm) =	ssettm $0x1  }
0x91: {  	s18 =	sld [smem:$0x3FFB];
	_ =	sdelay $0x3  }
0x92: {  	_ =	strace s18  }
0x93: {  	s3 =	sld [smem:$0x3FFC];
	_ =	sdelay $0x3  }
0x94: {  	_ =	strace s3  }
0x95: {  	s3 =	sld [smem:$0x3FFD];
	_ =	sdelay $0x3  }
0x96: {  	_ =	strace s3  }
0x97: {  	_ =	strace $0x8FFFFFFF  }
0x98: {  	s19 =	sld [smem:$0x3FDB];
	_ =	sdelay $0x1  }
0x99: {  	s4 =	simm.s32 $_scs_section_size  }
0x9a: {  	s5 =	simm.s32 $_size__tile_overlayer_lowered;
	s6 =	simm.s32 $_tile_overlayer_lowered  }
0x9b: {  	s22 =	simm.s32 $0x1BFF;
	s21 =	sshll.u32 s6, $0x1;
	s3 =	sadd.s32 s4, s19  }
0x9c: {  	s7 =	simm.s32 $0x0;
	s20 =	sshll.u32 s5, $0x1;
	s5 =	sadd.s32 s21, s3  }
0x9d: {  	[timem:s7], [sflag:s22] =	dma.local [hbm:s5], s20  }
0x9e: {  	_ =	swait.ge [sflag:s22], s20  }
0x9f: {  	s4 =	ssub.s32 $0x0, s20;
	[sflag:s22] =	ssyncset.done $0x0  }
0xa0: {  	[sflag:s22] =	ssyncadd.s32 s4;
	_ =	sdelay $0x1  }
0xa1: {  	s23 =	simm.s32 $0x1B8B  }
0xa2: {  	_ =	swait.ge [sflag:s23], $0x1  }
0xa3: {  	[sflag:s23] =	ssyncset.done $0x0  }
0xa4: {  	s25 =	simm.s32 $0x1B8E;
	s24 =	sld [smem:$0x3FFE];
	[sflag:s23] =	ssyncadd.s32 $0xFFFFFFFF  }
0xa5: {  	s26 =	simm.s32 $execute0_lowered;
	[smem:$0x3FD2] =	sst s25  }
0xa6: {  	s5 =	sshll.u32 s26, $0x1;
	_ =	strace $0x80000049;
	[dreg:$0x1] =	wrdreg $0xFFFFFFFF  }
0xa7: {  	s28 =	simm.s32 $_size_execute0_lowered;
	s3 =	sadd.s32 s3, s5;
	[dreg:$0x0] =	wrdreg $0x0  }
0xa8: {  	s5 =	sshll.u32 s28, $0x1;
	[dreg:$0x2] =	wrdreg s3  }
0xa9: {  	[dreg:$0x3] =	wrdreg s5  }
0xaa: {  	[dreg:$0x4] =	wrdreg $0xC0  }
0xab: {  	_ =	task [dreg:s7], $0x5FFFF  }
0xac: {  	[dreg:$0x1] =	wrdreg $0xFFFFFFFF  }
0xad: {  	[dreg:$0x0] =	wrdreg $0x60  }
0xae: {  	[dreg:$0x2] =	wrdreg s2  }
0xaf: {  	[dreg:$0x3] =	wrdreg s24  }
0xb0: {  	[dreg:$0x4] =	wrdreg $0xB7800  }
0xb1: {  	[dreg:$0x5] =	wrdreg $0x9  }
0xb2: {  	_ =	task.clear_ibuf [dreg:s7], $0x6FFFF;
	_ =	strace $0x90000049  }
0xb3: {  	s29 =	simm.s32 $0x9;
	_ =	strace $0x8000004B  }
0xb4: {  	_ =	swait.ge [sflag:s29], $0x1  }
0xb5: {  	[sflag:s29] =	ssyncadd.s32 $0xFFFFFFFF  }
0xb6: {  	_ =	strace $0x9000004B  }
0xb7: {  	_ =	sfence  }
0xb8: {  	s30 =	sld [smem:$0x0];
	_ =	sdelay $0x2  }
0xb9: {  	s31 =	sshll.u32 s1, $0xD;
	s1 =	sshrl.u32 s1, $0x2  }
0xba: {  	s3 =	sand.u32 $0x4000, s31;
	s1 =	sadd.s32 s1, s30  }
0xbb: {  	s0 =	sor.u32 s3, s0;
	s1 =	sshll.u32 s1, $0x11  }
0xbc: {  	s0 =	sor.u32 s1, s0  }
0xbd: {  	s0 =	sadd.s32 $0x8F2B, s0  }
0xbe: {  	[sflag:s0] =	ssyncadd.remote.s32 $0x1  }
0xbf: {  	_ =	sfence.sel $0xFFFF  }
0xc0: {  	[dreg:$0x0] =	wrdreg $0xFFFFFFFF;
	(pc) =	sbr.abs _section_cstart, $3  }
0xc1: {  	[dreg:$0x1] =	wrdreg $0xFFFFFFFF  }
0xc2: {  	_ =	task.clear_ibuf [dreg:s7], $0x2FFFF;
	_ =	strace $0x9FFFFFFF  }
0xc3: {  	(tm) =	ssettm $0x7FFFFFFF  }
tec
execute0_lowered:
.L_overlay_start_1:
0x0: {  	(tag) =	ssettag $0x1  }
0x1: {  	s2 =	rddreg [dreg:$0x0]  }
0x2: {  	s21 =	stileid.u32;
	s4 =	rddreg [dreg:$0x1]  }
0x3: {  	s3 =	srdreg.scid;
	s5 =	simm.s32 $0x0;
	s0 =	sshrl.u32 s21, $0x3  }
0x4: {  	s1 =	sshll.u32 s21, $0x7;
	s17 =	sand.u32 $0x1, s3;
	s7 =	smul.u32 $0x280, s21  }
0x5: {  	[smem:$0x7FF] =	sst s5;
	s19 =	sshll.u32 s21, $0xB;
	s0 =	smul.u32 $0x13C00, s0  }
0x6: {  	p0 =	seq.s32 s21, $0xF;
	s1 =	sand.u32 $0x380, s1;
	s18 =	smul.u32 $0x27100, s17  }
0x7: {  	s6 =	ssub.s32 $0x2, s17;
	s20 =	sadd.s32 s19, s4;
	s17 =	smul.u32 $0x2800, s21  }
0x8: {  	[dreg:$0x1e] =	wrdreg s20;
	s22 =	sshrl.u32 s6, $0x1;
	s9 =	sor.u32 $0x28, s7  }
0x9: {  	s10 =	sor.u32 $0x50, s7;
	s11 =	sor.u32 $0x78, s7;
	s12 =	sadd.s32 $0xA0, s7  }
0xa: {  	s13 =	sadd.s32 $0xC8, s7;
	s14 =	sadd.s32 $0xF0, s7;
	s15 =	sadd.s32 $0x118, s7  }
0xb: {  	s16 =	sadd.s32 $0x140, s7;
	s3 =	sadd.s32 $0x1E0, s7;
	s5 =	sadd.s32 $0x208, s7  }
0xc: {  	s0 =	sor.u32 s1, s0;
	s8 =	sadd.s32 s18, s4;
	s2 =	sadd.s32 s2, s18  }
0xd: {  	s18 =	sshll.u32 s9, $0x4;
	s19 =	sshll.u32 s10, $0x4;
	s20 =	sshll.u32 s11, $0x4  }
0xe: {  	s1 =	sadd.s32 $0x1B8, s7;
	s24 =	sshll.u32 s12, $0x4;
	s0 =	sshrl.u32 s0, $0x3  }
0xf: {  	s8 =	sadd.s32 $0xBC200, s8;
	s0 =	sadd.s32 s0, s4;
	s4 =	sadd.s32 $0x168, s7  }
0x10: {  	s17 =	sadd.s32 s17, s8;
	s23 =	sadd.s32 s18, s8;
	[dreg:$0x1d] =	wrdreg s0  }
0x11: {  	s25 =	sadd.s32 s19, s8;
	s26 =	sadd.s32 s20, s8;
	[dreg:$0x4] =	wrdreg s17  }
0x12: {  	s19 =	sshll.u32 s13, $0x4;
	s20 =	sshll.u32 s14, $0x4;
	[dreg:$0x5] =	wrdreg s23  }
0x13: {  	s18 =	sshll.u32 s3, $0x4;
	s3 =	sshll.u32 s3, $0x7;
	[dreg:$0x6] =	wrdreg s25  }
0x14: {  	s0 =	ssub.s32 s6, s22;
	s6 =	sadd.s32 $0x230, s7;
	[dreg:$0x7] =	wrdreg s26  }
0x15: {  	s17 =	sadd.s32 s24, s8;
	s22 =	sshll.u32 s15, $0x4;
	s23 =	sadd.s32 s20, s8  }
0x16: {  	s25 =	sshll.u32 s16, $0x4;
	s26 =	sshll.u32 s4, $0x4;
	[dreg:$0x1c] =	wrdreg s0  }
0x17: {  	s4 =	sshll.u32 s4, $0x7;
	s0 =	sadd.s32 $0x190, s7;
	[dreg:$0x8] =	wrdreg s17  }
0x18: {  	s7 =	sadd.s32 $0x258, s7;
	s17 =	sadd.s32 s19, s8;
	[dreg:$0xa] =	wrdreg s23  }
0x19: {  	s24 =	sadd.s32 s22, s8;
	s20 =	sadd.s32 s26, s8;
	s22 =	smul.u32 $0x50000, s21  }
0x1a: {  	s26 =	sshll.u32 s11, $0x7;
	s11 =	sshll.u32 s14, $0x7;
	[dreg:$0x9] =	wrdreg s17  }
0x1b: {  	[dreg:$0xb] =	wrdreg s24;
	s19 =	sshll.u32 s0, $0x4;
	s17 =	sadd.s32 s25, s8  }
0x1c: {  	[dreg:$0xd] =	wrdreg s20;
	s24 =	sshll.u32 s9, $0x7;
	s25 =	sshll.u32 s10, $0x7  }
0x1d: {  	s9 =	sshll.u32 s12, $0x7;
	[dreg:$0xc] =	wrdreg s17;
	s17 =	sadd.s32 @!p0 s19, s8  }
0x1e: {  	s10 =	sshll.u32 s13, $0x7;
	[dreg:$0xe] =	wrdreg s17;
	s17 =	sshll.u32 s1, $0x4  }
0x1f: {  	s12 =	sshll.u32 s15, $0x7;
	s13 =	sshll.u32 s16, $0x7;
	s17 =	sadd.s32 @!p0 s17, s8  }
0x20: {  	s0 =	sshll.u32 s0, $0x7;
	s16 =	sshll.u32 s5, $0x7;
	[dreg:$0xf] =	wrdreg s17  }
0x21: {  	s19 =	sshll.u32 s5, $0x4;
	s17 =	sadd.s32 @!p0 s18, s8;
	s18 =	rddreg [dreg:$0x2]  }
0x22: {  	s23 =	sshrl.u32 s22, $0x2;
	s1 =	sshll.u32 s1, $0x7;
	[dreg:$0x10] =	wrdreg s17  }
0x23: {  	s17 =	sadd.s32 @!p0 s19, s8;
	s19 =	sshll.u32 s6, $0x4;
	s21 =	sadd.s32 s23, s18  }
0x24: {  	s22 =	sadd.s32 s24, s18;
	s23 =	sadd.s32 s25, s18;
	s24 =	sadd.s32 s26, s18  }
0x25: {  	s25 =	sadd.s32 s9, s18;
	s26 =	sadd.s32 s10, s18;
	s28 =	sadd.s32 s11, s18  }
0x26: {  	s29 =	sadd.s32 s12, s18;
	s30 =	sadd.s32 s13, s18;
	s31 =	sadd.s32 s4, s18  }
0x27: {  	s0 =	sadd.s32 s0, s18;
	s1 =	sadd.s32 s1, s18;
	s3 =	sadd.s32 s3, s18  }
0x28: {  	[dreg:$0x11] =	wrdreg s17;
	s19 =	sadd.s32 @!p0 s19, s8;
	s17 =	sshll.u32 s6, $0x7  }
0x29: {  	s0 =	sshrl.u32 @!p0 s0, $0x3;
	[dreg:$0x12] =	wrdreg s19;
	s19 =	sshll.u32 s7, $0x4  }
0x2a: {  	s9 =	sadd.s32 $0xC800, s21;
	s10 =	sadd.s32 $0xDC00, s21;
	s8 =	sadd.s32 @!p0 s19, s8  }
0x2b: {  	s11 =	sadd.s32 $0xF000, s21;
	s12 =	sadd.s32 $0x10400, s21;
	[dreg:$0x13] =	wrdreg s8  }
0x2c: {  	s13 =	sadd.s32 $0x11800, s21;
	_ =	strace $0x8000004A;
	[dreg:$0x17] =	wrdreg s0  }
0x2d: {  	s5 =	sadd.s32 s17, s18;
	s19 =	sshll.u32 s7, $0x7;
	s14 =	rddreg [dreg:$0x1d]  }
0x2e: {  	s17 =	simm.s32 $0x3;
	s8 =	sadd.s32 s19, s18;
	s15 =	rddreg [dreg:$0x1e]  }
0x2f: {  	s19 =	simm.s32 $0x50;
	s0 =	sshrl.u32 @!p0 s1, $0x3;
	s20 =	rddreg [dreg:$0x1c]  }
0x30: {  	s8 =	sshrl.u32 @!p0 s8, $0x3;
	[dreg:$0x18] =	wrdreg s0;
	s0 =	sshrl.u32 @!p0 s3, $0x3  }
0x31: {  	s1 =	simm.s32 $0x0;
	s4 =	sadd.s32 $0x69000, s14;
	[dreg:$0x19] =	wrdreg s0  }
0x32: {  	s6 =	smax.u32 s20, $0x1;
	[dreg:$0x14] =	wrdreg s4;
	s4 =	sadd.s32 $0x61000, s15  }
0x33: {  	s14 =	sadd.s32 $0x12C00, s21;
	[dreg:$0x15] =	wrdreg s4;
	s4 =	sadd.s32 s16, s18  }
0x34: {  	s20 =	simm.s32 $0x8F80;
	[dreg:$0x16] =	wrdreg s6;
	s0 =	sshrl.u32 @!p0 s4, $0x3  }
0x35: {  	s15 =	simm.s32 $0x1;
	[dreg:$0x1a] =	wrdreg s0;
	s0 =	sshrl.u32 @!p0 s5, $0x3  }
0x36: {  	v0 =	vimm.f32 $0.0e+00;
	s16 =	simm.s32 $0x6780;
	[dreg:$0x1b] =	wrdreg s0;
	s0 =	simm.s32 $0x2  }
.LBB2_1:
0x37: {  	s4 =	simm.s32 $0x0  }
0x38: {  	s3 =	sand.u32 $0x7E00, s4  }
0x39: {  	s4 =	sand.u32 $0x70, s4;
	s5 =	sshrl.u32 s3, $0x2  }
0x3a: {  	s3 =	simm.s32 $0x40;
	s5 =	sor.u32 s4, s5;
	s4 =	simm.s32 $0x0  }
.LBB2_2:
0x3b: {  	p1 =	sne.s32 s3, $0x4FC0  }
0x3c: {  	[tilespmem:s5+$0x6780] =	vst v0;
	s4 =	sadd.s32 $0x10, s4;
	s5 =	smov.u32 s3;
	s3 =	sadd.s32 $0x40, s3  }
.Ltmp0:
0x3d: {  	(pc) =	sbr.rel @p1 .LBB2_2-.Ltmp0, $4  }
0x3e: {  	_ = 	snop  }
0x3f: {  	s5 =	sand.u32 $0x7E00, s5  }
0x40: {  	s6 =	sand.u32 $0x70, s4;
	s5 =	sshrl.u32 s5, $0x2  }
0x41: {  	s5 =	sor.u32 s6, s5  }
0x42: {  	[tilespmem:s5+$0x6780] =	vst v0  }
0x43: {  	[spmem:s21] =	stream.linear.scatter [tilespmem:s16], [sflag:$0x3], $0x1400, $0x38;
	[tilespmem:$0x1F040] =	vst v63  }
0x44: {  	_ =	swait.ge [sflag:s17], $0x1400  }
0x45: {  	[sflag:s17] =	ssyncset.done $0x0  }
0x46: {  	[sflag:s17] =	ssyncadd.s32 $0xFFFFEC00  }
0x47: {  	[spmem:s22] =	stream.linear.scatter [tilespmem:s16], [sflag:$0x3], $0x1400, $0x38;
	[tilespmem:$0x1F040] =	vst v63  }
0x48: {  	_ =	swait.ge [sflag:s17], $0x1400  }
0x49: {  	[sflag:s17] =	ssyncset.done $0x0  }
0x4a: {  	[sflag:s17] =	ssyncadd.s32 $0xFFFFEC00  }
0x4b: {  	[spmem:s23] =	stream.linear.scatter [tilespmem:s16], [sflag:$0x3], $0x1400, $0x38;
	[tilespmem:$0x1F040] =	vst v63  }
0x4c: {  	_ =	swait.ge [sflag:s17], $0x1400  }
0x4d: {  	[sflag:s17] =	ssyncset.done $0x0  }
0x4e: {  	[sflag:s17] =	ssyncadd.s32 $0xFFFFEC00  }
0x4f: {  	[spmem:s24] =	stream.linear.scatter [tilespmem:s16], [sflag:$0x3], $0x1400, $0x38;
	[tilespmem:$0x1F040] =	vst v63  }
0x50: {  	_ =	swait.ge [sflag:s17], $0x1400  }
0x51: {  	[sflag:s17] =	ssyncset.done $0x0  }
0x52: {  	[sflag:s17] =	ssyncadd.s32 $0xFFFFEC00  }
0x53: {  	[spmem:s25] =	stream.linear.scatter [tilespmem:s16], [sflag:$0x3], $0x1400, $0x38;
	[tilespmem:$0x1F040] =	vst v63  }
0x54: {  	_ =	swait.ge [sflag:s17], $0x1400  }
0x55: {  	[sflag:s17] =	ssyncset.done $0x0  }
0x56: {  	[sflag:s17] =	ssyncadd.s32 $0xFFFFEC00  }
0x57: {  	[spmem:s26] =	stream.linear.scatter [tilespmem:s16], [sflag:$0x3], $0x1400, $0x38;
	[tilespmem:$0x1F040] =	vst v63  }
0x58: {  	_ =	swait.ge [sflag:s17], $0x1400  }
0x59: {  	[sflag:s17] =	ssyncset.done $0x0  }
0x5a: {  	[sflag:s17] =	ssyncadd.s32 $0xFFFFEC00  }
0x5b: {  	[spmem:s28] =	stream.linear.scatter [tilespmem:s16], [sflag:$0x3], $0x1400, $0x38;
	[tilespmem:$0x1F040] =	vst v63  }
0x5c: {  	_ =	swait.ge [sflag:s17], $0x1400  }
0x5d: {  	[sflag:s17] =	ssyncset.done $0x0  }
0x5e: {  	[sflag:s17] =	ssyncadd.s32 $0xFFFFEC00  }
0x5f: {  	[spmem:s29] =	stream.linear.scatter [tilespmem:s16], [sflag:$0x3], $0x1400, $0x38;
	[tilespmem:$0x1F040] =	vst v63  }
0x60: {  	_ =	swait.ge [sflag:s17], $0x1400  }
0x61: {  	[sflag:s17] =	ssyncset.done $0x0  }
0x62: {  	[sflag:s17] =	ssyncadd.s32 $0xFFFFEC00  }
0x63: {  	[spmem:s30] =	stream.linear.scatter [tilespmem:s16], [sflag:$0x3], $0x1400, $0x38;
	[tilespmem:$0x1F040] =	vst v63  }
0x64: {  	_ =	swait.ge [sflag:s17], $0x1400  }
0x65: {  	[sflag:s17] =	ssyncset.done $0x0  }
0x66: {  	[sflag:s17] =	ssyncadd.s32 $0xFFFFEC00  }
0x67: {  	[spmem:s31] =	stream.linear.scatter [tilespmem:s16], [sflag:$0x3], $0x1400, $0x38;
	[tilespmem:$0x1F040] =	vst v63  }
0x68: {  	_ =	swait.ge [sflag:s17], $0x1400  }
0x69: {  	[sflag:s17] =	ssyncset.done $0x0  }
0x6a: {  	s3 =	simm.s32 @!p0 $0x6780;
	s4 =	simm.s32 @!p0 $0x3;
	[sflag:s17] =	ssyncadd.s32 $0xFFFFEC00  }
0x6b: {  	[spmem:s9] =	stream.linear.scatter @!p0 [tilespmem:s3], [sflag:$0x3], $0x1400, $0x38;
	[tilespmem:$0x1F040] =	vst v63  }
0x6c: {  	_ =	swait.ge @!p0 [sflag:s4], $0x1400  }
0x6d: {  	[sflag:s4] =	ssyncset.done @!p0 $0x0  }
0x6e: {  	[sflag:s4] =	ssyncadd.s32 @!p0 $0xFFFFEC00  }
0x6f: {  	[spmem:s10] =	stream.linear.scatter @!p0 [tilespmem:s3], [sflag:$0x3], $0x1400, $0x38;
	[tilespmem:$0x1F040] =	vst v63  }
0x70: {  	_ =	swait.ge @!p0 [sflag:s4], $0x1400  }
0x71: {  	[sflag:s4] =	ssyncset.done @!p0 $0x0  }
0x72: {  	[sflag:s4] =	ssyncadd.s32 @!p0 $0xFFFFEC00  }
0x73: {  	[spmem:s11] =	stream.linear.scatter @!p0 [tilespmem:s3], [sflag:$0x3], $0x1400, $0x38;
	[tilespmem:$0x1F040] =	vst v63  }
0x74: {  	_ =	swait.ge @!p0 [sflag:s4], $0x1400  }
0x75: {  	[sflag:s4] =	ssyncset.done @!p0 $0x0  }
0x76: {  	[sflag:s4] =	ssyncadd.s32 @!p0 $0xFFFFEC00  }
0x77: {  	[spmem:s12] =	stream.linear.scatter @!p0 [tilespmem:s3], [sflag:$0x3], $0x1400, $0x38;
	[tilespmem:$0x1F040] =	vst v63  }
0x78: {  	_ =	swait.ge @!p0 [sflag:s4], $0x1400  }
0x79: {  	[sflag:s4] =	ssyncset.done @!p0 $0x0  }
0x7a: {  	[sflag:s4] =	ssyncadd.s32 @!p0 $0xFFFFEC00  }
0x7b: {  	[spmem:s13] =	stream.linear.scatter @!p0 [tilespmem:s3], [sflag:$0x3], $0x1400, $0x38;
	[tilespmem:$0x1F040] =	vst v63  }
0x7c: {  	_ =	swait.ge @!p0 [sflag:s4], $0x1400  }
0x7d: {  	[sflag:s4] =	ssyncset.done @!p0 $0x0  }
0x7e: {  	[sflag:s4] =	ssyncadd.s32 @!p0 $0xFFFFEC00  }
0x7f: {  	[spmem:s14] =	stream.linear.scatter @!p0 [tilespmem:s3], [sflag:$0x3], $0x1400, $0x38;
	[tilespmem:$0x1F040] =	vst v63  }
0x80: {  	_ =	swait.ge @!p0 [sflag:s4], $0x1400  }
0x81: {  	s7 =	simm.s32 $0x80;
	s6 =	simm.s32 $0x400;
	[sflag:s4] =	ssyncset.done @!p0 $0x0  }
0x82: {  	s3 =	simm.s32 $0x0;
	s5 =	rddreg [dreg:$0x14];
	[sflag:s4] =	ssyncadd.s32 @!p0 $0xFFFFEC00  }
0x83: {  	[tilespmem:s3], [sflag:$0x3] =	stream.strided.gather [hbm4b:s5+s7], $0x2780, s6, s7, $0x38;
	[tilespmem:$0x1F040] =	vst v63  }
0x84: {  	_ =	swait.ge [sflag:s17], $0x2780  }
0x85: {  	[sflag:s17] =	ssyncset.done $0x0  }
0x86: {  	s7 =	simm.s32 $0x2780;
	s6 =	rddreg [dreg:$0x15];
	[sflag:s17] =	ssyncadd.s32 $0xFFFFD880  }
0x87: {  	[tilespmem:s7], [sflag:$0x3] =	stream.linear.gather [hbm4b:s6+s3], $0x3E80, $0x38;
	[tilespmem:$0x1F040] =	vst v63  }
0x88: {  	_ =	swait.ge [sflag:s17], $0x3E80  }
0x89: {  	[sflag:s17] =	ssyncset.done $0x0  }
0x8a: {  	[sflag:s17] =	ssyncadd.s32 $0xFFFFC180  }
0x8b: {  	[bflag:$0x0] =	sbarrier.arrive $0xFFFF  }
0x8c: {  	[tilespmem:s16], [sflag:$0x1] =	stream.indirect.gather [hbm4b:s2+s19], $0x80, s3, s19, $0xb8;
	[tilespmem:$0x1F040] =	vst v63  }
0x8d: {  	_ = 	snop  }
0x8e: {  	[tilespmem:s20], [sflag:$0x2] =	stream.indirect.gather [hbm4b:s2+s19], $0x80, s19, s19, $0xb8;
	[tilespmem:$0x1F040] =	vst v63  }
0x8f: {  	_ =	swait.ge [sflag:s15], $0x2800  }
0x90: {  	[sflag:s15] =	ssyncset.done $0x0  }
0x91: {  	s5 =	simm.s32 $0x2780;
	[sflag:s15] =	ssyncadd.s32 $0xFFFFD800  }
0x92: {  	[spmem:s18] =	stream.indirect.scatter.add.f32 [tilespmem:s16], [sflag:$0x3], $0x80, s5, s19, $0xb8;
	[tilespmem:$0x1F040] =	vst v63  }
0x93: {  	_ =	swait.ge [sflag:s17], $0x2800  }
0x94: {  	[sflag:s17] =	ssyncset.done $0x0  }
0x95: {  	s6 =	simm.s32 $0xA0;
	[sflag:s17] =	ssyncadd.s32 $0xFFFFD800  }
0x96: {  	[tilespmem:s16], [sflag:$0x1] =	stream.indirect.gather [hbm4b:s2+s19], $0x80, s6, s19, $0xb8;
	[tilespmem:$0x1F040] =	vst v63  }
0x97: {  	_ =	swait.ge [sflag:s0], $0x2800  }
0x98: {  	[sflag:s0] =	ssyncset.done $0x0  }
0x99: {  	s7 =	simm.s32 $0x2800;
	[sflag:s0] =	ssyncadd.s32 $0xFFFFD800  }
0x9a: {  	[spmem:s18] =	stream.indirect.scatter.add.f32 [tilespmem:s20], [sflag:$0x3], $0x80, s7, s19, $0xb8;
	[tilespmem:$0x1F040] =	vst v63  }
0x9b: {  	_ =	swait.ge [sflag:s17], $0x2800  }
0x9c: {  	s4 =	simm.s32 $0x400;
	[sflag:s17] =	ssyncset.done $0x0  }
0x9d: {  	s3 =	simm.s32 $0xF0;
	s5 =	simm.s32 $0x190;
	[sflag:s17] =	ssyncadd.s32 $0xFFFFD800  }
.LBB2_4:
0x9e: {  	[tilespmem:s20], [sflag:$0x2] =	stream.indirect.gather [hbm4b:s2+s19], $0x80, s3, s19, $0xb8;
	[tilespmem:$0x1F040] =	vst v63  }
0x9f: {  	s6 =	smov.u32 s4;
	s3 =	smov.u32 s5  }
0xa0: {  	p1 =	sne.s32 s4, $0xF000;
	s4 =	sadd.s32 $0x400, s4;
	_ =	swait.ge [sflag:s15], $0x2800  }
0xa1: {  	s6 =	sshra.s32 s6, $0x2;
	[sflag:s15] =	ssyncset.done $0x0  }
0xa2: {  	s7 =	sadd.s32 $0x2780, s6;
	[sflag:s15] =	ssyncadd.s32 $0xFFFFD800  }
0xa3: {  	[spmem:s18] =	stream.indirect.scatter.add.f32 [tilespmem:s16], [sflag:$0x3], $0x80, s7, s19, $0xb8;
	[tilespmem:$0x1F040] =	vst v63  }
0xa4: {  	_ =	swait.ge [sflag:s17], $0x2800  }
0xa5: {  	[sflag:s17] =	ssyncset.done $0x0  }
0xa6: {  	s7 =	sadd.s32 $0xFFFFFFB0, s5;
	[sflag:s17] =	ssyncadd.s32 $0xFFFFD800  }
0xa7: {  	[tilespmem:s16], [sflag:$0x1] =	stream.indirect.gather [hbm4b:s2+s19], $0x80, s7, s19, $0xb8;
	[tilespmem:$0x1F040] =	vst v63  }
0xa8: {  	_ =	swait.ge [sflag:s0], $0x2800  }
0xa9: {  	[sflag:s0] =	ssyncset.done $0x0  }
.Ltmp1:
0xaa: {  	s6 =	sadd.s32 $0x2800, s6;
	[sflag:s0] =	ssyncadd.s32 $0xFFFFD800;
	(pc) =	sbr.rel @p1 .LBB2_4-.Ltmp1, $4  }
0xab: {  	[spmem:s18] =	stream.indirect.scatter.add.f32 [tilespmem:s20], [sflag:$0x3], $0x80, s6, s19, $0xb8;
	[tilespmem:$0x1F040] =	vst v63  }
0xac: {  	_ =	swait.ge [sflag:s17], $0x2800  }
0xad: {  	[sflag:s17] =	ssyncset.done $0x0  }
0xae: {  	s5 =	sadd.s32 $0xA0, s5;
	[sflag:s17] =	ssyncadd.s32 $0xFFFFD800  }
0xaf: {  	[tilespmem:s20], [sflag:$0x2] =	stream.indirect.gather [hbm4b:s2+s19], $0x80, s3, s19, $0xb8;
	[tilespmem:$0x1F040] =	vst v63  }
0xb0: {  	_ =	swait.ge [sflag:s15], $0x2800  }
0xb1: {  	[sflag:s15] =	ssyncset.done $0x0  }
0xb2: {  	s5 =	simm.s32 $0x6480;
	[sflag:s15] =	ssyncadd.s32 $0xFFFFD800  }
0xb3: {  	[spmem:s18] =	stream.indirect.scatter.add.f32 [tilespmem:s16], [sflag:$0x3], $0x80, s5, s19, $0xb8;
	[tilespmem:$0x1F040] =	vst v63  }
0xb4: {  	_ =	swait.ge [sflag:s17], $0x2800  }
0xb5: {  	[sflag:s17] =	ssyncset.done $0x0  }
0xb6: {  	s6 =	simm.s32 $0x26C0;
	[sflag:s17] =	ssyncadd.s32 $0xFFFFD800  }
0xb7: {  	[tilespmem:s16], [sflag:$0x1] =	stream.indirect.gather [hbm4b:s2+s19], $0x80, s6, s19, $0xb8;
	[tilespmem:$0x1F040] =	vst v63  }
0xb8: {  	_ =	swait.ge [sflag:s0], $0x2800  }
0xb9: {  	[sflag:s0] =	ssyncset.done $0x0  }
0xba: {  	s7 =	simm.s32 $0x6500;
	[sflag:s0] =	ssyncadd.s32 $0xFFFFD800  }
0xbb: {  	[spmem:s18] =	stream.indirect.scatter.add.f32 [tilespmem:s20], [sflag:$0x3], $0x80, s7, s19, $0xb8;
	[tilespmem:$0x1F040] =	vst v63  }
0xbc: {  	_ =	swait.ge [sflag:s17], $0x2800  }
0xbd: {  	[sflag:s17] =	ssyncset.done $0x0  }
0xbe: {  	[sflag:s17] =	ssyncadd.s32 $0xFFFFD800  }
0xbf: {  	_ =	swait.ge [sflag:s15], $0x2800  }
0xc0: {  	[sflag:s15] =	ssyncset.done $0x0  }
0xc1: {  	s4 =	simm.s32 $0x6580;
	[sflag:s15] =	ssyncadd.s32 $0xFFFFD800  }
0xc2: {  	[spmem:s18] =	stream.indirect.scatter.add.f32 [tilespmem:s16], [sflag:$0x3], $0x80, s4, s19, $0xb8;
	[tilespmem:$0x1F040] =	vst v63  }
0xc3: {  	_ =	swait.ge [sflag:s17], $0x2800  }
0xc4: {  	[sflag:s17] =	ssyncset.done $0x0  }
0xc5: {  	s5 =	stileid.u32;
	[sflag:s17] =	ssyncadd.s32 $0xFFFFD800  }
0xc6: {  	s3 =	sshll.u32 s5, $0x6;
	[bflag:$0x0] =	sbarrier.arrive $0xFFFF  }
0xc7: {  	s3 =	sor.u32 $0x1C03, s3;
	s4 =	sshrl.u32 s21, $0x3;
	s5 =	rddreg [dreg:$0x4]  }
0xc8: {  	[hbm:s5], [sflag:s3] =	dma.local [spmem:s4], $0x280  }
0xc9: {  	_ =	swait.ge [sflag:s17], $0x280  }
0xca: {  	[sflag:s17] =	ssyncset.done $0x0  }
0xcb: {  	s6 =	sshrl.u32 s22, $0x3;
	s7 =	rddreg [dreg:$0x5];
	[sflag:s17] =	ssyncadd.s32 $0xFFFFFD80  }
0xcc: {  	[hbm:s7], [sflag:s3] =	dma.local [spmem:s6], $0x280  }
0xcd: {  	_ =	swait.ge [sflag:s17], $0x280  }
0xce: {  	[sflag:s17] =	ssyncset.done $0x0  }
0xcf: {  	s6 =	sshrl.u32 s23, $0x3;
	s7 =	rddreg [dreg:$0x6];
	[sflag:s17] =	ssyncadd.s32 $0xFFFFFD80  }
0xd0: {  	[hbm:s7], [sflag:s3] =	dma.local [spmem:s6], $0x280  }
0xd1: {  	_ =	swait.ge [sflag:s17], $0x280  }
0xd2: {  	[sflag:s17] =	ssyncset.done $0x0  }
0xd3: {  	s6 =	sshrl.u32 s24, $0x3;
	s7 =	rddreg [dreg:$0x7];
	[sflag:s17] =	ssyncadd.s32 $0xFFFFFD80  }
0xd4: {  	[hbm:s7], [sflag:s3] =	dma.local [spmem:s6], $0x280  }
0xd5: {  	_ =	swait.ge [sflag:s17], $0x280  }
0xd6: {  	[sflag:s17] =	ssyncset.done $0x0  }
0xd7: {  	s6 =	sshrl.u32 s25, $0x3;
	s7 =	rddreg [dreg:$0x8];
	[sflag:s17] =	ssyncadd.s32 $0xFFFFFD80  }
0xd8: {  	[hbm:s7], [sflag:s3] =	dma.local [spmem:s6], $0x280  }
0xd9: {  	_ =	swait.ge [sflag:s17], $0x280  }
0xda: {  	[sflag:s17] =	ssyncset.done $0x0  }
0xdb: {  	s6 =	sshrl.u32 s26, $0x3;
	s7 =	rddreg [dreg:$0x9];
	[sflag:s17] =	ssyncadd.s32 $0xFFFFFD80  }
0xdc: {  	[hbm:s7], [sflag:s3] =	dma.local [spmem:s6], $0x280  }
0xdd: {  	_ =	swait.ge [sflag:s17], $0x280  }
0xde: {  	[sflag:s17] =	ssyncset.done $0x0  }
0xdf: {  	s6 =	sshrl.u32 s28, $0x3;
	s7 =	rddreg [dreg:$0xa];
	[sflag:s17] =	ssyncadd.s32 $0xFFFFFD80  }
0xe0: {  	[hbm:s7], [sflag:s3] =	dma.local [spmem:s6], $0x280  }
0xe1: {  	_ =	swait.ge [sflag:s17], $0x280  }
0xe2: {  	[sflag:s17] =	ssyncset.done $0x0  }
0xe3: {  	s6 =	sshrl.u32 s29, $0x3;
	s7 =	rddreg [dreg:$0xb];
	[sflag:s17] =	ssyncadd.s32 $0xFFFFFD80  }
0xe4: {  	[hbm:s7], [sflag:s3] =	dma.local [spmem:s6], $0x280  }
0xe5: {  	_ =	swait.ge [sflag:s17], $0x280  }
0xe6: {  	[sflag:s17] =	ssyncset.done $0x0  }
0xe7: {  	s6 =	sshrl.u32 s30, $0x3;
	s7 =	rddreg [dreg:$0xc];
	[sflag:s17] =	ssyncadd.s32 $0xFFFFFD80  }
0xe8: {  	[hbm:s7], [sflag:s3] =	dma.local [spmem:s6], $0x280  }
0xe9: {  	_ =	swait.ge [sflag:s17], $0x280  }
0xea: {  	[sflag:s17] =	ssyncset.done $0x0  }
0xeb: {  	s5 =	sshrl.u32 s31, $0x3;
	s6 =	rddreg [dreg:$0xd];
	[sflag:s17] =	ssyncadd.s32 $0xFFFFFD80  }
0xec: {  	[hbm:s6], [sflag:s3] =	dma.local [spmem:s5], $0x280  }
0xed: {  	_ =	swait.ge [sflag:s17], $0x280  }
0xee: {  	[sflag:s17] =	ssyncset.done $0x0;
	s4 =	rddreg [dreg:$0xe]  }
0xef: {  	s5 =	rddreg [dreg:$0x17];
	[sflag:s17] =	ssyncadd.s32 $0xFFFFFD80  }
0xf0: {  	[hbm:s4], [sflag:s3] =	dma.local @!p0 [spmem:s5], $0x280  }
0xf1: {  	s4 =	simm.s32 @!p0 $0x3  }
0xf2: {  	_ =	swait.ge @!p0 [sflag:s4], $0x280  }
0xf3: {  	[sflag:s4] =	ssyncset.done @!p0 $0x0;
	s5 =	rddreg [dreg:$0xf]  }
0xf4: {  	s6 =	rddreg [dreg:$0x18];
	[sflag:s4] =	ssyncadd.s32 @!p0 $0xFFFFFD80  }
0xf5: {  	[hbm:s5], [sflag:s3] =	dma.local @!p0 [spmem:s6], $0x280  }
0xf6: {  	_ =	swait.ge @!p0 [sflag:s4], $0x280  }
0xf7: {  	[sflag:s4] =	ssyncset.done @!p0 $0x0;
	s5 =	rddreg [dreg:$0x10]  }
0xf8: {  	s6 =	rddreg [dreg:$0x19];
	[sflag:s4] =	ssyncadd.s32 @!p0 $0xFFFFFD80  }
0xf9: {  	[hbm:s5], [sflag:s3] =	dma.local @!p0 [spmem:s6], $0x280  }
0xfa: {  	_ =	swait.ge @!p0 [sflag:s4], $0x280  }
0xfb: {  	[sflag:s4] =	ssyncset.done @!p0 $0x0;
	s5 =	rddreg [dreg:$0x11]  }
0xfc: {  	s6 =	rddreg [dreg:$0x1a];
	[sflag:s4] =	ssyncadd.s32 @!p0 $0xFFFFFD80  }
0xfd: {  	[hbm:s5], [sflag:s3] =	dma.local @!p0 [spmem:s6], $0x280  }
0xfe: {  	_ =	swait.ge @!p0 [sflag:s4], $0x280  }
0xff: {  	[sflag:s4] =	ssyncset.done @!p0 $0x0;
	s5 =	rddreg [dreg:$0x12]  }
0x100: {  	s6 =	rddreg [dreg:$0x1b];
	[sflag:s4] =	ssyncadd.s32 @!p0 $0xFFFFFD80  }
0x101: {  	[hbm:s5], [sflag:s3] =	dma.local @!p0 [spmem:s6], $0x280  }
0x102: {  	_ =	swait.ge @!p0 [sflag:s4], $0x280  }
0x103: {  	[sflag:s4] =	ssyncset.done @!p0 $0x0  }
0x104: {  	s5 =	rddreg [dreg:$0x13];
	[sflag:s4] =	ssyncadd.s32 @!p0 $0xFFFFFD80  }
0x105: {  	[hbm:s5], [sflag:s3] =	dma.local @!p0 [spmem:s8], $0x280  }
0x106: {  	_ =	swait.ge @!p0 [sflag:s4], $0x280  }
0x107: {  	s1 =	sadd.s32 $0x1, s1;
	s7 =	rddreg [dreg:$0x16]  }
0x108: {  	p1 =	sne.s32 s1, s7  }
.Ltmp2:
0x109: {  	_ = 	snop;
	(pc) =	sbr.rel @p1 .LBB2_1-.Ltmp2, $3  }
0x10a: {  	_ =	sdelay $0x1  }
0x10b: {  	[sflag:s4] =	ssyncset.done @!p0 $0x0  }
0x10c: {  	[sflag:s4] =	ssyncadd.s32 @!p0 $0xFFFFFD80  }
0x10d: {  	_ =	sfence.sel $0x180000  }
0x10e: {  	[bflag:$0x0] =	sbarrier.arrive $0xFFFF  }
0x10f: {  	_ =	strace $0x9000004A  }
0x110: {  	s0 =	stileid.u32;
	[bflag:$0x2] =	sbarrier.arrive $0xFFFF  }
0x111: {  	p0 =	sne.s32 s0, $0x0;
	s0 =	rddreg [dreg:$0x3]  }
0x112: {  	s0 =	sadd.s32 @!p0 $0x100000, s0  }
0x113: {  	[sflag:s0] =	ssyncadd.tile.s32 @!p0 $0x1;
	_ =	shalt  }
.Lfunc_end2:
_tile_overlayer_lowered:
.L_overlay_start_2:
0x114: {  	(tag) =	ssettag $0x2  }
0x115: {  	s0 =	rddreg [dreg:$0x0];
	s2 =	stileid.u32  }
0x116: {  	s1 =	rddreg [dreg:$0x1];
	p0 =	sne.s32 s2, $0x0  }
0x117: {  	s3 =	rddreg [dreg:$0x2];
	[bflag:$0x3] =	sbarrier.arrive $0xFFFF;
	s2 =	simm.s32 @!p0 $0x1C03  }
0x118: {  	[timem:s3], [sflag:s2] =	dma.local @!p0 [hbm:s0], s1  }
0x119: {  	s0 =	simm.s32 @!p0 $0x3  }
0x11a: {  	_ =	swait.ge @!p0 [sflag:s0], s1  }
0x11b: {  	s1 =	ssub.s32 @!p0 $0x0, s1;
	[sflag:s0] =	ssyncset.done @!p0 $0x0  }
0x11c: {  	[sflag:s0] =	ssyncadd.s32 @!p0 s1  }
0x11d: {  	[bflag:$0x3] =	sbarrier.arrive $0xFFFF  }
0x11e: {  	_ =	shalt  }

// kernel: kernel.15.cloned.1.call-start
scs
__scs_entry_jumppad:
0x0: {  	(pc) =	sbr.rel $0x88, $3  }
0x1: {  	(tag) =	ssettag $0x0;
	lr =	simm.s32 $0x1  }
0x2: {  	[smem:$0x3F99] =	sst lr;
	_ =	strace $0xD0000000  }
0x3: {  	_ = 	snop  }
0x4: {  	_ = 	snop  }
0x5: {  	_ = 	snop  }
0x6: {  	_ = 	snop  }
0x7: {  	_ = 	snop  }
__scs_overlays_trampoline_lowered:
0x8: {  	[smem:$0x3FA8] =	sst s0  }
0x9: {  	[smem:$0x3FA9] =	sst s1  }
0xa: {  	[smem:$0x3FAA] =	sst s2  }
0xb: {  	[smem:$0x3FAB] =	sst s3  }
0xc: {  	[smem:$0x3FAC] =	sst s4  }
0xd: {  	[smem:$0x3FAD] =	sst s5  }
0xe: {  	[smem:$0x3FAE] =	sst s6  }
0xf: {  	[smem:$0x3FAF] =	sst s7  }
0x10: {  	[smem:$0x3FB0] =	sst s8  }
0x11: {  	[smem:$0x3FB1] =	sst s9;
	s0 =	simm.s32 @!p0 $0x0  }
0x12: {  	s1 =	sld [smem:$0x3F97];
	s0 =	simm.s32 @p0 $0x1  }
0x13: {  	[smem:$0x3FB2] =	sst s0;
	s0 =	simm.s32 @!p1 $0x0  }
0x14: {  	s2 =	sld [smem:$0x3F96];
	s0 =	simm.s32 @p1 $0x1  }
0x15: {  	[smem:$0x3FB3] =	sst s0;
	s0 =	simm.s32 @!p2 $0x0  }
0x16: {  	s3 =	sld [smem:$0x3FDB];
	s0 =	simm.s32 @p2 $0x1  }
0x17: {  	s4 =	simm.s32 $0x1BF5;
	[smem:$0x3FB5] =	sst s0  }
0x18: {  	s0 =	sld [smem:$0x3F98];
	_ =	swait.ge [sflag:s4], $0x0  }
0x19: {  	s7 =	sld [smem:$0x3F99]  }
0x1a: {  	s8 =	sadd.s32 $0xFFFFE003, lr  }
0x1b: {  	s9 =	sadd.s32 $0xFFFFFEF7, lr;
	s5 =	simm.s32 $0xFFFFFFFF;
	p2 =	slt.u32 s8, $0xFFFFF086  }
0x1c: {  	p1 =	slt.u32 s9, $0xF7A;
	s5 =	simm.s32 @!p2 $0x0  }
0x1d: {  	s5 =	simm.s32 @p1 $0x1;
	p0 =	seq.s32 s7, s2  }
0x1e: {  	s7 =	smul.u32 @!p0 $0xF7A, s2;
	p2 =	seq.s32 @!p0 s5, $0x0  }
0x1f: {  	s9 =	smul.u32 $0xF7A, s1;
	s8 =	simm.s32 @!p0 $0x1BF5;
	p2 =	por !p2, p0  }
0x20: {  	[sflag:s8] =	ssyncset.s32 @!p0 $0xFFFFF086;
	s6 =	sadd.s32 @!p0 s3, s7;
	s7 =	simm.s32 @!p0 $0x108  }
0x21: {  	s3 =	sadd.s32 s3, s9;
	s6 =	sadd.s32 @!p0 $0x88, s6;
	s7 =	simm.s32 @p2 $0x1082  }
0x22: {  	[simem:s7], [sflag:s8] =	dma.local @!p0 [hbm:s6], $0xF7A  }
0x23: {  	s9 =	sor.u32 $0xD0000000, s2;
	s6 =	simm.s32 $0x108;
	_ =	swait.ge @!p0 [sflag:s8], $0x0  }
0x24: {  	s3 =	sadd.s32 $0x88, s3;
	s6 =	simm.s32 @!p1 $0x1082;
	[sflag:s4] =	ssyncset.s32 $0xFFFFF086  }
0x25: {  	[simem:s6], [sflag:s4] =	dma.local [hbm:s3], $0xF7A  }
0x26: {  	[smem:$0x3F99] =	sst s1;
	(tag) =	ssettag s2;
	_ =	strace s9  }
0x27: {  	s1 =	sld [smem:$0x3FA9]  }
0x28: {  	s2 =	sld [smem:$0x3FAA]  }
0x29: {  	s4 =	sld [smem:$0x3FAC]  }
0x2a: {  	p0 =	seq.s32 s5, $0x0;
	s5 =	sld [smem:$0x3FAD]  }
0x2b: {  	s6 =	sld [smem:$0x3FAE]  }
0x2c: {  	s7 =	sld [smem:$0x3FAF]  }
0x2d: {  	s3 =	simm.s32 $0x108;
	s8 =	sld [smem:$0x3FB0]  }
0x2e: {  	s3 =	simm.s32 @!p0 $0x1082;
	s9 =	sld [smem:$0x3FB1]  }
0x2f: {  	lr =	sadd.s32 s0, s3;
	s0 =	sld [smem:$0x3FA8]  }
0x30: {  	s3 =	sld [smem:$0x3FAB]  }
0x31: {  	[smem:$0x3FB4] =	sst s10  }
0x32: {  	s10 =	sld [smem:$0x3FB2];
	_ =	sdelay $0x3  }
0x33: {  	p0 =	seq.s32 s10, $0x1;
	s10 =	sld [smem:$0x3FB4];
	_ =	sdelay $0x3  }
0x34: {  	[smem:$0x3FB4] =	sst s10  }
0x35: {  	s10 =	sld [smem:$0x3FB3];
	_ =	sdelay $0x3  }
0x36: {  	p1 =	seq.s32 s10, $0x1;
	s10 =	sld [smem:$0x3FB4];
	_ =	sdelay $0x3  }
0x37: {  	[smem:$0x3FB4] =	sst s10  }
0x38: {  	s10 =	sld [smem:$0x3FB5]  }
0x39: {  	_ = 	snop;
	(pc) =	sbr.ind lr, $3  }
0x3a: {  	_ = 	snop  }
0x3b: {  	_ = 	snop  }
0x3c: {  	p2 =	seq.s32 s10, $0x1;
	s10 =	sld [smem:$0x3FB4]  }
0x3d: {  	_ =	shalt  }
0x3e: {  	_ =	shalt  }
0x3f: {  	_ =	shalt  }
0x40: {  	_ =	shalt  }
0x41: {  	_ =	shalt  }
0x42: {  	_ =	shalt  }
0x43: {  	_ =	shalt  }
0x44: {  	_ =	shalt  }
0x45: {  	_ =	shalt  }
0x46: {  	_ =	shalt  }
0x47: {  	_ =	shalt  }
0x48: {  	_ =	shalt  }
0x49: {  	_ =	shalt  }
0x4a: {  	_ =	shalt  }
0x4b: {  	_ =	shalt  }
0x4c: {  	_ =	shalt  }
0x4d: {  	_ =	shalt  }
0x4e: {  	_ =	shalt  }
0x4f: {  	_ =	shalt  }
0x50: {  	_ =	shalt  }
0x51: {  	_ =	shalt  }
0x52: {  	_ =	shalt  }
0x53: {  	_ =	shalt  }
0x54: {  	_ =	shalt  }
0x55: {  	_ =	shalt  }
0x56: {  	_ =	shalt  }
0x57: {  	_ =	shalt  }
0x58: {  	_ =	shalt  }
0x59: {  	_ =	shalt  }
0x5a: {  	_ =	shalt  }
0x5b: {  	_ =	shalt  }
0x5c: {  	_ =	shalt  }
0x5d: {  	_ =	shalt  }
0x5e: {  	_ =	shalt  }
0x5f: {  	_ =	shalt  }
0x60: {  	_ =	shalt  }
0x61: {  	_ =	shalt  }
0x62: {  	_ =	shalt  }
0x63: {  	_ =	shalt  }
0x64: {  	_ =	shalt  }
0x65: {  	_ =	shalt  }
0x66: {  	_ =	shalt  }
0x67: {  	_ =	shalt  }
0x68: {  	_ =	shalt  }
0x69: {  	_ =	shalt  }
0x6a: {  	_ =	shalt  }
0x6b: {  	_ =	shalt  }
0x6c: {  	_ =	shalt  }
0x6d: {  	_ =	shalt  }
0x6e: {  	_ =	shalt  }
0x6f: {  	_ =	shalt  }
0x70: {  	_ =	shalt  }
0x71: {  	_ =	shalt  }
0x72: {  	_ =	shalt  }
0x73: {  	_ =	shalt  }
0x74: {  	_ =	shalt  }
0x75: {  	_ =	shalt  }
0x76: {  	_ =	shalt  }
0x77: {  	_ =	shalt  }
0x78: {  	_ =	shalt  }
0x79: {  	_ =	shalt  }
0x7a: {  	_ =	shalt  }
0x7b: {  	_ =	shalt  }
0x7c: {  	_ =	shalt  }
0x7d: {  	_ =	shalt  }
0x7e: {  	_ =	shalt  }
0x7f: {  	_ =	shalt  }
0x80: {  	_ =	shalt  }
0x81: {  	_ =	shalt  }
0x82: {  	_ =	shalt  }
0x83: {  	_ =	shalt  }
0x84: {  	_ =	shalt  }
0x85: {  	_ =	shalt  }
0x86: {  	_ =	shalt  }
0x87: {  	_ =	shalt  }
.Lfunc_end0:
.L_simem_size_0:
called_computation.2_lowered:
.L_overlay_start_0:
0x88: {  	s2 =	sld [smem:$0x3FD9]  }
0x89: {  	s3 =	sld [smem:$0x3FFE];
	_ =	sdelay $0x1  }
0x8a: {  	s1 =	srdreg.scid  }
0x8b: {  	s0 =	sand.u32 $0x1, s1  }
0x8c: {  	s17 =	sshll.u32 s0, $0xA;
	s2 =	sadd.s32 s3, s2  }
0x8d: {  	s2 =	sadd.s32 s2, s17  }
0x8e: {  	[smem:$0x3FC0] =	sst s2  }
0x8f: {  	_ = 	snop  }
0x90: {  	s2 =	sld [smem:$0x3FD0];
	(tm) =	ssettm $0x1  }
0x91: {  	s18 =	sld [smem:$0x3FFB];
	_ =	sdelay $0x3  }
0x92: {  	_ =	strace s18  }
0x93: {  	s3 =	sld [smem:$0x3FFC];
	_ =	sdelay $0x3  }
0x94: {  	_ =	strace s3  }
0x95: {  	s3 =	sld [smem:$0x3FFD];
	_ =	sdelay $0x3  }
0x96: {  	_ =	strace s3  }
0x97: {  	_ =	strace $0x8FFFFFFF  }
0x98: {  	s19 =	sld [smem:$0x3FDB];
	_ =	sdelay $0x1  }
0x99: {  	s4 =	simm.s32 $_scs_section_size  }
0x9a: {  	s5 =	simm.s32 $_size__tile_overlayer_lowered;
	s6 =	simm.s32 $_tile_overlayer_lowered  }
0x9b: {  	s22 =	simm.s32 $0x1BFF;
	s21 =	sshll.u32 s6, $0x1;
	s3 =	sadd.s32 s4, s19  }
0x9c: {  	s7 =	simm.s32 $0x0;
	s20 =	sshll.u32 s5, $0x1;
	s5 =	sadd.s32 s21, s3  }
0x9d: {  	[timem:s7], [sflag:s22] =	dma.local [hbm:s5], s20  }
0x9e: {  	_ =	swait.ge [sflag:s22], s20  }
0x9f: {  	s4 =	ssub.s32 $0x0, s20;
	[sflag:s22] =	ssyncset.done $0x0  }
0xa0: {  	[sflag:s22] =	ssyncadd.s32 s4;
	_ =	sdelay $0x1  }
0xa1: {  	s23 =	simm.s32 $0x1B8B  }
0xa2: {  	_ =	swait.ge [sflag:s23], $0x1  }
0xa3: {  	[sflag:s23] =	ssyncset.done $0x0  }
0xa4: {  	s25 =	simm.s32 $0x1B8E;
	s24 =	sld [smem:$0x3FFE];
	[sflag:s23] =	ssyncadd.s32 $0xFFFFFFFF  }
0xa5: {  	s26 =	simm.s32 $execute0_lowered;
	[smem:$0x3FD2] =	sst s25  }
0xa6: {  	s5 =	sshll.u32 s26, $0x1;
	_ =	strace $0x8000004C;
	[dreg:$0x1] =	wrdreg $0xFFFFFFFF  }
0xa7: {  	s28 =	simm.s32 $_size_execute0_lowered;
	s3 =	sadd.s32 s3, s5;
	[dreg:$0x0] =	wrdreg $0x0  }
0xa8: {  	s5 =	sshll.u32 s28, $0x1;
	[dreg:$0x2] =	wrdreg s3  }
0xa9: {  	[dreg:$0x3] =	wrdreg s5  }
0xaa: {  	[dreg:$0x4] =	wrdreg $0xC0  }
0xab: {  	_ =	task [dreg:s7], $0x5FFFF  }
0xac: {  	[dreg:$0x1] =	wrdreg $0xFFFFFFFF  }
0xad: {  	[dreg:$0x0] =	wrdreg $0x60  }
0xae: {  	[dreg:$0x2] =	wrdreg s2  }
0xaf: {  	[dreg:$0x3] =	wrdreg s24  }
0xb0: {  	[dreg:$0x4] =	wrdreg $0xB7800  }
0xb1: {  	[dreg:$0x5] =	wrdreg $0x9  }
0xb2: {  	_ =	task.clear_ibuf [dreg:s7], $0x6FFFF;
	_ =	strace $0x9000004C  }
0xb3: {  	s29 =	simm.s32 $0x9;
	_ =	strace $0x8000004E  }
0xb4: {  	_ =	swait.ge [sflag:s29], $0x1  }
0xb5: {  	[sflag:s29] =	ssyncadd.s32 $0xFFFFFFFF  }
0xb6: {  	_ =	strace $0x9000004E  }
0xb7: {  	_ =	sfence  }
0xb8: {  	s30 =	sld [smem:$0x0];
	_ =	sdelay $0x2  }
0xb9: {  	s31 =	sshll.u32 s1, $0xD;
	s1 =	sshrl.u32 s1, $0x2  }
0xba: {  	s3 =	sand.u32 $0x4000, s31;
	s1 =	sadd.s32 s1, s30  }
0xbb: {  	s0 =	sor.u32 s3, s0;
	s1 =	sshll.u32 s1, $0x11  }
0xbc: {  	s0 =	sor.u32 s1, s0  }
0xbd: {  	s0 =	sadd.s32 $0x8F2B, s0  }
0xbe: {  	[sflag:s0] =	ssyncadd.remote.s32 $0x1  }
0xbf: {  	_ =	sfence.sel $0xFFFF  }
0xc0: {  	[dreg:$0x0] =	wrdreg $0xFFFFFFFF;
	(pc) =	sbr.abs _section_cstart, $3  }
0xc1: {  	[dreg:$0x1] =	wrdreg $0xFFFFFFFF  }
0xc2: {  	_ =	task.clear_ibuf [dreg:s7], $0x2FFFF;
	_ =	strace $0x9FFFFFFF  }
0xc3: {  	(tm) =	ssettm $0x7FFFFFFF  }
tec
execute0_lowered:
.L_overlay_start_1:
0x0: {  	(tag) =	ssettag $0x1  }
0x1: {  	s2 =	rddreg [dreg:$0x0]  }
0x2: {  	s21 =	stileid.u32;
	s4 =	rddreg [dreg:$0x1]  }
0x3: {  	s3 =	srdreg.scid;
	s5 =	simm.s32 $0x0;
	s0 =	sshrl.u32 s21, $0x3  }
0x4: {  	s1 =	sshll.u32 s21, $0x7;
	s17 =	sand.u32 $0x1, s3;
	s7 =	smul.u32 $0x280, s21  }
0x5: {  	[smem:$0x7FF] =	sst s5;
	s19 =	sshll.u32 s21, $0xB;
	s0 =	smul.u32 $0x13C00, s0  }
0x6: {  	p0 =	seq.s32 s21, $0xF;
	s1 =	sand.u32 $0x380, s1;
	s18 =	smul.u32 $0x27100, s17  }
0x7: {  	s6 =	ssub.s32 $0x2, s17;
	s20 =	sadd.s32 s19, s4;
	s17 =	smul.u32 $0x2800, s21  }
0x8: {  	[dreg:$0x1e] =	wrdreg s20;
	s22 =	sshrl.u32 s6, $0x1;
	s9 =	sor.u32 $0x28, s7  }
0x9: {  	s10 =	sor.u32 $0x50, s7;
	s11 =	sor.u32 $0x78, s7;
	s12 =	sadd.s32 $0xA0, s7  }
0xa: {  	s13 =	sadd.s32 $0xC8, s7;
	s14 =	sadd.s32 $0xF0, s7;
	s15 =	sadd.s32 $0x118, s7  }
0xb: {  	s16 =	sadd.s32 $0x140, s7;
	s3 =	sadd.s32 $0x1E0, s7;
	s5 =	sadd.s32 $0x208, s7  }
0xc: {  	s0 =	sor.u32 s1, s0;
	s8 =	sadd.s32 s18, s4;
	s2 =	sadd.s32 s2, s18  }
0xd: {  	s18 =	sshll.u32 s9, $0x4;
	s19 =	sshll.u32 s10, $0x4;
	s20 =	sshll.u32 s11, $0x4  }
0xe: {  	s1 =	sadd.s32 $0x1B8, s7;
	s24 =	sshll.u32 s12, $0x4;
	s0 =	sshrl.u32 s0, $0x3  }
0xf: {  	s8 =	sadd.s32 $0x6E000, s8;
	s0 =	sadd.s32 s0, s4;
	s4 =	sadd.s32 $0x168, s7  }
0x10: {  	s17 =	sadd.s32 s17, s8;
	s23 =	sadd.s32 s18, s8;
	[dreg:$0x1d] =	wrdreg s0  }
0x11: {  	s25 =	sadd.s32 s19, s8;
	s26 =	sadd.s32 s20, s8;
	[dreg:$0x4] =	wrdreg s17  }
0x12: {  	s19 =	sshll.u32 s13, $0x4;
	s20 =	sshll.u32 s14, $0x4;
	[dreg:$0x5] =	wrdreg s23  }
0x13: {  	s18 =	sshll.u32 s3, $0x4;
	s3 =	sshll.u32 s3, $0x7;
	[dreg:$0x6] =	wrdreg s25  }
0x14: {  	s0 =	ssub.s32 s6, s22;
	s6 =	sadd.s32 $0x230, s7;
	[dreg:$0x7] =	wrdreg s26  }
0x15: {  	s17 =	sadd.s32 s24, s8;
	s22 =	sshll.u32 s15, $0x4;
	s23 =	sadd.s32 s20, s8  }
0x16: {  	s25 =	sshll.u32 s16, $0x4;
	s26 =	sshll.u32 s4, $0x4;
	[dreg:$0x1c] =	wrdreg s0  }
0x17: {  	s4 =	sshll.u32 s4, $0x7;
	s0 =	sadd.s32 $0x190, s7;
	[dreg:$0x8] =	wrdreg s17  }
0x18: {  	s7 =	sadd.s32 $0x258, s7;
	s17 =	sadd.s32 s19, s8;
	[dreg:$0xa] =	wrdreg s23  }
0x19: {  	s24 =	sadd.s32 s22, s8;
	s20 =	sadd.s32 s26, s8;
	s22 =	smul.u32 $0x50000, s21  }
0x1a: {  	s26 =	sshll.u32 s11, $0x7;
	s11 =	sshll.u32 s14, $0x7;
	[dreg:$0x9] =	wrdreg s17  }
0x1b: {  	[dreg:$0xb] =	wrdreg s24;
	s19 =	sshll.u32 s0, $0x4;
	s17 =	sadd.s32 s25, s8  }
0x1c: {  	[dreg:$0xd] =	wrdreg s20;
	s24 =	sshll.u32 s9, $0x7;
	s25 =	sshll.u32 s10, $0x7  }
0x1d: {  	s9 =	sshll.u32 s12, $0x7;
	[dreg:$0xc] =	wrdreg s17;
	s17 =	sadd.s32 @!p0 s19, s8  }
0x1e: {  	s10 =	sshll.u32 s13, $0x7;
	[dreg:$0xe] =	wrdreg s17;
	s17 =	sshll.u32 s1, $0x4  }
0x1f: {  	s12 =	sshll.u32 s15, $0x7;
	s13 =	sshll.u32 s16, $0x7;
	s17 =	sadd.s32 @!p0 s17, s8  }
0x20: {  	s0 =	sshll.u32 s0, $0x7;
	s16 =	sshll.u32 s5, $0x7;
	[dreg:$0xf] =	wrdreg s17  }
0x21: {  	s19 =	sshll.u32 s5, $0x4;
	s17 =	sadd.s32 @!p0 s18, s8;
	s18 =	rddreg [dreg:$0x2]  }
0x22: {  	s23 =	sshrl.u32 s22, $0x2;
	s1 =	sshll.u32 s1, $0x7;
	[dreg:$0x10] =	wrdreg s17  }
0x23: {  	s17 =	sadd.s32 @!p0 s19, s8;
	s19 =	sshll.u32 s6, $0x4;
	s21 =	sadd.s32 s23, s18  }
0x24: {  	s22 =	sadd.s32 s24, s18;
	s23 =	sadd.s32 s25, s18;
	s24 =	sadd.s32 s26, s18  }
0x25: {  	s25 =	sadd.s32 s9, s18;
	s26 =	sadd.s32 s10, s18;
	s28 =	sadd.s32 s11, s18  }
0x26: {  	s29 =	sadd.s32 s12, s18;
	s30 =	sadd.s32 s13, s18;
	s31 =	sadd.s32 s4, s18  }
0x27: {  	s0 =	sadd.s32 s0, s18;
	s1 =	sadd.s32 s1, s18;
	s3 =	sadd.s32 s3, s18  }
0x28: {  	[dreg:$0x11] =	wrdreg s17;
	s19 =	sadd.s32 @!p0 s19, s8;
	s17 =	sshll.u32 s6, $0x7  }
0x29: {  	s0 =	sshrl.u32 @!p0 s0, $0x3;
	[dreg:$0x12] =	wrdreg s19;
	s19 =	sshll.u32 s7, $0x4  }
0x2a: {  	s9 =	sadd.s32 $0xC800, s21;
	s10 =	sadd.s32 $0xDC00, s21;
	s8 =	sadd.s32 @!p0 s19, s8  }
0x2b: {  	s11 =	sadd.s32 $0xF000, s21;
	s12 =	sadd.s32 $0x10400, s21;
	[dreg:$0x13] =	wrdreg s8  }
0x2c: {  	s13 =	sadd.s32 $0x11800, s21;
	_ =	strace $0x8000004D;
	[dreg:$0x17] =	wrdreg s0  }
0x2d: {  	s5 =	sadd.s32 s17, s18;
	s19 =	sshll.u32 s7, $0x7;
	s14 =	rddreg [dreg:$0x1d]  }
0x2e: {  	s17 =	simm.s32 $0x3;
	s8 =	sadd.s32 s19, s18;
	s15 =	rddreg [dreg:$0x1e]  }
0x2f: {  	s19 =	simm.s32 $0x50;
	s0 =	sshrl.u32 @!p0 s1, $0x3;
	s20 =	rddreg [dreg:$0x1c]  }
0x30: {  	s8 =	sshrl.u32 @!p0 s8, $0x3;
	[dreg:$0x18] =	wrdreg s0;
	s0 =	sshrl.u32 @!p0 s3, $0x3  }
0x31: {  	s1 =	simm.s32 $0x0;
	s4 =	sadd.s32 $0x69000, s14;
	[dreg:$0x19] =	wrdreg s0  }
0x32: {  	s6 =	smax.u32 s20, $0x1;
	[dreg:$0x14] =	wrdreg s4;
	s4 =	sadd.s32 $0x61000, s15  }
0x33: {  	s14 =	sadd.s32 $0x12C00, s21;
	[dreg:$0x15] =	wrdreg s4;
	s4 =	sadd.s32 s16, s18  }
0x34: {  	s20 =	simm.s32 $0x8F80;
	[dreg:$0x16] =	wrdreg s6;
	s0 =	sshrl.u32 @!p0 s4, $0x3  }
0x35: {  	s15 =	simm.s32 $0x1;
	[dreg:$0x1a] =	wrdreg s0;
	s0 =	sshrl.u32 @!p0 s5, $0x3  }
0x36: {  	v0 =	vimm.f32 $0.0e+00;
	s16 =	simm.s32 $0x6780;
	[dreg:$0x1b] =	wrdreg s0;
	s0 =	simm.s32 $0x2  }
.LBB2_1:
0x37: {  	s4 =	simm.s32 $0x0  }
0x38: {  	s3 =	sand.u32 $0x7E00, s4  }
0x39: {  	s4 =	sand.u32 $0x70, s4;
	s5 =	sshrl.u32 s3, $0x2  }
0x3a: {  	s3 =	simm.s32 $0x40;
	s5 =	sor.u32 s4, s5;
	s4 =	simm.s32 $0x0  }
.LBB2_2:
0x3b: {  	p1 =	sne.s32 s3, $0x4FC0  }
0x3c: {  	[tilespmem:s5+$0x6780] =	vst v0;
	s4 =	sadd.s32 $0x10, s4;
	s5 =	smov.u32 s3;
	s3 =	sadd.s32 $0x40, s3  }
.Ltmp0:
0x3d: {  	(pc) =	sbr.rel @p1 .LBB2_2-.Ltmp0, $4  }
0x3e: {  	_ = 	snop  }
0x3f: {  	s5 =	sand.u32 $0x7E00, s5  }
0x40: {  	s6 =	sand.u32 $0x70, s4;
	s5 =	sshrl.u32 s5, $0x2  }
0x41: {  	s5 =	sor.u32 s6, s5  }
0x42: {  	[tilespmem:s5+$0x6780] =	vst v0  }
0x43: {  	[spmem:s21] =	stream.linear.scatter [tilespmem:s16], [sflag:$0x3], $0x1400, $0x38;
	[tilespmem:$0x1F040] =	vst v63  }
0x44: {  	_ =	swait.ge [sflag:s17], $0x1400  }
0x45: {  	[sflag:s17] =	ssyncset.done $0x0  }
0x46: {  	[sflag:s17] =	ssyncadd.s32 $0xFFFFEC00  }
0x47: {  	[spmem:s22] =	stream.linear.scatter [tilespmem:s16], [sflag:$0x3], $0x1400, $0x38;
	[tilespmem:$0x1F040] =	vst v63  }
0x48: {  	_ =	swait.ge [sflag:s17], $0x1400  }
0x49: {  	[sflag:s17] =	ssyncset.done $0x0  }
0x4a: {  	[sflag:s17] =	ssyncadd.s32 $0xFFFFEC00  }
0x4b: {  	[spmem:s23] =	stream.linear.scatter [tilespmem:s16], [sflag:$0x3], $0x1400, $0x38;
	[tilespmem:$0x1F040] =	vst v63  }
0x4c: {  	_ =	swait.ge [sflag:s17], $0x1400  }
0x4d: {  	[sflag:s17] =	ssyncset.done $0x0  }
0x4e: {  	[sflag:s17] =	ssyncadd.s32 $0xFFFFEC00  }
0x4f: {  	[spmem:s24] =	stream.linear.scatter [tilespmem:s16], [sflag:$0x3], $0x1400, $0x38;
	[tilespmem:$0x1F040] =	vst v63  }
0x50: {  	_ =	swait.ge [sflag:s17], $0x1400  }
0x51: {  	[sflag:s17] =	ssyncset.done $0x0  }
0x52: {  	[sflag:s17] =	ssyncadd.s32 $0xFFFFEC00  }
0x53: {  	[spmem:s25] =	stream.linear.scatter [tilespmem:s16], [sflag:$0x3], $0x1400, $0x38;
	[tilespmem:$0x1F040] =	vst v63  }
0x54: {  	_ =	swait.ge [sflag:s17], $0x1400  }
0x55: {  	[sflag:s17] =	ssyncset.done $0x0  }
0x56: {  	[sflag:s17] =	ssyncadd.s32 $0xFFFFEC00  }
0x57: {  	[spmem:s26] =	stream.linear.scatter [tilespmem:s16], [sflag:$0x3], $0x1400, $0x38;
	[tilespmem:$0x1F040] =	vst v63  }
0x58: {  	_ =	swait.ge [sflag:s17], $0x1400  }
0x59: {  	[sflag:s17] =	ssyncset.done $0x0  }
0x5a: {  	[sflag:s17] =	ssyncadd.s32 $0xFFFFEC00  }
0x5b: {  	[spmem:s28] =	stream.linear.scatter [tilespmem:s16], [sflag:$0x3], $0x1400, $0x38;
	[tilespmem:$0x1F040] =	vst v63  }
0x5c: {  	_ =	swait.ge [sflag:s17], $0x1400  }
0x5d: {  	[sflag:s17] =	ssyncset.done $0x0  }
0x5e: {  	[sflag:s17] =	ssyncadd.s32 $0xFFFFEC00  }
0x5f: {  	[spmem:s29] =	stream.linear.scatter [tilespmem:s16], [sflag:$0x3], $0x1400, $0x38;
	[tilespmem:$0x1F040] =	vst v63  }
0x60: {  	_ =	swait.ge [sflag:s17], $0x1400  }
0x61: {  	[sflag:s17] =	ssyncset.done $0x0  }
0x62: {  	[sflag:s17] =	ssyncadd.s32 $0xFFFFEC00  }
0x63: {  	[spmem:s30] =	stream.linear.scatter [tilespmem:s16], [sflag:$0x3], $0x1400, $0x38;
	[tilespmem:$0x1F040] =	vst v63  }
0x64: {  	_ =	swait.ge [sflag:s17], $0x1400  }
0x65: {  	[sflag:s17] =	ssyncset.done $0x0  }
0x66: {  	[sflag:s17] =	ssyncadd.s32 $0xFFFFEC00  }
0x67: {  	[spmem:s31] =	stream.linear.scatter [tilespmem:s16], [sflag:$0x3], $0x1400, $0x38;
	[tilespmem:$0x1F040] =	vst v63  }
0x68: {  	_ =	swait.ge [sflag:s17], $0x1400  }
0x69: {  	[sflag:s17] =	ssyncset.done $0x0  }
0x6a: {  	s3 =	simm.s32 @!p0 $0x6780;
	s4 =	simm.s32 @!p0 $0x3;
	[sflag:s17] =	ssyncadd.s32 $0xFFFFEC00  }
0x6b: {  	[spmem:s9] =	stream.linear.scatter @!p0 [tilespmem:s3], [sflag:$0x3], $0x1400, $0x38;
	[tilespmem:$0x1F040] =	vst v63  }
0x6c: {  	_ =	swait.ge @!p0 [sflag:s4], $0x1400  }
0x6d: {  	[sflag:s4] =	ssyncset.done @!p0 $0x0  }
0x6e: {  	[sflag:s4] =	ssyncadd.s32 @!p0 $0xFFFFEC00  }
0x6f: {  	[spmem:s10] =	stream.linear.scatter @!p0 [tilespmem:s3], [sflag:$0x3], $0x1400, $0x38;
	[tilespmem:$0x1F040] =	vst v63  }
0x70: {  	_ =	swait.ge @!p0 [sflag:s4], $0x1400  }
0x71: {  	[sflag:s4] =	ssyncset.done @!p0 $0x0  }
0x72: {  	[sflag:s4] =	ssyncadd.s32 @!p0 $0xFFFFEC00  }
0x73: {  	[spmem:s11] =	stream.linear.scatter @!p0 [tilespmem:s3], [sflag:$0x3], $0x1400, $0x38;
	[tilespmem:$0x1F040] =	vst v63  }
0x74: {  	_ =	swait.ge @!p0 [sflag:s4], $0x1400  }
0x75: {  	[sflag:s4] =	ssyncset.done @!p0 $0x0  }
0x76: {  	[sflag:s4] =	ssyncadd.s32 @!p0 $0xFFFFEC00  }
0x77: {  	[spmem:s12] =	stream.linear.scatter @!p0 [tilespmem:s3], [sflag:$0x3], $0x1400, $0x38;
	[tilespmem:$0x1F040] =	vst v63  }
0x78: {  	_ =	swait.ge @!p0 [sflag:s4], $0x1400  }
0x79: {  	[sflag:s4] =	ssyncset.done @!p0 $0x0  }
0x7a: {  	[sflag:s4] =	ssyncadd.s32 @!p0 $0xFFFFEC00  }
0x7b: {  	[spmem:s13] =	stream.linear.scatter @!p0 [tilespmem:s3], [sflag:$0x3], $0x1400, $0x38;
	[tilespmem:$0x1F040] =	vst v63  }
0x7c: {  	_ =	swait.ge @!p0 [sflag:s4], $0x1400  }
0x7d: {  	[sflag:s4] =	ssyncset.done @!p0 $0x0  }
0x7e: {  	[sflag:s4] =	ssyncadd.s32 @!p0 $0xFFFFEC00  }
0x7f: {  	[spmem:s14] =	stream.linear.scatter @!p0 [tilespmem:s3], [sflag:$0x3], $0x1400, $0x38;
	[tilespmem:$0x1F040] =	vst v63  }
0x80: {  	_ =	swait.ge @!p0 [sflag:s4], $0x1400  }
0x81: {  	s7 =	simm.s32 $0x80;
	s6 =	simm.s32 $0x400;
	[sflag:s4] =	ssyncset.done @!p0 $0x0  }
0x82: {  	s3 =	simm.s32 $0x0;
	s5 =	rddreg [dreg:$0x14];
	[sflag:s4] =	ssyncadd.s32 @!p0 $0xFFFFEC00  }
0x83: {  	[tilespmem:s3], [sflag:$0x3] =	stream.strided.gather [hbm4b:s5+s7], $0x2780, s6, s7, $0x38;
	[tilespmem:$0x1F040] =	vst v63  }
0x84: {  	_ =	swait.ge [sflag:s17], $0x2780  }
0x85: {  	[sflag:s17] =	ssyncset.done $0x0  }
0x86: {  	s7 =	simm.s32 $0x2780;
	s6 =	rddreg [dreg:$0x15];
	[sflag:s17] =	ssyncadd.s32 $0xFFFFD880  }
0x87: {  	[tilespmem:s7], [sflag:$0x3] =	stream.linear.gather [hbm4b:s6+s3], $0x3E80, $0x38;
	[tilespmem:$0x1F040] =	vst v63  }
0x88: {  	_ =	swait.ge [sflag:s17], $0x3E80  }
0x89: {  	[sflag:s17] =	ssyncset.done $0x0  }
0x8a: {  	[sflag:s17] =	ssyncadd.s32 $0xFFFFC180  }
0x8b: {  	[bflag:$0x0] =	sbarrier.arrive $0xFFFF  }
0x8c: {  	[tilespmem:s16], [sflag:$0x1] =	stream.indirect.gather [hbm4b:s2+s19], $0x80, s3, s19, $0xb8;
	[tilespmem:$0x1F040] =	vst v63  }
0x8d: {  	_ = 	snop  }
0x8e: {  	[tilespmem:s20], [sflag:$0x2] =	stream.indirect.gather [hbm4b:s2+s19], $0x80, s19, s19, $0xb8;
	[tilespmem:$0x1F040] =	vst v63  }
0x8f: {  	_ =	swait.ge [sflag:s15], $0x2800  }
0x90: {  	[sflag:s15] =	ssyncset.done $0x0  }
0x91: {  	s5 =	simm.s32 $0x2780;
	[sflag:s15] =	ssyncadd.s32 $0xFFFFD800  }
0x92: {  	[spmem:s18] =	stream.indirect.scatter.add.f32 [tilespmem:s16], [sflag:$0x3], $0x80, s5, s19, $0xb8;
	[tilespmem:$0x1F040] =	vst v63  }
0x93: {  	_ =	swait.ge [sflag:s17], $0x2800  }
0x94: {  	[sflag:s17] =	ssyncset.done $0x0  }
0x95: {  	s6 =	simm.s32 $0xA0;
	[sflag:s17] =	ssyncadd.s32 $0xFFFFD800  }
0x96: {  	[tilespmem:s16], [sflag:$0x1] =	stream.indirect.gather [hbm4b:s2+s19], $0x80, s6, s19, $0xb8;
	[tilespmem:$0x1F040] =	vst v63  }
0x97: {  	_ =	swait.ge [sflag:s0], $0x2800  }
0x98: {  	[sflag:s0] =	ssyncset.done $0x0  }
0x99: {  	s7 =	simm.s32 $0x2800;
	[sflag:s0] =	ssyncadd.s32 $0xFFFFD800  }
0x9a: {  	[spmem:s18] =	stream.indirect.scatter.add.f32 [tilespmem:s20], [sflag:$0x3], $0x80, s7, s19, $0xb8;
	[tilespmem:$0x1F040] =	vst v63  }
0x9b: {  	_ =	swait.ge [sflag:s17], $0x2800  }
0x9c: {  	s4 =	simm.s32 $0x400;
	[sflag:s17] =	ssyncset.done $0x0  }
0x9d: {  	s3 =	simm.s32 $0xF0;
	s5 =	simm.s32 $0x190;
	[sflag:s17] =	ssyncadd.s32 $0xFFFFD800  }
.LBB2_4:
0x9e: {  	[tilespmem:s20], [sflag:$0x2] =	stream.indirect.gather [hbm4b:s2+s19], $0x80, s3, s19, $0xb8;
	[tilespmem:$0x1F040] =	vst v63  }
0x9f: {  	s6 =	smov.u32 s4;
	s3 =	smov.u32 s5  }
0xa0: {  	p1 =	sne.s32 s4, $0xF000;
	s4 =	sadd.s32 $0x400, s4;
	_ =	swait.ge [sflag:s15], $0x2800  }
0xa1: {  	s6 =	sshra.s32 s6, $0x2;
	[sflag:s15] =	ssyncset.done $0x0  }
0xa2: {  	s7 =	sadd.s32 $0x2780, s6;
	[sflag:s15] =	ssyncadd.s32 $0xFFFFD800  }
0xa3: {  	[spmem:s18] =	stream.indirect.scatter.add.f32 [tilespmem:s16], [sflag:$0x3], $0x80, s7, s19, $0xb8;
	[tilespmem:$0x1F040] =	vst v63  }
0xa4: {  	_ =	swait.ge [sflag:s17], $0x2800  }
0xa5: {  	[sflag:s17] =	ssyncset.done $0x0  }
0xa6: {  	s7 =	sadd.s32 $0xFFFFFFB0, s5;
	[sflag:s17] =	ssyncadd.s32 $0xFFFFD800  }
0xa7: {  	[tilespmem:s16], [sflag:$0x1] =	stream.indirect.gather [hbm4b:s2+s19], $0x80, s7, s19, $0xb8;
	[tilespmem:$0x1F040] =	vst v63  }
0xa8: {  	_ =	swait.ge [sflag:s0], $0x2800  }
0xa9: {  	[sflag:s0] =	ssyncset.done $0x0  }
.Ltmp1:
0xaa: {  	s6 =	sadd.s32 $0x2800, s6;
	[sflag:s0] =	ssyncadd.s32 $0xFFFFD800;
	(pc) =	sbr.rel @p1 .LBB2_4-.Ltmp1, $4  }
0xab: {  	[spmem:s18] =	stream.indirect.scatter.add.f32 [tilespmem:s20], [sflag:$0x3], $0x80, s6, s19, $0xb8;
	[tilespmem:$0x1F040] =	vst v63  }
0xac: {  	_ =	swait.ge [sflag:s17], $0x2800  }
0xad: {  	[sflag:s17] =	ssyncset.done $0x0  }
0xae: {  	s5 =	sadd.s32 $0xA0, s5;
	[sflag:s17] =	ssyncadd.s32 $0xFFFFD800  }
0xaf: {  	[tilespmem:s20], [sflag:$0x2] =	stream.indirect.gather [hbm4b:s2+s19], $0x80, s3, s19, $0xb8;
	[tilespmem:$0x1F040] =	vst v63  }
0xb0: {  	_ =	swait.ge [sflag:s15], $0x2800  }
0xb1: {  	[sflag:s15] =	ssyncset.done $0x0  }
0xb2: {  	s5 =	simm.s32 $0x6480;
	[sflag:s15] =	ssyncadd.s32 $0xFFFFD800  }
0xb3: {  	[spmem:s18] =	stream.indirect.scatter.add.f32 [tilespmem:s16], [sflag:$0x3], $0x80, s5, s19, $0xb8;
	[tilespmem:$0x1F040] =	vst v63  }
0xb4: {  	_ =	swait.ge [sflag:s17], $0x2800  }
0xb5: {  	[sflag:s17] =	ssyncset.done $0x0  }
0xb6: {  	s6 =	simm.s32 $0x26C0;
	[sflag:s17] =	ssyncadd.s32 $0xFFFFD800  }
0xb7: {  	[tilespmem:s16], [sflag:$0x1] =	stream.indirect.gather [hbm4b:s2+s19], $0x80, s6, s19, $0xb8;
	[tilespmem:$0x1F040] =	vst v63  }
0xb8: {  	_ =	swait.ge [sflag:s0], $0x2800  }
0xb9: {  	[sflag:s0] =	ssyncset.done $0x0  }
0xba: {  	s7 =	simm.s32 $0x6500;
	[sflag:s0] =	ssyncadd.s32 $0xFFFFD800  }
0xbb: {  	[spmem:s18] =	stream.indirect.scatter.add.f32 [tilespmem:s20], [sflag:$0x3], $0x80, s7, s19, $0xb8;
	[tilespmem:$0x1F040] =	vst v63  }
0xbc: {  	_ =	swait.ge [sflag:s17], $0x2800  }
0xbd: {  	[sflag:s17] =	ssyncset.done $0x0  }
0xbe: {  	[sflag:s17] =	ssyncadd.s32 $0xFFFFD800  }
0xbf: {  	_ =	swait.ge [sflag:s15], $0x2800  }
0xc0: {  	[sflag:s15] =	ssyncset.done $0x0  }
0xc1: {  	s4 =	simm.s32 $0x6580;
	[sflag:s15] =	ssyncadd.s32 $0xFFFFD800  }
0xc2: {  	[spmem:s18] =	stream.indirect.scatter.add.f32 [tilespmem:s16], [sflag:$0x3], $0x80, s4, s19, $0xb8;
	[tilespmem:$0x1F040] =	vst v63  }
0xc3: {  	_ =	swait.ge [sflag:s17], $0x2800  }
0xc4: {  	[sflag:s17] =	ssyncset.done $0x0  }
0xc5: {  	s5 =	stileid.u32;
	[sflag:s17] =	ssyncadd.s32 $0xFFFFD800  }
0xc6: {  	s3 =	sshll.u32 s5, $0x6;
	[bflag:$0x0] =	sbarrier.arrive $0xFFFF  }
0xc7: {  	s3 =	sor.u32 $0x1C03, s3;
	s4 =	sshrl.u32 s21, $0x3;
	s5 =	rddreg [dreg:$0x4]  }
0xc8: {  	[hbm:s5], [sflag:s3] =	dma.local [spmem:s4], $0x280  }
0xc9: {  	_ =	swait.ge [sflag:s17], $0x280  }
0xca: {  	[sflag:s17] =	ssyncset.done $0x0  }
0xcb: {  	s6 =	sshrl.u32 s22, $0x3;
	s7 =	rddreg [dreg:$0x5];
	[sflag:s17] =	ssyncadd.s32 $0xFFFFFD80  }
0xcc: {  	[hbm:s7], [sflag:s3] =	dma.local [spmem:s6], $0x280  }
0xcd: {  	_ =	swait.ge [sflag:s17], $0x280  }
0xce: {  	[sflag:s17] =	ssyncset.done $0x0  }
0xcf: {  	s6 =	sshrl.u32 s23, $0x3;
	s7 =	rddreg [dreg:$0x6];
	[sflag:s17] =	ssyncadd.s32 $0xFFFFFD80  }
0xd0: {  	[hbm:s7], [sflag:s3] =	dma.local [spmem:s6], $0x280  }
0xd1: {  	_ =	swait.ge [sflag:s17], $0x280  }
0xd2: {  	[sflag:s17] =	ssyncset.done $0x0  }
0xd3: {  	s6 =	sshrl.u32 s24, $0x3;
	s7 =	rddreg [dreg:$0x7];
	[sflag:s17] =	ssyncadd.s32 $0xFFFFFD80  }
0xd4: {  	[hbm:s7], [sflag:s3] =	dma.local [spmem:s6], $0x280  }
0xd5: {  	_ =	swait.ge [sflag:s17], $0x280  }
0xd6: {  	[sflag:s17] =	ssyncset.done $0x0  }
0xd7: {  	s6 =	sshrl.u32 s25, $0x3;
	s7 =	rddreg [dreg:$0x8];
	[sflag:s17] =	ssyncadd.s32 $0xFFFFFD80  }
0xd8: {  	[hbm:s7], [sflag:s3] =	dma.local [spmem:s6], $0x280  }
0xd9: {  	_ =	swait.ge [sflag:s17], $0x280  }
0xda: {  	[sflag:s17] =	ssyncset.done $0x0  }
0xdb: {  	s6 =	sshrl.u32 s26, $0x3;
	s7 =	rddreg [dreg:$0x9];
	[sflag:s17] =	ssyncadd.s32 $0xFFFFFD80  }
0xdc: {  	[hbm:s7], [sflag:s3] =	dma.local [spmem:s6], $0x280  }
0xdd: {  	_ =	swait.ge [sflag:s17], $0x280  }
0xde: {  	[sflag:s17] =	ssyncset.done $0x0  }
0xdf: {  	s6 =	sshrl.u32 s28, $0x3;
	s7 =	rddreg [dreg:$0xa];
	[sflag:s17] =	ssyncadd.s32 $0xFFFFFD80  }
0xe0: {  	[hbm:s7], [sflag:s3] =	dma.local [spmem:s6], $0x280  }
0xe1: {  	_ =	swait.ge [sflag:s17], $0x280  }
0xe2: {  	[sflag:s17] =	ssyncset.done $0x0  }
0xe3: {  	s6 =	sshrl.u32 s29, $0x3;
	s7 =	rddreg [dreg:$0xb];
	[sflag:s17] =	ssyncadd.s32 $0xFFFFFD80  }
0xe4: {  	[hbm:s7], [sflag:s3] =	dma.local [spmem:s6], $0x280  }
0xe5: {  	_ =	swait.ge [sflag:s17], $0x280  }
0xe6: {  	[sflag:s17] =	ssyncset.done $0x0  }
0xe7: {  	s6 =	sshrl.u32 s30, $0x3;
	s7 =	rddreg [dreg:$0xc];
	[sflag:s17] =	ssyncadd.s32 $0xFFFFFD80  }
0xe8: {  	[hbm:s7], [sflag:s3] =	dma.local [spmem:s6], $0x280  }
0xe9: {  	_ =	swait.ge [sflag:s17], $0x280  }
0xea: {  	[sflag:s17] =	ssyncset.done $0x0  }
0xeb: {  	s5 =	sshrl.u32 s31, $0x3;
	s6 =	rddreg [dreg:$0xd];
	[sflag:s17] =	ssyncadd.s32 $0xFFFFFD80  }
0xec: {  	[hbm:s6], [sflag:s3] =	dma.local [spmem:s5], $0x280  }
0xed: {  	_ =	swait.ge [sflag:s17], $0x280  }
0xee: {  	[sflag:s17] =	ssyncset.done $0x0;
	s4 =	rddreg [dreg:$0xe]  }
0xef: {  	s5 =	rddreg [dreg:$0x17];
	[sflag:s17] =	ssyncadd.s32 $0xFFFFFD80  }
0xf0: {  	[hbm:s4], [sflag:s3] =	dma.local @!p0 [spmem:s5], $0x280  }
0xf1: {  	s4 =	simm.s32 @!p0 $0x3  }
0xf2: {  	_ =	swait.ge @!p0 [sflag:s4], $0x280  }
0xf3: {  	[sflag:s4] =	ssyncset.done @!p0 $0x0;
	s5 =	rddreg [dreg:$0xf]  }
0xf4: {  	s6 =	rddreg [dreg:$0x18];
	[sflag:s4] =	ssyncadd.s32 @!p0 $0xFFFFFD80  }
0xf5: {  	[hbm:s5], [sflag:s3] =	dma.local @!p0 [spmem:s6], $0x280  }
0xf6: {  	_ =	swait.ge @!p0 [sflag:s4], $0x280  }
0xf7: {  	[sflag:s4] =	ssyncset.done @!p0 $0x0;
	s5 =	rddreg [dreg:$0x10]  }
0xf8: {  	s6 =	rddreg [dreg:$0x19];
	[sflag:s4] =	ssyncadd.s32 @!p0 $0xFFFFFD80  }
0xf9: {  	[hbm:s5], [sflag:s3] =	dma.local @!p0 [spmem:s6], $0x280  }
0xfa: {  	_ =	swait.ge @!p0 [sflag:s4], $0x280  }
0xfb: {  	[sflag:s4] =	ssyncset.done @!p0 $0x0;
	s5 =	rddreg [dreg:$0x11]  }
0xfc: {  	s6 =	rddreg [dreg:$0x1a];
	[sflag:s4] =	ssyncadd.s32 @!p0 $0xFFFFFD80  }
0xfd: {  	[hbm:s5], [sflag:s3] =	dma.local @!p0 [spmem:s6], $0x280  }
0xfe: {  	_ =	swait.ge @!p0 [sflag:s4], $0x280  }
0xff: {  	[sflag:s4] =	ssyncset.done @!p0 $0x0;
	s5 =	rddreg [dreg:$0x12]  }
0x100: {  	s6 =	rddreg [dreg:$0x1b];
	[sflag:s4] =	ssyncadd.s32 @!p0 $0xFFFFFD80  }
0x101: {  	[hbm:s5], [sflag:s3] =	dma.local @!p0 [spmem:s6], $0x280  }
0x102: {  	_ =	swait.ge @!p0 [sflag:s4], $0x280  }
0x103: {  	[sflag:s4] =	ssyncset.done @!p0 $0x0  }
0x104: {  	s5 =	rddreg [dreg:$0x13];
	[sflag:s4] =	ssyncadd.s32 @!p0 $0xFFFFFD80  }
0x105: {  	[hbm:s5], [sflag:s3] =	dma.local @!p0 [spmem:s8], $0x280  }
0x106: {  	_ =	swait.ge @!p0 [sflag:s4], $0x280  }
0x107: {  	s1 =	sadd.s32 $0x1, s1;
	s7 =	rddreg [dreg:$0x16]  }
0x108: {  	p1 =	sne.s32 s1, s7  }
.Ltmp2:
0x109: {  	_ = 	snop;
	(pc) =	sbr.rel @p1 .LBB2_1-.Ltmp2, $3  }
0x10a: {  	_ =	sdelay $0x1  }
0x10b: {  	[sflag:s4] =	ssyncset.done @!p0 $0x0  }
0x10c: {  	[sflag:s4] =	ssyncadd.s32 @!p0 $0xFFFFFD80  }
0x10d: {  	_ =	sfence.sel $0x180000  }
0x10e: {  	[bflag:$0x0] =	sbarrier.arrive $0xFFFF  }
0x10f: {  	_ =	strace $0x9000004D  }
0x110: {  	s0 =	stileid.u32;
	[bflag:$0x2] =	sbarrier.arrive $0xFFFF  }
0x111: {  	p0 =	sne.s32 s0, $0x0;
	s0 =	rddreg [dreg:$0x3]  }
0x112: {  	s0 =	sadd.s32 @!p0 $0x100000, s0  }
0x113: {  	[sflag:s0] =	ssyncadd.tile.s32 @!p0 $0x1;
	_ =	shalt  }
.Lfunc_end2:
_tile_overlayer_lowered:
.L_overlay_start_2:
0x114: {  	(tag) =	ssettag $0x2  }
0x115: {  	s0 =	rddreg [dreg:$0x0];
	s2 =	stileid.u32  }
0x116: {  	s1 =	rddreg [dreg:$0x1];
	p0 =	sne.s32 s2, $0x0  }
0x117: {  	s3 =	rddreg [dreg:$0x2];
	[bflag:$0x3] =	sbarrier.arrive $0xFFFF;
	s2 =	simm.s32 @!p0 $0x1C03  }
0x118: {  	[timem:s3], [sflag:s2] =	dma.local @!p0 [hbm:s0], s1  }
0x119: {  	s0 =	simm.s32 @!p0 $0x3  }
0x11a: {  	_ =	swait.ge @!p0 [sflag:s0], s1  }
0x11b: {  	s1 =	ssub.s32 @!p0 $0x0, s1;
	[sflag:s0] =	ssyncset.done @!p0 $0x0  }
0x11c: {  	[sflag:s0] =	ssyncadd.s32 @!p0 s1  }
0x11d: {  	[bflag:$0x3] =	sbarrier.arrive $0xFFFF  }
0x11e: {  	_ =	shalt  }

// kernel: kernel.9.cloned.1.call-start
scs
__scs_entry_jumppad:
0x0: {  	(pc) =	sbr.rel $0x88, $3  }
0x1: {  	(tag) =	ssettag $0x0;
	lr =	simm.s32 $0x1  }
0x2: {  	[smem:$0x3F99] =	sst lr;
	_ =	strace $0xD0000000  }
0x3: {  	_ = 	snop  }
0x4: {  	_ = 	snop  }
0x5: {  	_ = 	snop  }
0x6: {  	_ = 	snop  }
0x7: {  	_ = 	snop  }
__scs_overlays_trampoline_lowered:
0x8: {  	[smem:$0x3FA8] =	sst s0  }
0x9: {  	[smem:$0x3FA9] =	sst s1  }
0xa: {  	[smem:$0x3FAA] =	sst s2  }
0xb: {  	[smem:$0x3FAB] =	sst s3  }
0xc: {  	[smem:$0x3FAC] =	sst s4  }
0xd: {  	[smem:$0x3FAD] =	sst s5  }
0xe: {  	[smem:$0x3FAE] =	sst s6  }
0xf: {  	[smem:$0x3FAF] =	sst s7  }
0x10: {  	[smem:$0x3FB0] =	sst s8  }
0x11: {  	[smem:$0x3FB1] =	sst s9;
	s0 =	simm.s32 @!p0 $0x0  }
0x12: {  	s1 =	sld [smem:$0x3F97];
	s0 =	simm.s32 @p0 $0x1  }
0x13: {  	[smem:$0x3FB2] =	sst s0;
	s0 =	simm.s32 @!p1 $0x0  }
0x14: {  	s2 =	sld [smem:$0x3F96];
	s0 =	simm.s32 @p1 $0x1  }
0x15: {  	[smem:$0x3FB3] =	sst s0;
	s0 =	simm.s32 @!p2 $0x0  }
0x16: {  	s3 =	sld [smem:$0x3FDB];
	s0 =	simm.s32 @p2 $0x1  }
0x17: {  	s4 =	simm.s32 $0x1BF5;
	[smem:$0x3FB5] =	sst s0  }
0x18: {  	s0 =	sld [smem:$0x3F98];
	_ =	swait.ge [sflag:s4], $0x0  }
0x19: {  	s7 =	sld [smem:$0x3F99]  }
0x1a: {  	s8 =	sadd.s32 $0xFFFFE003, lr  }
0x1b: {  	s9 =	sadd.s32 $0xFFFFFEF7, lr;
	s5 =	simm.s32 $0xFFFFFFFF;
	p2 =	slt.u32 s8, $0xFFFFF086  }
0x1c: {  	p1 =	slt.u32 s9, $0xF7A;
	s5 =	simm.s32 @!p2 $0x0  }
0x1d: {  	s5 =	simm.s32 @p1 $0x1;
	p0 =	seq.s32 s7, s2  }
0x1e: {  	s7 =	smul.u32 @!p0 $0xF7A, s2;
	p2 =	seq.s32 @!p0 s5, $0x0  }
0x1f: {  	s9 =	smul.u32 $0xF7A, s1;
	s8 =	simm.s32 @!p0 $0x1BF5;
	p2 =	por !p2, p0  }
0x20: {  	[sflag:s8] =	ssyncset.s32 @!p0 $0xFFFFF086;
	s6 =	sadd.s32 @!p0 s3, s7;
	s7 =	simm.s32 @!p0 $0x108  }
0x21: {  	s3 =	sadd.s32 s3, s9;
	s6 =	sadd.s32 @!p0 $0x88, s6;
	s7 =	simm.s32 @p2 $0x1082  }
0x22: {  	[simem:s7], [sflag:s8] =	dma.local @!p0 [hbm:s6], $0xF7A  }
0x23: {  	s9 =	sor.u32 $0xD0000000, s2;
	s6 =	simm.s32 $0x108;
	_ =	swait.ge @!p0 [sflag:s8], $0x0  }
0x24: {  	s3 =	sadd.s32 $0x88, s3;
	s6 =	simm.s32 @!p1 $0x1082;
	[sflag:s4] =	ssyncset.s32 $0xFFFFF086  }
0x25: {  	[simem:s6], [sflag:s4] =	dma.local [hbm:s3], $0xF7A  }
0x26: {  	[smem:$0x3F99] =	sst s1;
	(tag) =	ssettag s2;
	_ =	strace s9  }
0x27: {  	s1 =	sld [smem:$0x3FA9]  }
0x28: {  	s2 =	sld [smem:$0x3FAA]  }
0x29: {  	s4 =	sld [smem:$0x3FAC]  }
0x2a: {  	p0 =	seq.s32 s5, $0x0;
	s5 =	sld [smem:$0x3FAD]  }
0x2b: {  	s6 =	sld [smem:$0x3FAE]  }
0x2c: {  	s7 =	sld [smem:$0x3FAF]  }
0x2d: {  	s3 =	simm.s32 $0x108;
	s8 =	sld [smem:$0x3FB0]  }
0x2e: {  	s3 =	simm.s32 @!p0 $0x1082;
	s9 =	sld [smem:$0x3FB1]  }
0x2f: {  	lr =	sadd.s32 s0, s3;
	s0 =	sld [smem:$0x3FA8]  }
0x30: {  	s3 =	sld [smem:$0x3FAB]  }
0x31: {  	[smem:$0x3FB4] =	sst s10  }
0x32: {  	s10 =	sld [smem:$0x3FB2];
	_ =	sdelay $0x3  }
0x33: {  	p0 =	seq.s32 s10, $0x1;
	s10 =	sld [smem:$0x3FB4];
	_ =	sdelay $0x3  }
0x34: {  	[smem:$0x3FB4] =	sst s10  }
0x35: {  	s10 =	sld [smem:$0x3FB3];
	_ =	sdelay $0x3  }
0x36: {  	p1 =	seq.s32 s10, $0x1;
	s10 =	sld [smem:$0x3FB4];
	_ =	sdelay $0x3  }
0x37: {  	[smem:$0x3FB4] =	sst s10  }
0x38: {  	s10 =	sld [smem:$0x3FB5]  }
0x39: {  	_ = 	snop;
	(pc) =	sbr.ind lr, $3  }
0x3a: {  	_ = 	snop  }
0x3b: {  	_ = 	snop  }
0x3c: {  	p2 =	seq.s32 s10, $0x1;
	s10 =	sld [smem:$0x3FB4]  }
0x3d: {  	_ =	shalt  }
0x3e: {  	_ =	shalt  }
0x3f: {  	_ =	shalt  }
0x40: {  	_ =	shalt  }
0x41: {  	_ =	shalt  }
0x42: {  	_ =	shalt  }
0x43: {  	_ =	shalt  }
0x44: {  	_ =	shalt  }
0x45: {  	_ =	shalt  }
0x46: {  	_ =	shalt  }
0x47: {  	_ =	shalt  }
0x48: {  	_ =	shalt  }
0x49: {  	_ =	shalt  }
0x4a: {  	_ =	shalt  }
0x4b: {  	_ =	shalt  }
0x4c: {  	_ =	shalt  }
0x4d: {  	_ =	shalt  }
0x4e: {  	_ =	shalt  }
0x4f: {  	_ =	shalt  }
0x50: {  	_ =	shalt  }
0x51: {  	_ =	shalt  }
0x52: {  	_ =	shalt  }
0x53: {  	_ =	shalt  }
0x54: {  	_ =	shalt  }
0x55: {  	_ =	shalt  }
0x56: {  	_ =	shalt  }
0x57: {  	_ =	shalt  }
0x58: {  	_ =	shalt  }
0x59: {  	_ =	shalt  }
0x5a: {  	_ =	shalt  }
0x5b: {  	_ =	shalt  }
0x5c: {  	_ =	shalt  }
0x5d: {  	_ =	shalt  }
0x5e: {  	_ =	shalt  }
0x5f: {  	_ =	shalt  }
0x60: {  	_ =	shalt  }
0x61: {  	_ =	shalt  }
0x62: {  	_ =	shalt  }
0x63: {  	_ =	shalt  }
0x64: {  	_ =	shalt  }
0x65: {  	_ =	shalt  }
0x66: {  	_ =	shalt  }
0x67: {  	_ =	shalt  }
0x68: {  	_ =	shalt  }
0x69: {  	_ =	shalt  }
0x6a: {  	_ =	shalt  }
0x6b: {  	_ =	shalt  }
0x6c: {  	_ =	shalt  }
0x6d: {  	_ =	shalt  }
0x6e: {  	_ =	shalt  }
0x6f: {  	_ =	shalt  }
0x70: {  	_ =	shalt  }
0x71: {  	_ =	shalt  }
0x72: {  	_ =	shalt  }
0x73: {  	_ =	shalt  }
0x74: {  	_ =	shalt  }
0x75: {  	_ =	shalt  }
0x76: {  	_ =	shalt  }
0x77: {  	_ =	shalt  }
0x78: {  	_ =	shalt  }
0x79: {  	_ =	shalt  }
0x7a: {  	_ =	shalt  }
0x7b: {  	_ =	shalt  }
0x7c: {  	_ =	shalt  }
0x7d: {  	_ =	shalt  }
0x7e: {  	_ =	shalt  }
0x7f: {  	_ =	shalt  }
0x80: {  	_ =	shalt  }
0x81: {  	_ =	shalt  }
0x82: {  	_ =	shalt  }
0x83: {  	_ =	shalt  }
0x84: {  	_ =	shalt  }
0x85: {  	_ =	shalt  }
0x86: {  	_ =	shalt  }
0x87: {  	_ =	shalt  }
.Lfunc_end0:
.L_simem_size_0:
called_computation_lowered:
.L_overlay_start_0:
0x88: {  	s2 =	sld [smem:$0x3FD9]  }
0x89: {  	s3 =	sld [smem:$0x3FFE];
	_ =	sdelay $0x1  }
0x8a: {  	s1 =	srdreg.scid  }
0x8b: {  	s0 =	sand.u32 $0x1, s1  }
0x8c: {  	s16 =	sshll.u32 s0, $0xA;
	s2 =	sadd.s32 s3, s2  }
0x8d: {  	s2 =	sadd.s32 s2, s16  }
0x8e: {  	[smem:$0x3FC0] =	sst s2  }
0x8f: {  	_ = 	snop  }
0x90: {  	(tm) =	ssettm $0x1  }
0x91: {  	s17 =	sld [smem:$0x3FFB];
	_ =	sdelay $0x3  }
0x92: {  	_ =	strace s17  }
0x93: {  	s2 =	sld [smem:$0x3FFC];
	_ =	sdelay $0x3  }
0x94: {  	_ =	strace s2  }
0x95: {  	s2 =	sld [smem:$0x3FFD];
	_ =	sdelay $0x3  }
0x96: {  	_ =	strace s2  }
0x97: {  	_ =	strace $0x8FFFFFFF  }
0x98: {  	s18 =	sld [smem:$0x3FDB];
	_ =	sdelay $0x1  }
0x99: {  	s19 =	simm.s32 $_scs_section_size  }
0x9a: {  	s4 =	simm.s32 $_size__tile_overlayer_lowered;
	s5 =	simm.s32 $_tile_overlayer_lowered  }
0x9b: {  	s22 =	simm.s32 $0x1BFF;
	s21 =	sshll.u32 s5, $0x1;
	s2 =	sadd.s32 s19, s18  }
0x9c: {  	s6 =	simm.s32 $0x0;
	s20 =	sshll.u32 s4, $0x1;
	s4 =	sadd.s32 s21, s2  }
0x9d: {  	[timem:s6], [sflag:s22] =	dma.local [hbm:s4], s20  }
0x9e: {  	_ =	swait.ge [sflag:s22], s20  }
0x9f: {  	s3 =	ssub.s32 $0x0, s20;
	[sflag:s22] =	ssyncset.done $0x0  }
0xa0: {  	[sflag:s22] =	ssyncadd.s32 s3;
	_ =	sdelay $0x1  }
0xa1: {  	s23 =	simm.s32 $0x1B8B  }
0xa2: {  	_ =	swait.ge [sflag:s23], $0x1  }
0xa3: {  	[sflag:s23] =	ssyncset.done $0x0  }
0xa4: {  	s25 =	simm.s32 $0x1B8E;
	s24 =	sld [smem:$0x3FFE];
	[sflag:s23] =	ssyncadd.s32 $0xFFFFFFFF  }
0xa5: {  	s26 =	simm.s32 $execute0_lowered;
	[smem:$0x3FD2] =	sst s25  }
0xa6: {  	s4 =	sshll.u32 s26, $0x1;
	_ =	strace $0x80000046;
	[dreg:$0x1] =	wrdreg $0xFFFFFFFF  }
0xa7: {  	s28 =	simm.s32 $_size_execute0_lowered;
	s2 =	sadd.s32 s2, s4;
	[dreg:$0x0] =	wrdreg $0x0  }
0xa8: {  	s4 =	sshll.u32 s28, $0x1;
	[dreg:$0x2] =	wrdreg s2  }
0xa9: {  	[dreg:$0x3] =	wrdreg s4  }
0xaa: {  	[dreg:$0x4] =	wrdreg $0xC0  }
0xab: {  	_ =	task [dreg:s6], $0x5FFFF  }
0xac: {  	[dreg:$0x1] =	wrdreg $0xFFFFFFFF  }
0xad: {  	[dreg:$0x0] =	wrdreg $0x60  }
0xae: {  	[dreg:$0x2] =	wrdreg s24  }
0xaf: {  	[dreg:$0x3] =	wrdreg $0x7C000  }
0xb0: {  	[dreg:$0x4] =	wrdreg $0x9  }
0xb1: {  	_ =	task.clear_ibuf [dreg:s6], $0x5FFFF;
	_ =	strace $0x90000046  }
0xb2: {  	s29 =	simm.s32 $0x9;
	_ =	strace $0x80000048  }
0xb3: {  	_ =	swait.ge [sflag:s29], $0x1  }
0xb4: {  	[sflag:s29] =	ssyncadd.s32 $0xFFFFFFFF  }
0xb5: {  	_ =	strace $0x90000048  }
0xb6: {  	_ =	sfence  }
0xb7: {  	s30 =	sld [smem:$0x0];
	_ =	sdelay $0x2  }
0xb8: {  	s31 =	sshll.u32 s1, $0xD;
	s1 =	sshrl.u32 s1, $0x2  }
0xb9: {  	s3 =	sand.u32 $0x4000, s31;
	s1 =	sadd.s32 s1, s30  }
0xba: {  	s0 =	sor.u32 s3, s0;
	s1 =	sshll.u32 s1, $0x11  }
0xbb: {  	s0 =	sor.u32 s1, s0  }
0xbc: {  	s0 =	sadd.s32 $0x8F2B, s0  }
0xbd: {  	[sflag:s0] =	ssyncadd.remote.s32 $0x1  }
0xbe: {  	_ =	sfence.sel $0xFFFF  }
0xbf: {  	[dreg:$0x0] =	wrdreg $0xFFFFFFFF;
	(pc) =	sbr.abs _section_cstart, $3  }
0xc0: {  	[dreg:$0x1] =	wrdreg $0xFFFFFFFF  }
0xc1: {  	_ =	task.clear_ibuf [dreg:s6], $0x2FFFF;
	_ =	strace $0x9FFFFFFF  }
0xc2: {  	(tm) =	ssettm $0x7FFFFFFF  }
0xc3: {  	_ =	shalt  }
tec
execute0_lowered:
.L_overlay_start_1:
0x0: {  	(tag) =	ssettag $0x1  }
0x1: {  	s21 =	stileid.u32  }
0x2: {  	s0 =	srdreg.scid;
	s6 =	smul.u32 $0x280, s21  }
0x3: {  	s0 =	sand.u32 $0x1, s0;
	s17 =	smul.u32 $0x2800, s21  }
0x4: {  	s2 =	rddreg [dreg:$0x0];
	s1 =	simm.s32 $0x0;
	s4 =	smul.u32 $0x27100, s0  }
0x5: {  	[smem:$0x7FF] =	sst s1;
	s19 =	smul.u32 $0x3E, s0  }
0x6: {  	s3 =	sshll.u32 s21, $0xB;
	p0 =	seq.s32 s21, $0xF;
	s20 =	smul.u32 $0xFFFFFFC3, s0  }
0x7: {  	s5 =	ssub.s32 $0x2, s0;
	s3 =	sadd.s32 s3, s2;
	s0 =	smul.u32 $0x7C00, s0  }
0x8: {  	[dreg:$0x1a] =	wrdreg s3;
	s18 =	sshrl.u32 s5, $0x1;
	s10 =	sor.u32 $0x28, s6  }
0x9: {  	s11 =	sor.u32 $0x50, s6;
	s12 =	sor.u32 $0x78, s6;
	s13 =	sadd.s32 $0xA0, s6  }
0xa: {  	s14 =	sadd.s32 $0xC8, s6;
	s15 =	sadd.s32 $0xF0, s6;
	s16 =	sadd.s32 $0x118, s6  }
0xb: {  	s7 =	sadd.s32 $0x140, s6;
	s8 =	sadd.s32 $0x168, s6;
	s31 =	sadd.s32 $0x190, s6  }
0xc: {  	s3 =	sadd.s32 $0x1E0, s6;
	s9 =	sadd.s32 s4, s2;
	s2 =	ssub.s32 s5, s18  }
0xd: {  	s22 =	sadd.s32 s20, s19;
	s18 =	sshll.u32 s10, $0x4;
	s19 =	sshll.u32 s11, $0x4  }
0xe: {  	s20 =	sshll.u32 s12, $0x4;
	s4 =	sadd.s32 $0x208, s6;
	s5 =	sadd.s32 $0x230, s6  }
0xf: {  	s26 =	sshll.u32 s13, $0x4;
	[dreg:$0x19] =	wrdreg s2;
	s9 =	sadd.s32 $0x12E00, s9  }
0x10: {  	[dreg:$0x1b] =	wrdreg s22;
	s2 =	sadd.s32 $0x1B8, s6;
	s17 =	sadd.s32 s17, s9  }
0x11: {  	s6 =	sadd.s32 $0x258, s6;
	s23 =	sadd.s32 s18, s9;
	[dreg:$0x3] =	wrdreg s17  }
0x12: {  	s22 =	sshll.u32 s16, $0x4;
	s24 =	sadd.s32 s19, s9;
	[dreg:$0x4] =	wrdreg s23  }
0x13: {  	s25 =	sadd.s32 s20, s9;
	s18 =	sshll.u32 s14, $0x4;
	[dreg:$0x5] =	wrdreg s24  }
0x14: {  	s19 =	sshll.u32 s15, $0x4;
	[dreg:$0x6] =	wrdreg s25;
	s17 =	sadd.s32 s26, s9  }
0x15: {  	s20 =	sadd.s32 s19, s9;
	s23 =	sshll.u32 s7, $0x4;
	s24 =	sshll.u32 s8, $0x4  }
0x16: {  	s26 =	smul.u32 $0x50000, s21;
	s19 =	sshll.u32 s6, $0x4;
	s21 =	sshll.u32 s10, $0x7  }
0x17: {  	s7 =	sshll.u32 s7, $0x7;
	s8 =	sshll.u32 s8, $0x7;
	[dreg:$0x7] =	wrdreg s17  }
0x18: {  	s17 =	sadd.s32 s18, s9;
	[dreg:$0x9] =	wrdreg s20;
	s25 =	sadd.s32 s24, s9  }
0x19: {  	s18 =	sshll.u32 s3, $0x4;
	s24 =	sshll.u32 s13, $0x7;
	[dreg:$0x8] =	wrdreg s17  }
0x1a: {  	s3 =	sshll.u32 s3, $0x7;
	s17 =	sadd.s32 s22, s9;
	[dreg:$0xc] =	wrdreg s25  }
0x1b: {  	s20 =	sshrl.u32 s26, $0x2;
	[dreg:$0xa] =	wrdreg s17;
	s17 =	sadd.s32 s23, s9  }
0x1c: {  	s22 =	sshll.u32 s11, $0x7;
	[dreg:$0xb] =	wrdreg s17;
	s17 =	sshll.u32 s31, $0x4  }
0x1d: {  	s25 =	sshll.u32 s14, $0x7;
	s26 =	sshll.u32 s15, $0x7;
	s17 =	sadd.s32 @!p0 s17, s9  }
0x1e: {  	s11 =	sshll.u32 s16, $0x7;
	[dreg:$0xd] =	wrdreg s17;
	s17 =	sshll.u32 s2, $0x4  }
0x1f: {  	s15 =	sshll.u32 s5, $0x7;
	s23 =	sshll.u32 s12, $0x7;
	s17 =	sadd.s32 @!p0 s17, s9  }
0x20: {  	[dreg:$0xe] =	wrdreg s17;
	s17 =	sadd.s32 @!p0 s18, s9;
	s18 =	sshll.u32 s5, $0x4  }
0x21: {  	s12 =	sshll.u32 s31, $0x7;
	[dreg:$0xf] =	wrdreg s17;
	s18 =	sadd.s32 @!p0 s18, s9  }
0x22: {  	s31 =	simm.s32 $0x4000;
	s17 =	sshll.u32 s4, $0x4;
	[dreg:$0x11] =	wrdreg s18  }
0x23: {  	s2 =	sshll.u32 s2, $0x7;
	s17 =	sadd.s32 @!p0 s17, s9;
	s18 =	rddreg [dreg:$0x1]  }
0x24: {  	s4 =	sshll.u32 s4, $0x7;
	s9 =	sadd.s32 @!p0 s19, s9;
	[dreg:$0x10] =	wrdreg s17  }
0x25: {  	[dreg:$0x12] =	wrdreg s9;
	s20 =	sadd.s32 s20, s18;
	s21 =	sadd.s32 s21, s18  }
0x26: {  	s22 =	sadd.s32 s22, s18;
	s23 =	sadd.s32 s23, s18;
	s24 =	sadd.s32 s24, s18  }
0x27: {  	s25 =	sadd.s32 s25, s18;
	s26 =	sadd.s32 s26, s18;
	s28 =	sadd.s32 s11, s18  }
0x28: {  	s29 =	sadd.s32 s7, s18;
	s30 =	sadd.s32 s8, s18;
	s7 =	sadd.s32 s12, s18  }
0x29: {  	s3 =	sadd.s32 s3, s18;
	s4 =	sadd.s32 s4, s18;
	s17 =	sshll.u32 s6, $0x7  }
0x2a: {  	s9 =	sadd.s32 s15, s18;
	s15 =	simm.s32 $0x6800;
	_ =	strace $0x80000047  }
0x2b: {  	s5 =	sadd.s32 s17, s18;
	s10 =	sadd.s32 $0xDC00, s20;
	s13 =	rddreg [dreg:$0x1a]  }
0x2c: {  	s11 =	sadd.s32 $0xF000, s20;
	s12 =	sadd.s32 $0x10400, s20;
	s14 =	rddreg [dreg:$0x1b]  }
0x2d: {  	s17 =	simm.s32 $0x1;
	s19 =	rddreg [dreg:$0x19];
	s8 =	sadd.s32 $0xAE00, s13  }
0x2e: {  	s16 =	sadd.s32 $0x3E, s14;
	s13 =	sadd.s32 $0x11800, s20;
	s14 =	sadd.s32 $0x12C00, s20  }
0x2f: {  	[dreg:$0x13] =	wrdreg s8;
	s8 =	sadd.s32 s2, s18;
	s2 =	smax.u32 s19, $0x1  }
0x30: {  	[dreg:$0x14] =	wrdreg s2;
	s2 =	sshrl.u32 s0, $0x2;
	s0 =	sshrl.u32 @!p0 s7, $0x3  }
0x31: {  	s19 =	simm.s32 $0x50;
	[dreg:$0x15] =	wrdreg s0;
	s0 =	sshrl.u32 @!p0 s8, $0x3  }
0x32: {  	s7 =	sshrl.u32 @!p0 s9, $0x3;
	[dreg:$0x16] =	wrdreg s0;
	s0 =	sshrl.u32 @!p0 s3, $0x3  }
0x33: {  	s9 =	sadd.s32 $0xC800, s20;
	[dreg:$0x17] =	wrdreg s0;
	s0 =	sshrl.u32 @!p0 s4, $0x3  }
0x34: {  	v0 =	vimm.f32 $0.0e+00;
	v1 =	vimm.f32 $1.000000000e+00;
	s8 =	sshrl.u32 @!p0 s5, $0x3;
	[dreg:$0x18] =	wrdreg s0;
	s0 =	simm.s32 $0x0  }
.LBB2_1:
0x35: {  	s3 =	sand.u32 $0x7E00, s1  }
0x36: {  	s4 =	sand.u32 $0x70, s1;
	s5 =	sshrl.u32 s3, $0x2  }
0x37: {  	s3 =	simm.s32 $0x40;
	s5 =	sor.u32 s4, s5;
	s4 =	simm.s32 $0x0  }
.LBB2_2:
0x38: {  	p1 =	sne.s32 s3, $0x4FC0  }
0x39: {  	[tilespmem:s5+$0x6800] =	vst v0;
	s4 =	sadd.s32 $0x10, s4;
	s5 =	smov.u32 s3;
	s3 =	sadd.s32 $0x40, s3  }
.Ltmp0:
0x3a: {  	(pc) =	sbr.rel @p1 .LBB2_2-.Ltmp0, $4  }
0x3b: {  	_ = 	snop  }
0x3c: {  	s5 =	sand.u32 $0x7E00, s5  }
0x3d: {  	s6 =	sand.u32 $0x70, s4;
	s5 =	sshrl.u32 s5, $0x2  }
0x3e: {  	s5 =	sor.u32 s6, s5  }
0x3f: {  	[tilespmem:s5+$0x6800] =	vst v0  }
0x40: {  	[spmem:s20] =	stream.linear.scatter [tilespmem:s15], [sflag:$0x1], $0x1400, $0x38;
	[tilespmem:$0x1B480] =	vst v63  }
0x41: {  	_ =	swait.ge [sflag:s17], $0x1400  }
0x42: {  	[sflag:s17] =	ssyncset.done $0x0  }
0x43: {  	[sflag:s17] =	ssyncadd.s32 $0xFFFFEC00  }
0x44: {  	[spmem:s21] =	stream.linear.scatter [tilespmem:s15], [sflag:$0x1], $0x1400, $0x38;
	[tilespmem:$0x1B480] =	vst v63  }
0x45: {  	_ =	swait.ge [sflag:s17], $0x1400  }
0x46: {  	[sflag:s17] =	ssyncset.done $0x0  }
0x47: {  	[sflag:s17] =	ssyncadd.s32 $0xFFFFEC00  }
0x48: {  	[spmem:s22] =	stream.linear.scatter [tilespmem:s15], [sflag:$0x1], $0x1400, $0x38;
	[tilespmem:$0x1B480] =	vst v63  }
0x49: {  	_ =	swait.ge [sflag:s17], $0x1400  }
0x4a: {  	[sflag:s17] =	ssyncset.done $0x0  }
0x4b: {  	[sflag:s17] =	ssyncadd.s32 $0xFFFFEC00  }
0x4c: {  	[spmem:s23] =	stream.linear.scatter [tilespmem:s15], [sflag:$0x1], $0x1400, $0x38;
	[tilespmem:$0x1B480] =	vst v63  }
0x4d: {  	_ =	swait.ge [sflag:s17], $0x1400  }
0x4e: {  	[sflag:s17] =	ssyncset.done $0x0  }
0x4f: {  	[sflag:s17] =	ssyncadd.s32 $0xFFFFEC00  }
0x50: {  	[spmem:s24] =	stream.linear.scatter [tilespmem:s15], [sflag:$0x1], $0x1400, $0x38;
	[tilespmem:$0x1B480] =	vst v63  }
0x51: {  	_ =	swait.ge [sflag:s17], $0x1400  }
0x52: {  	[sflag:s17] =	ssyncset.done $0x0  }
0x53: {  	[sflag:s17] =	ssyncadd.s32 $0xFFFFEC00  }
0x54: {  	[spmem:s25] =	stream.linear.scatter [tilespmem:s15], [sflag:$0x1], $0x1400, $0x38;
	[tilespmem:$0x1B480] =	vst v63  }
0x55: {  	_ =	swait.ge [sflag:s17], $0x1400  }
0x56: {  	[sflag:s17] =	ssyncset.done $0x0  }
0x57: {  	[sflag:s17] =	ssyncadd.s32 $0xFFFFEC00  }
0x58: {  	[spmem:s26] =	stream.linear.scatter [tilespmem:s15], [sflag:$0x1], $0x1400, $0x38;
	[tilespmem:$0x1B480] =	vst v63  }
0x59: {  	_ =	swait.ge [sflag:s17], $0x1400  }
0x5a: {  	[sflag:s17] =	ssyncset.done $0x0  }
0x5b: {  	[sflag:s17] =	ssyncadd.s32 $0xFFFFEC00  }
0x5c: {  	[spmem:s28] =	stream.linear.scatter [tilespmem:s15], [sflag:$0x1], $0x1400, $0x38;
	[tilespmem:$0x1B480] =	vst v63  }
0x5d: {  	_ =	swait.ge [sflag:s17], $0x1400  }
0x5e: {  	[sflag:s17] =	ssyncset.done $0x0  }
0x5f: {  	[sflag:s17] =	ssyncadd.s32 $0xFFFFEC00  }
0x60: {  	[spmem:s29] =	stream.linear.scatter [tilespmem:s15], [sflag:$0x1], $0x1400, $0x38;
	[tilespmem:$0x1B480] =	vst v63  }
0x61: {  	_ =	swait.ge [sflag:s17], $0x1400  }
0x62: {  	[sflag:s17] =	ssyncset.done $0x0  }
0x63: {  	[sflag:s17] =	ssyncadd.s32 $0xFFFFEC00  }
0x64: {  	[spmem:s30] =	stream.linear.scatter [tilespmem:s15], [sflag:$0x1], $0x1400, $0x38;
	[tilespmem:$0x1B480] =	vst v63  }
0x65: {  	_ =	swait.ge [sflag:s17], $0x1400  }
0x66: {  	[sflag:s17] =	ssyncset.done $0x0  }
0x67: {  	s3 =	simm.s32 @!p0 $0x6800;
	s4 =	simm.s32 @!p0 $0x1;
	[sflag:s17] =	ssyncadd.s32 $0xFFFFEC00  }
0x68: {  	[spmem:s9] =	stream.linear.scatter @!p0 [tilespmem:s3], [sflag:$0x1], $0x1400, $0x38;
	[tilespmem:$0x1B480] =	vst v63  }
0x69: {  	_ =	swait.ge @!p0 [sflag:s4], $0x1400  }
0x6a: {  	[sflag:s4] =	ssyncset.done @!p0 $0x0  }
0x6b: {  	[sflag:s4] =	ssyncadd.s32 @!p0 $0xFFFFEC00  }
0x6c: {  	[spmem:s10] =	stream.linear.scatter @!p0 [tilespmem:s3], [sflag:$0x1], $0x1400, $0x38;
	[tilespmem:$0x1B480] =	vst v63  }
0x6d: {  	_ =	swait.ge @!p0 [sflag:s4], $0x1400  }
0x6e: {  	[sflag:s4] =	ssyncset.done @!p0 $0x0  }
0x6f: {  	[sflag:s4] =	ssyncadd.s32 @!p0 $0xFFFFEC00  }
0x70: {  	[spmem:s11] =	stream.linear.scatter @!p0 [tilespmem:s3], [sflag:$0x1], $0x1400, $0x38;
	[tilespmem:$0x1B480] =	vst v63  }
0x71: {  	_ =	swait.ge @!p0 [sflag:s4], $0x1400  }
0x72: {  	[sflag:s4] =	ssyncset.done @!p0 $0x0  }
0x73: {  	[sflag:s4] =	ssyncadd.s32 @!p0 $0xFFFFEC00  }
0x74: {  	[spmem:s12] =	stream.linear.scatter @!p0 [tilespmem:s3], [sflag:$0x1], $0x1400, $0x38;
	[tilespmem:$0x1B480] =	vst v63  }
0x75: {  	_ =	swait.ge @!p0 [sflag:s4], $0x1400  }
0x76: {  	[sflag:s4] =	ssyncset.done @!p0 $0x0  }
0x77: {  	[sflag:s4] =	ssyncadd.s32 @!p0 $0xFFFFEC00  }
0x78: {  	[spmem:s13] =	stream.linear.scatter @!p0 [tilespmem:s3], [sflag:$0x1], $0x1400, $0x38;
	[tilespmem:$0x1B480] =	vst v63  }
0x79: {  	_ =	swait.ge @!p0 [sflag:s4], $0x1400  }
0x7a: {  	[sflag:s4] =	ssyncset.done @!p0 $0x0  }
0x7b: {  	[sflag:s4] =	ssyncadd.s32 @!p0 $0xFFFFEC00  }
0x7c: {  	[spmem:s14] =	stream.linear.scatter @!p0 [tilespmem:s3], [sflag:$0x1], $0x1400, $0x38;
	[tilespmem:$0x1B480] =	vst v63  }
0x7d: {  	s3 =	simm.s32 $0x0  }
0x7e: {  	_ =	swait.ge @!p0 [sflag:s4], $0x1400;
	s5 =	sand.u32 $0xFE00, s3  }
0x7f: {  	s6 =	sand.u32 $0x70, s3;
	[sflag:s4] =	ssyncset.done @!p0 $0x0;
	s5 =	sshrl.u32 s5, $0x2  }
0x80: {  	[sflag:s4] =	ssyncadd.s32 @!p0 $0xFFFFEC00;
	s4 =	simm.s32 $0x40;
	s5 =	sor.u32 s6, s5  }
.LBB2_4:
0x81: {  	p1 =	sne.s32 s4, $0x9FC0  }
0x82: {  	[tilespmem:s5+$0x4000] =	vst v1;
	s3 =	sadd.s32 $0x10, s3;
	s5 =	smov.u32 s4;
	s4 =	sadd.s32 $0x40, s4  }
.Ltmp1:
0x83: {  	(pc) =	sbr.rel @p1 .LBB2_4-.Ltmp1, $4  }
0x84: {  	_ = 	snop  }
0x85: {  	s5 =	sand.u32 $0xFE00, s5  }
0x86: {  	s6 =	sand.u32 $0x70, s3;
	s5 =	sshrl.u32 s5, $0x2  }
0x87: {  	s5 =	sor.u32 s6, s5  }
0x88: {  	[tilespmem:s5+$0x4000] =	vst v1;
	s3 =	rddreg [dreg:$0x13]  }
0x89: {  	[tilespmem:s1], [sflag:$0x1] =	stream.linear.gather [hbm4b:s3+s1], $0x3E80, $0x38;
	[tilespmem:$0x1B480] =	vst v63  }
0x8a: {  	_ =	swait.ge [sflag:s17], $0x3E80  }
0x8b: {  	p1 =	sne.s32 s16, $0x1;
	[sflag:s17] =	ssyncset.done $0x0  }
.Ltmp2:
0x8c: {  	[sflag:s17] =	ssyncadd.s32 $0xFFFFC180;
	(pc) =	sbr.rel @!p1 .LBB2_7-.Ltmp2, $4  }
0x8d: {  	[bflag:$0x0] =	sbarrier.arrive $0xFFFF  }
0x8e: {  	[spmem:s18] =	stream.indirect.scatter.add.f32 [tilespmem:s31], [sflag:$0x1], $0x80, s2, s19, $0xb8;
	[tilespmem:$0x1B480] =	vst v63  }
0x8f: {  	_ =	swait.ge [sflag:s17], $0x2800  }
0x90: {  	s4 =	smov.u32 s2;
	s3 =	sadd.s32 $0xFFFFFFFF, s16;
	[sflag:s17] =	ssyncset.done $0x0  }
.LBB2_6:
0x91: {  	p1 =	sne.s32 s3, $0x1;
	[sflag:s17] =	ssyncadd.s32 $0xFFFFD800;
	s4 =	sadd.s32 $0x80, s4  }
.Ltmp3:
0x92: {  	s3 =	sadd.s32 $0xFFFFFFFF, s3;
	(pc) =	sbr.rel @p1 .LBB2_6-.Ltmp3, $4  }
0x93: {  	_ = 	snop  }
0x94: {  	[spmem:s18] =	stream.indirect.scatter.add.f32 [tilespmem:s31], [sflag:$0x1], $0x80, s4, s19, $0xb8;
	[tilespmem:$0x1B480] =	vst v63  }
0x95: {  	_ =	swait.ge [sflag:s17], $0x2800  }
0x96: {  	[sflag:s17] =	ssyncset.done $0x0  }
.LBB2_7:
0x97: {  	[sflag:s17] =	ssyncadd.s32 $0xFFFFD800;
	s3 =	stileid.u32  }
0x98: {  	s3 =	sshll.u32 s3, $0x6;
	[bflag:$0x0] =	sbarrier.arrive $0xFFFF  }
0x99: {  	s4 =	sshrl.u32 s20, $0x3;
	s3 =	sor.u32 $0x1C01, s3;
	s5 =	rddreg [dreg:$0x3]  }
0x9a: {  	[hbm:s5], [sflag:s3] =	dma.local [spmem:s4], $0x280  }
0x9b: {  	_ =	swait.ge [sflag:s17], $0x280  }
0x9c: {  	[sflag:s17] =	ssyncset.done $0x0  }
0x9d: {  	s5 =	sshrl.u32 s21, $0x3;
	s6 =	rddreg [dreg:$0x4];
	[sflag:s17] =	ssyncadd.s32 $0xFFFFFD80  }
0x9e: {  	[hbm:s6], [sflag:s3] =	dma.local [spmem:s5], $0x280  }
0x9f: {  	_ =	swait.ge [sflag:s17], $0x280  }
0xa0: {  	[sflag:s17] =	ssyncset.done $0x0  }
0xa1: {  	s5 =	sshrl.u32 s22, $0x3;
	s6 =	rddreg [dreg:$0x5];
	[sflag:s17] =	ssyncadd.s32 $0xFFFFFD80  }
0xa2: {  	[hbm:s6], [sflag:s3] =	dma.local [spmem:s5], $0x280  }
0xa3: {  	_ =	swait.ge [sflag:s17], $0x280  }
0xa4: {  	[sflag:s17] =	ssyncset.done $0x0  }
0xa5: {  	s5 =	sshrl.u32 s23, $0x3;
	s6 =	rddreg [dreg:$0x6];
	[sflag:s17] =	ssyncadd.s32 $0xFFFFFD80  }
0xa6: {  	[hbm:s6], [sflag:s3] =	dma.local [spmem:s5], $0x280  }
0xa7: {  	_ =	swait.ge [sflag:s17], $0x280  }
0xa8: {  	[sflag:s17] =	ssyncset.done $0x0  }
0xa9: {  	s5 =	sshrl.u32 s24, $0x3;
	s6 =	rddreg [dreg:$0x7];
	[sflag:s17] =	ssyncadd.s32 $0xFFFFFD80  }
0xaa: {  	[hbm:s6], [sflag:s3] =	dma.local [spmem:s5], $0x280  }
0xab: {  	_ =	swait.ge [sflag:s17], $0x280  }
0xac: {  	[sflag:s17] =	ssyncset.done $0x0  }
0xad: {  	s5 =	sshrl.u32 s25, $0x3;
	s6 =	rddreg [dreg:$0x8];
	[sflag:s17] =	ssyncadd.s32 $0xFFFFFD80  }
0xae: {  	[hbm:s6], [sflag:s3] =	dma.local [spmem:s5], $0x280  }
0xaf: {  	_ =	swait.ge [sflag:s17], $0x280  }
0xb0: {  	[sflag:s17] =	ssyncset.done $0x0  }
0xb1: {  	s5 =	sshrl.u32 s26, $0x3;
	s6 =	rddreg [dreg:$0x9];
	[sflag:s17] =	ssyncadd.s32 $0xFFFFFD80  }
0xb2: {  	[hbm:s6], [sflag:s3] =	dma.local [spmem:s5], $0x280  }
0xb3: {  	_ =	swait.ge [sflag:s17], $0x280  }
0xb4: {  	[sflag:s17] =	ssyncset.done $0x0  }
0xb5: {  	s5 =	sshrl.u32 s28, $0x3;
	s6 =	rddreg [dreg:$0xa];
	[sflag:s17] =	ssyncadd.s32 $0xFFFFFD80  }
0xb6: {  	[hbm:s6], [sflag:s3] =	dma.local [spmem:s5], $0x280  }
0xb7: {  	_ =	swait.ge [sflag:s17], $0x280  }
0xb8: {  	[sflag:s17] =	ssyncset.done $0x0  }
0xb9: {  	s5 =	sshrl.u32 s29, $0x3;
	s6 =	rddreg [dreg:$0xb];
	[sflag:s17] =	ssyncadd.s32 $0xFFFFFD80  }
0xba: {  	[hbm:s6], [sflag:s3] =	dma.local [spmem:s5], $0x280  }
0xbb: {  	_ =	swait.ge [sflag:s17], $0x280  }
0xbc: {  	[sflag:s17] =	ssyncset.done $0x0  }
0xbd: {  	s5 =	sshrl.u32 s30, $0x3;
	s6 =	rddreg [dreg:$0xc];
	[sflag:s17] =	ssyncadd.s32 $0xFFFFFD80  }
0xbe: {  	[hbm:s6], [sflag:s3] =	dma.local [spmem:s5], $0x280  }
0xbf: {  	_ =	swait.ge [sflag:s17], $0x280  }
0xc0: {  	[sflag:s17] =	ssyncset.done $0x0;
	s4 =	rddreg [dreg:$0xd]  }
0xc1: {  	s5 =	rddreg [dreg:$0x15];
	[sflag:s17] =	ssyncadd.s32 $0xFFFFFD80  }
0xc2: {  	[hbm:s4], [sflag:s3] =	dma.local @!p0 [spmem:s5], $0x280  }
0xc3: {  	s4 =	simm.s32 @!p0 $0x1  }
0xc4: {  	_ =	swait.ge @!p0 [sflag:s4], $0x280  }
0xc5: {  	[sflag:s4] =	ssyncset.done @!p0 $0x0;
	s5 =	rddreg [dreg:$0xe]  }
0xc6: {  	s6 =	rddreg [dreg:$0x16];
	[sflag:s4] =	ssyncadd.s32 @!p0 $0xFFFFFD80  }
0xc7: {  	[hbm:s5], [sflag:s3] =	dma.local @!p0 [spmem:s6], $0x280  }
0xc8: {  	_ =	swait.ge @!p0 [sflag:s4], $0x280  }
0xc9: {  	[sflag:s4] =	ssyncset.done @!p0 $0x0;
	s5 =	rddreg [dreg:$0xf]  }
0xca: {  	s6 =	rddreg [dreg:$0x17];
	[sflag:s4] =	ssyncadd.s32 @!p0 $0xFFFFFD80  }
0xcb: {  	[hbm:s5], [sflag:s3] =	dma.local @!p0 [spmem:s6], $0x280  }
0xcc: {  	_ =	swait.ge @!p0 [sflag:s4], $0x280  }
0xcd: {  	[sflag:s4] =	ssyncset.done @!p0 $0x0;
	s5 =	rddreg [dreg:$0x10]  }
0xce: {  	s6 =	rddreg [dreg:$0x18];
	[sflag:s4] =	ssyncadd.s32 @!p0 $0xFFFFFD80  }
0xcf: {  	[hbm:s5], [sflag:s3] =	dma.local @!p0 [spmem:s6], $0x280  }
0xd0: {  	_ =	swait.ge @!p0 [sflag:s4], $0x280  }
0xd1: {  	[sflag:s4] =	ssyncset.done @!p0 $0x0  }
0xd2: {  	s5 =	rddreg [dreg:$0x11];
	[sflag:s4] =	ssyncadd.s32 @!p0 $0xFFFFFD80  }
0xd3: {  	[hbm:s5], [sflag:s3] =	dma.local @!p0 [spmem:s7], $0x280  }
0xd4: {  	_ =	swait.ge @!p0 [sflag:s4], $0x280  }
0xd5: {  	[sflag:s4] =	ssyncset.done @!p0 $0x0  }
0xd6: {  	s5 =	rddreg [dreg:$0x12];
	[sflag:s4] =	ssyncadd.s32 @!p0 $0xFFFFFD80  }
0xd7: {  	[hbm:s5], [sflag:s3] =	dma.local @!p0 [spmem:s8], $0x280  }
0xd8: {  	_ =	swait.ge @!p0 [sflag:s4], $0x280  }
0xd9: {  	s0 =	sadd.s32 $0x1, s0;
	s6 =	rddreg [dreg:$0x14]  }
0xda: {  	p1 =	sne.s32 s0, s6  }
.Ltmp4:
0xdb: {  	_ = 	snop;
	(pc) =	sbr.rel @p1 .LBB2_1-.Ltmp4, $3  }
0xdc: {  	_ =	sdelay $0x1  }
0xdd: {  	[sflag:s4] =	ssyncset.done @!p0 $0x0  }
0xde: {  	[sflag:s4] =	ssyncadd.s32 @!p0 $0xFFFFFD80  }
0xdf: {  	_ =	sfence.sel $0x180000  }
0xe0: {  	[bflag:$0x0] =	sbarrier.arrive $0xFFFF  }
0xe1: {  	_ =	strace $0x90000047  }
0xe2: {  	s0 =	stileid.u32;
	[bflag:$0x2] =	sbarrier.arrive $0xFFFF  }
0xe3: {  	p0 =	sne.s32 s0, $0x0;
	s0 =	rddreg [dreg:$0x2]  }
0xe4: {  	s0 =	sadd.s32 @!p0 $0x100000, s0  }
0xe5: {  	[sflag:s0] =	ssyncadd.tile.s32 @!p0 $0x1;
	_ =	shalt  }
.Lfunc_end2:
_tile_overlayer_lowered:
.L_overlay_start_2:
0xe6: {  	(tag) =	ssettag $0x2  }
0xe7: {  	s0 =	rddreg [dreg:$0x0];
	s2 =	stileid.u32  }
0xe8: {  	s1 =	rddreg [dreg:$0x1];
	p0 =	sne.s32 s2, $0x0  }
0xe9: {  	s3 =	rddreg [dreg:$0x2];
	[bflag:$0x3] =	sbarrier.arrive $0xFFFF;
	s2 =	simm.s32 @!p0 $0x1C01  }
0xea: {  	[timem:s3], [sflag:s2] =	dma.local @!p0 [hbm:s0], s1  }
0xeb: {  	s0 =	simm.s32 @!p0 $0x1  }
0xec: {  	_ =	swait.ge @!p0 [sflag:s0], s1  }
0xed: {  	s1 =	ssub.s32 @!p0 $0x0, s1;
	[sflag:s0] =	ssyncset.done @!p0 $0x0  }
0xee: {  	[sflag:s0] =	ssyncadd.s32 @!p0 s1  }
0xef: {  	[bflag:$0x3] =	sbarrier.arrive $0xFFFF  }
0xf0: {  	_ =	shalt  }

</sc_bundles>
